<compile_context>
chip_gen: v7x
topology: tpu7x:2x2x1
jax: 0.10.2.dev20260603
libtpu: 0.0.44.dev20260713+nightly
codegen_flags: <defaults>
</compile_context>

<pallas_src>
import functools

import jax
import jax.numpy as jnp
from jax import lax
from jax.experimental import pallas as pl
from jax.experimental.pallas import tpu as pltpu
from jax.experimental.pallas import tpu_sc as plsc

B = 4096
K = 10
L = 16
NC = 2
NS = 16
NW = NC * NS
SC_ROWS = 1536
TC_ROWS = B - SC_ROWS
RBLK = 256
ROWS_PER_W = SC_ROWS // NW
RCH = 8
NCH = ROWS_PER_W // RCH
CHUNKS = B // L
NEG = -3.0e38


def _max_splat(x, lane):
    for k in (1, 2, 4, 8):
        x = jnp.maximum(x, x.at[lane ^ k].get(mode="promise_in_bounds"))
    return x


SIZES = (K, 5, 3, 2)
GRPS = CHUNKS // 4


def _ins_sorted(regs, v):
    n = len(regs)
    for i in range(n):
        if i < n - 1:
            lo = jnp.minimum(regs[i], v)
            regs[i] = jnp.maximum(regs[i], v)
            v = lo
        else:
            regs[i] = jnp.maximum(regs[i], v)


def _row_candidates(buf, j):
    init = tuple(jnp.full((L,), NEG, jnp.float32) for _ in range(sum(SIZES)))

    def grp(g, carry):
        regs = list(carry)
        vs = [buf[j, pl.ds((4 * g + i) * L, L)] for i in range(4)]
        for a, b in ((0, 1), (2, 3), (0, 2), (1, 3), (1, 2)):
            hi = jnp.maximum(vs[a], vs[b])
            vs[b] = jnp.minimum(vs[a], vs[b])
            vs[a] = hi
        off = 0
        for r, n in enumerate(SIZES):
            sub = regs[off:off + n]
            _ins_sorted(sub, vs[r])
            regs[off:off + n] = sub
            off += n
        return tuple(regs)

    return lax.fori_loop(0, GRPS, grp, init, unroll=2)


def _pop_topk(carry, lane):
    structs, off = [], 0
    for n in SIZES:
        structs.append(list(carry[off:off + n]))
        off += n
    acc = jnp.zeros((L,), jnp.float32)
    for r in range(K):
        h = jnp.maximum(jnp.maximum(structs[0][0], structs[1][0]),
                        jnp.maximum(structs[2][0], structs[3][0]))
        m = _max_splat(h, lane)
        for regs in structs:
            sel = regs[0] == m
            for s in range(len(regs) - 1):
                regs[s] = jnp.where(sel, regs[s + 1], regs[s])
            regs[-1] = jnp.where(sel, NEG, regs[-1])
        acc = jnp.where(lane == r, m, acc)
    return acc


@functools.partial(
    pl.kernel,
    out_type=jax.ShapeDtypeStruct((SC_ROWS, L), jnp.float32),
    mesh=plsc.VectorSubcoreMesh(core_axis_name="c", subcore_axis_name="s"),
    scratch_types=[
        pltpu.VMEM((RCH, B), jnp.float32),
        pltpu.VMEM((RCH, B), jnp.float32),
        pltpu.VMEM((RCH, L), jnp.float32),
        pltpu.VMEM((RCH, L), jnp.float32),
        pltpu.SemaphoreType.DMA,
        pltpu.SemaphoreType.DMA,
        pltpu.SemaphoreType.DMA,
        pltpu.SemaphoreType.DMA,
    ],
)
def _sc_topk(scores_hbm, out_hbm, buf0, buf1, st0, st1,
             isem0, isem1, osem0, osem1):
    cid = lax.axis_index("c")
    sid = lax.axis_index("s")
    wid = sid * NC + cid
    row0 = wid * ROWS_PER_W
    lane = lax.iota(jnp.int32, L)

    def icp(cb, bf, sem):
        return pltpu.make_async_copy(
            scores_hbm.at[pl.ds(row0 + cb * RCH, RCH)], bf, sem)

    def ocp(cb, st, sem):
        return pltpu.make_async_copy(
            st, out_hbm.at[pl.ds(row0 + cb * RCH, RCH)], sem)

    def compute_rows(bf, st, base_row):
        def row(j, _2):
            i_glob = base_row + j
            pv = bf[j, pl.ds((i_glob // L) * L, L)]
            pos = pv.at[jnp.broadcast_to(i_glob % L, (L,))].get(
                mode="promise_in_bounds")
            acc = _pop_topk(_row_candidates(bf, j), lane)
            st[j, :] = jnp.where(lane == K, pos, acc)
            return 0

        lax.fori_loop(0, RCH, row, 0)

    icp(0, buf0, isem0).start()

    def halfpair(h, _):
        cb0 = 2 * h
        icp(cb0 + 1, buf1, isem1).start()
        icp(cb0, buf0, isem0).wait()

        @pl.when(h > 0)
        def _():
            ocp(cb0 - 2, st0, osem0).wait()

        compute_rows(buf0, st0, row0 + cb0 * RCH)
        ocp(cb0, st0, osem0).start()

        @pl.when(h + 1 < NCH // 2)
        def _():
            icp(cb0 + 2, buf0, isem0).start()

        icp(cb0 + 1, buf1, isem1).wait()

        @pl.when(h > 0)
        def _():
            ocp(cb0 - 1, st1, osem1).wait()

        compute_rows(buf1, st1, row0 + (cb0 + 1) * RCH)
        ocp(cb0 + 1, st1, osem1).start()
        return 0

    lax.fori_loop(0, NCH // 2, halfpair, 0)
    ocp(NCH - 2, st0, osem0).wait()
    ocp(NCH - 1, st1, osem1).wait()


def _tc_body(x_ref, o_ref):
    i = pl.program_id(0)
    x = x_ref[...]
    base = SC_ROWS + i * RBLK
    rows = base + lax.broadcasted_iota(jnp.int32, (RBLK, B), 0)
    cols = lax.broadcasted_iota(jnp.int32, (RBLK, B), 1)
    pos = jnp.sum(jnp.where(rows == cols, x, 0.0), axis=1)
    col16 = lax.broadcasted_iota(jnp.int32, (RBLK, L), 1)
    structs = [[jnp.full((RBLK, 128), NEG, jnp.float32) for _ in range(n)]
               for n in SIZES]
    for g in range(B // 512):
        vs = [x[:, (4 * g + i2) * 128:(4 * g + i2 + 1) * 128]
              for i2 in range(4)]
        for a, b in ((0, 1), (2, 3), (0, 2), (1, 3), (1, 2)):
            hi = jnp.maximum(vs[a], vs[b])
            vs[b] = jnp.minimum(vs[a], vs[b])
            vs[a] = hi
        for r in range(4):
            _ins_sorted(structs[r], vs[r])
    out = jnp.zeros((RBLK, L), jnp.float32)
    for r in range(K):
        h = jnp.maximum(jnp.maximum(structs[0][0], structs[1][0]),
                        jnp.maximum(structs[2][0], structs[3][0]))
        m = jnp.max(h, axis=1, keepdims=True)
        for regs in structs:
            sel = regs[0] == m
            for s in range(len(regs) - 1):
                regs[s] = jnp.where(sel, regs[s + 1], regs[s])
            regs[-1] = jnp.where(sel, NEG, regs[-1])
        out = jnp.where(col16 == r, m, out)
    out = jnp.where(col16 == K, pos[:, None], out)
    o_ref[...] = out


def _tc_topk(scores):
    return pl.pallas_call(
        _tc_body,
        grid=(TC_ROWS // RBLK,),
        in_specs=[pl.BlockSpec((RBLK, B), lambda i: (i + SC_ROWS // RBLK, 0))],
        out_specs=pl.BlockSpec((RBLK, L), lambda i: (i, 0)),
        out_shape=jax.ShapeDtypeStruct((TC_ROWS, L), jnp.float32),
    )(scores)


def _finish_body(x_ref, o_ref):
    x = x_ref[...]
    vals = x[:, :K]
    pos = x[:, K:K + 1]
    diff = pos - vals
    sig = 1.0 / (1.0 + jnp.exp(-diff))
    bpr = -jnp.log(jnp.maximum(sig, 1e-8))
    col = lax.broadcasted_iota(jnp.int32, (B, K), 1).astype(jnp.float32)
    w = 1.0 / jnp.log2(col + 2.0)
    g = jnp.sum((vals > pos).astype(jnp.float32), axis=1)
    diag_in = (pos[:, 0] >= vals[:, K - 1]).astype(jnp.float32)
    diag_term = diag_in * (0.6931471805599453 / jnp.log2(g + 2.0))
    row_sum = jnp.sum(w * bpr, axis=1) - diag_term
    total = jnp.sum(row_sum)
    cnt = jnp.float32(K) * B - jnp.sum(diag_in)
    o_ref[0, 0] = total / jnp.maximum(cnt, 1.0)


def _finish(packed):
    return pl.pallas_call(
        _finish_body,
        out_shape=jax.ShapeDtypeStruct((1, 1), jnp.float32),
        out_specs=pl.BlockSpec(memory_space=pltpu.SMEM),
    )(packed)


def kernel(scores):
    packed_tc = _tc_topk(scores)
    packed_sc = _sc_topk(scores)
    loss = _finish(jnp.concatenate([packed_sc, packed_tc], axis=0))
    return loss[0, 0]

# --- scband reference (transcript-rebuilt; emitter-appended) ---
"""Pipeline reference for scband-ndcgweighted-listwise-bpr-33079838114614 (READ-ONLY COPY).

The authoritative reference and input builder live on the scoring server;
editing this copy changes nothing except your own understanding.
"""

import jax, jax.numpy as jnp
import numpy as np

K = 10

def setup_inputs(seed: int = 0) -> dict:
    key = jax.random.key(seed)
    scores = jax.random.normal(key, (4096, 4096), dtype=jnp.float32)
    return {"scores": scores}

def reference(scores):
    B = scores.shape[0]
    labels = jnp.arange(B)
    pos_scores = scores[labels, labels][:, None]
    diff = pos_scores - scores
    # descending argsort
    sorted_indices = jnp.argsort(-scores, axis=1)
    row_idx = jnp.arange(B)[:, None]
    arange_src = jnp.arange(B, dtype=scores.dtype)[None, :]
    ranks = jnp.zeros_like(scores).at[row_idx, sorted_indices].set(jnp.broadcast_to(arange_src, (B, B)))
    ndcg_weights = 1.0 / jnp.log2(ranks + 2.0)
    self_mask = ~jnp.eye(B, dtype=bool)
    topk_mask = ranks < K
    final_mask = (self_mask & topk_mask).astype(scores.dtype)
    bpr_term = -jnp.log(jnp.clip(jax.nn.sigmoid(diff), 1e-08, None))
    weighted_loss = bpr_term * ndcg_weights * final_mask
    return weighted_loss.sum() / jnp.maximum(final_mask.sum(), 1.0)

if __name__ == "__main__":
    import jax
    _d = setup_inputs()
    print(jax.jit(kernel)(*tuple(_d.values())))

</pallas_src>

<mosaic_0001>
#map = affine_map<(d0, d1) -> (0, 0)>
module attributes {stable_mosaic.version = 14 : i64} {
  func.func @_sc_topk(%arg0: i32, %arg1: i32, %arg2: memref<4096x4096xf32, #tpu.memory_space<hbm>>, %arg3: memref<1536x16xf32, #tpu.memory_space<hbm>>, %arg4: memref<8x4096xf32, #tpu.memory_space<vmem>>, %arg5: memref<8x4096xf32, #tpu.memory_space<vmem>>, %arg6: memref<8x16xf32, #tpu.memory_space<vmem>>, %arg7: memref<8x16xf32, #tpu.memory_space<vmem>>, %arg8: memref<!tpu.dma_semaphore, #tpu.memory_space<semaphore_mem>>, %arg9: memref<!tpu.dma_semaphore, #tpu.memory_space<semaphore_mem>>, %arg10: memref<!tpu.dma_semaphore, #tpu.memory_space<semaphore_mem>>, %arg11: memref<!tpu.dma_semaphore, #tpu.memory_space<semaphore_mem>>) attributes {dimension_semantics = [#tpu.dimension_semantics<core_parallel>, #tpu.dimension_semantics<subcore_parallel>], iteration_bounds = array<i64: 2, 16>, scalar_prefetch = 0 : i64, scratch_operands = 8 : i64, tpu.core_type = #tpu.core_type<sc_vector_subcore>, window_params = [{transform_indices = #map}, {transform_indices = #map}]} {
    %mul3A = arith.constant 2 : i32
    %mul3A_0 = arith.muli %arg1, %mul3A : i32
    %add3A = arith.addi %mul3A_0, %arg0 : i32
    %mul3A_1 = arith.constant 48 : i32
    %mul3A_2 = arith.muli %add3A, %mul3A_1 : i32
    %iota3A = tpu.iota {dimensions = array<i32: 0>} : vector<16xi32>
    %add3A_3 = arith.constant 0 : i32
    %add3A_4 = arith.addi %mul3A_2, %add3A_3 : i32
    %dma_start3A = arith.constant 0 : i32
    %dma_start3A_5 = tpu.memref_slice %arg2[%add3A_4, %dma_start3A] : memref<4096x4096xf32, #tpu.memory_space<hbm>> -> memref<8x4096xf32, #tpu.memory_space<hbm>>
    %dma_start3A_6 = arith.constant 0 : i32
    %dma_start3A_7 = tpu.memref_slice %arg2[%add3A_4, %dma_start3A_6] : memref<4096x4096xf32, #tpu.memory_space<hbm>> -> memref<8x4096xf32, #tpu.memory_space<hbm>>
    tpu.enqueue_dma source(%dma_start3A_7 : memref<8x4096xf32, #tpu.memory_space<hbm>>) target(%arg4 : memref<8x4096xf32, #tpu.memory_space<vmem>>) target_semaphore(%arg8 : memref<!tpu.dma_semaphore, #tpu.memory_space<semaphore_mem>>)
    %scan3A = arith.constant 0 : i32
    %scan3A_8 = arith.constant 0 : i32
    %scan3A_9 = arith.constant 3 : i32
    %scan3A_10 = arith.addi %scan3A_8, %scan3A_9 : i32
    %scan3A_11 = arith.constant 1 : i32
    %scan3A_12 = scf.for %scan3A_25 = %scan3A_8 to %scan3A_10 step %scan3A_11 iter_args(%scan3A_26 = %scan3A) -> (i32)  : i32 {
      %mul3A_27 = arith.constant 2 : i32
      %mul3A_28 = arith.muli %mul3A_27, %scan3A_25 : i32
      %add3A_29 = arith.constant 1 : i32
      %add3A_30 = arith.addi %mul3A_28, %add3A_29 : i32
      %mul3A_31 = arith.constant 8 : i32
      %mul3A_32 = arith.muli %add3A_30, %mul3A_31 : i32
      %add3A_33 = arith.addi %mul3A_2, %mul3A_32 : i32
      %dma_start3A_34 = arith.constant 0 : i32
      %dma_start3A_35 = tpu.memref_slice %arg2[%add3A_33, %dma_start3A_34] : memref<4096x4096xf32, #tpu.memory_space<hbm>> -> memref<8x4096xf32, #tpu.memory_space<hbm>>
      %dma_start3A_36 = arith.constant 0 : i32
      %dma_start3A_37 = tpu.memref_slice %arg2[%add3A_33, %dma_start3A_36] : memref<4096x4096xf32, #tpu.memory_space<hbm>> -> memref<8x4096xf32, #tpu.memory_space<hbm>>
      tpu.enqueue_dma source(%dma_start3A_37 : memref<8x4096xf32, #tpu.memory_space<hbm>>) target(%arg5 : memref<8x4096xf32, #tpu.memory_space<vmem>>) target_semaphore(%arg9 : memref<!tpu.dma_semaphore, #tpu.memory_space<semaphore_mem>>)
      %mul3A_38 = arith.constant 8 : i32
      %mul3A_39 = arith.muli %mul3A_28, %mul3A_38 : i32
      %add3A_40 = arith.addi %mul3A_2, %mul3A_39 : i32
      %dma_wait3A_41 = arith.constant 0 : i32
      %dma_wait3A_42 = tpu.memref_slice %arg2[%add3A_40, %dma_wait3A_41] : memref<4096x4096xf32, #tpu.memory_space<hbm>> -> memref<8x4096xf32, #tpu.memory_space<hbm>>
      %dma_wait3A_43 = arith.constant 0 : i32
      %dma_wait3A_44 = tpu.memref_slice %arg2[%add3A_40, %dma_wait3A_43] : memref<4096x4096xf32, #tpu.memory_space<hbm>> -> memref<8x4096xf32, #tpu.memory_space<hbm>>
      tpu.wait_dma2 semaphore(%arg8 : memref<!tpu.dma_semaphore, #tpu.memory_space<semaphore_mem>>) src(%dma_wait3A_44 : memref<8x4096xf32, #tpu.memory_space<hbm>>) dst(%arg4 : memref<8x4096xf32, #tpu.memory_space<vmem>>)
      %gt3A = arith.constant 0 : i32
      %gt3A_45 = arith.cmpi sgt, %scan3A_25, %gt3A : i32
      %convert_element_type3A = arith.extui %gt3A_45 : i1 to i32
      %cond3A = arith.constant 0 : i32
      %cond3A_46 = arith.cmpi ne, %convert_element_type3A, %cond3A : i32
      scf.if %cond3A_46 {
        %sub3A = arith.constant 2 : i32
        %sub3A_106 = arith.subi %mul3A_28, %sub3A : i32
        %mul3A_107 = arith.constant 8 : i32
        %mul3A_108 = arith.muli %sub3A_106, %mul3A_107 : i32
        %add3A_109 = arith.addi %mul3A_2, %mul3A_108 : i32
        %dma_wait3A_110 = arith.constant 0 : i32
        %dma_wait3A_111 = tpu.memref_slice %arg3[%add3A_109, %dma_wait3A_110] : memref<1536x16xf32, #tpu.memory_space<hbm>> -> memref<8x16xf32, #tpu.memory_space<hbm>>
        %dma_wait3A_112 = arith.constant 0 : i32
        %dma_wait3A_113 = tpu.memref_slice %arg3[%add3A_109, %dma_wait3A_112] : memref<1536x16xf32, #tpu.memory_space<hbm>> -> memref<8x16xf32, #tpu.memory_space<hbm>>
        tpu.wait_dma2 semaphore(%arg10 : memref<!tpu.dma_semaphore, #tpu.memory_space<semaphore_mem>>) src(%arg6 : memref<8x16xf32, #tpu.memory_space<vmem>>) dst(%dma_wait3A_113 : memref<8x16xf32, #tpu.memory_space<hbm>>)
      } else {
      }
      %mul3A_47 = arith.constant 8 : i32
      %mul3A_48 = arith.muli %mul3A_28, %mul3A_47 : i32
      %add3A_49 = arith.addi %mul3A_2, %mul3A_48 : i32
      %scan3A_50 = arith.constant 0 : i32
      %scan3A_51 = arith.constant 0 : i32
      %scan3A_52 = arith.constant 8 : i32
      %scan3A_53 = arith.addi %scan3A_51, %scan3A_52 : i32
      %scan3A_54 = arith.constant 1 : i32
      %scan3A_55 = scf.for %scan3A_106 = %scan3A_51 to %scan3A_53 step %scan3A_54 iter_args(%scan3A_107 = %scan3A_50) -> (i32)  : i32 {
        %add3A_108 = arith.addi %add3A_49, %scan3A_106 : i32
        %jit3A = arith.constant 16 : i32
        %div3A = arith.divsi %add3A_108, %jit3A : i32
        %sign3A = arith.constant 0 : i32
        %sign3A_109 = arith.cmpi sgt, %add3A_108, %sign3A : i32
        %sign3A_110 = arith.extui %sign3A_109 : i1 to i32
        %sign3A_111 = arith.constant 0 : i32
        %sign3A_112 = arith.cmpi slt, %add3A_108, %sign3A_111 : i32
        %sign3A_113 = arith.extui %sign3A_112 : i1 to i32
        %sign3A_114 = arith.subi %sign3A_110, %sign3A_113 : i32
        %sign3A_115 = arith.constant 0 : i32
        %sign3A_116 = arith.cmpi sgt, %jit3A, %sign3A_115 : i32
        %sign3A_117 = arith.extui %sign3A_116 : i1 to i32
        %sign3A_118 = arith.constant 0 : i32
        %sign3A_119 = arith.cmpi slt, %jit3A, %sign3A_118 : i32
        %sign3A_120 = arith.extui %sign3A_119 : i1 to i32
        %sign3A_121 = arith.subi %sign3A_117, %sign3A_120 : i32
        %ne3A = arith.cmpi ne, %sign3A_114, %sign3A_121 : i32
        %rem3A = arith.remsi %add3A_108, %jit3A : i32
        %ne3A_122 = arith.constant 0 : i32
        %ne3A_123 = arith.cmpi ne, %rem3A, %ne3A_122 : i32
        %and3A = arith.andi %ne3A, %ne3A_123 : i1
        %sub3A = arith.constant 1 : i32
        %sub3A_124 = arith.subi %div3A, %sub3A : i32
        %select_n3A = arith.select %and3A, %sub3A_124, %div3A : i32
        %mul3A_125 = arith.constant 16 : i32
        %mul3A_126 = arith.muli %select_n3A, %mul3A_125 : i32
        %get3A = arith.index_cast %scan3A_106 : i32 to index
        %get3A_127 = arith.index_cast %mul3A_126 : i32 to index
        %get3A_128 = tpu.vector_load %arg4[%get3A, %get3A_127] {strides = array<i32>} : memref<8x4096xf32, #tpu.memory_space<vmem>>, vector<1x16xf32>,
        %get3A_129 = vector.shape_cast %get3A_128 : vector<1x16xf32> to vector<16xf32>
        %jit3A_130 = arith.constant 16 : i32
        %eq3A = arith.constant 0 : i32
        %eq3A_131 = arith.cmpi eq, %jit3A_130, %eq3A : i32
        %jit3A_132 = arith.constant 1 : i32
        %select_n3A_133 = arith.select %eq3A_131, %jit3A_132, %jit3A_130 : i32
        %rem3A_134 = arith.remsi %add3A_108, %select_n3A_133 : i32
        %ne3A_135 = arith.constant 0 : i32
        %ne3A_136 = arith.cmpi ne, %rem3A_134, %ne3A_135 : i32
        %lt3A_137 = arith.constant 0 : i32
        %lt3A_138 = arith.cmpi slt, %rem3A_134, %lt3A_137 : i32
        %lt3A_139 = arith.constant 0 : i32
        %lt3A_140 = arith.cmpi slt, %select_n3A_133, %lt3A_139 : i32
        %ne3A_141 = arith.xori %lt3A_138, %lt3A_140 : i1
        %and3A_142 = arith.andi %ne3A_141, %ne3A_136 : i1
        %add3A_143 = arith.addi %rem3A_134, %select_n3A_133 : i32
        %select_n3A_144 = arith.select %and3A_142, %add3A_143, %rem3A_134 : i32
        %broadcast_in_dim3A = vector.broadcast %select_n3A_144 : i32 to vector<16xi32>
        %lt3A_145 = arith.constant 0 : i32
        %lt3A_146 = vector.broadcast %lt3A_145 : i32 to vector<16xi32>
        %lt3A_147 = arith.cmpi slt, %broadcast_in_dim3A, %lt3A_146 : vector<16xi32>
        %add3A_148 = arith.constant 16 : i32
        %add3A_149 = vector.broadcast %add3A_148 : i32 to vector<16xi32>
        %add3A_150 = arith.addi %broadcast_in_dim3A, %add3A_149 : vector<16xi32>
        %select_n3A_151 = arith.select %lt3A_147, %add3A_150, %broadcast_in_dim3A : vector<16xi1>, vector<16xi32>
        %broadcast_in_dim3A_152 = vector.shape_cast %select_n3A_151 : vector<16xi32> to vector<16x1xi32>
        %gather3A = vector.shape_cast %broadcast_in_dim3A_152 : vector<16x1xi32> to vector<16xi32>
        %gather3A_153 = tpu.dynamic_gather %get3A_129[%gather3A] in [0] : vector<16xf32>, vector<16xi32> -> vector<16xf32>
        %broadcast_in_dim3A_154 = arith.constant -3.000000e+38 : f32
        %broadcast_in_dim3A_155 = vector.broadcast %broadcast_in_dim3A_154 : f32 to vector<16xf32>
        %broadcast_in_dim3A_156 = arith.constant -3.000000e+38 : f32
        %broadcast_in_dim3A_157 = vector.broadcast %broadcast_in_dim3A_156 : f32 to vector<16xf32>
        %broadcast_in_dim3A_158 = arith.constant -3.000000e+38 : f32
        %broadcast_in_dim3A_159 = vector.broadcast %broadcast_in_dim3A_158 : f32 to vector<16xf32>
        %broadcast_in_dim3A_160 = arith.constant -3.000000e+38 : f32
        %broadcast_in_dim3A_161 = vector.broadcast %broadcast_in_dim3A_160 : f32 to vector<16xf32>
        %broadcast_in_dim3A_162 = arith.constant -3.000000e+38 : f32
        %broadcast_in_dim3A_163 = vector.broadcast %broadcast_in_dim3A_162 : f32 to vector<16xf32>
        %broadcast_in_dim3A_164 = arith.constant -3.000000e+38 : f32
        %broadcast_in_dim3A_165 = vector.broadcast %broadcast_in_dim3A_164 : f32 to vector<16xf32>
        %broadcast_in_dim3A_166 = arith.constant -3.000000e+38 : f32
        %broadcast_in_dim3A_167 = vector.broadcast %broadcast_in_dim3A_166 : f32 to vector<16xf32>
        %broadcast_in_dim3A_168 = arith.constant -3.000000e+38 : f32
        %broadcast_in_dim3A_169 = vector.broadcast %broadcast_in_dim3A_168 : f32 to vector<16xf32>
        %broadcast_in_dim3A_170 = arith.constant -3.000000e+38 : f32
        %broadcast_in_dim3A_171 = vector.broadcast %broadcast_in_dim3A_170 : f32 to vector<16xf32>
        %broadcast_in_dim3A_172 = arith.constant -3.000000e+38 : f32
        %broadcast_in_dim3A_173 = vector.broadcast %broadcast_in_dim3A_172 : f32 to vector<16xf32>
        %broadcast_in_dim3A_174 = arith.constant -3.000000e+38 : f32
        %broadcast_in_dim3A_175 = vector.broadcast %broadcast_in_dim3A_174 : f32 to vector<16xf32>
        %broadcast_in_dim3A_176 = arith.constant -3.000000e+38 : f32
        %broadcast_in_dim3A_177 = vector.broadcast %broadcast_in_dim3A_176 : f32 to vector<16xf32>
        %broadcast_in_dim3A_178 = arith.constant -3.000000e+38 : f32
        %broadcast_in_dim3A_179 = vector.broadcast %broadcast_in_dim3A_178 : f32 to vector<16xf32>
        %broadcast_in_dim3A_180 = arith.constant -3.000000e+38 : f32
        %broadcast_in_dim3A_181 = vector.broadcast %broadcast_in_dim3A_180 : f32 to vector<16xf32>
        %broadcast_in_dim3A_182 = arith.constant -3.000000e+38 : f32
        %broadcast_in_dim3A_183 = vector.broadcast %broadcast_in_dim3A_182 : f32 to vector<16xf32>
        %broadcast_in_dim3A_184 = arith.constant -3.000000e+38 : f32
        %broadcast_in_dim3A_185 = vector.broadcast %broadcast_in_dim3A_184 : f32 to vector<16xf32>
        %broadcast_in_dim3A_186 = arith.constant -3.000000e+38 : f32
        %broadcast_in_dim3A_187 = vector.broadcast %broadcast_in_dim3A_186 : f32 to vector<16xf32>
        %broadcast_in_dim3A_188 = arith.constant -3.000000e+38 : f32
        %broadcast_in_dim3A_189 = vector.broadcast %broadcast_in_dim3A_188 : f32 to vector<16xf32>
        %broadcast_in_dim3A_190 = arith.constant -3.000000e+38 : f32
        %broadcast_in_dim3A_191 = vector.broadcast %broadcast_in_dim3A_190 : f32 to vector<16xf32>
        %broadcast_in_dim3A_192 = arith.constant -3.000000e+38 : f32
        %broadcast_in_dim3A_193 = vector.broadcast %broadcast_in_dim3A_192 : f32 to vector<16xf32>
        %scan3A_194 = arith.constant 0 : i32
        %scan3A_195 = arith.constant 64 : i32
        %scan3A_196 = arith.addi %scan3A_194, %scan3A_195 : i32
        %scan3A_197 = arith.constant 2 : i32
        %scan3A_198:20 = scf.for %scan3A_1159 = %scan3A_194 to %scan3A_196 step %scan3A_197 iter_args(%scan3A_1160 = %broadcast_in_dim3A_155, %scan3A_1161 = %broadcast_in_dim3A_157, %scan3A_1162 = %broadcast_in_dim3A_159, %scan3A_1163 = %broadcast_in_dim3A_161, %scan3A_1164 = %broadcast_in_dim3A_163, %scan3A_1165 = %broadcast_in_dim3A_165, %scan3A_1166 = %broadcast_in_dim3A_167, %scan3A_1167 = %broadcast_in_dim3A_169, %scan3A_1168 = %broadcast_in_dim3A_171, %scan3A_1169 = %broadcast_in_dim3A_173, %scan3A_1170 = %broadcast_in_dim3A_175, %scan3A_1171 = %broadcast_in_dim3A_177, %scan3A_1172 = %broadcast_in_dim3A_179, %scan3A_1173 = %broadcast_in_dim3A_181, %scan3A_1174 = %broadcast_in_dim3A_183, %scan3A_1175 = %broadcast_in_dim3A_185, %scan3A_1176 = %broadcast_in_dim3A_187, %scan3A_1177 = %broadcast_in_dim3A_189, %scan3A_1178 = %broadcast_in_dim3A_191, %scan3A_1179 = %broadcast_in_dim3A_193) -> (vector<16xf32>, vector<16xf32>, vector<16xf32>, vector<16xf32>, vector<16xf32>, vector<16xf32>, vector<16xf32>, vector<16xf32>, vector<16xf32>, vector<16xf32>, vector<16xf32>, vector<16xf32>, vector<16xf32>, vector<16xf32>, vector<16xf32>, vector<16xf32>, vector<16xf32>, vector<16xf32>, vector<16xf32>, vector<16xf32>)  : i32 {
          %mul3A_1180 = arith.constant 4 : i32
          %mul3A_1181 = arith.muli %mul3A_1180, %scan3A_1159 : i32
          %add3A_1182 = arith.constant 0 : i32
          %add3A_1183 = arith.addi %mul3A_1181, %add3A_1182 : i32
          %mul3A_1184 = arith.constant 16 : i32
          %mul3A_1185 = arith.muli %add3A_1183, %mul3A_1184 : i32
          %get3A_1186 = arith.index_cast %scan3A_106 : i32 to index
          %get3A_1187 = arith.index_cast %mul3A_1185 : i32 to index
          %get3A_1188 = tpu.vector_load %arg4[%get3A_1186, %get3A_1187] {strides = array<i32>} : memref<8x4096xf32, #tpu.memory_space<vmem>>, vector<1x16xf32>,
          %get3A_1189 = vector.shape_cast %get3A_1188 : vector<1x16xf32> to vector<16xf32>
          %mul3A_1190 = arith.constant 4 : i32
          %mul3A_1191 = arith.muli %mul3A_1190, %scan3A_1159 : i32
          %add3A_1192 = arith.constant 1 : i32
          %add3A_1193 = arith.addi %mul3A_1191, %add3A_1192 : i32
          %mul3A_1194 = arith.constant 16 : i32
          %mul3A_1195 = arith.muli %add3A_1193, %mul3A_1194 : i32
          %get3A_1196 = arith.index_cast %scan3A_106 : i32 to index
          %get3A_1197 = arith.index_cast %mul3A_1195 : i32 to index
          %get3A_1198 = tpu.vector_load %arg4[%get3A_1196, %get3A_1197] {strides = array<i32>} : memref<8x4096xf32, #tpu.memory_space<vmem>>, vector<1x16xf32>,
          %get3A_1199 = vector.shape_cast %get3A_1198 : vector<1x16xf32> to vector<16xf32>
          %mul3A_1200 = arith.constant 4 : i32
          %mul3A_1201 = arith.muli %mul3A_1200, %scan3A_1159 : i32
          %add3A_1202 = arith.constant 2 : i32
          %add3A_1203 = arith.addi %mul3A_1201, %add3A_1202 : i32
          %mul3A_1204 = arith.constant 16 : i32
          %mul3A_1205 = arith.muli %add3A_1203, %mul3A_1204 : i32
          %get3A_1206 = arith.index_cast %scan3A_106 : i32 to index
          %get3A_1207 = arith.index_cast %mul3A_1205 : i32 to index
          %get3A_1208 = tpu.vector_load %arg4[%get3A_1206, %get3A_1207] {strides = array<i32>} : memref<8x4096xf32, #tpu.memory_space<vmem>>, vector<1x16xf32>,
          %get3A_1209 = vector.shape_cast %get3A_1208 : vector<1x16xf32> to vector<16xf32>
          %mul3A_1210 = arith.constant 4 : i32
          %mul3A_1211 = arith.muli %mul3A_1210, %scan3A_1159 : i32
          %add3A_1212 = arith.constant 3 : i32
          %add3A_1213 = arith.addi %mul3A_1211, %add3A_1212 : i32
          %mul3A_1214 = arith.constant 16 : i32
          %mul3A_1215 = arith.muli %add3A_1213, %mul3A_1214 : i32
          %get3A_1216 = arith.index_cast %scan3A_106 : i32 to index
          %get3A_1217 = arith.index_cast %mul3A_1215 : i32 to index
          %get3A_1218 = tpu.vector_load %arg4[%get3A_1216, %get3A_1217] {strides = array<i32>} : memref<8x4096xf32, #tpu.memory_space<vmem>>, vector<1x16xf32>,
          %get3A_1219 = vector.shape_cast %get3A_1218 : vector<1x16xf32> to vector<16xf32>
          %max3A_1220 = arith.maximumf %get3A_1189, %get3A_1199 : vector<16xf32>
          %min3A = arith.minimumf %get3A_1189, %get3A_1199 : vector<16xf32>
          %max3A_1221 = arith.maximumf %get3A_1209, %get3A_1219 : vector<16xf32>
          %min3A_1222 = arith.minimumf %get3A_1209, %get3A_1219 : vector<16xf32>
          %max3A_1223 = arith.maximumf %max3A_1220, %max3A_1221 : vector<16xf32>
          %min3A_1224 = arith.minimumf %max3A_1220, %max3A_1221 : vector<16xf32>
          %max3A_1225 = arith.maximumf %min3A, %min3A_1222 : vector<16xf32>
          %min3A_1226 = arith.minimumf %min3A, %min3A_1222 : vector<16xf32>
          %max3A_1227 = arith.maximumf %max3A_1225, %min3A_1224 : vector<16xf32>
          %min3A_1228 = arith.minimumf %max3A_1225, %min3A_1224 : vector<16xf32>
          %min3A_1229 = arith.minimumf %scan3A_1160, %max3A_1223 : vector<16xf32>
          %max3A_1230 = arith.maximumf %scan3A_1160, %max3A_1223 : vector<16xf32>
          %min3A_1231 = arith.minimumf %scan3A_1161, %min3A_1229 : vector<16xf32>
          %max3A_1232 = arith.maximumf %scan3A_1161, %min3A_1229 : vector<16xf32>
          %min3A_1233 = arith.minimumf %scan3A_1162, %min3A_1231 : vector<16xf32>
          %max3A_1234 = arith.maximumf %scan3A_1162, %min3A_1231 : vector<16xf32>
          %min3A_1235 = arith.minimumf %scan3A_1163, %min3A_1233 : vector<16xf32>
          %max3A_1236 = arith.maximumf %scan3A_1163, %min3A_1233 : vector<16xf32>
          %min3A_1237 = arith.minimumf %scan3A_1164, %min3A_1235 : vector<16xf32>
          %max3A_1238 = arith.maximumf %scan3A_1164, %min3A_1235 : vector<16xf32>
          %min3A_1239 = arith.minimumf %scan3A_1165, %min3A_1237 : vector<16xf32>
          %max3A_1240 = arith.maximumf %scan3A_1165, %min3A_1237 : vector<16xf32>
          %min3A_1241 = arith.minimumf %scan3A_1166, %min3A_1239 : vector<16xf32>
          %max3A_1242 = arith.maximumf %scan3A_1166, %min3A_1239 : vector<16xf32>
          %min3A_1243 = arith.minimumf %scan3A_1167, %min3A_1241 : vector<16xf32>
          %max3A_1244 = arith.maximumf %scan3A_1167, %min3A_1241 : vector<16xf32>
          %min3A_1245 = arith.minimumf %scan3A_1168, %min3A_1243 : vector<16xf32>
          %max3A_1246 = arith.maximumf %scan3A_1168, %min3A_1243 : vector<16xf32>
          %max3A_1247 = arith.maximumf %scan3A_1169, %min3A_1245 : vector<16xf32>
          %min3A_1248 = arith.minimumf %scan3A_1170, %max3A_1227 : vector<16xf32>
          %max3A_1249 = arith.maximumf %scan3A_1170, %max3A_1227 : vector<16xf32>
          %min3A_1250 = arith.minimumf %scan3A_1171, %min3A_1248 : vector<16xf32>
          %max3A_1251 = arith.maximumf %scan3A_1171, %min3A_1248 : vector<16xf32>
          %min3A_1252 = arith.minimumf %scan3A_1172, %min3A_1250 : vector<16xf32>
          %max3A_1253 = arith.maximumf %scan3A_1172, %min3A_1250 : vector<16xf32>
          %min3A_1254 = arith.minimumf %scan3A_1173, %min3A_1252 : vector<16xf32>
          %max3A_1255 = arith.maximumf %scan3A_1173, %min3A_1252 : vector<16xf32>
          %max3A_1256 = arith.maximumf %scan3A_1174, %min3A_1254 : vector<16xf32>
          %min3A_1257 = arith.minimumf %scan3A_1175, %min3A_1228 : vector<16xf32>
          %max3A_1258 = arith.maximumf %scan3A_1175, %min3A_1228 : vector<16xf32>
          %min3A_1259 = arith.minimumf %scan3A_1176, %min3A_1257 : vector<16xf32>
          %max3A_1260 = arith.maximumf %scan3A_1176, %min3A_1257 : vector<16xf32>
          %max3A_1261 = arith.maximumf %scan3A_1177, %min3A_1259 : vector<16xf32>
          %min3A_1262 = arith.minimumf %scan3A_1178, %min3A_1226 : vector<16xf32>
          %max3A_1263 = arith.maximumf %scan3A_1178, %min3A_1226 : vector<16xf32>
          %max3A_1264 = arith.maximumf %scan3A_1179, %min3A_1262 : vector<16xf32>
          %scan3A_1265 = arith.constant 1 : i32
          %scan3A_1266 = arith.addi %scan3A_1159, %scan3A_1265 : i32
          %mul3A_1267 = arith.constant 4 : i32
          %mul3A_1268 = arith.muli %mul3A_1267, %scan3A_1266 : i32
          %add3A_1269 = arith.constant 0 : i32
          %add3A_1270 = arith.addi %mul3A_1268, %add3A_1269 : i32
          %mul3A_1271 = arith.constant 16 : i32
          %mul3A_1272 = arith.muli %add3A_1270, %mul3A_1271 : i32
          %get3A_1273 = arith.index_cast %scan3A_106 : i32 to index
          %get3A_1274 = arith.index_cast %mul3A_1272 : i32 to index
          %get3A_1275 = tpu.vector_load %arg4[%get3A_1273, %get3A_1274] {strides = array<i32>} : memref<8x4096xf32, #tpu.memory_space<vmem>>, vector<1x16xf32>,
          %get3A_1276 = vector.shape_cast %get3A_1275 : vector<1x16xf32> to vector<16xf32>
          %mul3A_1277 = arith.constant 4 : i32
          %mul3A_1278 = arith.muli %mul3A_1277, %scan3A_1266 : i32
          %add3A_1279 = arith.constant 1 : i32
          %add3A_1280 = arith.addi %mul3A_1278, %add3A_1279 : i32
          %mul3A_1281 = arith.constant 16 : i32
          %mul3A_1282 = arith.muli %add3A_1280, %mul3A_1281 : i32
          %get3A_1283 = arith.index_cast %scan3A_106 : i32 to index
          %get3A_1284 = arith.index_cast %mul3A_1282 : i32 to index
          %get3A_1285 = tpu.vector_load %arg4[%get3A_1283, %get3A_1284] {strides = array<i32>} : memref<8x4096xf32, #tpu.memory_space<vmem>>, vector<1x16xf32>,
          %get3A_1286 = vector.shape_cast %get3A_1285 : vector<1x16xf32> to vector<16xf32>
          %mul3A_1287 = arith.constant 4 : i32
          %mul3A_1288 = arith.muli %mul3A_1287, %scan3A_1266 : i32
          %add3A_1289 = arith.constant 2 : i32
          %add3A_1290 = arith.addi %mul3A_1288, %add3A_1289 : i32
          %mul3A_1291 = arith.constant 16 : i32
          %mul3A_1292 = arith.muli %add3A_1290, %mul3A_1291 : i32
          %get3A_1293 = arith.index_cast %scan3A_106 : i32 to index
          %get3A_1294 = arith.index_cast %mul3A_1292 : i32 to index
          %get3A_1295 = tpu.vector_load %arg4[%get3A_1293, %get3A_1294] {strides = array<i32>} : memref<8x4096xf32, #tpu.memory_space<vmem>>, vector<1x16xf32>,
          %get3A_1296 = vector.shape_cast %get3A_1295 : vector<1x16xf32> to vector<16xf32>
          %mul3A_1297 = arith.constant 4 : i32
          %mul3A_1298 = arith.muli %mul3A_1297, %scan3A_1266 : i32
          %add3A_1299 = arith.constant 3 : i32
          %add3A_1300 = arith.addi %mul3A_1298, %add3A_1299 : i32
          %mul3A_1301 = arith.constant 16 : i32
          %mul3A_1302 = arith.muli %add3A_1300, %mul3A_1301 : i32
          %get3A_1303 = arith.index_cast %scan3A_106 : i32 to index
          %get3A_1304 = arith.index_cast %mul3A_1302 : i32 to index
          %get3A_1305 = tpu.vector_load %arg4[%get3A_1303, %get3A_1304] {strides = array<i32>} : memref<8x4096xf32, #tpu.memory_space<vmem>>, vector<1x16xf32>,
          %get3A_1306 = vector.shape_cast %get3A_1305 : vector<1x16xf32> to vector<16xf32>
          %max3A_1307 = arith.maximumf %get3A_1276, %get3A_1286 : vector<16xf32>
          %min3A_1308 = arith.minimumf %get3A_1276, %get3A_1286 : vector<16xf32>
          %max3A_1309 = arith.maximumf %get3A_1296, %get3A_1306 : vector<16xf32>
          %min3A_1310 = arith.minimumf %get3A_1296, %get3A_1306 : vector<16xf32>
          %max3A_1311 = arith.maximumf %max3A_1307, %max3A_1309 : vector<16xf32>
          %min3A_1312 = arith.minimumf %max3A_1307, %max3A_1309 : vector<16xf32>
          %max3A_1313 = arith.maximumf %min3A_1308, %min3A_1310 : vector<16xf32>
          %min3A_1314 = arith.minimumf %min3A_1308, %min3A_1310 : vector<16xf32>
          %max3A_1315 = arith.maximumf %max3A_1313, %min3A_1312 : vector<16xf32>
          %min3A_1316 = arith.minimumf %max3A_1313, %min3A_1312 : vector<16xf32>
          %min3A_1317 = arith.minimumf %max3A_1230, %max3A_1311 : vector<16xf32>
          %max3A_1318 = arith.maximumf %max3A_1230, %max3A_1311 : vector<16xf32>
          %min3A_1319 = arith.minimumf %max3A_1232, %min3A_1317 : vector<16xf32>
          %max3A_1320 = arith.maximumf %max3A_1232, %min3A_1317 : vector<16xf32>
          %min3A_1321 = arith.minimumf %max3A_1234, %min3A_1319 : vector<16xf32>
          %max3A_1322 = arith.maximumf %max3A_1234, %min3A_1319 : vector<16xf32>
          %min3A_1323 = arith.minimumf %max3A_1236, %min3A_1321 : vector<16xf32>
          %max3A_1324 = arith.maximumf %max3A_1236, %min3A_1321 : vector<16xf32>
          %min3A_1325 = arith.minimumf %max3A_1238, %min3A_1323 : vector<16xf32>
          %max3A_1326 = arith.maximumf %max3A_1238, %min3A_1323 : vector<16xf32>
          %min3A_1327 = arith.minimumf %max3A_1240, %min3A_1325 : vector<16xf32>
          %max3A_1328 = arith.maximumf %max3A_1240, %min3A_1325 : vector<16xf32>
          %min3A_1329 = arith.minimumf %max3A_1242, %min3A_1327 : vector<16xf32>
          %max3A_1330 = arith.maximumf %max3A_1242, %min3A_1327 : vector<16xf32>
          %min3A_1331 = arith.minimumf %max3A_1244, %min3A_1329 : vector<16xf32>
          %max3A_1332 = arith.maximumf %max3A_1244, %min3A_1329 : vector<16xf32>
          %min3A_1333 = arith.minimumf %max3A_1246, %min3A_1331 : vector<16xf32>
          %max3A_1334 = arith.maximumf %max3A_1246, %min3A_1331 : vector<16xf32>
          %max3A_1335 = arith.maximumf %max3A_1247, %min3A_1333 : vector<16xf32>
          %min3A_1336 = arith.minimumf %max3A_1249, %max3A_1315 : vector<16xf32>
          %max3A_1337 = arith.maximumf %max3A_1249, %max3A_1315 : vector<16xf32>
          %min3A_1338 = arith.minimumf %max3A_1251, %min3A_1336 : vector<16xf32>
          %max3A_1339 = arith.maximumf %max3A_1251, %min3A_1336 : vector<16xf32>
          %min3A_1340 = arith.minimumf %max3A_1253, %min3A_1338 : vector<16xf32>
          %max3A_1341 = arith.maximumf %max3A_1253, %min3A_1338 : vector<16xf32>
          %min3A_1342 = arith.minimumf %max3A_1255, %min3A_1340 : vector<16xf32>
          %max3A_1343 = arith.maximumf %max3A_1255, %min3A_1340 : vector<16xf32>
          %max3A_1344 = arith.maximumf %max3A_1256, %min3A_1342 : vector<16xf32>
          %min3A_1345 = arith.minimumf %max3A_1258, %min3A_1316 : vector<16xf32>
          %max3A_1346 = arith.maximumf %max3A_1258, %min3A_1316 : vector<16xf32>
          %min3A_1347 = arith.minimumf %max3A_1260, %min3A_1345 : vector<16xf32>
          %max3A_1348 = arith.maximumf %max3A_1260, %min3A_1345 : vector<16xf32>
          %max3A_1349 = arith.maximumf %max3A_1261, %min3A_1347 : vector<16xf32>
          %min3A_1350 = arith.minimumf %max3A_1263, %min3A_1314 : vector<16xf32>
          %max3A_1351 = arith.maximumf %max3A_1263, %min3A_1314 : vector<16xf32>
          %max3A_1352 = arith.maximumf %max3A_1264, %min3A_1350 : vector<16xf32>
          scf.yield %max3A_1318, %max3A_1320, %max3A_1322, %max3A_1324, %max3A_1326, %max3A_1328, %max3A_1330, %max3A_1332, %max3A_1334, %max3A_1335, %max3A_1337, %max3A_1339, %max3A_1341, %max3A_1343, %max3A_1344, %max3A_1346, %max3A_1348, %max3A_1349, %max3A_1351, %max3A_1352 : vector<16xf32>, vector<16xf32>, vector<16xf32>, vector<16xf32>, vector<16xf32>, vector<16xf32>, vector<16xf32>, vector<16xf32>, vector<16xf32>, vector<16xf32>, vector<16xf32>, vector<16xf32>, vector<16xf32>, vector<16xf32>, vector<16xf32>, vector<16xf32>, vector<16xf32>, vector<16xf32>, vector<16xf32>, vector<16xf32>
        }
        %scan3A_199 = arith.constant 64 : i32
        %broadcast_in_dim3A_200 = arith.constant 0.000000e+00 : f32
        %broadcast_in_dim3A_201 = vector.broadcast %broadcast_in_dim3A_200 : f32 to vector<16xf32>
        %max3A = arith.maximumf %scan3A_198#0, %scan3A_198#10 : vector<16xf32>
        %max3A_202 = arith.maximumf %scan3A_198#15, %scan3A_198#18 : vector<16xf32>
        %max3A_203 = arith.maximumf %max3A, %max3A_202 : vector<16xf32>
        %xor3A = arith.constant 1 : i32
        %xor3A_204 = vector.broadcast %xor3A : i32 to vector<16xi32>
        %xor3A_205 = arith.xori %iota3A, %xor3A_204 : vector<16xi32>
        %lt3A_206 = arith.constant 0 : i32
        %lt3A_207 = vector.broadcast %lt3A_206 : i32 to vector<16xi32>
        %lt3A_208 = arith.cmpi slt, %xor3A_205, %lt3A_207 : vector<16xi32>
        %add3A_209 = arith.constant 16 : i32
        %add3A_210 = vector.broadcast %add3A_209 : i32 to vector<16xi32>
        %add3A_211 = arith.addi %xor3A_205, %add3A_210 : vector<16xi32>
        %select_n3A_212 = arith.select %lt3A_208, %add3A_211, %xor3A_205 : vector<16xi1>, vector<16xi32>
        %broadcast_in_dim3A_213 = vector.shape_cast %select_n3A_212 : vector<16xi32> to vector<16x1xi32>
        %gather3A_214 = vector.shape_cast %broadcast_in_dim3A_213 : vector<16x1xi32> to vector<16xi32>
        %gather3A_215 = tpu.dynamic_gather %max3A_203[%gather3A_214] in [0] : vector<16xf32>, vector<16xi32> -> vector<16xf32>
        %max3A_216 = arith.maximumf %max3A_203, %gather3A_215 : vector<16xf32>
        %xor3A_217 = arith.constant 2 : i32
        %xor3A_218 = vector.broadcast %xor3A_217 : i32 to vector<16xi32>
        %xor3A_219 = arith.xori %iota3A, %xor3A_218 : vector<16xi32>
        %lt3A_220 = arith.constant 0 : i32
        %lt3A_221 = vector.broadcast %lt3A_220 : i32 to vector<16xi32>
        %lt3A_222 = arith.cmpi slt, %xor3A_219, %lt3A_221 : vector<16xi32>
        %add3A_223 = arith.constant 16 : i32
        %add3A_224 = vector.broadcast %add3A_223 : i32 to vector<16xi32>
        %add3A_225 = arith.addi %xor3A_219, %add3A_224 : vector<16xi32>
        %select_n3A_226 = arith.select %lt3A_222, %add3A_225, %xor3A_219 : vector<16xi1>, vector<16xi32>
        %broadcast_in_dim3A_227 = vector.shape_cast %select_n3A_226 : vector<16xi32> to vector<16x1xi32>
        %gather3A_228 = vector.shape_cast %broadcast_in_dim3A_227 : vector<16x1xi32> to vector<16xi32>
        %gather3A_229 = tpu.dynamic_gather %max3A_216[%gather3A_228] in [0] : vector<16xf32>, vector<16xi32> -> vector<16xf32>
        %max3A_230 = arith.maximumf %max3A_216, %gather3A_229 : vector<16xf32>
        %xor3A_231 = arith.constant 4 : i32
        %xor3A_232 = vector.broadcast %xor3A_231 : i32 to vector<16xi32>
        %xor3A_233 = arith.xori %iota3A, %xor3A_232 : vector<16xi32>
        %lt3A_234 = arith.constant 0 : i32
        %lt3A_235 = vector.broadcast %lt3A_234 : i32 to vector<16xi32>
        %lt3A_236 = arith.cmpi slt, %xor3A_233, %lt3A_235 : vector<16xi32>
        %add3A_237 = arith.constant 16 : i32
        %add3A_238 = vector.broadcast %add3A_237 : i32 to vector<16xi32>
        %add3A_239 = arith.addi %xor3A_233, %add3A_238 : vector<16xi32>
        %select_n3A_240 = arith.select %lt3A_236, %add3A_239, %xor3A_233 : vector<16xi1>, vector<16xi32>
        %broadcast_in_dim3A_241 = vector.shape_cast %select_n3A_240 : vector<16xi32> to vector<16x1xi32>
        %gather3A_242 = vector.shape_cast %broadcast_in_dim3A_241 : vector<16x1xi32> to vector<16xi32>
        %gather3A_243 = tpu.dynamic_gather %max3A_230[%gather3A_242] in [0] : vector<16xf32>, vector<16xi32> -> vector<16xf32>
        %max3A_244 = arith.maximumf %max3A_230, %gather3A_243 : vector<16xf32>
        %xor3A_245 = arith.constant 8 : i32
        %xor3A_246 = vector.broadcast %xor3A_245 : i32 to vector<16xi32>
        %xor3A_247 = arith.xori %iota3A, %xor3A_246 : vector<16xi32>
        %lt3A_248 = arith.constant 0 : i32
        %lt3A_249 = vector.broadcast %lt3A_248 : i32 to vector<16xi32>
        %lt3A_250 = arith.cmpi slt, %xor3A_247, %lt3A_249 : vector<16xi32>
        %add3A_251 = arith.constant 16 : i32
        %add3A_252 = vector.broadcast %add3A_251 : i32 to vector<16xi32>
        %add3A_253 = arith.addi %xor3A_247, %add3A_252 : vector<16xi32>
        %select_n3A_254 = arith.select %lt3A_250, %add3A_253, %xor3A_247 : vector<16xi1>, vector<16xi32>
        %broadcast_in_dim3A_255 = vector.shape_cast %select_n3A_254 : vector<16xi32> to vector<16x1xi32>
        %gather3A_256 = vector.shape_cast %broadcast_in_dim3A_255 : vector<16x1xi32> to vector<16xi32>
        %gather3A_257 = tpu.dynamic_gather %max3A_244[%gather3A_256] in [0] : vector<16xf32>, vector<16xi32> -> vector<16xf32>
        %max3A_258 = arith.maximumf %max3A_244, %gather3A_257 : vector<16xf32>
        %eq3A_259 = arith.cmpf oeq, %scan3A_198#0, %max3A_258 : vector<16xf32>
        %select_n3A_260 = arith.select %eq3A_259, %scan3A_198#1, %scan3A_198#0 : vector<16xi1>, vector<16xf32>
        %select_n3A_261 = arith.select %eq3A_259, %scan3A_198#2, %scan3A_198#1 : vector<16xi1>, vector<16xf32>
        %select_n3A_262 = arith.select %eq3A_259, %scan3A_198#3, %scan3A_198#2 : vector<16xi1>, vector<16xf32>
        %select_n3A_263 = arith.select %eq3A_259, %scan3A_198#4, %scan3A_198#3 : vector<16xi1>, vector<16xf32>
        %select_n3A_264 = arith.select %eq3A_259, %scan3A_198#5, %scan3A_198#4 : vector<16xi1>, vector<16xf32>
        %select_n3A_265 = arith.select %eq3A_259, %scan3A_198#6, %scan3A_198#5 : vector<16xi1>, vector<16xf32>
        %select_n3A_266 = arith.select %eq3A_259, %scan3A_198#7, %scan3A_198#6 : vector<16xi1>, vector<16xf32>
        %select_n3A_267 = arith.select %eq3A_259, %scan3A_198#8, %scan3A_198#7 : vector<16xi1>, vector<16xf32>
        %select_n3A_268 = arith.select %eq3A_259, %scan3A_198#9, %scan3A_198#8 : vector<16xi1>, vector<16xf32>
        %jit3A_269 = arith.constant -3.000000e+38 : f32
        %broadcast_in_dim3A_270 = vector.broadcast %jit3A_269 : f32 to vector<16xf32>
        %select_n3A_271 = arith.select %eq3A_259, %broadcast_in_dim3A_270, %scan3A_198#9 : vector<16xi1>, vector<16xf32>
        %eq3A_272 = arith.cmpf oeq, %scan3A_198#10, %max3A_258 : vector<16xf32>
        %select_n3A_273 = arith.select %eq3A_272, %scan3A_198#11, %scan3A_198#10 : vector<16xi1>, vector<16xf32>
        %select_n3A_274 = arith.select %eq3A_272, %scan3A_198#12, %scan3A_198#11 : vector<16xi1>, vector<16xf32>
        %select_n3A_275 = arith.select %eq3A_272, %scan3A_198#13, %scan3A_198#12 : vector<16xi1>, vector<16xf32>
        %select_n3A_276 = arith.select %eq3A_272, %scan3A_198#14, %scan3A_198#13 : vector<16xi1>, vector<16xf32>
        %jit3A_277 = arith.constant -3.000000e+38 : f32
        %broadcast_in_dim3A_278 = vector.broadcast %jit3A_277 : f32 to vector<16xf32>
        %select_n3A_279 = arith.select %eq3A_272, %broadcast_in_dim3A_278, %scan3A_198#14 : vector<16xi1>, vector<16xf32>
        %eq3A_280 = arith.cmpf oeq, %scan3A_198#15, %max3A_258 : vector<16xf32>
        %select_n3A_281 = arith.select %eq3A_280, %scan3A_198#16, %scan3A_198#15 : vector<16xi1>, vector<16xf32>
        %select_n3A_282 = arith.select %eq3A_280, %scan3A_198#17, %scan3A_198#16 : vector<16xi1>, vector<16xf32>
        %jit3A_283 = arith.constant -3.000000e+38 : f32
        %broadcast_in_dim3A_284 = vector.broadcast %jit3A_283 : f32 to vector<16xf32>
        %select_n3A_285 = arith.select %eq3A_280, %broadcast_in_dim3A_284, %scan3A_198#17 : vector<16xi1>, vector<16xf32>
        %eq3A_286 = arith.cmpf oeq, %scan3A_198#18, %max3A_258 : vector<16xf32>
        %select_n3A_287 = arith.select %eq3A_286, %scan3A_198#19, %scan3A_198#18 : vector<16xi1>, vector<16xf32>
        %jit3A_288 = arith.constant -3.000000e+38 : f32
        %broadcast_in_dim3A_289 = vector.broadcast %jit3A_288 : f32 to vector<16xf32>
        %select_n3A_290 = arith.select %eq3A_286, %broadcast_in_dim3A_289, %scan3A_198#19 : vector<16xi1>, vector<16xf32>
        %eq3A_291 = arith.constant 0 : i32
        %eq3A_292 = vector.broadcast %eq3A_291 : i32 to vector<16xi32>
        %eq3A_293 = arith.cmpi eq, %iota3A, %eq3A_292 : vector<16xi32>
        %select_n3A_294 = arith.select %eq3A_293, %max3A_258, %broadcast_in_dim3A_201 : vector<16xi1>, vector<16xf32>
        %max3A_295 = arith.maximumf %select_n3A_260, %select_n3A_273 : vector<16xf32>
        %max3A_296 = arith.maximumf %select_n3A_281, %select_n3A_287 : vector<16xf32>
        %max3A_297 = arith.maximumf %max3A_295, %max3A_296 : vector<16xf32>
        %xor3A_298 = arith.constant 1 : i32
        %xor3A_299 = vector.broadcast %xor3A_298 : i32 to vector<16xi32>
        %xor3A_300 = arith.xori %iota3A, %xor3A_299 : vector<16xi32>
        %lt3A_301 = arith.constant 0 : i32
        %lt3A_302 = vector.broadcast %lt3A_301 : i32 to vector<16xi32>
        %lt3A_303 = arith.cmpi slt, %xor3A_300, %lt3A_302 : vector<16xi32>
        %add3A_304 = arith.constant 16 : i32
        %add3A_305 = vector.broadcast %add3A_304 : i32 to vector<16xi32>
        %add3A_306 = arith.addi %xor3A_300, %add3A_305 : vector<16xi32>
        %select_n3A_307 = arith.select %lt3A_303, %add3A_306, %xor3A_300 : vector<16xi1>, vector<16xi32>
        %broadcast_in_dim3A_308 = vector.shape_cast %select_n3A_307 : vector<16xi32> to vector<16x1xi32>
        %gather3A_309 = vector.shape_cast %broadcast_in_dim3A_308 : vector<16x1xi32> to vector<16xi32>
        %gather3A_310 = tpu.dynamic_gather %max3A_297[%gather3A_309] in [0] : vector<16xf32>, vector<16xi32> -> vector<16xf32>
        %max3A_311 = arith.maximumf %max3A_297, %gather3A_310 : vector<16xf32>
        %xor3A_312 = arith.constant 2 : i32
        %xor3A_313 = vector.broadcast %xor3A_312 : i32 to vector<16xi32>
        %xor3A_314 = arith.xori %iota3A, %xor3A_313 : vector<16xi32>
        %lt3A_315 = arith.constant 0 : i32
        %lt3A_316 = vector.broadcast %lt3A_315 : i32 to vector<16xi32>
        %lt3A_317 = arith.cmpi slt, %xor3A_314, %lt3A_316 : vector<16xi32>
        %add3A_318 = arith.constant 16 : i32
        %add3A_319 = vector.broadcast %add3A_318 : i32 to vector<16xi32>
        %add3A_320 = arith.addi %xor3A_314, %add3A_319 : vector<16xi32>
        %select_n3A_321 = arith.select %lt3A_317, %add3A_320, %xor3A_314 : vector<16xi1>, vector<16xi32>
        %broadcast_in_dim3A_322 = vector.shape_cast %select_n3A_321 : vector<16xi32> to vector<16x1xi32>
        %gather3A_323 = vector.shape_cast %broadcast_in_dim3A_322 : vector<16x1xi32> to vector<16xi32>
        %gather3A_324 = tpu.dynamic_gather %max3A_311[%gather3A_323] in [0] : vector<16xf32>, vector<16xi32> -> vector<16xf32>
        %max3A_325 = arith.maximumf %max3A_311, %gather3A_324 : vector<16xf32>
        %xor3A_326 = arith.constant 4 : i32
        %xor3A_327 = vector.broadcast %xor3A_326 : i32 to vector<16xi32>
        %xor3A_328 = arith.xori %iota3A, %xor3A_327 : vector<16xi32>
        %lt3A_329 = arith.constant 0 : i32
        %lt3A_330 = vector.broadcast %lt3A_329 : i32 to vector<16xi32>
        %lt3A_331 = arith.cmpi slt, %xor3A_328, %lt3A_330 : vector<16xi32>
        %add3A_332 = arith.constant 16 : i32
        %add3A_333 = vector.broadcast %add3A_332 : i32 to vector<16xi32>
        %add3A_334 = arith.addi %xor3A_328, %add3A_333 : vector<16xi32>
        %select_n3A_335 = arith.select %lt3A_331, %add3A_334, %xor3A_328 : vector<16xi1>, vector<16xi32>
        %broadcast_in_dim3A_336 = vector.shape_cast %select_n3A_335 : vector<16xi32> to vector<16x1xi32>
        %gather3A_337 = vector.shape_cast %broadcast_in_dim3A_336 : vector<16x1xi32> to vector<16xi32>
        %gather3A_338 = tpu.dynamic_gather %max3A_325[%gather3A_337] in [0] : vector<16xf32>, vector<16xi32> -> vector<16xf32>
        %max3A_339 = arith.maximumf %max3A_325, %gather3A_338 : vector<16xf32>
        %xor3A_340 = arith.constant 8 : i32
        %xor3A_341 = vector.broadcast %xor3A_340 : i32 to vector<16xi32>
        %xor3A_342 = arith.xori %iota3A, %xor3A_341 : vector<16xi32>
        %lt3A_343 = arith.constant 0 : i32
        %lt3A_344 = vector.broadcast %lt3A_343 : i32 to vector<16xi32>
        %lt3A_345 = arith.cmpi slt, %xor3A_342, %lt3A_344 : vector<16xi32>
        %add3A_346 = arith.constant 16 : i32
        %add3A_347 = vector.broadcast %add3A_346 : i32 to vector<16xi32>
        %add3A_348 = arith.addi %xor3A_342, %add3A_347 : vector<16xi32>
        %select_n3A_349 = arith.select %lt3A_345, %add3A_348, %xor3A_342 : vector<16xi1>, vector<16xi32>
        %broadcast_in_dim3A_350 = vector.shape_cast %select_n3A_349 : vector<16xi32> to vector<16x1xi32>
        %gather3A_351 = vector.shape_cast %broadcast_in_dim3A_350 : vector<16x1xi32> to vector<16xi32>
        %gather3A_352 = tpu.dynamic_gather %max3A_339[%gather3A_351] in [0] : vector<16xf32>, vector<16xi32> -> vector<16xf32>
        %max3A_353 = arith.maximumf %max3A_339, %gather3A_352 : vector<16xf32>
        %eq3A_354 = arith.cmpf oeq, %select_n3A_260, %max3A_353 : vector<16xf32>
        %select_n3A_355 = arith.select %eq3A_354, %select_n3A_261, %select_n3A_260 : vector<16xi1>, vector<16xf32>
        %select_n3A_356 = arith.select %eq3A_354, %select_n3A_262, %select_n3A_261 : vector<16xi1>, vector<16xf32>
        %select_n3A_357 = arith.select %eq3A_354, %select_n3A_263, %select_n3A_262 : vector<16xi1>, vector<16xf32>
        %select_n3A_358 = arith.select %eq3A_354, %select_n3A_264, %select_n3A_263 : vector<16xi1>, vector<16xf32>
        %select_n3A_359 = arith.select %eq3A_354, %select_n3A_265, %select_n3A_264 : vector<16xi1>, vector<16xf32>
        %select_n3A_360 = arith.select %eq3A_354, %select_n3A_266, %select_n3A_265 : vector<16xi1>, vector<16xf32>
        %select_n3A_361 = arith.select %eq3A_354, %select_n3A_267, %select_n3A_266 : vector<16xi1>, vector<16xf32>
        %select_n3A_362 = arith.select %eq3A_354, %select_n3A_268, %select_n3A_267 : vector<16xi1>, vector<16xf32>
        %select_n3A_363 = arith.select %eq3A_354, %select_n3A_271, %select_n3A_268 : vector<16xi1>, vector<16xf32>
        %jit3A_364 = arith.constant -3.000000e+38 : f32
        %broadcast_in_dim3A_365 = vector.broadcast %jit3A_364 : f32 to vector<16xf32>
        %select_n3A_366 = arith.select %eq3A_354, %broadcast_in_dim3A_365, %select_n3A_271 : vector<16xi1>, vector<16xf32>
        %eq3A_367 = arith.cmpf oeq, %select_n3A_273, %max3A_353 : vector<16xf32>
        %select_n3A_368 = arith.select %eq3A_367, %select_n3A_274, %select_n3A_273 : vector<16xi1>, vector<16xf32>
        %select_n3A_369 = arith.select %eq3A_367, %select_n3A_275, %select_n3A_274 : vector<16xi1>, vector<16xf32>
        %select_n3A_370 = arith.select %eq3A_367, %select_n3A_276, %select_n3A_275 : vector<16xi1>, vector<16xf32>
        %select_n3A_371 = arith.select %eq3A_367, %select_n3A_279, %select_n3A_276 : vector<16xi1>, vector<16xf32>
        %jit3A_372 = arith.constant -3.000000e+38 : f32
        %broadcast_in_dim3A_373 = vector.broadcast %jit3A_372 : f32 to vector<16xf32>
        %select_n3A_374 = arith.select %eq3A_367, %broadcast_in_dim3A_373, %select_n3A_279 : vector<16xi1>, vector<16xf32>
        %eq3A_375 = arith.cmpf oeq, %select_n3A_281, %max3A_353 : vector<16xf32>
        %select_n3A_376 = arith.select %eq3A_375, %select_n3A_282, %select_n3A_281 : vector<16xi1>, vector<16xf32>
        %select_n3A_377 = arith.select %eq3A_375, %select_n3A_285, %select_n3A_282 : vector<16xi1>, vector<16xf32>
        %jit3A_378 = arith.constant -3.000000e+38 : f32
        %broadcast_in_dim3A_379 = vector.broadcast %jit3A_378 : f32 to vector<16xf32>
        %select_n3A_380 = arith.select %eq3A_375, %broadcast_in_dim3A_379, %select_n3A_285 : vector<16xi1>, vector<16xf32>
        %eq3A_381 = arith.cmpf oeq, %select_n3A_287, %max3A_353 : vector<16xf32>
        %select_n3A_382 = arith.select %eq3A_381, %select_n3A_290, %select_n3A_287 : vector<16xi1>, vector<16xf32>
        %jit3A_383 = arith.constant -3.000000e+38 : f32
        %broadcast_in_dim3A_384 = vector.broadcast %jit3A_383 : f32 to vector<16xf32>
        %select_n3A_385 = arith.select %eq3A_381, %broadcast_in_dim3A_384, %select_n3A_290 : vector<16xi1>, vector<16xf32>
        %eq3A_386 = arith.constant 1 : i32
        %eq3A_387 = vector.broadcast %eq3A_386 : i32 to vector<16xi32>
        %eq3A_388 = arith.cmpi eq, %iota3A, %eq3A_387 : vector<16xi32>
        %select_n3A_389 = arith.select %eq3A_388, %max3A_353, %select_n3A_294 : vector<16xi1>, vector<16xf32>
        %max3A_390 = arith.maximumf %select_n3A_355, %select_n3A_368 : vector<16xf32>
        %max3A_391 = arith.maximumf %select_n3A_376, %select_n3A_382 : vector<16xf32>
        %max3A_392 = arith.maximumf %max3A_390, %max3A_391 : vector<16xf32>
        %xor3A_393 = arith.constant 1 : i32
        %xor3A_394 = vector.broadcast %xor3A_393 : i32 to vector<16xi32>
        %xor3A_395 = arith.xori %iota3A, %xor3A_394 : vector<16xi32>
        %lt3A_396 = arith.constant 0 : i32
        %lt3A_397 = vector.broadcast %lt3A_396 : i32 to vector<16xi32>
        %lt3A_398 = arith.cmpi slt, %xor3A_395, %lt3A_397 : vector<16xi32>
        %add3A_399 = arith.constant 16 : i32
        %add3A_400 = vector.broadcast %add3A_399 : i32 to vector<16xi32>
        %add3A_401 = arith.addi %xor3A_395, %add3A_400 : vector<16xi32>
        %select_n3A_402 = arith.select %lt3A_398, %add3A_401, %xor3A_395 : vector<16xi1>, vector<16xi32>
        %broadcast_in_dim3A_403 = vector.shape_cast %select_n3A_402 : vector<16xi32> to vector<16x1xi32>
        %gather3A_404 = vector.shape_cast %broadcast_in_dim3A_403 : vector<16x1xi32> to vector<16xi32>
        %gather3A_405 = tpu.dynamic_gather %max3A_392[%gather3A_404] in [0] : vector<16xf32>, vector<16xi32> -> vector<16xf32>
        %max3A_406 = arith.maximumf %max3A_392, %gather3A_405 : vector<16xf32>
        %xor3A_407 = arith.constant 2 : i32
        %xor3A_408 = vector.broadcast %xor3A_407 : i32 to vector<16xi32>
        %xor3A_409 = arith.xori %iota3A, %xor3A_408 : vector<16xi32>
        %lt3A_410 = arith.constant 0 : i32
        %lt3A_411 = vector.broadcast %lt3A_410 : i32 to vector<16xi32>
        %lt3A_412 = arith.cmpi slt, %xor3A_409, %lt3A_411 : vector<16xi32>
        %add3A_413 = arith.constant 16 : i32
        %add3A_414 = vector.broadcast %add3A_413 : i32 to vector<16xi32>
        %add3A_415 = arith.addi %xor3A_409, %add3A_414 : vector<16xi32>
        %select_n3A_416 = arith.select %lt3A_412, %add3A_415, %xor3A_409 : vector<16xi1>, vector<16xi32>
        %broadcast_in_dim3A_417 = vector.shape_cast %select_n3A_416 : vector<16xi32> to vector<16x1xi32>
        %gather3A_418 = vector.shape_cast %broadcast_in_dim3A_417 : vector<16x1xi32> to vector<16xi32>
        %gather3A_419 = tpu.dynamic_gather %max3A_406[%gather3A_418] in [0] : vector<16xf32>, vector<16xi32> -> vector<16xf32>
        %max3A_420 = arith.maximumf %max3A_406, %gather3A_419 : vector<16xf32>
        %xor3A_421 = arith.constant 4 : i32
        %xor3A_422 = vector.broadcast %xor3A_421 : i32 to vector<16xi32>
        %xor3A_423 = arith.xori %iota3A, %xor3A_422 : vector<16xi32>
        %lt3A_424 = arith.constant 0 : i32
        %lt3A_425 = vector.broadcast %lt3A_424 : i32 to vector<16xi32>
        %lt3A_426 = arith.cmpi slt, %xor3A_423, %lt3A_425 : vector<16xi32>
        %add3A_427 = arith.constant 16 : i32
        %add3A_428 = vector.broadcast %add3A_427 : i32 to vector<16xi32>
        %add3A_429 = arith.addi %xor3A_423, %add3A_428 : vector<16xi32>
        %select_n3A_430 = arith.select %lt3A_426, %add3A_429, %xor3A_423 : vector<16xi1>, vector<16xi32>
        %broadcast_in_dim3A_431 = vector.shape_cast %select_n3A_430 : vector<16xi32> to vector<16x1xi32>
        %gather3A_432 = vector.shape_cast %broadcast_in_dim3A_431 : vector<16x1xi32> to vector<16xi32>
        %gather3A_433 = tpu.dynamic_gather %max3A_420[%gather3A_432] in [0] : vector<16xf32>, vector<16xi32> -> vector<16xf32>
        %max3A_434 = arith.maximumf %max3A_420, %gather3A_433 : vector<16xf32>
        %xor3A_435 = arith.constant 8 : i32
        %xor3A_436 = vector.broadcast %xor3A_435 : i32 to vector<16xi32>
        %xor3A_437 = arith.xori %iota3A, %xor3A_436 : vector<16xi32>
        %lt3A_438 = arith.constant 0 : i32
        %lt3A_439 = vector.broadcast %lt3A_438 : i32 to vector<16xi32>
        %lt3A_440 = arith.cmpi slt, %xor3A_437, %lt3A_439 : vector<16xi32>
        %add3A_441 = arith.constant 16 : i32
        %add3A_442 = vector.broadcast %add3A_441 : i32 to vector<16xi32>
        %add3A_443 = arith.addi %xor3A_437, %add3A_442 : vector<16xi32>
        %select_n3A_444 = arith.select %lt3A_440, %add3A_443, %xor3A_437 : vector<16xi1>, vector<16xi32>
        %broadcast_in_dim3A_445 = vector.shape_cast %select_n3A_444 : vector<16xi32> to vector<16x1xi32>
        %gather3A_446 = vector.shape_cast %broadcast_in_dim3A_445 : vector<16x1xi32> to vector<16xi32>
        %gather3A_447 = tpu.dynamic_gather %max3A_434[%gather3A_446] in [0] : vector<16xf32>, vector<16xi32> -> vector<16xf32>
        %max3A_448 = arith.maximumf %max3A_434, %gather3A_447 : vector<16xf32>
        %eq3A_449 = arith.cmpf oeq, %select_n3A_355, %max3A_448 : vector<16xf32>
        %select_n3A_450 = arith.select %eq3A_449, %select_n3A_356, %select_n3A_355 : vector<16xi1>, vector<16xf32>
        %select_n3A_451 = arith.select %eq3A_449, %select_n3A_357, %select_n3A_356 : vector<16xi1>, vector<16xf32>
        %select_n3A_452 = arith.select %eq3A_449, %select_n3A_358, %select_n3A_357 : vector<16xi1>, vector<16xf32>
        %select_n3A_453 = arith.select %eq3A_449, %select_n3A_359, %select_n3A_358 : vector<16xi1>, vector<16xf32>
        %select_n3A_454 = arith.select %eq3A_449, %select_n3A_360, %select_n3A_359 : vector<16xi1>, vector<16xf32>
        %select_n3A_455 = arith.select %eq3A_449, %select_n3A_361, %select_n3A_360 : vector<16xi1>, vector<16xf32>
        %select_n3A_456 = arith.select %eq3A_449, %select_n3A_362, %select_n3A_361 : vector<16xi1>, vector<16xf32>
        %select_n3A_457 = arith.select %eq3A_449, %select_n3A_363, %select_n3A_362 : vector<16xi1>, vector<16xf32>
        %select_n3A_458 = arith.select %eq3A_449, %select_n3A_366, %select_n3A_363 : vector<16xi1>, vector<16xf32>
        %jit3A_459 = arith.constant -3.000000e+38 : f32
        %broadcast_in_dim3A_460 = vector.broadcast %jit3A_459 : f32 to vector<16xf32>
        %select_n3A_461 = arith.select %eq3A_449, %broadcast_in_dim3A_460, %select_n3A_366 : vector<16xi1>, vector<16xf32>
        %eq3A_462 = arith.cmpf oeq, %select_n3A_368, %max3A_448 : vector<16xf32>
        %select_n3A_463 = arith.select %eq3A_462, %select_n3A_369, %select_n3A_368 : vector<16xi1>, vector<16xf32>
        %select_n3A_464 = arith.select %eq3A_462, %select_n3A_370, %select_n3A_369 : vector<16xi1>, vector<16xf32>
        %select_n3A_465 = arith.select %eq3A_462, %select_n3A_371, %select_n3A_370 : vector<16xi1>, vector<16xf32>
        %select_n3A_466 = arith.select %eq3A_462, %select_n3A_374, %select_n3A_371 : vector<16xi1>, vector<16xf32>
        %jit3A_467 = arith.constant -3.000000e+38 : f32
        %broadcast_in_dim3A_468 = vector.broadcast %jit3A_467 : f32 to vector<16xf32>
        %select_n3A_469 = arith.select %eq3A_462, %broadcast_in_dim3A_468, %select_n3A_374 : vector<16xi1>, vector<16xf32>
        %eq3A_470 = arith.cmpf oeq, %select_n3A_376, %max3A_448 : vector<16xf32>
        %select_n3A_471 = arith.select %eq3A_470, %select_n3A_377, %select_n3A_376 : vector<16xi1>, vector<16xf32>
        %select_n3A_472 = arith.select %eq3A_470, %select_n3A_380, %select_n3A_377 : vector<16xi1>, vector<16xf32>
        %jit3A_473 = arith.constant -3.000000e+38 : f32
        %broadcast_in_dim3A_474 = vector.broadcast %jit3A_473 : f32 to vector<16xf32>
        %select_n3A_475 = arith.select %eq3A_470, %broadcast_in_dim3A_474, %select_n3A_380 : vector<16xi1>, vector<16xf32>
        %eq3A_476 = arith.cmpf oeq, %select_n3A_382, %max3A_448 : vector<16xf32>
        %select_n3A_477 = arith.select %eq3A_476, %select_n3A_385, %select_n3A_382 : vector<16xi1>, vector<16xf32>
        %jit3A_478 = arith.constant -3.000000e+38 : f32
        %broadcast_in_dim3A_479 = vector.broadcast %jit3A_478 : f32 to vector<16xf32>
        %select_n3A_480 = arith.select %eq3A_476, %broadcast_in_dim3A_479, %select_n3A_385 : vector<16xi1>, vector<16xf32>
        %eq3A_481 = arith.constant 2 : i32
        %eq3A_482 = vector.broadcast %eq3A_481 : i32 to vector<16xi32>
        %eq3A_483 = arith.cmpi eq, %iota3A, %eq3A_482 : vector<16xi32>
        %select_n3A_484 = arith.select %eq3A_483, %max3A_448, %select_n3A_389 : vector<16xi1>, vector<16xf32>
        %max3A_485 = arith.maximumf %select_n3A_450, %select_n3A_463 : vector<16xf32>
        %max3A_486 = arith.maximumf %select_n3A_471, %select_n3A_477 : vector<16xf32>
        %max3A_487 = arith.maximumf %max3A_485, %max3A_486 : vector<16xf32>
        %xor3A_488 = arith.constant 1 : i32
        %xor3A_489 = vector.broadcast %xor3A_488 : i32 to vector<16xi32>
        %xor3A_490 = arith.xori %iota3A, %xor3A_489 : vector<16xi32>
        %lt3A_491 = arith.constant 0 : i32
        %lt3A_492 = vector.broadcast %lt3A_491 : i32 to vector<16xi32>
        %lt3A_493 = arith.cmpi slt, %xor3A_490, %lt3A_492 : vector<16xi32>
        %add3A_494 = arith.constant 16 : i32
        %add3A_495 = vector.broadcast %add3A_494 : i32 to vector<16xi32>
        %add3A_496 = arith.addi %xor3A_490, %add3A_495 : vector<16xi32>
        %select_n3A_497 = arith.select %lt3A_493, %add3A_496, %xor3A_490 : vector<16xi1>, vector<16xi32>
        %broadcast_in_dim3A_498 = vector.shape_cast %select_n3A_497 : vector<16xi32> to vector<16x1xi32>
        %gather3A_499 = vector.shape_cast %broadcast_in_dim3A_498 : vector<16x1xi32> to vector<16xi32>
        %gather3A_500 = tpu.dynamic_gather %max3A_487[%gather3A_499] in [0] : vector<16xf32>, vector<16xi32> -> vector<16xf32>
        %max3A_501 = arith.maximumf %max3A_487, %gather3A_500 : vector<16xf32>
        %xor3A_502 = arith.constant 2 : i32
        %xor3A_503 = vector.broadcast %xor3A_502 : i32 to vector<16xi32>
        %xor3A_504 = arith.xori %iota3A, %xor3A_503 : vector<16xi32>
        %lt3A_505 = arith.constant 0 : i32
        %lt3A_506 = vector.broadcast %lt3A_505 : i32 to vector<16xi32>
        %lt3A_507 = arith.cmpi slt, %xor3A_504, %lt3A_506 : vector<16xi32>
        %add3A_508 = arith.constant 16 : i32
        %add3A_509 = vector.broadcast %add3A_508 : i32 to vector<16xi32>
        %add3A_510 = arith.addi %xor3A_504, %add3A_509 : vector<16xi32>
        %select_n3A_511 = arith.select %lt3A_507, %add3A_510, %xor3A_504 : vector<16xi1>, vector<16xi32>
        %broadcast_in_dim3A_512 = vector.shape_cast %select_n3A_511 : vector<16xi32> to vector<16x1xi32>
        %gather3A_513 = vector.shape_cast %broadcast_in_dim3A_512 : vector<16x1xi32> to vector<16xi32>
        %gather3A_514 = tpu.dynamic_gather %max3A_501[%gather3A_513] in [0] : vector<16xf32>, vector<16xi32> -> vector<16xf32>
        %max3A_515 = arith.maximumf %max3A_501, %gather3A_514 : vector<16xf32>
        %xor3A_516 = arith.constant 4 : i32
        %xor3A_517 = vector.broadcast %xor3A_516 : i32 to vector<16xi32>
        %xor3A_518 = arith.xori %iota3A, %xor3A_517 : vector<16xi32>
        %lt3A_519 = arith.constant 0 : i32
        %lt3A_520 = vector.broadcast %lt3A_519 : i32 to vector<16xi32>
        %lt3A_521 = arith.cmpi slt, %xor3A_518, %lt3A_520 : vector<16xi32>
        %add3A_522 = arith.constant 16 : i32
        %add3A_523 = vector.broadcast %add3A_522 : i32 to vector<16xi32>
        %add3A_524 = arith.addi %xor3A_518, %add3A_523 : vector<16xi32>
        %select_n3A_525 = arith.select %lt3A_521, %add3A_524, %xor3A_518 : vector<16xi1>, vector<16xi32>
        %broadcast_in_dim3A_526 = vector.shape_cast %select_n3A_525 : vector<16xi32> to vector<16x1xi32>
        %gather3A_527 = vector.shape_cast %broadcast_in_dim3A_526 : vector<16x1xi32> to vector<16xi32>
        %gather3A_528 = tpu.dynamic_gather %max3A_515[%gather3A_527] in [0] : vector<16xf32>, vector<16xi32> -> vector<16xf32>
        %max3A_529 = arith.maximumf %max3A_515, %gather3A_528 : vector<16xf32>
        %xor3A_530 = arith.constant 8 : i32
        %xor3A_531 = vector.broadcast %xor3A_530 : i32 to vector<16xi32>
        %xor3A_532 = arith.xori %iota3A, %xor3A_531 : vector<16xi32>
        %lt3A_533 = arith.constant 0 : i32
        %lt3A_534 = vector.broadcast %lt3A_533 : i32 to vector<16xi32>
        %lt3A_535 = arith.cmpi slt, %xor3A_532, %lt3A_534 : vector<16xi32>
        %add3A_536 = arith.constant 16 : i32
        %add3A_537 = vector.broadcast %add3A_536 : i32 to vector<16xi32>
        %add3A_538 = arith.addi %xor3A_532, %add3A_537 : vector<16xi32>
        %select_n3A_539 = arith.select %lt3A_535, %add3A_538, %xor3A_532 : vector<16xi1>, vector<16xi32>
        %broadcast_in_dim3A_540 = vector.shape_cast %select_n3A_539 : vector<16xi32> to vector<16x1xi32>
        %gather3A_541 = vector.shape_cast %broadcast_in_dim3A_540 : vector<16x1xi32> to vector<16xi32>
        %gather3A_542 = tpu.dynamic_gather %max3A_529[%gather3A_541] in [0] : vector<16xf32>, vector<16xi32> -> vector<16xf32>
        %max3A_543 = arith.maximumf %max3A_529, %gather3A_542 : vector<16xf32>
        %eq3A_544 = arith.cmpf oeq, %select_n3A_450, %max3A_543 : vector<16xf32>
        %select_n3A_545 = arith.select %eq3A_544, %select_n3A_451, %select_n3A_450 : vector<16xi1>, vector<16xf32>
        %select_n3A_546 = arith.select %eq3A_544, %select_n3A_452, %select_n3A_451 : vector<16xi1>, vector<16xf32>
        %select_n3A_547 = arith.select %eq3A_544, %select_n3A_453, %select_n3A_452 : vector<16xi1>, vector<16xf32>
        %select_n3A_548 = arith.select %eq3A_544, %select_n3A_454, %select_n3A_453 : vector<16xi1>, vector<16xf32>
        %select_n3A_549 = arith.select %eq3A_544, %select_n3A_455, %select_n3A_454 : vector<16xi1>, vector<16xf32>
        %select_n3A_550 = arith.select %eq3A_544, %select_n3A_456, %select_n3A_455 : vector<16xi1>, vector<16xf32>
        %select_n3A_551 = arith.select %eq3A_544, %select_n3A_457, %select_n3A_456 : vector<16xi1>, vector<16xf32>
        %select_n3A_552 = arith.select %eq3A_544, %select_n3A_458, %select_n3A_457 : vector<16xi1>, vector<16xf32>
        %select_n3A_553 = arith.select %eq3A_544, %select_n3A_461, %select_n3A_458 : vector<16xi1>, vector<16xf32>
        %jit3A_554 = arith.constant -3.000000e+38 : f32
        %broadcast_in_dim3A_555 = vector.broadcast %jit3A_554 : f32 to vector<16xf32>
        %select_n3A_556 = arith.select %eq3A_544, %broadcast_in_dim3A_555, %select_n3A_461 : vector<16xi1>, vector<16xf32>
        %eq3A_557 = arith.cmpf oeq, %select_n3A_463, %max3A_543 : vector<16xf32>
        %select_n3A_558 = arith.select %eq3A_557, %select_n3A_464, %select_n3A_463 : vector<16xi1>, vector<16xf32>
        %select_n3A_559 = arith.select %eq3A_557, %select_n3A_465, %select_n3A_464 : vector<16xi1>, vector<16xf32>
        %select_n3A_560 = arith.select %eq3A_557, %select_n3A_466, %select_n3A_465 : vector<16xi1>, vector<16xf32>
        %select_n3A_561 = arith.select %eq3A_557, %select_n3A_469, %select_n3A_466 : vector<16xi1>, vector<16xf32>
        %jit3A_562 = arith.constant -3.000000e+38 : f32
        %broadcast_in_dim3A_563 = vector.broadcast %jit3A_562 : f32 to vector<16xf32>
        %select_n3A_564 = arith.select %eq3A_557, %broadcast_in_dim3A_563, %select_n3A_469 : vector<16xi1>, vector<16xf32>
        %eq3A_565 = arith.cmpf oeq, %select_n3A_471, %max3A_543 : vector<16xf32>
        %select_n3A_566 = arith.select %eq3A_565, %select_n3A_472, %select_n3A_471 : vector<16xi1>, vector<16xf32>
        %select_n3A_567 = arith.select %eq3A_565, %select_n3A_475, %select_n3A_472 : vector<16xi1>, vector<16xf32>
        %jit3A_568 = arith.constant -3.000000e+38 : f32
        %broadcast_in_dim3A_569 = vector.broadcast %jit3A_568 : f32 to vector<16xf32>
        %select_n3A_570 = arith.select %eq3A_565, %broadcast_in_dim3A_569, %select_n3A_475 : vector<16xi1>, vector<16xf32>
        %eq3A_571 = arith.cmpf oeq, %select_n3A_477, %max3A_543 : vector<16xf32>
        %select_n3A_572 = arith.select %eq3A_571, %select_n3A_480, %select_n3A_477 : vector<16xi1>, vector<16xf32>
        %jit3A_573 = arith.constant -3.000000e+38 : f32
        %broadcast_in_dim3A_574 = vector.broadcast %jit3A_573 : f32 to vector<16xf32>
        %select_n3A_575 = arith.select %eq3A_571, %broadcast_in_dim3A_574, %select_n3A_480 : vector<16xi1>, vector<16xf32>
        %eq3A_576 = arith.constant 3 : i32
        %eq3A_577 = vector.broadcast %eq3A_576 : i32 to vector<16xi32>
        %eq3A_578 = arith.cmpi eq, %iota3A, %eq3A_577 : vector<16xi32>
        %select_n3A_579 = arith.select %eq3A_578, %max3A_543, %select_n3A_484 : vector<16xi1>, vector<16xf32>
        %max3A_580 = arith.maximumf %select_n3A_545, %select_n3A_558 : vector<16xf32>
        %max3A_581 = arith.maximumf %select_n3A_566, %select_n3A_572 : vector<16xf32>
        %max3A_582 = arith.maximumf %max3A_580, %max3A_581 : vector<16xf32>
        %xor3A_583 = arith.constant 1 : i32
        %xor3A_584 = vector.broadcast %xor3A_583 : i32 to vector<16xi32>
        %xor3A_585 = arith.xori %iota3A, %xor3A_584 : vector<16xi32>
        %lt3A_586 = arith.constant 0 : i32
        %lt3A_587 = vector.broadcast %lt3A_586 : i32 to vector<16xi32>
        %lt3A_588 = arith.cmpi slt, %xor3A_585, %lt3A_587 : vector<16xi32>
        %add3A_589 = arith.constant 16 : i32
        %add3A_590 = vector.broadcast %add3A_589 : i32 to vector<16xi32>
        %add3A_591 = arith.addi %xor3A_585, %add3A_590 : vector<16xi32>
        %select_n3A_592 = arith.select %lt3A_588, %add3A_591, %xor3A_585 : vector<16xi1>, vector<16xi32>
        %broadcast_in_dim3A_593 = vector.shape_cast %select_n3A_592 : vector<16xi32> to vector<16x1xi32>
        %gather3A_594 = vector.shape_cast %broadcast_in_dim3A_593 : vector<16x1xi32> to vector<16xi32>
        %gather3A_595 = tpu.dynamic_gather %max3A_582[%gather3A_594] in [0] : vector<16xf32>, vector<16xi32> -> vector<16xf32>
        %max3A_596 = arith.maximumf %max3A_582, %gather3A_595 : vector<16xf32>
        %xor3A_597 = arith.constant 2 : i32
        %xor3A_598 = vector.broadcast %xor3A_597 : i32 to vector<16xi32>
        %xor3A_599 = arith.xori %iota3A, %xor3A_598 : vector<16xi32>
        %lt3A_600 = arith.constant 0 : i32
        %lt3A_601 = vector.broadcast %lt3A_600 : i32 to vector<16xi32>
        %lt3A_602 = arith.cmpi slt, %xor3A_599, %lt3A_601 : vector<16xi32>
        %add3A_603 = arith.constant 16 : i32
        %add3A_604 = vector.broadcast %add3A_603 : i32 to vector<16xi32>
        %add3A_605 = arith.addi %xor3A_599, %add3A_604 : vector<16xi32>
        %select_n3A_606 = arith.select %lt3A_602, %add3A_605, %xor3A_599 : vector<16xi1>, vector<16xi32>
        %broadcast_in_dim3A_607 = vector.shape_cast %select_n3A_606 : vector<16xi32> to vector<16x1xi32>
        %gather3A_608 = vector.shape_cast %broadcast_in_dim3A_607 : vector<16x1xi32> to vector<16xi32>
        %gather3A_609 = tpu.dynamic_gather %max3A_596[%gather3A_608] in [0] : vector<16xf32>, vector<16xi32> -> vector<16xf32>
        %max3A_610 = arith.maximumf %max3A_596, %gather3A_609 : vector<16xf32>
        %xor3A_611 = arith.constant 4 : i32
        %xor3A_612 = vector.broadcast %xor3A_611 : i32 to vector<16xi32>
        %xor3A_613 = arith.xori %iota3A, %xor3A_612 : vector<16xi32>
        %lt3A_614 = arith.constant 0 : i32
        %lt3A_615 = vector.broadcast %lt3A_614 : i32 to vector<16xi32>
        %lt3A_616 = arith.cmpi slt, %xor3A_613, %lt3A_615 : vector<16xi32>
        %add3A_617 = arith.constant 16 : i32
        %add3A_618 = vector.broadcast %add3A_617 : i32 to vector<16xi32>
        %add3A_619 = arith.addi %xor3A_613, %add3A_618 : vector<16xi32>
        %select_n3A_620 = arith.select %lt3A_616, %add3A_619, %xor3A_613 : vector<16xi1>, vector<16xi32>
        %broadcast_in_dim3A_621 = vector.shape_cast %select_n3A_620 : vector<16xi32> to vector<16x1xi32>
        %gather3A_622 = vector.shape_cast %broadcast_in_dim3A_621 : vector<16x1xi32> to vector<16xi32>
        %gather3A_623 = tpu.dynamic_gather %max3A_610[%gather3A_622] in [0] : vector<16xf32>, vector<16xi32> -> vector<16xf32>
        %max3A_624 = arith.maximumf %max3A_610, %gather3A_623 : vector<16xf32>
        %xor3A_625 = arith.constant 8 : i32
        %xor3A_626 = vector.broadcast %xor3A_625 : i32 to vector<16xi32>
        %xor3A_627 = arith.xori %iota3A, %xor3A_626 : vector<16xi32>
        %lt3A_628 = arith.constant 0 : i32
        %lt3A_629 = vector.broadcast %lt3A_628 : i32 to vector<16xi32>
        %lt3A_630 = arith.cmpi slt, %xor3A_627, %lt3A_629 : vector<16xi32>
        %add3A_631 = arith.constant 16 : i32
        %add3A_632 = vector.broadcast %add3A_631 : i32 to vector<16xi32>
        %add3A_633 = arith.addi %xor3A_627, %add3A_632 : vector<16xi32>
        %select_n3A_634 = arith.select %lt3A_630, %add3A_633, %xor3A_627 : vector<16xi1>, vector<16xi32>
        %broadcast_in_dim3A_635 = vector.shape_cast %select_n3A_634 : vector<16xi32> to vector<16x1xi32>
        %gather3A_636 = vector.shape_cast %broadcast_in_dim3A_635 : vector<16x1xi32> to vector<16xi32>
        %gather3A_637 = tpu.dynamic_gather %max3A_624[%gather3A_636] in [0] : vector<16xf32>, vector<16xi32> -> vector<16xf32>
        %max3A_638 = arith.maximumf %max3A_624, %gather3A_637 : vector<16xf32>
        %eq3A_639 = arith.cmpf oeq, %select_n3A_545, %max3A_638 : vector<16xf32>
        %select_n3A_640 = arith.select %eq3A_639, %select_n3A_546, %select_n3A_545 : vector<16xi1>, vector<16xf32>
        %select_n3A_641 = arith.select %eq3A_639, %select_n3A_547, %select_n3A_546 : vector<16xi1>, vector<16xf32>
        %select_n3A_642 = arith.select %eq3A_639, %select_n3A_548, %select_n3A_547 : vector<16xi1>, vector<16xf32>
        %select_n3A_643 = arith.select %eq3A_639, %select_n3A_549, %select_n3A_548 : vector<16xi1>, vector<16xf32>
        %select_n3A_644 = arith.select %eq3A_639, %select_n3A_550, %select_n3A_549 : vector<16xi1>, vector<16xf32>
        %select_n3A_645 = arith.select %eq3A_639, %select_n3A_551, %select_n3A_550 : vector<16xi1>, vector<16xf32>
        %select_n3A_646 = arith.select %eq3A_639, %select_n3A_552, %select_n3A_551 : vector<16xi1>, vector<16xf32>
        %select_n3A_647 = arith.select %eq3A_639, %select_n3A_553, %select_n3A_552 : vector<16xi1>, vector<16xf32>
        %select_n3A_648 = arith.select %eq3A_639, %select_n3A_556, %select_n3A_553 : vector<16xi1>, vector<16xf32>
        %jit3A_649 = arith.constant -3.000000e+38 : f32
        %broadcast_in_dim3A_650 = vector.broadcast %jit3A_649 : f32 to vector<16xf32>
        %select_n3A_651 = arith.select %eq3A_639, %broadcast_in_dim3A_650, %select_n3A_556 : vector<16xi1>, vector<16xf32>
        %eq3A_652 = arith.cmpf oeq, %select_n3A_558, %max3A_638 : vector<16xf32>
        %select_n3A_653 = arith.select %eq3A_652, %select_n3A_559, %select_n3A_558 : vector<16xi1>, vector<16xf32>
        %select_n3A_654 = arith.select %eq3A_652, %select_n3A_560, %select_n3A_559 : vector<16xi1>, vector<16xf32>
        %select_n3A_655 = arith.select %eq3A_652, %select_n3A_561, %select_n3A_560 : vector<16xi1>, vector<16xf32>
        %select_n3A_656 = arith.select %eq3A_652, %select_n3A_564, %select_n3A_561 : vector<16xi1>, vector<16xf32>
        %jit3A_657 = arith.constant -3.000000e+38 : f32
        %broadcast_in_dim3A_658 = vector.broadcast %jit3A_657 : f32 to vector<16xf32>
        %select_n3A_659 = arith.select %eq3A_652, %broadcast_in_dim3A_658, %select_n3A_564 : vector<16xi1>, vector<16xf32>
        %eq3A_660 = arith.cmpf oeq, %select_n3A_566, %max3A_638 : vector<16xf32>
        %select_n3A_661 = arith.select %eq3A_660, %select_n3A_567, %select_n3A_566 : vector<16xi1>, vector<16xf32>
        %select_n3A_662 = arith.select %eq3A_660, %select_n3A_570, %select_n3A_567 : vector<16xi1>, vector<16xf32>
        %jit3A_663 = arith.constant -3.000000e+38 : f32
        %broadcast_in_dim3A_664 = vector.broadcast %jit3A_663 : f32 to vector<16xf32>
        %select_n3A_665 = arith.select %eq3A_660, %broadcast_in_dim3A_664, %select_n3A_570 : vector<16xi1>, vector<16xf32>
        %eq3A_666 = arith.cmpf oeq, %select_n3A_572, %max3A_638 : vector<16xf32>
        %select_n3A_667 = arith.select %eq3A_666, %select_n3A_575, %select_n3A_572 : vector<16xi1>, vector<16xf32>
        %jit3A_668 = arith.constant -3.000000e+38 : f32
        %broadcast_in_dim3A_669 = vector.broadcast %jit3A_668 : f32 to vector<16xf32>
        %select_n3A_670 = arith.select %eq3A_666, %broadcast_in_dim3A_669, %select_n3A_575 : vector<16xi1>, vector<16xf32>
        %eq3A_671 = arith.constant 4 : i32
        %eq3A_672 = vector.broadcast %eq3A_671 : i32 to vector<16xi32>
        %eq3A_673 = arith.cmpi eq, %iota3A, %eq3A_672 : vector<16xi32>
        %select_n3A_674 = arith.select %eq3A_673, %max3A_638, %select_n3A_579 : vector<16xi1>, vector<16xf32>
        %max3A_675 = arith.maximumf %select_n3A_640, %select_n3A_653 : vector<16xf32>
        %max3A_676 = arith.maximumf %select_n3A_661, %select_n3A_667 : vector<16xf32>
        %max3A_677 = arith.maximumf %max3A_675, %max3A_676 : vector<16xf32>
        %xor3A_678 = arith.constant 1 : i32
        %xor3A_679 = vector.broadcast %xor3A_678 : i32 to vector<16xi32>
        %xor3A_680 = arith.xori %iota3A, %xor3A_679 : vector<16xi32>
        %lt3A_681 = arith.constant 0 : i32
        %lt3A_682 = vector.broadcast %lt3A_681 : i32 to vector<16xi32>
        %lt3A_683 = arith.cmpi slt, %xor3A_680, %lt3A_682 : vector<16xi32>
        %add3A_684 = arith.constant 16 : i32
        %add3A_685 = vector.broadcast %add3A_684 : i32 to vector<16xi32>
        %add3A_686 = arith.addi %xor3A_680, %add3A_685 : vector<16xi32>
        %select_n3A_687 = arith.select %lt3A_683, %add3A_686, %xor3A_680 : vector<16xi1>, vector<16xi32>
        %broadcast_in_dim3A_688 = vector.shape_cast %select_n3A_687 : vector<16xi32> to vector<16x1xi32>
        %gather3A_689 = vector.shape_cast %broadcast_in_dim3A_688 : vector<16x1xi32> to vector<16xi32>
        %gather3A_690 = tpu.dynamic_gather %max3A_677[%gather3A_689] in [0] : vector<16xf32>, vector<16xi32> -> vector<16xf32>
        %max3A_691 = arith.maximumf %max3A_677, %gather3A_690 : vector<16xf32>
        %xor3A_692 = arith.constant 2 : i32
        %xor3A_693 = vector.broadcast %xor3A_692 : i32 to vector<16xi32>
        %xor3A_694 = arith.xori %iota3A, %xor3A_693 : vector<16xi32>
        %lt3A_695 = arith.constant 0 : i32
        %lt3A_696 = vector.broadcast %lt3A_695 : i32 to vector<16xi32>
        %lt3A_697 = arith.cmpi slt, %xor3A_694, %lt3A_696 : vector<16xi32>
        %add3A_698 = arith.constant 16 : i32
        %add3A_699 = vector.broadcast %add3A_698 : i32 to vector<16xi32>
        %add3A_700 = arith.addi %xor3A_694, %add3A_699 : vector<16xi32>
        %select_n3A_701 = arith.select %lt3A_697, %add3A_700, %xor3A_694 : vector<16xi1>, vector<16xi32>
        %broadcast_in_dim3A_702 = vector.shape_cast %select_n3A_701 : vector<16xi32> to vector<16x1xi32>
        %gather3A_703 = vector.shape_cast %broadcast_in_dim3A_702 : vector<16x1xi32> to vector<16xi32>
        %gather3A_704 = tpu.dynamic_gather %max3A_691[%gather3A_703] in [0] : vector<16xf32>, vector<16xi32> -> vector<16xf32>
        %max3A_705 = arith.maximumf %max3A_691, %gather3A_704 : vector<16xf32>
        %xor3A_706 = arith.constant 4 : i32
        %xor3A_707 = vector.broadcast %xor3A_706 : i32 to vector<16xi32>
        %xor3A_708 = arith.xori %iota3A, %xor3A_707 : vector<16xi32>
        %lt3A_709 = arith.constant 0 : i32
        %lt3A_710 = vector.broadcast %lt3A_709 : i32 to vector<16xi32>
        %lt3A_711 = arith.cmpi slt, %xor3A_708, %lt3A_710 : vector<16xi32>
        %add3A_712 = arith.constant 16 : i32
        %add3A_713 = vector.broadcast %add3A_712 : i32 to vector<16xi32>
        %add3A_714 = arith.addi %xor3A_708, %add3A_713 : vector<16xi32>
        %select_n3A_715 = arith.select %lt3A_711, %add3A_714, %xor3A_708 : vector<16xi1>, vector<16xi32>
        %broadcast_in_dim3A_716 = vector.shape_cast %select_n3A_715 : vector<16xi32> to vector<16x1xi32>
        %gather3A_717 = vector.shape_cast %broadcast_in_dim3A_716 : vector<16x1xi32> to vector<16xi32>
        %gather3A_718 = tpu.dynamic_gather %max3A_705[%gather3A_717] in [0] : vector<16xf32>, vector<16xi32> -> vector<16xf32>
        %max3A_719 = arith.maximumf %max3A_705, %gather3A_718 : vector<16xf32>
        %xor3A_720 = arith.constant 8 : i32
        %xor3A_721 = vector.broadcast %xor3A_720 : i32 to vector<16xi32>
        %xor3A_722 = arith.xori %iota3A, %xor3A_721 : vector<16xi32>
        %lt3A_723 = arith.constant 0 : i32
        %lt3A_724 = vector.broadcast %lt3A_723 : i32 to vector<16xi32>
        %lt3A_725 = arith.cmpi slt, %xor3A_722, %lt3A_724 : vector<16xi32>
        %add3A_726 = arith.constant 16 : i32
        %add3A_727 = vector.broadcast %add3A_726 : i32 to vector<16xi32>
        %add3A_728 = arith.addi %xor3A_722, %add3A_727 : vector<16xi32>
        %select_n3A_729 = arith.select %lt3A_725, %add3A_728, %xor3A_722 : vector<16xi1>, vector<16xi32>
        %broadcast_in_dim3A_730 = vector.shape_cast %select_n3A_729 : vector<16xi32> to vector<16x1xi32>
        %gather3A_731 = vector.shape_cast %broadcast_in_dim3A_730 : vector<16x1xi32> to vector<16xi32>
        %gather3A_732 = tpu.dynamic_gather %max3A_719[%gather3A_731] in [0] : vector<16xf32>, vector<16xi32> -> vector<16xf32>
        %max3A_733 = arith.maximumf %max3A_719, %gather3A_732 : vector<16xf32>
        %eq3A_734 = arith.cmpf oeq, %select_n3A_640, %max3A_733 : vector<16xf32>
        %select_n3A_735 = arith.select %eq3A_734, %select_n3A_641, %select_n3A_640 : vector<16xi1>, vector<16xf32>
        %select_n3A_736 = arith.select %eq3A_734, %select_n3A_642, %select_n3A_641 : vector<16xi1>, vector<16xf32>
        %select_n3A_737 = arith.select %eq3A_734, %select_n3A_643, %select_n3A_642 : vector<16xi1>, vector<16xf32>
        %select_n3A_738 = arith.select %eq3A_734, %select_n3A_644, %select_n3A_643 : vector<16xi1>, vector<16xf32>
        %select_n3A_739 = arith.select %eq3A_734, %select_n3A_645, %select_n3A_644 : vector<16xi1>, vector<16xf32>
        %select_n3A_740 = arith.select %eq3A_734, %select_n3A_646, %select_n3A_645 : vector<16xi1>, vector<16xf32>
        %select_n3A_741 = arith.select %eq3A_734, %select_n3A_647, %select_n3A_646 : vector<16xi1>, vector<16xf32>
        %select_n3A_742 = arith.select %eq3A_734, %select_n3A_648, %select_n3A_647 : vector<16xi1>, vector<16xf32>
        %select_n3A_743 = arith.select %eq3A_734, %select_n3A_651, %select_n3A_648 : vector<16xi1>, vector<16xf32>
        %jit3A_744 = arith.constant -3.000000e+38 : f32
        %broadcast_in_dim3A_745 = vector.broadcast %jit3A_744 : f32 to vector<16xf32>
        %select_n3A_746 = arith.select %eq3A_734, %broadcast_in_dim3A_745, %select_n3A_651 : vector<16xi1>, vector<16xf32>
        %eq3A_747 = arith.cmpf oeq, %select_n3A_653, %max3A_733 : vector<16xf32>
        %select_n3A_748 = arith.select %eq3A_747, %select_n3A_654, %select_n3A_653 : vector<16xi1>, vector<16xf32>
        %select_n3A_749 = arith.select %eq3A_747, %select_n3A_655, %select_n3A_654 : vector<16xi1>, vector<16xf32>
        %select_n3A_750 = arith.select %eq3A_747, %select_n3A_656, %select_n3A_655 : vector<16xi1>, vector<16xf32>
        %select_n3A_751 = arith.select %eq3A_747, %select_n3A_659, %select_n3A_656 : vector<16xi1>, vector<16xf32>
        %jit3A_752 = arith.constant -3.000000e+38 : f32
        %broadcast_in_dim3A_753 = vector.broadcast %jit3A_752 : f32 to vector<16xf32>
        %select_n3A_754 = arith.select %eq3A_747, %broadcast_in_dim3A_753, %select_n3A_659 : vector<16xi1>, vector<16xf32>
        %eq3A_755 = arith.cmpf oeq, %select_n3A_661, %max3A_733 : vector<16xf32>
        %select_n3A_756 = arith.select %eq3A_755, %select_n3A_662, %select_n3A_661 : vector<16xi1>, vector<16xf32>
        %select_n3A_757 = arith.select %eq3A_755, %select_n3A_665, %select_n3A_662 : vector<16xi1>, vector<16xf32>
        %jit3A_758 = arith.constant -3.000000e+38 : f32
        %broadcast_in_dim3A_759 = vector.broadcast %jit3A_758 : f32 to vector<16xf32>
        %select_n3A_760 = arith.select %eq3A_755, %broadcast_in_dim3A_759, %select_n3A_665 : vector<16xi1>, vector<16xf32>
        %eq3A_761 = arith.cmpf oeq, %select_n3A_667, %max3A_733 : vector<16xf32>
        %select_n3A_762 = arith.select %eq3A_761, %select_n3A_670, %select_n3A_667 : vector<16xi1>, vector<16xf32>
        %jit3A_763 = arith.constant -3.000000e+38 : f32
        %broadcast_in_dim3A_764 = vector.broadcast %jit3A_763 : f32 to vector<16xf32>
        %select_n3A_765 = arith.select %eq3A_761, %broadcast_in_dim3A_764, %select_n3A_670 : vector<16xi1>, vector<16xf32>
        %eq3A_766 = arith.constant 5 : i32
        %eq3A_767 = vector.broadcast %eq3A_766 : i32 to vector<16xi32>
        %eq3A_768 = arith.cmpi eq, %iota3A, %eq3A_767 : vector<16xi32>
        %select_n3A_769 = arith.select %eq3A_768, %max3A_733, %select_n3A_674 : vector<16xi1>, vector<16xf32>
        %max3A_770 = arith.maximumf %select_n3A_735, %select_n3A_748 : vector<16xf32>
        %max3A_771 = arith.maximumf %select_n3A_756, %select_n3A_762 : vector<16xf32>
        %max3A_772 = arith.maximumf %max3A_770, %max3A_771 : vector<16xf32>
        %xor3A_773 = arith.constant 1 : i32
        %xor3A_774 = vector.broadcast %xor3A_773 : i32 to vector<16xi32>
        %xor3A_775 = arith.xori %iota3A, %xor3A_774 : vector<16xi32>
        %lt3A_776 = arith.constant 0 : i32
        %lt3A_777 = vector.broadcast %lt3A_776 : i32 to vector<16xi32>
        %lt3A_778 = arith.cmpi slt, %xor3A_775, %lt3A_777 : vector<16xi32>
        %add3A_779 = arith.constant 16 : i32
        %add3A_780 = vector.broadcast %add3A_779 : i32 to vector<16xi32>
        %add3A_781 = arith.addi %xor3A_775, %add3A_780 : vector<16xi32>
        %select_n3A_782 = arith.select %lt3A_778, %add3A_781, %xor3A_775 : vector<16xi1>, vector<16xi32>
        %broadcast_in_dim3A_783 = vector.shape_cast %select_n3A_782 : vector<16xi32> to vector<16x1xi32>
        %gather3A_784 = vector.shape_cast %broadcast_in_dim3A_783 : vector<16x1xi32> to vector<16xi32>
        %gather3A_785 = tpu.dynamic_gather %max3A_772[%gather3A_784] in [0] : vector<16xf32>, vector<16xi32> -> vector<16xf32>
        %max3A_786 = arith.maximumf %max3A_772, %gather3A_785 : vector<16xf32>
        %xor3A_787 = arith.constant 2 : i32
        %xor3A_788 = vector.broadcast %xor3A_787 : i32 to vector<16xi32>
        %xor3A_789 = arith.xori %iota3A, %xor3A_788 : vector<16xi32>
        %lt3A_790 = arith.constant 0 : i32
        %lt3A_791 = vector.broadcast %lt3A_790 : i32 to vector<16xi32>
        %lt3A_792 = arith.cmpi slt, %xor3A_789, %lt3A_791 : vector<16xi32>
        %add3A_793 = arith.constant 16 : i32
        %add3A_794 = vector.broadcast %add3A_793 : i32 to vector<16xi32>
        %add3A_795 = arith.addi %xor3A_789, %add3A_794 : vector<16xi32>
        %select_n3A_796 = arith.select %lt3A_792, %add3A_795, %xor3A_789 : vector<16xi1>, vector<16xi32>
        %broadcast_in_dim3A_797 = vector.shape_cast %select_n3A_796 : vector<16xi32> to vector<16x1xi32>
        %gather3A_798 = vector.shape_cast %broadcast_in_dim3A_797 : vector<16x1xi32> to vector<16xi32>
        %gather3A_799 = tpu.dynamic_gather %max3A_786[%gather3A_798] in [0] : vector<16xf32>, vector<16xi32> -> vector<16xf32>
        %max3A_800 = arith.maximumf %max3A_786, %gather3A_799 : vector<16xf32>
        %xor3A_801 = arith.constant 4 : i32
        %xor3A_802 = vector.broadcast %xor3A_801 : i32 to vector<16xi32>
        %xor3A_803 = arith.xori %iota3A, %xor3A_802 : vector<16xi32>
        %lt3A_804 = arith.constant 0 : i32
        %lt3A_805 = vector.broadcast %lt3A_804 : i32 to vector<16xi32>
        %lt3A_806 = arith.cmpi slt, %xor3A_803, %lt3A_805 : vector<16xi32>
        %add3A_807 = arith.constant 16 : i32
        %add3A_808 = vector.broadcast %add3A_807 : i32 to vector<16xi32>
        %add3A_809 = arith.addi %xor3A_803, %add3A_808 : vector<16xi32>
        %select_n3A_810 = arith.select %lt3A_806, %add3A_809, %xor3A_803 : vector<16xi1>, vector<16xi32>
        %broadcast_in_dim3A_811 = vector.shape_cast %select_n3A_810 : vector<16xi32> to vector<16x1xi32>
        %gather3A_812 = vector.shape_cast %broadcast_in_dim3A_811 : vector<16x1xi32> to vector<16xi32>
        %gather3A_813 = tpu.dynamic_gather %max3A_800[%gather3A_812] in [0] : vector<16xf32>, vector<16xi32> -> vector<16xf32>
        %max3A_814 = arith.maximumf %max3A_800, %gather3A_813 : vector<16xf32>
        %xor3A_815 = arith.constant 8 : i32
        %xor3A_816 = vector.broadcast %xor3A_815 : i32 to vector<16xi32>
        %xor3A_817 = arith.xori %iota3A, %xor3A_816 : vector<16xi32>
        %lt3A_818 = arith.constant 0 : i32
        %lt3A_819 = vector.broadcast %lt3A_818 : i32 to vector<16xi32>
        %lt3A_820 = arith.cmpi slt, %xor3A_817, %lt3A_819 : vector<16xi32>
        %add3A_821 = arith.constant 16 : i32
        %add3A_822 = vector.broadcast %add3A_821 : i32 to vector<16xi32>
        %add3A_823 = arith.addi %xor3A_817, %add3A_822 : vector<16xi32>
        %select_n3A_824 = arith.select %lt3A_820, %add3A_823, %xor3A_817 : vector<16xi1>, vector<16xi32>
        %broadcast_in_dim3A_825 = vector.shape_cast %select_n3A_824 : vector<16xi32> to vector<16x1xi32>
        %gather3A_826 = vector.shape_cast %broadcast_in_dim3A_825 : vector<16x1xi32> to vector<16xi32>
        %gather3A_827 = tpu.dynamic_gather %max3A_814[%gather3A_826] in [0] : vector<16xf32>, vector<16xi32> -> vector<16xf32>
        %max3A_828 = arith.maximumf %max3A_814, %gather3A_827 : vector<16xf32>
        %eq3A_829 = arith.cmpf oeq, %select_n3A_735, %max3A_828 : vector<16xf32>
        %select_n3A_830 = arith.select %eq3A_829, %select_n3A_736, %select_n3A_735 : vector<16xi1>, vector<16xf32>
        %select_n3A_831 = arith.select %eq3A_829, %select_n3A_737, %select_n3A_736 : vector<16xi1>, vector<16xf32>
        %select_n3A_832 = arith.select %eq3A_829, %select_n3A_738, %select_n3A_737 : vector<16xi1>, vector<16xf32>
        %select_n3A_833 = arith.select %eq3A_829, %select_n3A_739, %select_n3A_738 : vector<16xi1>, vector<16xf32>
        %select_n3A_834 = arith.select %eq3A_829, %select_n3A_740, %select_n3A_739 : vector<16xi1>, vector<16xf32>
        %select_n3A_835 = arith.select %eq3A_829, %select_n3A_741, %select_n3A_740 : vector<16xi1>, vector<16xf32>
        %select_n3A_836 = arith.select %eq3A_829, %select_n3A_742, %select_n3A_741 : vector<16xi1>, vector<16xf32>
        %select_n3A_837 = arith.select %eq3A_829, %select_n3A_743, %select_n3A_742 : vector<16xi1>, vector<16xf32>
        %select_n3A_838 = arith.select %eq3A_829, %select_n3A_746, %select_n3A_743 : vector<16xi1>, vector<16xf32>
        %jit3A_839 = arith.constant -3.000000e+38 : f32
        %broadcast_in_dim3A_840 = vector.broadcast %jit3A_839 : f32 to vector<16xf32>
        %select_n3A_841 = arith.select %eq3A_829, %broadcast_in_dim3A_840, %select_n3A_746 : vector<16xi1>, vector<16xf32>
        %eq3A_842 = arith.cmpf oeq, %select_n3A_748, %max3A_828 : vector<16xf32>
        %select_n3A_843 = arith.select %eq3A_842, %select_n3A_749, %select_n3A_748 : vector<16xi1>, vector<16xf32>
        %select_n3A_844 = arith.select %eq3A_842, %select_n3A_750, %select_n3A_749 : vector<16xi1>, vector<16xf32>
        %select_n3A_845 = arith.select %eq3A_842, %select_n3A_751, %select_n3A_750 : vector<16xi1>, vector<16xf32>
        %select_n3A_846 = arith.select %eq3A_842, %select_n3A_754, %select_n3A_751 : vector<16xi1>, vector<16xf32>
        %jit3A_847 = arith.constant -3.000000e+38 : f32
        %broadcast_in_dim3A_848 = vector.broadcast %jit3A_847 : f32 to vector<16xf32>
        %select_n3A_849 = arith.select %eq3A_842, %broadcast_in_dim3A_848, %select_n3A_754 : vector<16xi1>, vector<16xf32>
        %eq3A_850 = arith.cmpf oeq, %select_n3A_756, %max3A_828 : vector<16xf32>
        %select_n3A_851 = arith.select %eq3A_850, %select_n3A_757, %select_n3A_756 : vector<16xi1>, vector<16xf32>
        %select_n3A_852 = arith.select %eq3A_850, %select_n3A_760, %select_n3A_757 : vector<16xi1>, vector<16xf32>
        %jit3A_853 = arith.constant -3.000000e+38 : f32
        %broadcast_in_dim3A_854 = vector.broadcast %jit3A_853 : f32 to vector<16xf32>
        %select_n3A_855 = arith.select %eq3A_850, %broadcast_in_dim3A_854, %select_n3A_760 : vector<16xi1>, vector<16xf32>
        %eq3A_856 = arith.cmpf oeq, %select_n3A_762, %max3A_828 : vector<16xf32>
        %select_n3A_857 = arith.select %eq3A_856, %select_n3A_765, %select_n3A_762 : vector<16xi1>, vector<16xf32>
        %jit3A_858 = arith.constant -3.000000e+38 : f32
        %broadcast_in_dim3A_859 = vector.broadcast %jit3A_858 : f32 to vector<16xf32>
        %select_n3A_860 = arith.select %eq3A_856, %broadcast_in_dim3A_859, %select_n3A_765 : vector<16xi1>, vector<16xf32>
        %eq3A_861 = arith.constant 6 : i32
        %eq3A_862 = vector.broadcast %eq3A_861 : i32 to vector<16xi32>
        %eq3A_863 = arith.cmpi eq, %iota3A, %eq3A_862 : vector<16xi32>
        %select_n3A_864 = arith.select %eq3A_863, %max3A_828, %select_n3A_769 : vector<16xi1>, vector<16xf32>
        %max3A_865 = arith.maximumf %select_n3A_830, %select_n3A_843 : vector<16xf32>
        %max3A_866 = arith.maximumf %select_n3A_851, %select_n3A_857 : vector<16xf32>
        %max3A_867 = arith.maximumf %max3A_865, %max3A_866 : vector<16xf32>
        %xor3A_868 = arith.constant 1 : i32
        %xor3A_869 = vector.broadcast %xor3A_868 : i32 to vector<16xi32>
        %xor3A_870 = arith.xori %iota3A, %xor3A_869 : vector<16xi32>
        %lt3A_871 = arith.constant 0 : i32
        %lt3A_872 = vector.broadcast %lt3A_871 : i32 to vector<16xi32>
        %lt3A_873 = arith.cmpi slt, %xor3A_870, %lt3A_872 : vector<16xi32>
        %add3A_874 = arith.constant 16 : i32
        %add3A_875 = vector.broadcast %add3A_874 : i32 to vector<16xi32>
        %add3A_876 = arith.addi %xor3A_870, %add3A_875 : vector<16xi32>
        %select_n3A_877 = arith.select %lt3A_873, %add3A_876, %xor3A_870 : vector<16xi1>, vector<16xi32>
        %broadcast_in_dim3A_878 = vector.shape_cast %select_n3A_877 : vector<16xi32> to vector<16x1xi32>
        %gather3A_879 = vector.shape_cast %broadcast_in_dim3A_878 : vector<16x1xi32> to vector<16xi32>
        %gather3A_880 = tpu.dynamic_gather %max3A_867[%gather3A_879] in [0] : vector<16xf32>, vector<16xi32> -> vector<16xf32>
        %max3A_881 = arith.maximumf %max3A_867, %gather3A_880 : vector<16xf32>
        %xor3A_882 = arith.constant 2 : i32
        %xor3A_883 = vector.broadcast %xor3A_882 : i32 to vector<16xi32>
        %xor3A_884 = arith.xori %iota3A, %xor3A_883 : vector<16xi32>
        %lt3A_885 = arith.constant 0 : i32
        %lt3A_886 = vector.broadcast %lt3A_885 : i32 to vector<16xi32>
        %lt3A_887 = arith.cmpi slt, %xor3A_884, %lt3A_886 : vector<16xi32>
        %add3A_888 = arith.constant 16 : i32
        %add3A_889 = vector.broadcast %add3A_888 : i32 to vector<16xi32>
        %add3A_890 = arith.addi %xor3A_884, %add3A_889 : vector<16xi32>
        %select_n3A_891 = arith.select %lt3A_887, %add3A_890, %xor3A_884 : vector<16xi1>, vector<16xi32>
        %broadcast_in_dim3A_892 = vector.shape_cast %select_n3A_891 : vector<16xi32> to vector<16x1xi32>
        %gather3A_893 = vector.shape_cast %broadcast_in_dim3A_892 : vector<16x1xi32> to vector<16xi32>
        %gather3A_894 = tpu.dynamic_gather %max3A_881[%gather3A_893] in [0] : vector<16xf32>, vector<16xi32> -> vector<16xf32>
        %max3A_895 = arith.maximumf %max3A_881, %gather3A_894 : vector<16xf32>
        %xor3A_896 = arith.constant 4 : i32
        %xor3A_897 = vector.broadcast %xor3A_896 : i32 to vector<16xi32>
        %xor3A_898 = arith.xori %iota3A, %xor3A_897 : vector<16xi32>
        %lt3A_899 = arith.constant 0 : i32
        %lt3A_900 = vector.broadcast %lt3A_899 : i32 to vector<16xi32>
        %lt3A_901 = arith.cmpi slt, %xor3A_898, %lt3A_900 : vector<16xi32>
        %add3A_902 = arith.constant 16 : i32
        %add3A_903 = vector.broadcast %add3A_902 : i32 to vector<16xi32>
        %add3A_904 = arith.addi %xor3A_898, %add3A_903 : vector<16xi32>
        %select_n3A_905 = arith.select %lt3A_901, %add3A_904, %xor3A_898 : vector<16xi1>, vector<16xi32>
        %broadcast_in_dim3A_906 = vector.shape_cast %select_n3A_905 : vector<16xi32> to vector<16x1xi32>
        %gather3A_907 = vector.shape_cast %broadcast_in_dim3A_906 : vector<16x1xi32> to vector<16xi32>
        %gather3A_908 = tpu.dynamic_gather %max3A_895[%gather3A_907] in [0] : vector<16xf32>, vector<16xi32> -> vector<16xf32>
        %max3A_909 = arith.maximumf %max3A_895, %gather3A_908 : vector<16xf32>
        %xor3A_910 = arith.constant 8 : i32
        %xor3A_911 = vector.broadcast %xor3A_910 : i32 to vector<16xi32>
        %xor3A_912 = arith.xori %iota3A, %xor3A_911 : vector<16xi32>
        %lt3A_913 = arith.constant 0 : i32
        %lt3A_914 = vector.broadcast %lt3A_913 : i32 to vector<16xi32>
        %lt3A_915 = arith.cmpi slt, %xor3A_912, %lt3A_914 : vector<16xi32>
        %add3A_916 = arith.constant 16 : i32
        %add3A_917 = vector.broadcast %add3A_916 : i32 to vector<16xi32>
        %add3A_918 = arith.addi %xor3A_912, %add3A_917 : vector<16xi32>
        %select_n3A_919 = arith.select %lt3A_915, %add3A_918, %xor3A_912 : vector<16xi1>, vector<16xi32>
        %broadcast_in_dim3A_920 = vector.shape_cast %select_n3A_919 : vector<16xi32> to vector<16x1xi32>
        %gather3A_921 = vector.shape_cast %broadcast_in_dim3A_920 : vector<16x1xi32> to vector<16xi32>
        %gather3A_922 = tpu.dynamic_gather %max3A_909[%gather3A_921] in [0] : vector<16xf32>, vector<16xi32> -> vector<16xf32>
        %max3A_923 = arith.maximumf %max3A_909, %gather3A_922 : vector<16xf32>
        %eq3A_924 = arith.cmpf oeq, %select_n3A_830, %max3A_923 : vector<16xf32>
        %select_n3A_925 = arith.select %eq3A_924, %select_n3A_831, %select_n3A_830 : vector<16xi1>, vector<16xf32>
        %select_n3A_926 = arith.select %eq3A_924, %select_n3A_832, %select_n3A_831 : vector<16xi1>, vector<16xf32>
        %select_n3A_927 = arith.select %eq3A_924, %select_n3A_833, %select_n3A_832 : vector<16xi1>, vector<16xf32>
        %select_n3A_928 = arith.select %eq3A_924, %select_n3A_834, %select_n3A_833 : vector<16xi1>, vector<16xf32>
        %select_n3A_929 = arith.select %eq3A_924, %select_n3A_835, %select_n3A_834 : vector<16xi1>, vector<16xf32>
        %select_n3A_930 = arith.select %eq3A_924, %select_n3A_836, %select_n3A_835 : vector<16xi1>, vector<16xf32>
        %select_n3A_931 = arith.select %eq3A_924, %select_n3A_837, %select_n3A_836 : vector<16xi1>, vector<16xf32>
        %select_n3A_932 = arith.select %eq3A_924, %select_n3A_838, %select_n3A_837 : vector<16xi1>, vector<16xf32>
        %select_n3A_933 = arith.select %eq3A_924, %select_n3A_841, %select_n3A_838 : vector<16xi1>, vector<16xf32>
        %jit3A_934 = arith.constant -3.000000e+38 : f32
        %broadcast_in_dim3A_935 = vector.broadcast %jit3A_934 : f32 to vector<16xf32>
        %select_n3A_936 = arith.select %eq3A_924, %broadcast_in_dim3A_935, %select_n3A_841 : vector<16xi1>, vector<16xf32>
        %eq3A_937 = arith.cmpf oeq, %select_n3A_843, %max3A_923 : vector<16xf32>
        %select_n3A_938 = arith.select %eq3A_937, %select_n3A_844, %select_n3A_843 : vector<16xi1>, vector<16xf32>
        %select_n3A_939 = arith.select %eq3A_937, %select_n3A_845, %select_n3A_844 : vector<16xi1>, vector<16xf32>
        %select_n3A_940 = arith.select %eq3A_937, %select_n3A_846, %select_n3A_845 : vector<16xi1>, vector<16xf32>
        %select_n3A_941 = arith.select %eq3A_937, %select_n3A_849, %select_n3A_846 : vector<16xi1>, vector<16xf32>
        %jit3A_942 = arith.constant -3.000000e+38 : f32
        %broadcast_in_dim3A_943 = vector.broadcast %jit3A_942 : f32 to vector<16xf32>
        %select_n3A_944 = arith.select %eq3A_937, %broadcast_in_dim3A_943, %select_n3A_849 : vector<16xi1>, vector<16xf32>
        %eq3A_945 = arith.cmpf oeq, %select_n3A_851, %max3A_923 : vector<16xf32>
        %select_n3A_946 = arith.select %eq3A_945, %select_n3A_852, %select_n3A_851 : vector<16xi1>, vector<16xf32>
        %select_n3A_947 = arith.select %eq3A_945, %select_n3A_855, %select_n3A_852 : vector<16xi1>, vector<16xf32>
        %jit3A_948 = arith.constant -3.000000e+38 : f32
        %broadcast_in_dim3A_949 = vector.broadcast %jit3A_948 : f32 to vector<16xf32>
        %select_n3A_950 = arith.select %eq3A_945, %broadcast_in_dim3A_949, %select_n3A_855 : vector<16xi1>, vector<16xf32>
        %eq3A_951 = arith.cmpf oeq, %select_n3A_857, %max3A_923 : vector<16xf32>
        %select_n3A_952 = arith.select %eq3A_951, %select_n3A_860, %select_n3A_857 : vector<16xi1>, vector<16xf32>
        %jit3A_953 = arith.constant -3.000000e+38 : f32
        %broadcast_in_dim3A_954 = vector.broadcast %jit3A_953 : f32 to vector<16xf32>
        %select_n3A_955 = arith.select %eq3A_951, %broadcast_in_dim3A_954, %select_n3A_860 : vector<16xi1>, vector<16xf32>
        %eq3A_956 = arith.constant 7 : i32
        %eq3A_957 = vector.broadcast %eq3A_956 : i32 to vector<16xi32>
        %eq3A_958 = arith.cmpi eq, %iota3A, %eq3A_957 : vector<16xi32>
        %select_n3A_959 = arith.select %eq3A_958, %max3A_923, %select_n3A_864 : vector<16xi1>, vector<16xf32>
        %max3A_960 = arith.maximumf %select_n3A_925, %select_n3A_938 : vector<16xf32>
        %max3A_961 = arith.maximumf %select_n3A_946, %select_n3A_952 : vector<16xf32>
        %max3A_962 = arith.maximumf %max3A_960, %max3A_961 : vector<16xf32>
        %xor3A_963 = arith.constant 1 : i32
        %xor3A_964 = vector.broadcast %xor3A_963 : i32 to vector<16xi32>
        %xor3A_965 = arith.xori %iota3A, %xor3A_964 : vector<16xi32>
        %lt3A_966 = arith.constant 0 : i32
        %lt3A_967 = vector.broadcast %lt3A_966 : i32 to vector<16xi32>
        %lt3A_968 = arith.cmpi slt, %xor3A_965, %lt3A_967 : vector<16xi32>
        %add3A_969 = arith.constant 16 : i32
        %add3A_970 = vector.broadcast %add3A_969 : i32 to vector<16xi32>
        %add3A_971 = arith.addi %xor3A_965, %add3A_970 : vector<16xi32>
        %select_n3A_972 = arith.select %lt3A_968, %add3A_971, %xor3A_965 : vector<16xi1>, vector<16xi32>
        %broadcast_in_dim3A_973 = vector.shape_cast %select_n3A_972 : vector<16xi32> to vector<16x1xi32>
        %gather3A_974 = vector.shape_cast %broadcast_in_dim3A_973 : vector<16x1xi32> to vector<16xi32>
        %gather3A_975 = tpu.dynamic_gather %max3A_962[%gather3A_974] in [0] : vector<16xf32>, vector<16xi32> -> vector<16xf32>
        %max3A_976 = arith.maximumf %max3A_962, %gather3A_975 : vector<16xf32>
        %xor3A_977 = arith.constant 2 : i32
        %xor3A_978 = vector.broadcast %xor3A_977 : i32 to vector<16xi32>
        %xor3A_979 = arith.xori %iota3A, %xor3A_978 : vector<16xi32>
        %lt3A_980 = arith.constant 0 : i32
        %lt3A_981 = vector.broadcast %lt3A_980 : i32 to vector<16xi32>
        %lt3A_982 = arith.cmpi slt, %xor3A_979, %lt3A_981 : vector<16xi32>
        %add3A_983 = arith.constant 16 : i32
        %add3A_984 = vector.broadcast %add3A_983 : i32 to vector<16xi32>
        %add3A_985 = arith.addi %xor3A_979, %add3A_984 : vector<16xi32>
        %select_n3A_986 = arith.select %lt3A_982, %add3A_985, %xor3A_979 : vector<16xi1>, vector<16xi32>
        %broadcast_in_dim3A_987 = vector.shape_cast %select_n3A_986 : vector<16xi32> to vector<16x1xi32>
        %gather3A_988 = vector.shape_cast %broadcast_in_dim3A_987 : vector<16x1xi32> to vector<16xi32>
        %gather3A_989 = tpu.dynamic_gather %max3A_976[%gather3A_988] in [0] : vector<16xf32>, vector<16xi32> -> vector<16xf32>
        %max3A_990 = arith.maximumf %max3A_976, %gather3A_989 : vector<16xf32>
        %xor3A_991 = arith.constant 4 : i32
        %xor3A_992 = vector.broadcast %xor3A_991 : i32 to vector<16xi32>
        %xor3A_993 = arith.xori %iota3A, %xor3A_992 : vector<16xi32>
        %lt3A_994 = arith.constant 0 : i32
        %lt3A_995 = vector.broadcast %lt3A_994 : i32 to vector<16xi32>
        %lt3A_996 = arith.cmpi slt, %xor3A_993, %lt3A_995 : vector<16xi32>
        %add3A_997 = arith.constant 16 : i32
        %add3A_998 = vector.broadcast %add3A_997 : i32 to vector<16xi32>
        %add3A_999 = arith.addi %xor3A_993, %add3A_998 : vector<16xi32>
        %select_n3A_1000 = arith.select %lt3A_996, %add3A_999, %xor3A_993 : vector<16xi1>, vector<16xi32>
        %broadcast_in_dim3A_1001 = vector.shape_cast %select_n3A_1000 : vector<16xi32> to vector<16x1xi32>
        %gather3A_1002 = vector.shape_cast %broadcast_in_dim3A_1001 : vector<16x1xi32> to vector<16xi32>
        %gather3A_1003 = tpu.dynamic_gather %max3A_990[%gather3A_1002] in [0] : vector<16xf32>, vector<16xi32> -> vector<16xf32>
        %max3A_1004 = arith.maximumf %max3A_990, %gather3A_1003 : vector<16xf32>
        %xor3A_1005 = arith.constant 8 : i32
        %xor3A_1006 = vector.broadcast %xor3A_1005 : i32 to vector<16xi32>
        %xor3A_1007 = arith.xori %iota3A, %xor3A_1006 : vector<16xi32>
        %lt3A_1008 = arith.constant 0 : i32
        %lt3A_1009 = vector.broadcast %lt3A_1008 : i32 to vector<16xi32>
        %lt3A_1010 = arith.cmpi slt, %xor3A_1007, %lt3A_1009 : vector<16xi32>
        %add3A_1011 = arith.constant 16 : i32
        %add3A_1012 = vector.broadcast %add3A_1011 : i32 to vector<16xi32>
        %add3A_1013 = arith.addi %xor3A_1007, %add3A_1012 : vector<16xi32>
        %select_n3A_1014 = arith.select %lt3A_1010, %add3A_1013, %xor3A_1007 : vector<16xi1>, vector<16xi32>
        %broadcast_in_dim3A_1015 = vector.shape_cast %select_n3A_1014 : vector<16xi32> to vector<16x1xi32>
        %gather3A_1016 = vector.shape_cast %broadcast_in_dim3A_1015 : vector<16x1xi32> to vector<16xi32>
        %gather3A_1017 = tpu.dynamic_gather %max3A_1004[%gather3A_1016] in [0] : vector<16xf32>, vector<16xi32> -> vector<16xf32>
        %max3A_1018 = arith.maximumf %max3A_1004, %gather3A_1017 : vector<16xf32>
        %eq3A_1019 = arith.cmpf oeq, %select_n3A_925, %max3A_1018 : vector<16xf32>
        %select_n3A_1020 = arith.select %eq3A_1019, %select_n3A_926, %select_n3A_925 : vector<16xi1>, vector<16xf32>
        %select_n3A_1021 = arith.select %eq3A_1019, %select_n3A_927, %select_n3A_926 : vector<16xi1>, vector<16xf32>
        %select_n3A_1022 = arith.select %eq3A_1019, %select_n3A_928, %select_n3A_927 : vector<16xi1>, vector<16xf32>
        %select_n3A_1023 = arith.select %eq3A_1019, %select_n3A_929, %select_n3A_928 : vector<16xi1>, vector<16xf32>
        %select_n3A_1024 = arith.select %eq3A_1019, %select_n3A_930, %select_n3A_929 : vector<16xi1>, vector<16xf32>
        %select_n3A_1025 = arith.select %eq3A_1019, %select_n3A_931, %select_n3A_930 : vector<16xi1>, vector<16xf32>
        %select_n3A_1026 = arith.select %eq3A_1019, %select_n3A_932, %select_n3A_931 : vector<16xi1>, vector<16xf32>
        %select_n3A_1027 = arith.select %eq3A_1019, %select_n3A_933, %select_n3A_932 : vector<16xi1>, vector<16xf32>
        %select_n3A_1028 = arith.select %eq3A_1019, %select_n3A_936, %select_n3A_933 : vector<16xi1>, vector<16xf32>
        %jit3A_1029 = arith.constant -3.000000e+38 : f32
        %broadcast_in_dim3A_1030 = vector.broadcast %jit3A_1029 : f32 to vector<16xf32>
        %select_n3A_1031 = arith.select %eq3A_1019, %broadcast_in_dim3A_1030, %select_n3A_936 : vector<16xi1>, vector<16xf32>
        %eq3A_1032 = arith.cmpf oeq, %select_n3A_938, %max3A_1018 : vector<16xf32>
        %select_n3A_1033 = arith.select %eq3A_1032, %select_n3A_939, %select_n3A_938 : vector<16xi1>, vector<16xf32>
        %select_n3A_1034 = arith.select %eq3A_1032, %select_n3A_940, %select_n3A_939 : vector<16xi1>, vector<16xf32>
        %select_n3A_1035 = arith.select %eq3A_1032, %select_n3A_941, %select_n3A_940 : vector<16xi1>, vector<16xf32>
        %select_n3A_1036 = arith.select %eq3A_1032, %select_n3A_944, %select_n3A_941 : vector<16xi1>, vector<16xf32>
        %jit3A_1037 = arith.constant -3.000000e+38 : f32
        %broadcast_in_dim3A_1038 = vector.broadcast %jit3A_1037 : f32 to vector<16xf32>
        %select_n3A_1039 = arith.select %eq3A_1032, %broadcast_in_dim3A_1038, %select_n3A_944 : vector<16xi1>, vector<16xf32>
        %eq3A_1040 = arith.cmpf oeq, %select_n3A_946, %max3A_1018 : vector<16xf32>
        %select_n3A_1041 = arith.select %eq3A_1040, %select_n3A_947, %select_n3A_946 : vector<16xi1>, vector<16xf32>
        %select_n3A_1042 = arith.select %eq3A_1040, %select_n3A_950, %select_n3A_947 : vector<16xi1>, vector<16xf32>
        %jit3A_1043 = arith.constant -3.000000e+38 : f32
        %broadcast_in_dim3A_1044 = vector.broadcast %jit3A_1043 : f32 to vector<16xf32>
        %select_n3A_1045 = arith.select %eq3A_1040, %broadcast_in_dim3A_1044, %select_n3A_950 : vector<16xi1>, vector<16xf32>
        %eq3A_1046 = arith.cmpf oeq, %select_n3A_952, %max3A_1018 : vector<16xf32>
        %select_n3A_1047 = arith.select %eq3A_1046, %select_n3A_955, %select_n3A_952 : vector<16xi1>, vector<16xf32>
        %jit3A_1048 = arith.constant -3.000000e+38 : f32
        %broadcast_in_dim3A_1049 = vector.broadcast %jit3A_1048 : f32 to vector<16xf32>
        %select_n3A_1050 = arith.select %eq3A_1046, %broadcast_in_dim3A_1049, %select_n3A_955 : vector<16xi1>, vector<16xf32>
        %eq3A_1051 = arith.constant 8 : i32
        %eq3A_1052 = vector.broadcast %eq3A_1051 : i32 to vector<16xi32>
        %eq3A_1053 = arith.cmpi eq, %iota3A, %eq3A_1052 : vector<16xi32>
        %select_n3A_1054 = arith.select %eq3A_1053, %max3A_1018, %select_n3A_959 : vector<16xi1>, vector<16xf32>
        %max3A_1055 = arith.maximumf %select_n3A_1020, %select_n3A_1033 : vector<16xf32>
        %max3A_1056 = arith.maximumf %select_n3A_1041, %select_n3A_1047 : vector<16xf32>
        %max3A_1057 = arith.maximumf %max3A_1055, %max3A_1056 : vector<16xf32>
        %xor3A_1058 = arith.constant 1 : i32
        %xor3A_1059 = vector.broadcast %xor3A_1058 : i32 to vector<16xi32>
        %xor3A_1060 = arith.xori %iota3A, %xor3A_1059 : vector<16xi32>
        %lt3A_1061 = arith.constant 0 : i32
        %lt3A_1062 = vector.broadcast %lt3A_1061 : i32 to vector<16xi32>
        %lt3A_1063 = arith.cmpi slt, %xor3A_1060, %lt3A_1062 : vector<16xi32>
        %add3A_1064 = arith.constant 16 : i32
        %add3A_1065 = vector.broadcast %add3A_1064 : i32 to vector<16xi32>
        %add3A_1066 = arith.addi %xor3A_1060, %add3A_1065 : vector<16xi32>
        %select_n3A_1067 = arith.select %lt3A_1063, %add3A_1066, %xor3A_1060 : vector<16xi1>, vector<16xi32>
        %broadcast_in_dim3A_1068 = vector.shape_cast %select_n3A_1067 : vector<16xi32> to vector<16x1xi32>
        %gather3A_1069 = vector.shape_cast %broadcast_in_dim3A_1068 : vector<16x1xi32> to vector<16xi32>
        %gather3A_1070 = tpu.dynamic_gather %max3A_1057[%gather3A_1069] in [0] : vector<16xf32>, vector<16xi32> -> vector<16xf32>
        %max3A_1071 = arith.maximumf %max3A_1057, %gather3A_1070 : vector<16xf32>
        %xor3A_1072 = arith.constant 2 : i32
        %xor3A_1073 = vector.broadcast %xor3A_1072 : i32 to vector<16xi32>
        %xor3A_1074 = arith.xori %iota3A, %xor3A_1073 : vector<16xi32>
        %lt3A_1075 = arith.constant 0 : i32
        %lt3A_1076 = vector.broadcast %lt3A_1075 : i32 to vector<16xi32>
        %lt3A_1077 = arith.cmpi slt, %xor3A_1074, %lt3A_1076 : vector<16xi32>
        %add3A_1078 = arith.constant 16 : i32
        %add3A_1079 = vector.broadcast %add3A_1078 : i32 to vector<16xi32>
        %add3A_1080 = arith.addi %xor3A_1074, %add3A_1079 : vector<16xi32>
        %select_n3A_1081 = arith.select %lt3A_1077, %add3A_1080, %xor3A_1074 : vector<16xi1>, vector<16xi32>
        %broadcast_in_dim3A_1082 = vector.shape_cast %select_n3A_1081 : vector<16xi32> to vector<16x1xi32>
        %gather3A_1083 = vector.shape_cast %broadcast_in_dim3A_1082 : vector<16x1xi32> to vector<16xi32>
        %gather3A_1084 = tpu.dynamic_gather %max3A_1071[%gather3A_1083] in [0] : vector<16xf32>, vector<16xi32> -> vector<16xf32>
        %max3A_1085 = arith.maximumf %max3A_1071, %gather3A_1084 : vector<16xf32>
        %xor3A_1086 = arith.constant 4 : i32
        %xor3A_1087 = vector.broadcast %xor3A_1086 : i32 to vector<16xi32>
        %xor3A_1088 = arith.xori %iota3A, %xor3A_1087 : vector<16xi32>
        %lt3A_1089 = arith.constant 0 : i32
        %lt3A_1090 = vector.broadcast %lt3A_1089 : i32 to vector<16xi32>
        %lt3A_1091 = arith.cmpi slt, %xor3A_1088, %lt3A_1090 : vector<16xi32>
        %add3A_1092 = arith.constant 16 : i32
        %add3A_1093 = vector.broadcast %add3A_1092 : i32 to vector<16xi32>
        %add3A_1094 = arith.addi %xor3A_1088, %add3A_1093 : vector<16xi32>
        %select_n3A_1095 = arith.select %lt3A_1091, %add3A_1094, %xor3A_1088 : vector<16xi1>, vector<16xi32>
        %broadcast_in_dim3A_1096 = vector.shape_cast %select_n3A_1095 : vector<16xi32> to vector<16x1xi32>
        %gather3A_1097 = vector.shape_cast %broadcast_in_dim3A_1096 : vector<16x1xi32> to vector<16xi32>
        %gather3A_1098 = tpu.dynamic_gather %max3A_1085[%gather3A_1097] in [0] : vector<16xf32>, vector<16xi32> -> vector<16xf32>
        %max3A_1099 = arith.maximumf %max3A_1085, %gather3A_1098 : vector<16xf32>
        %xor3A_1100 = arith.constant 8 : i32
        %xor3A_1101 = vector.broadcast %xor3A_1100 : i32 to vector<16xi32>
        %xor3A_1102 = arith.xori %iota3A, %xor3A_1101 : vector<16xi32>
        %lt3A_1103 = arith.constant 0 : i32
        %lt3A_1104 = vector.broadcast %lt3A_1103 : i32 to vector<16xi32>
        %lt3A_1105 = arith.cmpi slt, %xor3A_1102, %lt3A_1104 : vector<16xi32>
        %add3A_1106 = arith.constant 16 : i32
        %add3A_1107 = vector.broadcast %add3A_1106 : i32 to vector<16xi32>
        %add3A_1108 = arith.addi %xor3A_1102, %add3A_1107 : vector<16xi32>
        %select_n3A_1109 = arith.select %lt3A_1105, %add3A_1108, %xor3A_1102 : vector<16xi1>, vector<16xi32>
        %broadcast_in_dim3A_1110 = vector.shape_cast %select_n3A_1109 : vector<16xi32> to vector<16x1xi32>
        %gather3A_1111 = vector.shape_cast %broadcast_in_dim3A_1110 : vector<16x1xi32> to vector<16xi32>
        %gather3A_1112 = tpu.dynamic_gather %max3A_1099[%gather3A_1111] in [0] : vector<16xf32>, vector<16xi32> -> vector<16xf32>
        %max3A_1113 = arith.maximumf %max3A_1099, %gather3A_1112 : vector<16xf32>
        %eq3A_1114 = arith.cmpf oeq, %select_n3A_1020, %max3A_1113 : vector<16xf32>
        %select_n3A_1115 = arith.select %eq3A_1114, %select_n3A_1021, %select_n3A_1020 : vector<16xi1>, vector<16xf32>
        %select_n3A_1116 = arith.select %eq3A_1114, %select_n3A_1022, %select_n3A_1021 : vector<16xi1>, vector<16xf32>
        %select_n3A_1117 = arith.select %eq3A_1114, %select_n3A_1023, %select_n3A_1022 : vector<16xi1>, vector<16xf32>
        %select_n3A_1118 = arith.select %eq3A_1114, %select_n3A_1024, %select_n3A_1023 : vector<16xi1>, vector<16xf32>
        %select_n3A_1119 = arith.select %eq3A_1114, %select_n3A_1025, %select_n3A_1024 : vector<16xi1>, vector<16xf32>
        %select_n3A_1120 = arith.select %eq3A_1114, %select_n3A_1026, %select_n3A_1025 : vector<16xi1>, vector<16xf32>
        %select_n3A_1121 = arith.select %eq3A_1114, %select_n3A_1027, %select_n3A_1026 : vector<16xi1>, vector<16xf32>
        %select_n3A_1122 = arith.select %eq3A_1114, %select_n3A_1028, %select_n3A_1027 : vector<16xi1>, vector<16xf32>
        %select_n3A_1123 = arith.select %eq3A_1114, %select_n3A_1031, %select_n3A_1028 : vector<16xi1>, vector<16xf32>
        %jit3A_1124 = arith.constant -3.000000e+38 : f32
        %broadcast_in_dim3A_1125 = vector.broadcast %jit3A_1124 : f32 to vector<16xf32>
        %select_n3A_1126 = arith.select %eq3A_1114, %broadcast_in_dim3A_1125, %select_n3A_1031 : vector<16xi1>, vector<16xf32>
        %eq3A_1127 = arith.cmpf oeq, %select_n3A_1033, %max3A_1113 : vector<16xf32>
        %select_n3A_1128 = arith.select %eq3A_1127, %select_n3A_1034, %select_n3A_1033 : vector<16xi1>, vector<16xf32>
        %select_n3A_1129 = arith.select %eq3A_1127, %select_n3A_1035, %select_n3A_1034 : vector<16xi1>, vector<16xf32>
        %select_n3A_1130 = arith.select %eq3A_1127, %select_n3A_1036, %select_n3A_1035 : vector<16xi1>, vector<16xf32>
        %select_n3A_1131 = arith.select %eq3A_1127, %select_n3A_1039, %select_n3A_1036 : vector<16xi1>, vector<16xf32>
        %jit3A_1132 = arith.constant -3.000000e+38 : f32
        %broadcast_in_dim3A_1133 = vector.broadcast %jit3A_1132 : f32 to vector<16xf32>
        %select_n3A_1134 = arith.select %eq3A_1127, %broadcast_in_dim3A_1133, %select_n3A_1039 : vector<16xi1>, vector<16xf32>
        %eq3A_1135 = arith.cmpf oeq, %select_n3A_1041, %max3A_1113 : vector<16xf32>
        %select_n3A_1136 = arith.select %eq3A_1135, %select_n3A_1042, %select_n3A_1041 : vector<16xi1>, vector<16xf32>
        %select_n3A_1137 = arith.select %eq3A_1135, %select_n3A_1045, %select_n3A_1042 : vector<16xi1>, vector<16xf32>
        %jit3A_1138 = arith.constant -3.000000e+38 : f32
        %broadcast_in_dim3A_1139 = vector.broadcast %jit3A_1138 : f32 to vector<16xf32>
        %select_n3A_1140 = arith.select %eq3A_1135, %broadcast_in_dim3A_1139, %select_n3A_1045 : vector<16xi1>, vector<16xf32>
        %eq3A_1141 = arith.cmpf oeq, %select_n3A_1047, %max3A_1113 : vector<16xf32>
        %select_n3A_1142 = arith.select %eq3A_1141, %select_n3A_1050, %select_n3A_1047 : vector<16xi1>, vector<16xf32>
        %jit3A_1143 = arith.constant -3.000000e+38 : f32
        %broadcast_in_dim3A_1144 = vector.broadcast %jit3A_1143 : f32 to vector<16xf32>
        %select_n3A_1145 = arith.select %eq3A_1141, %broadcast_in_dim3A_1144, %select_n3A_1050 : vector<16xi1>, vector<16xf32>
        %eq3A_1146 = arith.constant 9 : i32
        %eq3A_1147 = vector.broadcast %eq3A_1146 : i32 to vector<16xi32>
        %eq3A_1148 = arith.cmpi eq, %iota3A, %eq3A_1147 : vector<16xi32>
        %select_n3A_1149 = arith.select %eq3A_1148, %max3A_1113, %select_n3A_1054 : vector<16xi1>, vector<16xf32>
        %eq3A_1150 = arith.constant 10 : i32
        %eq3A_1151 = vector.broadcast %eq3A_1150 : i32 to vector<16xi32>
        %eq3A_1152 = arith.cmpi eq, %iota3A, %eq3A_1151 : vector<16xi32>
        %select_n3A_1153 = arith.select %eq3A_1152, %gather3A_153, %select_n3A_1149 : vector<16xi1>, vector<16xf32>
        %swap3A = arith.index_cast %scan3A_106 : i32 to index
        %swap3A_1154 = arith.constant 0 : index
        %swap3A_1155 = tpu.vector_load %arg6[%swap3A, %swap3A_1154] {strides = array<i32>} : memref<8x16xf32, #tpu.memory_space<vmem>>, vector<1x16xf32>,
        %swap3A_1156 = vector.shape_cast %swap3A_1155 : vector<1x16xf32> to vector<16xf32>
        %swap3A_1157 = vector.shape_cast %select_n3A_1153 : vector<16xf32> to vector<1x16xf32>
        tpu.vector_store %arg6[%swap3A, %swap3A_1154], %swap3A_1157 {strides = array<i32>} : memref<8x16xf32, #tpu.memory_space<vmem>>, vector<1x16xf32>,
        %scan3A_1158 = arith.constant 0 : i32
        scf.yield %scan3A_1158 : i32
      }
      %scan3A_56 = arith.constant 8 : i32
      %mul3A_57 = arith.constant 8 : i32
      %mul3A_58 = arith.muli %mul3A_28, %mul3A_57 : i32
      %add3A_59 = arith.addi %mul3A_2, %mul3A_58 : i32
      %dma_start3A_60 = arith.constant 0 : i32
      %dma_start3A_61 = tpu.memref_slice %arg3[%add3A_59, %dma_start3A_60] : memref<1536x16xf32, #tpu.memory_space<hbm>> -> memref<8x16xf32, #tpu.memory_space<hbm>>
      %dma_start3A_62 = arith.constant 0 : i32
      %dma_start3A_63 = tpu.memref_slice %arg3[%add3A_59, %dma_start3A_62] : memref<1536x16xf32, #tpu.memory_space<hbm>> -> memref<8x16xf32, #tpu.memory_space<hbm>>
      tpu.enqueue_dma source(%arg6 : memref<8x16xf32, #tpu.memory_space<vmem>>) target(%dma_start3A_63 : memref<8x16xf32, #tpu.memory_space<hbm>>) target_semaphore(%arg10 : memref<!tpu.dma_semaphore, #tpu.memory_space<semaphore_mem>>)
      %add3A_64 = arith.constant 1 : i32
      %add3A_65 = arith.addi %scan3A_25, %add3A_64 : i32
      %lt3A = arith.constant 3 : i32
      %lt3A_66 = arith.cmpi slt, %add3A_65, %lt3A : i32
      %convert_element_type3A_67 = arith.extui %lt3A_66 : i1 to i32
      %cond3A_68 = arith.constant 0 : i32
      %cond3A_69 = arith.cmpi ne, %convert_element_type3A_67, %cond3A_68 : i32
      scf.if %cond3A_69 {
        %add3A_106 = arith.constant 2 : i32
        %add3A_107 = arith.addi %mul3A_28, %add3A_106 : i32
        %mul3A_108 = arith.constant 8 : i32
        %mul3A_109 = arith.muli %add3A_107, %mul3A_108 : i32
        %add3A_110 = arith.addi %mul3A_2, %mul3A_109 : i32
        %dma_start3A_111 = arith.constant 0 : i32
        %dma_start3A_112 = tpu.memref_slice %arg2[%add3A_110, %dma_start3A_111] : memref<4096x4096xf32, #tpu.memory_space<hbm>> -> memref<8x4096xf32, #tpu.memory_space<hbm>>
        %dma_start3A_113 = arith.constant 0 : i32
        %dma_start3A_114 = tpu.memref_slice %arg2[%add3A_110, %dma_start3A_113] : memref<4096x4096xf32, #tpu.memory_space<hbm>> -> memref<8x4096xf32, #tpu.memory_space<hbm>>
        tpu.enqueue_dma source(%dma_start3A_114 : memref<8x4096xf32, #tpu.memory_space<hbm>>) target(%arg4 : memref<8x4096xf32, #tpu.memory_space<vmem>>) target_semaphore(%arg8 : memref<!tpu.dma_semaphore, #tpu.memory_space<semaphore_mem>>)
      } else {
      }
      %add3A_70 = arith.constant 1 : i32
      %add3A_71 = arith.addi %mul3A_28, %add3A_70 : i32
      %mul3A_72 = arith.constant 8 : i32
      %mul3A_73 = arith.muli %add3A_71, %mul3A_72 : i32
      %add3A_74 = arith.addi %mul3A_2, %mul3A_73 : i32
      %dma_wait3A_75 = arith.constant 0 : i32
      %dma_wait3A_76 = tpu.memref_slice %arg2[%add3A_74, %dma_wait3A_75] : memref<4096x4096xf32, #tpu.memory_space<hbm>> -> memref<8x4096xf32, #tpu.memory_space<hbm>>
      %dma_wait3A_77 = arith.constant 0 : i32
      %dma_wait3A_78 = tpu.memref_slice %arg2[%add3A_74, %dma_wait3A_77] : memref<4096x4096xf32, #tpu.memory_space<hbm>> -> memref<8x4096xf32, #tpu.memory_space<hbm>>
      tpu.wait_dma2 semaphore(%arg9 : memref<!tpu.dma_semaphore, #tpu.memory_space<semaphore_mem>>) src(%dma_wait3A_78 : memref<8x4096xf32, #tpu.memory_space<hbm>>) dst(%arg5 : memref<8x4096xf32, #tpu.memory_space<vmem>>)
      %gt3A_79 = arith.constant 0 : i32
      %gt3A_80 = arith.cmpi sgt, %scan3A_25, %gt3A_79 : i32
      %convert_element_type3A_81 = arith.extui %gt3A_80 : i1 to i32
      %cond3A_82 = arith.constant 0 : i32
      %cond3A_83 = arith.cmpi ne, %convert_element_type3A_81, %cond3A_82 : i32
      scf.if %cond3A_83 {
        %sub3A = arith.constant 1 : i32
        %sub3A_106 = arith.subi %mul3A_28, %sub3A : i32
        %mul3A_107 = arith.constant 8 : i32
        %mul3A_108 = arith.muli %sub3A_106, %mul3A_107 : i32
        %add3A_109 = arith.addi %mul3A_2, %mul3A_108 : i32
        %dma_wait3A_110 = arith.constant 0 : i32
        %dma_wait3A_111 = tpu.memref_slice %arg3[%add3A_109, %dma_wait3A_110] : memref<1536x16xf32, #tpu.memory_space<hbm>> -> memref<8x16xf32, #tpu.memory_space<hbm>>
        %dma_wait3A_112 = arith.constant 0 : i32
        %dma_wait3A_113 = tpu.memref_slice %arg3[%add3A_109, %dma_wait3A_112] : memref<1536x16xf32, #tpu.memory_space<hbm>> -> memref<8x16xf32, #tpu.memory_space<hbm>>
        tpu.wait_dma2 semaphore(%arg11 : memref<!tpu.dma_semaphore, #tpu.memory_space<semaphore_mem>>) src(%arg7 : memref<8x16xf32, #tpu.memory_space<vmem>>) dst(%dma_wait3A_113 : memref<8x16xf32, #tpu.memory_space<hbm>>)
      } else {
      }
      %add3A_84 = arith.constant 1 : i32
      %add3A_85 = arith.addi %mul3A_28, %add3A_84 : i32
      %mul3A_86 = arith.constant 8 : i32
      %mul3A_87 = arith.muli %add3A_85, %mul3A_86 : i32
      %add3A_88 = arith.addi %mul3A_2, %mul3A_87 : i32
      %scan3A_89 = arith.constant 0 : i32
      %scan3A_90 = arith.constant 0 : i32
      %scan3A_91 = arith.constant 8 : i32
      %scan3A_92 = arith.addi %scan3A_90, %scan3A_91 : i32
      %scan3A_93 = arith.constant 1 : i32
      %scan3A_94 = scf.for %scan3A_106 = %scan3A_90 to %scan3A_92 step %scan3A_93 iter_args(%scan3A_107 = %scan3A_89) -> (i32)  : i32 {
        %add3A_108 = arith.addi %add3A_88, %scan3A_106 : i32
        %jit3A = arith.constant 16 : i32
        %div3A = arith.divsi %add3A_108, %jit3A : i32
        %sign3A = arith.constant 0 : i32
        %sign3A_109 = arith.cmpi sgt, %add3A_108, %sign3A : i32
        %sign3A_110 = arith.extui %sign3A_109 : i1 to i32
        %sign3A_111 = arith.constant 0 : i32
        %sign3A_112 = arith.cmpi slt, %add3A_108, %sign3A_111 : i32
        %sign3A_113 = arith.extui %sign3A_112 : i1 to i32
        %sign3A_114 = arith.subi %sign3A_110, %sign3A_113 : i32
        %sign3A_115 = arith.constant 0 : i32
        %sign3A_116 = arith.cmpi sgt, %jit3A, %sign3A_115 : i32
        %sign3A_117 = arith.extui %sign3A_116 : i1 to i32
        %sign3A_118 = arith.constant 0 : i32
        %sign3A_119 = arith.cmpi slt, %jit3A, %sign3A_118 : i32
        %sign3A_120 = arith.extui %sign3A_119 : i1 to i32
        %sign3A_121 = arith.subi %sign3A_117, %sign3A_120 : i32
        %ne3A = arith.cmpi ne, %sign3A_114, %sign3A_121 : i32
        %rem3A = arith.remsi %add3A_108, %jit3A : i32
        %ne3A_122 = arith.constant 0 : i32
        %ne3A_123 = arith.cmpi ne, %rem3A, %ne3A_122 : i32
        %and3A = arith.andi %ne3A, %ne3A_123 : i1
        %sub3A = arith.constant 1 : i32
        %sub3A_124 = arith.subi %div3A, %sub3A : i32
        %select_n3A = arith.select %and3A, %sub3A_124, %div3A : i32
        %mul3A_125 = arith.constant 16 : i32
        %mul3A_126 = arith.muli %select_n3A, %mul3A_125 : i32
        %get3A = arith.index_cast %scan3A_106 : i32 to index
        %get3A_127 = arith.index_cast %mul3A_126 : i32 to index
        %get3A_128 = tpu.vector_load %arg5[%get3A, %get3A_127] {strides = array<i32>} : memref<8x4096xf32, #tpu.memory_space<vmem>>, vector<1x16xf32>,
        %get3A_129 = vector.shape_cast %get3A_128 : vector<1x16xf32> to vector<16xf32>
        %jit3A_130 = arith.constant 16 : i32
        %eq3A = arith.constant 0 : i32
        %eq3A_131 = arith.cmpi eq, %jit3A_130, %eq3A : i32
        %jit3A_132 = arith.constant 1 : i32
        %select_n3A_133 = arith.select %eq3A_131, %jit3A_132, %jit3A_130 : i32
        %rem3A_134 = arith.remsi %add3A_108, %select_n3A_133 : i32
        %ne3A_135 = arith.constant 0 : i32
        %ne3A_136 = arith.cmpi ne, %rem3A_134, %ne3A_135 : i32
        %lt3A_137 = arith.constant 0 : i32
        %lt3A_138 = arith.cmpi slt, %rem3A_134, %lt3A_137 : i32
        %lt3A_139 = arith.constant 0 : i32
        %lt3A_140 = arith.cmpi slt, %select_n3A_133, %lt3A_139 : i32
        %ne3A_141 = arith.xori %lt3A_138, %lt3A_140 : i1
        %and3A_142 = arith.andi %ne3A_141, %ne3A_136 : i1
        %add3A_143 = arith.addi %rem3A_134, %select_n3A_133 : i32
        %select_n3A_144 = arith.select %and3A_142, %add3A_143, %rem3A_134 : i32
        %broadcast_in_dim3A = vector.broadcast %select_n3A_144 : i32 to vector<16xi32>
        %lt3A_145 = arith.constant 0 : i32
        %lt3A_146 = vector.broadcast %lt3A_145 : i32 to vector<16xi32>
        %lt3A_147 = arith.cmpi slt, %broadcast_in_dim3A, %lt3A_146 : vector<16xi32>
        %add3A_148 = arith.constant 16 : i32
        %add3A_149 = vector.broadcast %add3A_148 : i32 to vector<16xi32>
        %add3A_150 = arith.addi %broadcast_in_dim3A, %add3A_149 : vector<16xi32>
        %select_n3A_151 = arith.select %lt3A_147, %add3A_150, %broadcast_in_dim3A : vector<16xi1>, vector<16xi32>
        %broadcast_in_dim3A_152 = vector.shape_cast %select_n3A_151 : vector<16xi32> to vector<16x1xi32>
        %gather3A = vector.shape_cast %broadcast_in_dim3A_152 : vector<16x1xi32> to vector<16xi32>
        %gather3A_153 = tpu.dynamic_gather %get3A_129[%gather3A] in [0] : vector<16xf32>, vector<16xi32> -> vector<16xf32>
        %broadcast_in_dim3A_154 = arith.constant -3.000000e+38 : f32
        %broadcast_in_dim3A_155 = vector.broadcast %broadcast_in_dim3A_154 : f32 to vector<16xf32>
        %broadcast_in_dim3A_156 = arith.constant -3.000000e+38 : f32
        %broadcast_in_dim3A_157 = vector.broadcast %broadcast_in_dim3A_156 : f32 to vector<16xf32>
        %broadcast_in_dim3A_158 = arith.constant -3.000000e+38 : f32
        %broadcast_in_dim3A_159 = vector.broadcast %broadcast_in_dim3A_158 : f32 to vector<16xf32>
        %broadcast_in_dim3A_160 = arith.constant -3.000000e+38 : f32
        %broadcast_in_dim3A_161 = vector.broadcast %broadcast_in_dim3A_160 : f32 to vector<16xf32>
        %broadcast_in_dim3A_162 = arith.constant -3.000000e+38 : f32
        %broadcast_in_dim3A_163 = vector.broadcast %broadcast_in_dim3A_162 : f32 to vector<16xf32>
        %broadcast_in_dim3A_164 = arith.constant -3.000000e+38 : f32
        %broadcast_in_dim3A_165 = vector.broadcast %broadcast_in_dim3A_164 : f32 to vector<16xf32>
        %broadcast_in_dim3A_166 = arith.constant -3.000000e+38 : f32
        %broadcast_in_dim3A_167 = vector.broadcast %broadcast_in_dim3A_166 : f32 to vector<16xf32>
        %broadcast_in_dim3A_168 = arith.constant -3.000000e+38 : f32
        %broadcast_in_dim3A_169 = vector.broadcast %broadcast_in_dim3A_168 : f32 to vector<16xf32>
        %broadcast_in_dim3A_170 = arith.constant -3.000000e+38 : f32
        %broadcast_in_dim3A_171 = vector.broadcast %broadcast_in_dim3A_170 : f32 to vector<16xf32>
        %broadcast_in_dim3A_172 = arith.constant -3.000000e+38 : f32
        %broadcast_in_dim3A_173 = vector.broadcast %broadcast_in_dim3A_172 : f32 to vector<16xf32>
        %broadcast_in_dim3A_174 = arith.constant -3.000000e+38 : f32
        %broadcast_in_dim3A_175 = vector.broadcast %broadcast_in_dim3A_174 : f32 to vector<16xf32>
        %broadcast_in_dim3A_176 = arith.constant -3.000000e+38 : f32
        %broadcast_in_dim3A_177 = vector.broadcast %broadcast_in_dim3A_176 : f32 to vector<16xf32>
        %broadcast_in_dim3A_178 = arith.constant -3.000000e+38 : f32
        %broadcast_in_dim3A_179 = vector.broadcast %broadcast_in_dim3A_178 : f32 to vector<16xf32>
        %broadcast_in_dim3A_180 = arith.constant -3.000000e+38 : f32
        %broadcast_in_dim3A_181 = vector.broadcast %broadcast_in_dim3A_180 : f32 to vector<16xf32>
        %broadcast_in_dim3A_182 = arith.constant -3.000000e+38 : f32
        %broadcast_in_dim3A_183 = vector.broadcast %broadcast_in_dim3A_182 : f32 to vector<16xf32>
        %broadcast_in_dim3A_184 = arith.constant -3.000000e+38 : f32
        %broadcast_in_dim3A_185 = vector.broadcast %broadcast_in_dim3A_184 : f32 to vector<16xf32>
        %broadcast_in_dim3A_186 = arith.constant -3.000000e+38 : f32
        %broadcast_in_dim3A_187 = vector.broadcast %broadcast_in_dim3A_186 : f32 to vector<16xf32>
        %broadcast_in_dim3A_188 = arith.constant -3.000000e+38 : f32
        %broadcast_in_dim3A_189 = vector.broadcast %broadcast_in_dim3A_188 : f32 to vector<16xf32>
        %broadcast_in_dim3A_190 = arith.constant -3.000000e+38 : f32
        %broadcast_in_dim3A_191 = vector.broadcast %broadcast_in_dim3A_190 : f32 to vector<16xf32>
        %broadcast_in_dim3A_192 = arith.constant -3.000000e+38 : f32
        %broadcast_in_dim3A_193 = vector.broadcast %broadcast_in_dim3A_192 : f32 to vector<16xf32>
        %scan3A_194 = arith.constant 0 : i32
        %scan3A_195 = arith.constant 64 : i32
        %scan3A_196 = arith.addi %scan3A_194, %scan3A_195 : i32
        %scan3A_197 = arith.constant 2 : i32
        %scan3A_198:20 = scf.for %scan3A_1159 = %scan3A_194 to %scan3A_196 step %scan3A_197 iter_args(%scan3A_1160 = %broadcast_in_dim3A_155, %scan3A_1161 = %broadcast_in_dim3A_157, %scan3A_1162 = %broadcast_in_dim3A_159, %scan3A_1163 = %broadcast_in_dim3A_161, %scan3A_1164 = %broadcast_in_dim3A_163, %scan3A_1165 = %broadcast_in_dim3A_165, %scan3A_1166 = %broadcast_in_dim3A_167, %scan3A_1167 = %broadcast_in_dim3A_169, %scan3A_1168 = %broadcast_in_dim3A_171, %scan3A_1169 = %broadcast_in_dim3A_173, %scan3A_1170 = %broadcast_in_dim3A_175, %scan3A_1171 = %broadcast_in_dim3A_177, %scan3A_1172 = %broadcast_in_dim3A_179, %scan3A_1173 = %broadcast_in_dim3A_181, %scan3A_1174 = %broadcast_in_dim3A_183, %scan3A_1175 = %broadcast_in_dim3A_185, %scan3A_1176 = %broadcast_in_dim3A_187, %scan3A_1177 = %broadcast_in_dim3A_189, %scan3A_1178 = %broadcast_in_dim3A_191, %scan3A_1179 = %broadcast_in_dim3A_193) -> (vector<16xf32>, vector<16xf32>, vector<16xf32>, vector<16xf32>, vector<16xf32>, vector<16xf32>, vector<16xf32>, vector<16xf32>, vector<16xf32>, vector<16xf32>, vector<16xf32>, vector<16xf32>, vector<16xf32>, vector<16xf32>, vector<16xf32>, vector<16xf32>, vector<16xf32>, vector<16xf32>, vector<16xf32>, vector<16xf32>)  : i32 {
          %mul3A_1180 = arith.constant 4 : i32
          %mul3A_1181 = arith.muli %mul3A_1180, %scan3A_1159 : i32
          %add3A_1182 = arith.constant 0 : i32
          %add3A_1183 = arith.addi %mul3A_1181, %add3A_1182 : i32
          %mul3A_1184 = arith.constant 16 : i32
          %mul3A_1185 = arith.muli %add3A_1183, %mul3A_1184 : i32
          %get3A_1186 = arith.index_cast %scan3A_106 : i32 to index
          %get3A_1187 = arith.index_cast %mul3A_1185 : i32 to index
          %get3A_1188 = tpu.vector_load %arg5[%get3A_1186, %get3A_1187] {strides = array<i32>} : memref<8x4096xf32, #tpu.memory_space<vmem>>, vector<1x16xf32>,
          %get3A_1189 = vector.shape_cast %get3A_1188 : vector<1x16xf32> to vector<16xf32>
          %mul3A_1190 = arith.constant 4 : i32
          %mul3A_1191 = arith.muli %mul3A_1190, %scan3A_1159 : i32
          %add3A_1192 = arith.constant 1 : i32
          %add3A_1193 = arith.addi %mul3A_1191, %add3A_1192 : i32
          %mul3A_1194 = arith.constant 16 : i32
          %mul3A_1195 = arith.muli %add3A_1193, %mul3A_1194 : i32
          %get3A_1196 = arith.index_cast %scan3A_106 : i32 to index
          %get3A_1197 = arith.index_cast %mul3A_1195 : i32 to index
          %get3A_1198 = tpu.vector_load %arg5[%get3A_1196, %get3A_1197] {strides = array<i32>} : memref<8x4096xf32, #tpu.memory_space<vmem>>, vector<1x16xf32>,
          %get3A_1199 = vector.shape_cast %get3A_1198 : vector<1x16xf32> to vector<16xf32>
          %mul3A_1200 = arith.constant 4 : i32
          %mul3A_1201 = arith.muli %mul3A_1200, %scan3A_1159 : i32
          %add3A_1202 = arith.constant 2 : i32
          %add3A_1203 = arith.addi %mul3A_1201, %add3A_1202 : i32
          %mul3A_1204 = arith.constant 16 : i32
          %mul3A_1205 = arith.muli %add3A_1203, %mul3A_1204 : i32
          %get3A_1206 = arith.index_cast %scan3A_106 : i32 to index
          %get3A_1207 = arith.index_cast %mul3A_1205 : i32 to index
          %get3A_1208 = tpu.vector_load %arg5[%get3A_1206, %get3A_1207] {strides = array<i32>} : memref<8x4096xf32, #tpu.memory_space<vmem>>, vector<1x16xf32>,
          %get3A_1209 = vector.shape_cast %get3A_1208 : vector<1x16xf32> to vector<16xf32>
          %mul3A_1210 = arith.constant 4 : i32
          %mul3A_1211 = arith.muli %mul3A_1210, %scan3A_1159 : i32
          %add3A_1212 = arith.constant 3 : i32
          %add3A_1213 = arith.addi %mul3A_1211, %add3A_1212 : i32
          %mul3A_1214 = arith.constant 16 : i32
          %mul3A_1215 = arith.muli %add3A_1213, %mul3A_1214 : i32
          %get3A_1216 = arith.index_cast %scan3A_106 : i32 to index
          %get3A_1217 = arith.index_cast %mul3A_1215 : i32 to index
          %get3A_1218 = tpu.vector_load %arg5[%get3A_1216, %get3A_1217] {strides = array<i32>} : memref<8x4096xf32, #tpu.memory_space<vmem>>, vector<1x16xf32>,
          %get3A_1219 = vector.shape_cast %get3A_1218 : vector<1x16xf32> to vector<16xf32>
          %max3A_1220 = arith.maximumf %get3A_1189, %get3A_1199 : vector<16xf32>
          %min3A = arith.minimumf %get3A_1189, %get3A_1199 : vector<16xf32>
          %max3A_1221 = arith.maximumf %get3A_1209, %get3A_1219 : vector<16xf32>
          %min3A_1222 = arith.minimumf %get3A_1209, %get3A_1219 : vector<16xf32>
          %max3A_1223 = arith.maximumf %max3A_1220, %max3A_1221 : vector<16xf32>
          %min3A_1224 = arith.minimumf %max3A_1220, %max3A_1221 : vector<16xf32>
          %max3A_1225 = arith.maximumf %min3A, %min3A_1222 : vector<16xf32>
          %min3A_1226 = arith.minimumf %min3A, %min3A_1222 : vector<16xf32>
          %max3A_1227 = arith.maximumf %max3A_1225, %min3A_1224 : vector<16xf32>
          %min3A_1228 = arith.minimumf %max3A_1225, %min3A_1224 : vector<16xf32>
          %min3A_1229 = arith.minimumf %scan3A_1160, %max3A_1223 : vector<16xf32>
          %max3A_1230 = arith.maximumf %scan3A_1160, %max3A_1223 : vector<16xf32>
          %min3A_1231 = arith.minimumf %scan3A_1161, %min3A_1229 : vector<16xf32>
          %max3A_1232 = arith.maximumf %scan3A_1161, %min3A_1229 : vector<16xf32>
          %min3A_1233 = arith.minimumf %scan3A_1162, %min3A_1231 : vector<16xf32>
          %max3A_1234 = arith.maximumf %scan3A_1162, %min3A_1231 : vector<16xf32>
          %min3A_1235 = arith.minimumf %scan3A_1163, %min3A_1233 : vector<16xf32>
          %max3A_1236 = arith.maximumf %scan3A_1163, %min3A_1233 : vector<16xf32>
          %min3A_1237 = arith.minimumf %scan3A_1164, %min3A_1235 : vector<16xf32>
          %max3A_1238 = arith.maximumf %scan3A_1164, %min3A_1235 : vector<16xf32>
          %min3A_1239 = arith.minimumf %scan3A_1165, %min3A_1237 : vector<16xf32>
          %max3A_1240 = arith.maximumf %scan3A_1165, %min3A_1237 : vector<16xf32>
          %min3A_1241 = arith.minimumf %scan3A_1166, %min3A_1239 : vector<16xf32>
          %max3A_1242 = arith.maximumf %scan3A_1166, %min3A_1239 : vector<16xf32>
          %min3A_1243 = arith.minimumf %scan3A_1167, %min3A_1241 : vector<16xf32>
          %max3A_1244 = arith.maximumf %scan3A_1167, %min3A_1241 : vector<16xf32>
          %min3A_1245 = arith.minimumf %scan3A_1168, %min3A_1243 : vector<16xf32>
          %max3A_1246 = arith.maximumf %scan3A_1168, %min3A_1243 : vector<16xf32>
          %max3A_1247 = arith.maximumf %scan3A_1169, %min3A_1245 : vector<16xf32>
          %min3A_1248 = arith.minimumf %scan3A_1170, %max3A_1227 : vector<16xf32>
          %max3A_1249 = arith.maximumf %scan3A_1170, %max3A_1227 : vector<16xf32>
          %min3A_1250 = arith.minimumf %scan3A_1171, %min3A_1248 : vector<16xf32>
          %max3A_1251 = arith.maximumf %scan3A_1171, %min3A_1248 : vector<16xf32>
          %min3A_1252 = arith.minimumf %scan3A_1172, %min3A_1250 : vector<16xf32>
          %max3A_1253 = arith.maximumf %scan3A_1172, %min3A_1250 : vector<16xf32>
          %min3A_1254 = arith.minimumf %scan3A_1173, %min3A_1252 : vector<16xf32>
          %max3A_1255 = arith.maximumf %scan3A_1173, %min3A_1252 : vector<16xf32>
          %max3A_1256 = arith.maximumf %scan3A_1174, %min3A_1254 : vector<16xf32>
          %min3A_1257 = arith.minimumf %scan3A_1175, %min3A_1228 : vector<16xf32>
          %max3A_1258 = arith.maximumf %scan3A_1175, %min3A_1228 : vector<16xf32>
          %min3A_1259 = arith.minimumf %scan3A_1176, %min3A_1257 : vector<16xf32>
          %max3A_1260 = arith.maximumf %scan3A_1176, %min3A_1257 : vector<16xf32>
          %max3A_1261 = arith.maximumf %scan3A_1177, %min3A_1259 : vector<16xf32>
          %min3A_1262 = arith.minimumf %scan3A_1178, %min3A_1226 : vector<16xf32>
          %max3A_1263 = arith.maximumf %scan3A_1178, %min3A_1226 : vector<16xf32>
          %max3A_1264 = arith.maximumf %scan3A_1179, %min3A_1262 : vector<16xf32>
          %scan3A_1265 = arith.constant 1 : i32
          %scan3A_1266 = arith.addi %scan3A_1159, %scan3A_1265 : i32
          %mul3A_1267 = arith.constant 4 : i32
          %mul3A_1268 = arith.muli %mul3A_1267, %scan3A_1266 : i32
          %add3A_1269 = arith.constant 0 : i32
          %add3A_1270 = arith.addi %mul3A_1268, %add3A_1269 : i32
          %mul3A_1271 = arith.constant 16 : i32
          %mul3A_1272 = arith.muli %add3A_1270, %mul3A_1271 : i32
          %get3A_1273 = arith.index_cast %scan3A_106 : i32 to index
          %get3A_1274 = arith.index_cast %mul3A_1272 : i32 to index
          %get3A_1275 = tpu.vector_load %arg5[%get3A_1273, %get3A_1274] {strides = array<i32>} : memref<8x4096xf32, #tpu.memory_space<vmem>>, vector<1x16xf32>,
          %get3A_1276 = vector.shape_cast %get3A_1275 : vector<1x16xf32> to vector<16xf32>
          %mul3A_1277 = arith.constant 4 : i32
          %mul3A_1278 = arith.muli %mul3A_1277, %scan3A_1266 : i32
          %add3A_1279 = arith.constant 1 : i32
          %add3A_1280 = arith.addi %mul3A_1278, %add3A_1279 : i32
          %mul3A_1281 = arith.constant 16 : i32
          %mul3A_1282 = arith.muli %add3A_1280, %mul3A_1281 : i32
          %get3A_1283 = arith.index_cast %scan3A_106 : i32 to index
          %get3A_1284 = arith.index_cast %mul3A_1282 : i32 to index
          %get3A_1285 = tpu.vector_load %arg5[%get3A_1283, %get3A_1284] {strides = array<i32>} : memref<8x4096xf32, #tpu.memory_space<vmem>>, vector<1x16xf32>,
          %get3A_1286 = vector.shape_cast %get3A_1285 : vector<1x16xf32> to vector<16xf32>
          %mul3A_1287 = arith.constant 4 : i32
          %mul3A_1288 = arith.muli %mul3A_1287, %scan3A_1266 : i32
          %add3A_1289 = arith.constant 2 : i32
          %add3A_1290 = arith.addi %mul3A_1288, %add3A_1289 : i32
          %mul3A_1291 = arith.constant 16 : i32
          %mul3A_1292 = arith.muli %add3A_1290, %mul3A_1291 : i32
          %get3A_1293 = arith.index_cast %scan3A_106 : i32 to index
          %get3A_1294 = arith.index_cast %mul3A_1292 : i32 to index
          %get3A_1295 = tpu.vector_load %arg5[%get3A_1293, %get3A_1294] {strides = array<i32>} : memref<8x4096xf32, #tpu.memory_space<vmem>>, vector<1x16xf32>,
          %get3A_1296 = vector.shape_cast %get3A_1295 : vector<1x16xf32> to vector<16xf32>
          %mul3A_1297 = arith.constant 4 : i32
          %mul3A_1298 = arith.muli %mul3A_1297, %scan3A_1266 : i32
          %add3A_1299 = arith.constant 3 : i32
          %add3A_1300 = arith.addi %mul3A_1298, %add3A_1299 : i32
          %mul3A_1301 = arith.constant 16 : i32
          %mul3A_1302 = arith.muli %add3A_1300, %mul3A_1301 : i32
          %get3A_1303 = arith.index_cast %scan3A_106 : i32 to index
          %get3A_1304 = arith.index_cast %mul3A_1302 : i32 to index
          %get3A_1305 = tpu.vector_load %arg5[%get3A_1303, %get3A_1304] {strides = array<i32>} : memref<8x4096xf32, #tpu.memory_space<vmem>>, vector<1x16xf32>,
          %get3A_1306 = vector.shape_cast %get3A_1305 : vector<1x16xf32> to vector<16xf32>
          %max3A_1307 = arith.maximumf %get3A_1276, %get3A_1286 : vector<16xf32>
          %min3A_1308 = arith.minimumf %get3A_1276, %get3A_1286 : vector<16xf32>
          %max3A_1309 = arith.maximumf %get3A_1296, %get3A_1306 : vector<16xf32>
          %min3A_1310 = arith.minimumf %get3A_1296, %get3A_1306 : vector<16xf32>
          %max3A_1311 = arith.maximumf %max3A_1307, %max3A_1309 : vector<16xf32>
          %min3A_1312 = arith.minimumf %max3A_1307, %max3A_1309 : vector<16xf32>
          %max3A_1313 = arith.maximumf %min3A_1308, %min3A_1310 : vector<16xf32>
          %min3A_1314 = arith.minimumf %min3A_1308, %min3A_1310 : vector<16xf32>
          %max3A_1315 = arith.maximumf %max3A_1313, %min3A_1312 : vector<16xf32>
          %min3A_1316 = arith.minimumf %max3A_1313, %min3A_1312 : vector<16xf32>
          %min3A_1317 = arith.minimumf %max3A_1230, %max3A_1311 : vector<16xf32>
          %max3A_1318 = arith.maximumf %max3A_1230, %max3A_1311 : vector<16xf32>
          %min3A_1319 = arith.minimumf %max3A_1232, %min3A_1317 : vector<16xf32>
          %max3A_1320 = arith.maximumf %max3A_1232, %min3A_1317 : vector<16xf32>
          %min3A_1321 = arith.minimumf %max3A_1234, %min3A_1319 : vector<16xf32>
          %max3A_1322 = arith.maximumf %max3A_1234, %min3A_1319 : vector<16xf32>
          %min3A_1323 = arith.minimumf %max3A_1236, %min3A_1321 : vector<16xf32>
          %max3A_1324 = arith.maximumf %max3A_1236, %min3A_1321 : vector<16xf32>
          %min3A_1325 = arith.minimumf %max3A_1238, %min3A_1323 : vector<16xf32>
          %max3A_1326 = arith.maximumf %max3A_1238, %min3A_1323 : vector<16xf32>
          %min3A_1327 = arith.minimumf %max3A_1240, %min3A_1325 : vector<16xf32>
          %max3A_1328 = arith.maximumf %max3A_1240, %min3A_1325 : vector<16xf32>
          %min3A_1329 = arith.minimumf %max3A_1242, %min3A_1327 : vector<16xf32>
          %max3A_1330 = arith.maximumf %max3A_1242, %min3A_1327 : vector<16xf32>
          %min3A_1331 = arith.minimumf %max3A_1244, %min3A_1329 : vector<16xf32>
          %max3A_1332 = arith.maximumf %max3A_1244, %min3A_1329 : vector<16xf32>
          %min3A_1333 = arith.minimumf %max3A_1246, %min3A_1331 : vector<16xf32>
          %max3A_1334 = arith.maximumf %max3A_1246, %min3A_1331 : vector<16xf32>
          %max3A_1335 = arith.maximumf %max3A_1247, %min3A_1333 : vector<16xf32>
          %min3A_1336 = arith.minimumf %max3A_1249, %max3A_1315 : vector<16xf32>
          %max3A_1337 = arith.maximumf %max3A_1249, %max3A_1315 : vector<16xf32>
          %min3A_1338 = arith.minimumf %max3A_1251, %min3A_1336 : vector<16xf32>
          %max3A_1339 = arith.maximumf %max3A_1251, %min3A_1336 : vector<16xf32>
          %min3A_1340 = arith.minimumf %max3A_1253, %min3A_1338 : vector<16xf32>
          %max3A_1341 = arith.maximumf %max3A_1253, %min3A_1338 : vector<16xf32>
          %min3A_1342 = arith.minimumf %max3A_1255, %min3A_1340 : vector<16xf32>
          %max3A_1343 = arith.maximumf %max3A_1255, %min3A_1340 : vector<16xf32>
          %max3A_1344 = arith.maximumf %max3A_1256, %min3A_1342 : vector<16xf32>
          %min3A_1345 = arith.minimumf %max3A_1258, %min3A_1316 : vector<16xf32>
          %max3A_1346 = arith.maximumf %max3A_1258, %min3A_1316 : vector<16xf32>
          %min3A_1347 = arith.minimumf %max3A_1260, %min3A_1345 : vector<16xf32>
          %max3A_1348 = arith.maximumf %max3A_1260, %min3A_1345 : vector<16xf32>
          %max3A_1349 = arith.maximumf %max3A_1261, %min3A_1347 : vector<16xf32>
          %min3A_1350 = arith.minimumf %max3A_1263, %min3A_1314 : vector<16xf32>
          %max3A_1351 = arith.maximumf %max3A_1263, %min3A_1314 : vector<16xf32>
          %max3A_1352 = arith.maximumf %max3A_1264, %min3A_1350 : vector<16xf32>
          scf.yield %max3A_1318, %max3A_1320, %max3A_1322, %max3A_1324, %max3A_1326, %max3A_1328, %max3A_1330, %max3A_1332, %max3A_1334, %max3A_1335, %max3A_1337, %max3A_1339, %max3A_1341, %max3A_1343, %max3A_1344, %max3A_1346, %max3A_1348, %max3A_1349, %max3A_1351, %max3A_1352 : vector<16xf32>, vector<16xf32>, vector<16xf32>, vector<16xf32>, vector<16xf32>, vector<16xf32>, vector<16xf32>, vector<16xf32>, vector<16xf32>, vector<16xf32>, vector<16xf32>, vector<16xf32>, vector<16xf32>, vector<16xf32>, vector<16xf32>, vector<16xf32>, vector<16xf32>, vector<16xf32>, vector<16xf32>, vector<16xf32>
        }
        %scan3A_199 = arith.constant 64 : i32
        %broadcast_in_dim3A_200 = arith.constant 0.000000e+00 : f32
        %broadcast_in_dim3A_201 = vector.broadcast %broadcast_in_dim3A_200 : f32 to vector<16xf32>
        %max3A = arith.maximumf %scan3A_198#0, %scan3A_198#10 : vector<16xf32>
        %max3A_202 = arith.maximumf %scan3A_198#15, %scan3A_198#18 : vector<16xf32>
        %max3A_203 = arith.maximumf %max3A, %max3A_202 : vector<16xf32>
        %xor3A = arith.constant 1 : i32
        %xor3A_204 = vector.broadcast %xor3A : i32 to vector<16xi32>
        %xor3A_205 = arith.xori %iota3A, %xor3A_204 : vector<16xi32>
        %lt3A_206 = arith.constant 0 : i32
        %lt3A_207 = vector.broadcast %lt3A_206 : i32 to vector<16xi32>
        %lt3A_208 = arith.cmpi slt, %xor3A_205, %lt3A_207 : vector<16xi32>
        %add3A_209 = arith.constant 16 : i32
        %add3A_210 = vector.broadcast %add3A_209 : i32 to vector<16xi32>
        %add3A_211 = arith.addi %xor3A_205, %add3A_210 : vector<16xi32>
        %select_n3A_212 = arith.select %lt3A_208, %add3A_211, %xor3A_205 : vector<16xi1>, vector<16xi32>
        %broadcast_in_dim3A_213 = vector.shape_cast %select_n3A_212 : vector<16xi32> to vector<16x1xi32>
        %gather3A_214 = vector.shape_cast %broadcast_in_dim3A_213 : vector<16x1xi32> to vector<16xi32>
        %gather3A_215 = tpu.dynamic_gather %max3A_203[%gather3A_214] in [0] : vector<16xf32>, vector<16xi32> -> vector<16xf32>
        %max3A_216 = arith.maximumf %max3A_203, %gather3A_215 : vector<16xf32>
        %xor3A_217 = arith.constant 2 : i32
        %xor3A_218 = vector.broadcast %xor3A_217 : i32 to vector<16xi32>
        %xor3A_219 = arith.xori %iota3A, %xor3A_218 : vector<16xi32>
        %lt3A_220 = arith.constant 0 : i32
        %lt3A_221 = vector.broadcast %lt3A_220 : i32 to vector<16xi32>
        %lt3A_222 = arith.cmpi slt, %xor3A_219, %lt3A_221 : vector<16xi32>
        %add3A_223 = arith.constant 16 : i32
        %add3A_224 = vector.broadcast %add3A_223 : i32 to vector<16xi32>
        %add3A_225 = arith.addi %xor3A_219, %add3A_224 : vector<16xi32>
        %select_n3A_226 = arith.select %lt3A_222, %add3A_225, %xor3A_219 : vector<16xi1>, vector<16xi32>
        %broadcast_in_dim3A_227 = vector.shape_cast %select_n3A_226 : vector<16xi32> to vector<16x1xi32>
        %gather3A_228 = vector.shape_cast %broadcast_in_dim3A_227 : vector<16x1xi32> to vector<16xi32>
        %gather3A_229 = tpu.dynamic_gather %max3A_216[%gather3A_228] in [0] : vector<16xf32>, vector<16xi32> -> vector<16xf32>
        %max3A_230 = arith.maximumf %max3A_216, %gather3A_229 : vector<16xf32>
        %xor3A_231 = arith.constant 4 : i32
        %xor3A_232 = vector.broadcast %xor3A_231 : i32 to vector<16xi32>
        %xor3A_233 = arith.xori %iota3A, %xor3A_232 : vector<16xi32>
        %lt3A_234 = arith.constant 0 : i32
        %lt3A_235 = vector.broadcast %lt3A_234 : i32 to vector<16xi32>
        %lt3A_236 = arith.cmpi slt, %xor3A_233, %lt3A_235 : vector<16xi32>
        %add3A_237 = arith.constant 16 : i32
        %add3A_238 = vector.broadcast %add3A_237 : i32 to vector<16xi32>
        %add3A_239 = arith.addi %xor3A_233, %add3A_238 : vector<16xi32>
        %select_n3A_240 = arith.select %lt3A_236, %add3A_239, %xor3A_233 : vector<16xi1>, vector<16xi32>
        %broadcast_in_dim3A_241 = vector.shape_cast %select_n3A_240 : vector<16xi32> to vector<16x1xi32>
        %gather3A_242 = vector.shape_cast %broadcast_in_dim3A_241 : vector<16x1xi32> to vector<16xi32>
        %gather3A_243 = tpu.dynamic_gather %max3A_230[%gather3A_242] in [0] : vector<16xf32>, vector<16xi32> -> vector<16xf32>
        %max3A_244 = arith.maximumf %max3A_230, %gather3A_243 : vector<16xf32>
        %xor3A_245 = arith.constant 8 : i32
        %xor3A_246 = vector.broadcast %xor3A_245 : i32 to vector<16xi32>
        %xor3A_247 = arith.xori %iota3A, %xor3A_246 : vector<16xi32>
        %lt3A_248 = arith.constant 0 : i32
        %lt3A_249 = vector.broadcast %lt3A_248 : i32 to vector<16xi32>
        %lt3A_250 = arith.cmpi slt, %xor3A_247, %lt3A_249 : vector<16xi32>
        %add3A_251 = arith.constant 16 : i32
        %add3A_252 = vector.broadcast %add3A_251 : i32 to vector<16xi32>
        %add3A_253 = arith.addi %xor3A_247, %add3A_252 : vector<16xi32>
        %select_n3A_254 = arith.select %lt3A_250, %add3A_253, %xor3A_247 : vector<16xi1>, vector<16xi32>
        %broadcast_in_dim3A_255 = vector.shape_cast %select_n3A_254 : vector<16xi32> to vector<16x1xi32>
        %gather3A_256 = vector.shape_cast %broadcast_in_dim3A_255 : vector<16x1xi32> to vector<16xi32>
        %gather3A_257 = tpu.dynamic_gather %max3A_244[%gather3A_256] in [0] : vector<16xf32>, vector<16xi32> -> vector<16xf32>
        %max3A_258 = arith.maximumf %max3A_244, %gather3A_257 : vector<16xf32>
        %eq3A_259 = arith.cmpf oeq, %scan3A_198#0, %max3A_258 : vector<16xf32>
        %select_n3A_260 = arith.select %eq3A_259, %scan3A_198#1, %scan3A_198#0 : vector<16xi1>, vector<16xf32>
        %select_n3A_261 = arith.select %eq3A_259, %scan3A_198#2, %scan3A_198#1 : vector<16xi1>, vector<16xf32>
        %select_n3A_262 = arith.select %eq3A_259, %scan3A_198#3, %scan3A_198#2 : vector<16xi1>, vector<16xf32>
        %select_n3A_263 = arith.select %eq3A_259, %scan3A_198#4, %scan3A_198#3 : vector<16xi1>, vector<16xf32>
        %select_n3A_264 = arith.select %eq3A_259, %scan3A_198#5, %scan3A_198#4 : vector<16xi1>, vector<16xf32>
        %select_n3A_265 = arith.select %eq3A_259, %scan3A_198#6, %scan3A_198#5 : vector<16xi1>, vector<16xf32>
        %select_n3A_266 = arith.select %eq3A_259, %scan3A_198#7, %scan3A_198#6 : vector<16xi1>, vector<16xf32>
        %select_n3A_267 = arith.select %eq3A_259, %scan3A_198#8, %scan3A_198#7 : vector<16xi1>, vector<16xf32>
        %select_n3A_268 = arith.select %eq3A_259, %scan3A_198#9, %scan3A_198#8 : vector<16xi1>, vector<16xf32>
        %jit3A_269 = arith.constant -3.000000e+38 : f32
        %broadcast_in_dim3A_270 = vector.broadcast %jit3A_269 : f32 to vector<16xf32>
        %select_n3A_271 = arith.select %eq3A_259, %broadcast_in_dim3A_270, %scan3A_198#9 : vector<16xi1>, vector<16xf32>
        %eq3A_272 = arith.cmpf oeq, %scan3A_198#10, %max3A_258 : vector<16xf32>
        %select_n3A_273 = arith.select %eq3A_272, %scan3A_198#11, %scan3A_198#10 : vector<16xi1>, vector<16xf32>
        %select_n3A_274 = arith.select %eq3A_272, %scan3A_198#12, %scan3A_198#11 : vector<16xi1>, vector<16xf32>
        %select_n3A_275 = arith.select %eq3A_272, %scan3A_198#13, %scan3A_198#12 : vector<16xi1>, vector<16xf32>
        %select_n3A_276 = arith.select %eq3A_272, %scan3A_198#14, %scan3A_198#13 : vector<16xi1>, vector<16xf32>
        %jit3A_277 = arith.constant -3.000000e+38 : f32
        %broadcast_in_dim3A_278 = vector.broadcast %jit3A_277 : f32 to vector<16xf32>
        %select_n3A_279 = arith.select %eq3A_272, %broadcast_in_dim3A_278, %scan3A_198#14 : vector<16xi1>, vector<16xf32>
        %eq3A_280 = arith.cmpf oeq, %scan3A_198#15, %max3A_258 : vector<16xf32>
        %select_n3A_281 = arith.select %eq3A_280, %scan3A_198#16, %scan3A_198#15 : vector<16xi1>, vector<16xf32>
        %select_n3A_282 = arith.select %eq3A_280, %scan3A_198#17, %scan3A_198#16 : vector<16xi1>, vector<16xf32>
        %jit3A_283 = arith.constant -3.000000e+38 : f32
        %broadcast_in_dim3A_284 = vector.broadcast %jit3A_283 : f32 to vector<16xf32>
        %select_n3A_285 = arith.select %eq3A_280, %broadcast_in_dim3A_284, %scan3A_198#17 : vector<16xi1>, vector<16xf32>
        %eq3A_286 = arith.cmpf oeq, %scan3A_198#18, %max3A_258 : vector<16xf32>
        %select_n3A_287 = arith.select %eq3A_286, %scan3A_198#19, %scan3A_198#18 : vector<16xi1>, vector<16xf32>
        %jit3A_288 = arith.constant -3.000000e+38 : f32
        %broadcast_in_dim3A_289 = vector.broadcast %jit3A_288 : f32 to vector<16xf32>
        %select_n3A_290 = arith.select %eq3A_286, %broadcast_in_dim3A_289, %scan3A_198#19 : vector<16xi1>, vector<16xf32>
        %eq3A_291 = arith.constant 0 : i32
        %eq3A_292 = vector.broadcast %eq3A_291 : i32 to vector<16xi32>
        %eq3A_293 = arith.cmpi eq, %iota3A, %eq3A_292 : vector<16xi32>
        %select_n3A_294 = arith.select %eq3A_293, %max3A_258, %broadcast_in_dim3A_201 : vector<16xi1>, vector<16xf32>
        %max3A_295 = arith.maximumf %select_n3A_260, %select_n3A_273 : vector<16xf32>
        %max3A_296 = arith.maximumf %select_n3A_281, %select_n3A_287 : vector<16xf32>
        %max3A_297 = arith.maximumf %max3A_295, %max3A_296 : vector<16xf32>
        %xor3A_298 = arith.constant 1 : i32
        %xor3A_299 = vector.broadcast %xor3A_298 : i32 to vector<16xi32>
        %xor3A_300 = arith.xori %iota3A, %xor3A_299 : vector<16xi32>
        %lt3A_301 = arith.constant 0 : i32
        %lt3A_302 = vector.broadcast %lt3A_301 : i32 to vector<16xi32>
        %lt3A_303 = arith.cmpi slt, %xor3A_300, %lt3A_302 : vector<16xi32>
        %add3A_304 = arith.constant 16 : i32
        %add3A_305 = vector.broadcast %add3A_304 : i32 to vector<16xi32>
        %add3A_306 = arith.addi %xor3A_300, %add3A_305 : vector<16xi32>
        %select_n3A_307 = arith.select %lt3A_303, %add3A_306, %xor3A_300 : vector<16xi1>, vector<16xi32>
        %broadcast_in_dim3A_308 = vector.shape_cast %select_n3A_307 : vector<16xi32> to vector<16x1xi32>
        %gather3A_309 = vector.shape_cast %broadcast_in_dim3A_308 : vector<16x1xi32> to vector<16xi32>
        %gather3A_310 = tpu.dynamic_gather %max3A_297[%gather3A_309] in [0] : vector<16xf32>, vector<16xi32> -> vector<16xf32>
        %max3A_311 = arith.maximumf %max3A_297, %gather3A_310 : vector<16xf32>
        %xor3A_312 = arith.constant 2 : i32
        %xor3A_313 = vector.broadcast %xor3A_312 : i32 to vector<16xi32>
        %xor3A_314 = arith.xori %iota3A, %xor3A_313 : vector<16xi32>
        %lt3A_315 = arith.constant 0 : i32
        %lt3A_316 = vector.broadcast %lt3A_315 : i32 to vector<16xi32>
        %lt3A_317 = arith.cmpi slt, %xor3A_314, %lt3A_316 : vector<16xi32>
        %add3A_318 = arith.constant 16 : i32
        %add3A_319 = vector.broadcast %add3A_318 : i32 to vector<16xi32>
        %add3A_320 = arith.addi %xor3A_314, %add3A_319 : vector<16xi32>
        %select_n3A_321 = arith.select %lt3A_317, %add3A_320, %xor3A_314 : vector<16xi1>, vector<16xi32>
        %broadcast_in_dim3A_322 = vector.shape_cast %select_n3A_321 : vector<16xi32> to vector<16x1xi32>
        %gather3A_323 = vector.shape_cast %broadcast_in_dim3A_322 : vector<16x1xi32> to vector<16xi32>
        %gather3A_324 = tpu.dynamic_gather %max3A_311[%gather3A_323] in [0] : vector<16xf32>, vector<16xi32> -> vector<16xf32>
        %max3A_325 = arith.maximumf %max3A_311, %gather3A_324 : vector<16xf32>
        %xor3A_326 = arith.constant 4 : i32
        %xor3A_327 = vector.broadcast %xor3A_326 : i32 to vector<16xi32>
        %xor3A_328 = arith.xori %iota3A, %xor3A_327 : vector<16xi32>
        %lt3A_329 = arith.constant 0 : i32
        %lt3A_330 = vector.broadcast %lt3A_329 : i32 to vector<16xi32>
        %lt3A_331 = arith.cmpi slt, %xor3A_328, %lt3A_330 : vector<16xi32>
        %add3A_332 = arith.constant 16 : i32
        %add3A_333 = vector.broadcast %add3A_332 : i32 to vector<16xi32>
        %add3A_334 = arith.addi %xor3A_328, %add3A_333 : vector<16xi32>
        %select_n3A_335 = arith.select %lt3A_331, %add3A_334, %xor3A_328 : vector<16xi1>, vector<16xi32>
        %broadcast_in_dim3A_336 = vector.shape_cast %select_n3A_335 : vector<16xi32> to vector<16x1xi32>
        %gather3A_337 = vector.shape_cast %broadcast_in_dim3A_336 : vector<16x1xi32> to vector<16xi32>
        %gather3A_338 = tpu.dynamic_gather %max3A_325[%gather3A_337] in [0] : vector<16xf32>, vector<16xi32> -> vector<16xf32>
        %max3A_339 = arith.maximumf %max3A_325, %gather3A_338 : vector<16xf32>
        %xor3A_340 = arith.constant 8 : i32
        %xor3A_341 = vector.broadcast %xor3A_340 : i32 to vector<16xi32>
        %xor3A_342 = arith.xori %iota3A, %xor3A_341 : vector<16xi32>
        %lt3A_343 = arith.constant 0 : i32
        %lt3A_344 = vector.broadcast %lt3A_343 : i32 to vector<16xi32>
        %lt3A_345 = arith.cmpi slt, %xor3A_342, %lt3A_344 : vector<16xi32>
        %add3A_346 = arith.constant 16 : i32
        %add3A_347 = vector.broadcast %add3A_346 : i32 to vector<16xi32>
        %add3A_348 = arith.addi %xor3A_342, %add3A_347 : vector<16xi32>
        %select_n3A_349 = arith.select %lt3A_345, %add3A_348, %xor3A_342 : vector<16xi1>, vector<16xi32>
        %broadcast_in_dim3A_350 = vector.shape_cast %select_n3A_349 : vector<16xi32> to vector<16x1xi32>
        %gather3A_351 = vector.shape_cast %broadcast_in_dim3A_350 : vector<16x1xi32> to vector<16xi32>
        %gather3A_352 = tpu.dynamic_gather %max3A_339[%gather3A_351] in [0] : vector<16xf32>, vector<16xi32> -> vector<16xf32>
        %max3A_353 = arith.maximumf %max3A_339, %gather3A_352 : vector<16xf32>
        %eq3A_354 = arith.cmpf oeq, %select_n3A_260, %max3A_353 : vector<16xf32>
        %select_n3A_355 = arith.select %eq3A_354, %select_n3A_261, %select_n3A_260 : vector<16xi1>, vector<16xf32>
        %select_n3A_356 = arith.select %eq3A_354, %select_n3A_262, %select_n3A_261 : vector<16xi1>, vector<16xf32>
        %select_n3A_357 = arith.select %eq3A_354, %select_n3A_263, %select_n3A_262 : vector<16xi1>, vector<16xf32>
        %select_n3A_358 = arith.select %eq3A_354, %select_n3A_264, %select_n3A_263 : vector<16xi1>, vector<16xf32>
        %select_n3A_359 = arith.select %eq3A_354, %select_n3A_265, %select_n3A_264 : vector<16xi1>, vector<16xf32>
        %select_n3A_360 = arith.select %eq3A_354, %select_n3A_266, %select_n3A_265 : vector<16xi1>, vector<16xf32>
        %select_n3A_361 = arith.select %eq3A_354, %select_n3A_267, %select_n3A_266 : vector<16xi1>, vector<16xf32>
        %select_n3A_362 = arith.select %eq3A_354, %select_n3A_268, %select_n3A_267 : vector<16xi1>, vector<16xf32>
        %select_n3A_363 = arith.select %eq3A_354, %select_n3A_271, %select_n3A_268 : vector<16xi1>, vector<16xf32>
        %jit3A_364 = arith.constant -3.000000e+38 : f32
        %broadcast_in_dim3A_365 = vector.broadcast %jit3A_364 : f32 to vector<16xf32>
        %select_n3A_366 = arith.select %eq3A_354, %broadcast_in_dim3A_365, %select_n3A_271 : vector<16xi1>, vector<16xf32>
        %eq3A_367 = arith.cmpf oeq, %select_n3A_273, %max3A_353 : vector<16xf32>
        %select_n3A_368 = arith.select %eq3A_367, %select_n3A_274, %select_n3A_273 : vector<16xi1>, vector<16xf32>
        %select_n3A_369 = arith.select %eq3A_367, %select_n3A_275, %select_n3A_274 : vector<16xi1>, vector<16xf32>
        %select_n3A_370 = arith.select %eq3A_367, %select_n3A_276, %select_n3A_275 : vector<16xi1>, vector<16xf32>
        %select_n3A_371 = arith.select %eq3A_367, %select_n3A_279, %select_n3A_276 : vector<16xi1>, vector<16xf32>
        %jit3A_372 = arith.constant -3.000000e+38 : f32
        %broadcast_in_dim3A_373 = vector.broadcast %jit3A_372 : f32 to vector<16xf32>
        %select_n3A_374 = arith.select %eq3A_367, %broadcast_in_dim3A_373, %select_n3A_279 : vector<16xi1>, vector<16xf32>
        %eq3A_375 = arith.cmpf oeq, %select_n3A_281, %max3A_353 : vector<16xf32>
        %select_n3A_376 = arith.select %eq3A_375, %select_n3A_282, %select_n3A_281 : vector<16xi1>, vector<16xf32>
        %select_n3A_377 = arith.select %eq3A_375, %select_n3A_285, %select_n3A_282 : vector<16xi1>, vector<16xf32>
        %jit3A_378 = arith.constant -3.000000e+38 : f32
        %broadcast_in_dim3A_379 = vector.broadcast %jit3A_378 : f32 to vector<16xf32>
        %select_n3A_380 = arith.select %eq3A_375, %broadcast_in_dim3A_379, %select_n3A_285 : vector<16xi1>, vector<16xf32>
        %eq3A_381 = arith.cmpf oeq, %select_n3A_287, %max3A_353 : vector<16xf32>
        %select_n3A_382 = arith.select %eq3A_381, %select_n3A_290, %select_n3A_287 : vector<16xi1>, vector<16xf32>
        %jit3A_383 = arith.constant -3.000000e+38 : f32
        %broadcast_in_dim3A_384 = vector.broadcast %jit3A_383 : f32 to vector<16xf32>
        %select_n3A_385 = arith.select %eq3A_381, %broadcast_in_dim3A_384, %select_n3A_290 : vector<16xi1>, vector<16xf32>
        %eq3A_386 = arith.constant 1 : i32
        %eq3A_387 = vector.broadcast %eq3A_386 : i32 to vector<16xi32>
        %eq3A_388 = arith.cmpi eq, %iota3A, %eq3A_387 : vector<16xi32>
        %select_n3A_389 = arith.select %eq3A_388, %max3A_353, %select_n3A_294 : vector<16xi1>, vector<16xf32>
        %max3A_390 = arith.maximumf %select_n3A_355, %select_n3A_368 : vector<16xf32>
        %max3A_391 = arith.maximumf %select_n3A_376, %select_n3A_382 : vector<16xf32>
        %max3A_392 = arith.maximumf %max3A_390, %max3A_391 : vector<16xf32>
        %xor3A_393 = arith.constant 1 : i32
        %xor3A_394 = vector.broadcast %xor3A_393 : i32 to vector<16xi32>
        %xor3A_395 = arith.xori %iota3A, %xor3A_394 : vector<16xi32>
        %lt3A_396 = arith.constant 0 : i32
        %lt3A_397 = vector.broadcast %lt3A_396 : i32 to vector<16xi32>
        %lt3A_398 = arith.cmpi slt, %xor3A_395, %lt3A_397 : vector<16xi32>
        %add3A_399 = arith.constant 16 : i32
        %add3A_400 = vector.broadcast %add3A_399 : i32 to vector<16xi32>
        %add3A_401 = arith.addi %xor3A_395, %add3A_400 : vector<16xi32>
        %select_n3A_402 = arith.select %lt3A_398, %add3A_401, %xor3A_395 : vector<16xi1>, vector<16xi32>
        %broadcast_in_dim3A_403 = vector.shape_cast %select_n3A_402 : vector<16xi32> to vector<16x1xi32>
        %gather3A_404 = vector.shape_cast %broadcast_in_dim3A_403 : vector<16x1xi32> to vector<16xi32>
        %gather3A_405 = tpu.dynamic_gather %max3A_392[%gather3A_404] in [0] : vector<16xf32>, vector<16xi32> -> vector<16xf32>
        %max3A_406 = arith.maximumf %max3A_392, %gather3A_405 : vector<16xf32>
        %xor3A_407 = arith.constant 2 : i32
        %xor3A_408 = vector.broadcast %xor3A_407 : i32 to vector<16xi32>
        %xor3A_409 = arith.xori %iota3A, %xor3A_408 : vector<16xi32>
        %lt3A_410 = arith.constant 0 : i32
        %lt3A_411 = vector.broadcast %lt3A_410 : i32 to vector<16xi32>
        %lt3A_412 = arith.cmpi slt, %xor3A_409, %lt3A_411 : vector<16xi32>
        %add3A_413 = arith.constant 16 : i32
        %add3A_414 = vector.broadcast %add3A_413 : i32 to vector<16xi32>
        %add3A_415 = arith.addi %xor3A_409, %add3A_414 : vector<16xi32>
        %select_n3A_416 = arith.select %lt3A_412, %add3A_415, %xor3A_409 : vector<16xi1>, vector<16xi32>
        %broadcast_in_dim3A_417 = vector.shape_cast %select_n3A_416 : vector<16xi32> to vector<16x1xi32>
        %gather3A_418 = vector.shape_cast %broadcast_in_dim3A_417 : vector<16x1xi32> to vector<16xi32>
        %gather3A_419 = tpu.dynamic_gather %max3A_406[%gather3A_418] in [0] : vector<16xf32>, vector<16xi32> -> vector<16xf32>
        %max3A_420 = arith.maximumf %max3A_406, %gather3A_419 : vector<16xf32>
        %xor3A_421 = arith.constant 4 : i32
        %xor3A_422 = vector.broadcast %xor3A_421 : i32 to vector<16xi32>
        %xor3A_423 = arith.xori %iota3A, %xor3A_422 : vector<16xi32>
        %lt3A_424 = arith.constant 0 : i32
        %lt3A_425 = vector.broadcast %lt3A_424 : i32 to vector<16xi32>
        %lt3A_426 = arith.cmpi slt, %xor3A_423, %lt3A_425 : vector<16xi32>
        %add3A_427 = arith.constant 16 : i32
        %add3A_428 = vector.broadcast %add3A_427 : i32 to vector<16xi32>
        %add3A_429 = arith.addi %xor3A_423, %add3A_428 : vector<16xi32>
        %select_n3A_430 = arith.select %lt3A_426, %add3A_429, %xor3A_423 : vector<16xi1>, vector<16xi32>
        %broadcast_in_dim3A_431 = vector.shape_cast %select_n3A_430 : vector<16xi32> to vector<16x1xi32>
        %gather3A_432 = vector.shape_cast %broadcast_in_dim3A_431 : vector<16x1xi32> to vector<16xi32>
        %gather3A_433 = tpu.dynamic_gather %max3A_420[%gather3A_432] in [0] : vector<16xf32>, vector<16xi32> -> vector<16xf32>
        %max3A_434 = arith.maximumf %max3A_420, %gather3A_433 : vector<16xf32>
        %xor3A_435 = arith.constant 8 : i32
        %xor3A_436 = vector.broadcast %xor3A_435 : i32 to vector<16xi32>
        %xor3A_437 = arith.xori %iota3A, %xor3A_436 : vector<16xi32>
        %lt3A_438 = arith.constant 0 : i32
        %lt3A_439 = vector.broadcast %lt3A_438 : i32 to vector<16xi32>
        %lt3A_440 = arith.cmpi slt, %xor3A_437, %lt3A_439 : vector<16xi32>
        %add3A_441 = arith.constant 16 : i32
        %add3A_442 = vector.broadcast %add3A_441 : i32 to vector<16xi32>
        %add3A_443 = arith.addi %xor3A_437, %add3A_442 : vector<16xi32>
        %select_n3A_444 = arith.select %lt3A_440, %add3A_443, %xor3A_437 : vector<16xi1>, vector<16xi32>
        %broadcast_in_dim3A_445 = vector.shape_cast %select_n3A_444 : vector<16xi32> to vector<16x1xi32>
        %gather3A_446 = vector.shape_cast %broadcast_in_dim3A_445 : vector<16x1xi32> to vector<16xi32>
        %gather3A_447 = tpu.dynamic_gather %max3A_434[%gather3A_446] in [0] : vector<16xf32>, vector<16xi32> -> vector<16xf32>
        %max3A_448 = arith.maximumf %max3A_434, %gather3A_447 : vector<16xf32>
        %eq3A_449 = arith.cmpf oeq, %select_n3A_355, %max3A_448 : vector<16xf32>
        %select_n3A_450 = arith.select %eq3A_449, %select_n3A_356, %select_n3A_355 : vector<16xi1>, vector<16xf32>
        %select_n3A_451 = arith.select %eq3A_449, %select_n3A_357, %select_n3A_356 : vector<16xi1>, vector<16xf32>
        %select_n3A_452 = arith.select %eq3A_449, %select_n3A_358, %select_n3A_357 : vector<16xi1>, vector<16xf32>
        %select_n3A_453 = arith.select %eq3A_449, %select_n3A_359, %select_n3A_358 : vector<16xi1>, vector<16xf32>
        %select_n3A_454 = arith.select %eq3A_449, %select_n3A_360, %select_n3A_359 : vector<16xi1>, vector<16xf32>
        %select_n3A_455 = arith.select %eq3A_449, %select_n3A_361, %select_n3A_360 : vector<16xi1>, vector<16xf32>
        %select_n3A_456 = arith.select %eq3A_449, %select_n3A_362, %select_n3A_361 : vector<16xi1>, vector<16xf32>
        %select_n3A_457 = arith.select %eq3A_449, %select_n3A_363, %select_n3A_362 : vector<16xi1>, vector<16xf32>
        %select_n3A_458 = arith.select %eq3A_449, %select_n3A_366, %select_n3A_363 : vector<16xi1>, vector<16xf32>
        %jit3A_459 = arith.constant -3.000000e+38 : f32
        %broadcast_in_dim3A_460 = vector.broadcast %jit3A_459 : f32 to vector<16xf32>
        %select_n3A_461 = arith.select %eq3A_449, %broadcast_in_dim3A_460, %select_n3A_366 : vector<16xi1>, vector<16xf32>
        %eq3A_462 = arith.cmpf oeq, %select_n3A_368, %max3A_448 : vector<16xf32>
        %select_n3A_463 = arith.select %eq3A_462, %select_n3A_369, %select_n3A_368 : vector<16xi1>, vector<16xf32>
        %select_n3A_464 = arith.select %eq3A_462, %select_n3A_370, %select_n3A_369 : vector<16xi1>, vector<16xf32>
        %select_n3A_465 = arith.select %eq3A_462, %select_n3A_371, %select_n3A_370 : vector<16xi1>, vector<16xf32>
        %select_n3A_466 = arith.select %eq3A_462, %select_n3A_374, %select_n3A_371 : vector<16xi1>, vector<16xf32>
        %jit3A_467 = arith.constant -3.000000e+38 : f32
        %broadcast_in_dim3A_468 = vector.broadcast %jit3A_467 : f32 to vector<16xf32>
        %select_n3A_469 = arith.select %eq3A_462, %broadcast_in_dim3A_468, %select_n3A_374 : vector<16xi1>, vector<16xf32>
        %eq3A_470 = arith.cmpf oeq, %select_n3A_376, %max3A_448 : vector<16xf32>
        %select_n3A_471 = arith.select %eq3A_470, %select_n3A_377, %select_n3A_376 : vector<16xi1>, vector<16xf32>
        %select_n3A_472 = arith.select %eq3A_470, %select_n3A_380, %select_n3A_377 : vector<16xi1>, vector<16xf32>
        %jit3A_473 = arith.constant -3.000000e+38 : f32
        %broadcast_in_dim3A_474 = vector.broadcast %jit3A_473 : f32 to vector<16xf32>
        %select_n3A_475 = arith.select %eq3A_470, %broadcast_in_dim3A_474, %select_n3A_380 : vector<16xi1>, vector<16xf32>
        %eq3A_476 = arith.cmpf oeq, %select_n3A_382, %max3A_448 : vector<16xf32>
        %select_n3A_477 = arith.select %eq3A_476, %select_n3A_385, %select_n3A_382 : vector<16xi1>, vector<16xf32>
        %jit3A_478 = arith.constant -3.000000e+38 : f32
        %broadcast_in_dim3A_479 = vector.broadcast %jit3A_478 : f32 to vector<16xf32>
        %select_n3A_480 = arith.select %eq3A_476, %broadcast_in_dim3A_479, %select_n3A_385 : vector<16xi1>, vector<16xf32>
        %eq3A_481 = arith.constant 2 : i32
        %eq3A_482 = vector.broadcast %eq3A_481 : i32 to vector<16xi32>
        %eq3A_483 = arith.cmpi eq, %iota3A, %eq3A_482 : vector<16xi32>
        %select_n3A_484 = arith.select %eq3A_483, %max3A_448, %select_n3A_389 : vector<16xi1>, vector<16xf32>
        %max3A_485 = arith.maximumf %select_n3A_450, %select_n3A_463 : vector<16xf32>
        %max3A_486 = arith.maximumf %select_n3A_471, %select_n3A_477 : vector<16xf32>
        %max3A_487 = arith.maximumf %max3A_485, %max3A_486 : vector<16xf32>
        %xor3A_488 = arith.constant 1 : i32
        %xor3A_489 = vector.broadcast %xor3A_488 : i32 to vector<16xi32>
        %xor3A_490 = arith.xori %iota3A, %xor3A_489 : vector<16xi32>
        %lt3A_491 = arith.constant 0 : i32
        %lt3A_492 = vector.broadcast %lt3A_491 : i32 to vector<16xi32>
        %lt3A_493 = arith.cmpi slt, %xor3A_490, %lt3A_492 : vector<16xi32>
        %add3A_494 = arith.constant 16 : i32
        %add3A_495 = vector.broadcast %add3A_494 : i32 to vector<16xi32>
        %add3A_496 = arith.addi %xor3A_490, %add3A_495 : vector<16xi32>
        %select_n3A_497 = arith.select %lt3A_493, %add3A_496, %xor3A_490 : vector<16xi1>, vector<16xi32>
        %broadcast_in_dim3A_498 = vector.shape_cast %select_n3A_497 : vector<16xi32> to vector<16x1xi32>
        %gather3A_499 = vector.shape_cast %broadcast_in_dim3A_498 : vector<16x1xi32> to vector<16xi32>
        %gather3A_500 = tpu.dynamic_gather %max3A_487[%gather3A_499] in [0] : vector<16xf32>, vector<16xi32> -> vector<16xf32>
        %max3A_501 = arith.maximumf %max3A_487, %gather3A_500 : vector<16xf32>
        %xor3A_502 = arith.constant 2 : i32
        %xor3A_503 = vector.broadcast %xor3A_502 : i32 to vector<16xi32>
        %xor3A_504 = arith.xori %iota3A, %xor3A_503 : vector<16xi32>
        %lt3A_505 = arith.constant 0 : i32
        %lt3A_506 = vector.broadcast %lt3A_505 : i32 to vector<16xi32>
        %lt3A_507 = arith.cmpi slt, %xor3A_504, %lt3A_506 : vector<16xi32>
        %add3A_508 = arith.constant 16 : i32
        %add3A_509 = vector.broadcast %add3A_508 : i32 to vector<16xi32>
        %add3A_510 = arith.addi %xor3A_504, %add3A_509 : vector<16xi32>
        %select_n3A_511 = arith.select %lt3A_507, %add3A_510, %xor3A_504 : vector<16xi1>, vector<16xi32>
        %broadcast_in_dim3A_512 = vector.shape_cast %select_n3A_511 : vector<16xi32> to vector<16x1xi32>
        %gather3A_513 = vector.shape_cast %broadcast_in_dim3A_512 : vector<16x1xi32> to vector<16xi32>
        %gather3A_514 = tpu.dynamic_gather %max3A_501[%gather3A_513] in [0] : vector<16xf32>, vector<16xi32> -> vector<16xf32>
        %max3A_515 = arith.maximumf %max3A_501, %gather3A_514 : vector<16xf32>
        %xor3A_516 = arith.constant 4 : i32
        %xor3A_517 = vector.broadcast %xor3A_516 : i32 to vector<16xi32>
        %xor3A_518 = arith.xori %iota3A, %xor3A_517 : vector<16xi32>
        %lt3A_519 = arith.constant 0 : i32
        %lt3A_520 = vector.broadcast %lt3A_519 : i32 to vector<16xi32>
        %lt3A_521 = arith.cmpi slt, %xor3A_518, %lt3A_520 : vector<16xi32>
        %add3A_522 = arith.constant 16 : i32
        %add3A_523 = vector.broadcast %add3A_522 : i32 to vector<16xi32>
        %add3A_524 = arith.addi %xor3A_518, %add3A_523 : vector<16xi32>
        %select_n3A_525 = arith.select %lt3A_521, %add3A_524, %xor3A_518 : vector<16xi1>, vector<16xi32>
        %broadcast_in_dim3A_526 = vector.shape_cast %select_n3A_525 : vector<16xi32> to vector<16x1xi32>
        %gather3A_527 = vector.shape_cast %broadcast_in_dim3A_526 : vector<16x1xi32> to vector<16xi32>
        %gather3A_528 = tpu.dynamic_gather %max3A_515[%gather3A_527] in [0] : vector<16xf32>, vector<16xi32> -> vector<16xf32>
        %max3A_529 = arith.maximumf %max3A_515, %gather3A_528 : vector<16xf32>
        %xor3A_530 = arith.constant 8 : i32
        %xor3A_531 = vector.broadcast %xor3A_530 : i32 to vector<16xi32>
        %xor3A_532 = arith.xori %iota3A, %xor3A_531 : vector<16xi32>
        %lt3A_533 = arith.constant 0 : i32
        %lt3A_534 = vector.broadcast %lt3A_533 : i32 to vector<16xi32>
        %lt3A_535 = arith.cmpi slt, %xor3A_532, %lt3A_534 : vector<16xi32>
        %add3A_536 = arith.constant 16 : i32
        %add3A_537 = vector.broadcast %add3A_536 : i32 to vector<16xi32>
        %add3A_538 = arith.addi %xor3A_532, %add3A_537 : vector<16xi32>
        %select_n3A_539 = arith.select %lt3A_535, %add3A_538, %xor3A_532 : vector<16xi1>, vector<16xi32>
        %broadcast_in_dim3A_540 = vector.shape_cast %select_n3A_539 : vector<16xi32> to vector<16x1xi32>
        %gather3A_541 = vector.shape_cast %broadcast_in_dim3A_540 : vector<16x1xi32> to vector<16xi32>
        %gather3A_542 = tpu.dynamic_gather %max3A_529[%gather3A_541] in [0] : vector<16xf32>, vector<16xi32> -> vector<16xf32>
        %max3A_543 = arith.maximumf %max3A_529, %gather3A_542 : vector<16xf32>
        %eq3A_544 = arith.cmpf oeq, %select_n3A_450, %max3A_543 : vector<16xf32>
        %select_n3A_545 = arith.select %eq3A_544, %select_n3A_451, %select_n3A_450 : vector<16xi1>, vector<16xf32>
        %select_n3A_546 = arith.select %eq3A_544, %select_n3A_452, %select_n3A_451 : vector<16xi1>, vector<16xf32>
        %select_n3A_547 = arith.select %eq3A_544, %select_n3A_453, %select_n3A_452 : vector<16xi1>, vector<16xf32>
        %select_n3A_548 = arith.select %eq3A_544, %select_n3A_454, %select_n3A_453 : vector<16xi1>, vector<16xf32>
        %select_n3A_549 = arith.select %eq3A_544, %select_n3A_455, %select_n3A_454 : vector<16xi1>, vector<16xf32>
        %select_n3A_550 = arith.select %eq3A_544, %select_n3A_456, %select_n3A_455 : vector<16xi1>, vector<16xf32>
        %select_n3A_551 = arith.select %eq3A_544, %select_n3A_457, %select_n3A_456 : vector<16xi1>, vector<16xf32>
        %select_n3A_552 = arith.select %eq3A_544, %select_n3A_458, %select_n3A_457 : vector<16xi1>, vector<16xf32>
        %select_n3A_553 = arith.select %eq3A_544, %select_n3A_461, %select_n3A_458 : vector<16xi1>, vector<16xf32>
        %jit3A_554 = arith.constant -3.000000e+38 : f32
        %broadcast_in_dim3A_555 = vector.broadcast %jit3A_554 : f32 to vector<16xf32>
        %select_n3A_556 = arith.select %eq3A_544, %broadcast_in_dim3A_555, %select_n3A_461 : vector<16xi1>, vector<16xf32>
        %eq3A_557 = arith.cmpf oeq, %select_n3A_463, %max3A_543 : vector<16xf32>
        %select_n3A_558 = arith.select %eq3A_557, %select_n3A_464, %select_n3A_463 : vector<16xi1>, vector<16xf32>
        %select_n3A_559 = arith.select %eq3A_557, %select_n3A_465, %select_n3A_464 : vector<16xi1>, vector<16xf32>
        %select_n3A_560 = arith.select %eq3A_557, %select_n3A_466, %select_n3A_465 : vector<16xi1>, vector<16xf32>
        %select_n3A_561 = arith.select %eq3A_557, %select_n3A_469, %select_n3A_466 : vector<16xi1>, vector<16xf32>
        %jit3A_562 = arith.constant -3.000000e+38 : f32
        %broadcast_in_dim3A_563 = vector.broadcast %jit3A_562 : f32 to vector<16xf32>
        %select_n3A_564 = arith.select %eq3A_557, %broadcast_in_dim3A_563, %select_n3A_469 : vector<16xi1>, vector<16xf32>
        %eq3A_565 = arith.cmpf oeq, %select_n3A_471, %max3A_543 : vector<16xf32>
        %select_n3A_566 = arith.select %eq3A_565, %select_n3A_472, %select_n3A_471 : vector<16xi1>, vector<16xf32>
        %select_n3A_567 = arith.select %eq3A_565, %select_n3A_475, %select_n3A_472 : vector<16xi1>, vector<16xf32>
        %jit3A_568 = arith.constant -3.000000e+38 : f32
        %broadcast_in_dim3A_569 = vector.broadcast %jit3A_568 : f32 to vector<16xf32>
        %select_n3A_570 = arith.select %eq3A_565, %broadcast_in_dim3A_569, %select_n3A_475 : vector<16xi1>, vector<16xf32>
        %eq3A_571 = arith.cmpf oeq, %select_n3A_477, %max3A_543 : vector<16xf32>
        %select_n3A_572 = arith.select %eq3A_571, %select_n3A_480, %select_n3A_477 : vector<16xi1>, vector<16xf32>
        %jit3A_573 = arith.constant -3.000000e+38 : f32
        %broadcast_in_dim3A_574 = vector.broadcast %jit3A_573 : f32 to vector<16xf32>
        %select_n3A_575 = arith.select %eq3A_571, %broadcast_in_dim3A_574, %select_n3A_480 : vector<16xi1>, vector<16xf32>
        %eq3A_576 = arith.constant 3 : i32
        %eq3A_577 = vector.broadcast %eq3A_576 : i32 to vector<16xi32>
        %eq3A_578 = arith.cmpi eq, %iota3A, %eq3A_577 : vector<16xi32>
        %select_n3A_579 = arith.select %eq3A_578, %max3A_543, %select_n3A_484 : vector<16xi1>, vector<16xf32>
        %max3A_580 = arith.maximumf %select_n3A_545, %select_n3A_558 : vector<16xf32>
        %max3A_581 = arith.maximumf %select_n3A_566, %select_n3A_572 : vector<16xf32>
        %max3A_582 = arith.maximumf %max3A_580, %max3A_581 : vector<16xf32>
        %xor3A_583 = arith.constant 1 : i32
        %xor3A_584 = vector.broadcast %xor3A_583 : i32 to vector<16xi32>
        %xor3A_585 = arith.xori %iota3A, %xor3A_584 : vector<16xi32>
        %lt3A_586 = arith.constant 0 : i32
        %lt3A_587 = vector.broadcast %lt3A_586 : i32 to vector<16xi32>
        %lt3A_588 = arith.cmpi slt, %xor3A_585, %lt3A_587 : vector<16xi32>
        %add3A_589 = arith.constant 16 : i32
        %add3A_590 = vector.broadcast %add3A_589 : i32 to vector<16xi32>
        %add3A_591 = arith.addi %xor3A_585, %add3A_590 : vector<16xi32>
        %select_n3A_592 = arith.select %lt3A_588, %add3A_591, %xor3A_585 : vector<16xi1>, vector<16xi32>
        %broadcast_in_dim3A_593 = vector.shape_cast %select_n3A_592 : vector<16xi32> to vector<16x1xi32>
        %gather3A_594 = vector.shape_cast %broadcast_in_dim3A_593 : vector<16x1xi32> to vector<16xi32>
        %gather3A_595 = tpu.dynamic_gather %max3A_582[%gather3A_594] in [0] : vector<16xf32>, vector<16xi32> -> vector<16xf32>
        %max3A_596 = arith.maximumf %max3A_582, %gather3A_595 : vector<16xf32>
        %xor3A_597 = arith.constant 2 : i32
        %xor3A_598 = vector.broadcast %xor3A_597 : i32 to vector<16xi32>
        %xor3A_599 = arith.xori %iota3A, %xor3A_598 : vector<16xi32>
        %lt3A_600 = arith.constant 0 : i32
        %lt3A_601 = vector.broadcast %lt3A_600 : i32 to vector<16xi32>
        %lt3A_602 = arith.cmpi slt, %xor3A_599, %lt3A_601 : vector<16xi32>
        %add3A_603 = arith.constant 16 : i32
        %add3A_604 = vector.broadcast %add3A_603 : i32 to vector<16xi32>
        %add3A_605 = arith.addi %xor3A_599, %add3A_604 : vector<16xi32>
        %select_n3A_606 = arith.select %lt3A_602, %add3A_605, %xor3A_599 : vector<16xi1>, vector<16xi32>
        %broadcast_in_dim3A_607 = vector.shape_cast %select_n3A_606 : vector<16xi32> to vector<16x1xi32>
        %gather3A_608 = vector.shape_cast %broadcast_in_dim3A_607 : vector<16x1xi32> to vector<16xi32>
        %gather3A_609 = tpu.dynamic_gather %max3A_596[%gather3A_608] in [0] : vector<16xf32>, vector<16xi32> -> vector<16xf32>
        %max3A_610 = arith.maximumf %max3A_596, %gather3A_609 : vector<16xf32>
        %xor3A_611 = arith.constant 4 : i32
        %xor3A_612 = vector.broadcast %xor3A_611 : i32 to vector<16xi32>
        %xor3A_613 = arith.xori %iota3A, %xor3A_612 : vector<16xi32>
        %lt3A_614 = arith.constant 0 : i32
        %lt3A_615 = vector.broadcast %lt3A_614 : i32 to vector<16xi32>
        %lt3A_616 = arith.cmpi slt, %xor3A_613, %lt3A_615 : vector<16xi32>
        %add3A_617 = arith.constant 16 : i32
        %add3A_618 = vector.broadcast %add3A_617 : i32 to vector<16xi32>
        %add3A_619 = arith.addi %xor3A_613, %add3A_618 : vector<16xi32>
        %select_n3A_620 = arith.select %lt3A_616, %add3A_619, %xor3A_613 : vector<16xi1>, vector<16xi32>
        %broadcast_in_dim3A_621 = vector.shape_cast %select_n3A_620 : vector<16xi32> to vector<16x1xi32>
        %gather3A_622 = vector.shape_cast %broadcast_in_dim3A_621 : vector<16x1xi32> to vector<16xi32>
        %gather3A_623 = tpu.dynamic_gather %max3A_610[%gather3A_622] in [0] : vector<16xf32>, vector<16xi32> -> vector<16xf32>
        %max3A_624 = arith.maximumf %max3A_610, %gather3A_623 : vector<16xf32>
        %xor3A_625 = arith.constant 8 : i32
        %xor3A_626 = vector.broadcast %xor3A_625 : i32 to vector<16xi32>
        %xor3A_627 = arith.xori %iota3A, %xor3A_626 : vector<16xi32>
        %lt3A_628 = arith.constant 0 : i32
        %lt3A_629 = vector.broadcast %lt3A_628 : i32 to vector<16xi32>
        %lt3A_630 = arith.cmpi slt, %xor3A_627, %lt3A_629 : vector<16xi32>
        %add3A_631 = arith.constant 16 : i32
        %add3A_632 = vector.broadcast %add3A_631 : i32 to vector<16xi32>
        %add3A_633 = arith.addi %xor3A_627, %add3A_632 : vector<16xi32>
        %select_n3A_634 = arith.select %lt3A_630, %add3A_633, %xor3A_627 : vector<16xi1>, vector<16xi32>
        %broadcast_in_dim3A_635 = vector.shape_cast %select_n3A_634 : vector<16xi32> to vector<16x1xi32>
        %gather3A_636 = vector.shape_cast %broadcast_in_dim3A_635 : vector<16x1xi32> to vector<16xi32>
        %gather3A_637 = tpu.dynamic_gather %max3A_624[%gather3A_636] in [0] : vector<16xf32>, vector<16xi32> -> vector<16xf32>
        %max3A_638 = arith.maximumf %max3A_624, %gather3A_637 : vector<16xf32>
        %eq3A_639 = arith.cmpf oeq, %select_n3A_545, %max3A_638 : vector<16xf32>
        %select_n3A_640 = arith.select %eq3A_639, %select_n3A_546, %select_n3A_545 : vector<16xi1>, vector<16xf32>
        %select_n3A_641 = arith.select %eq3A_639, %select_n3A_547, %select_n3A_546 : vector<16xi1>, vector<16xf32>
        %select_n3A_642 = arith.select %eq3A_639, %select_n3A_548, %select_n3A_547 : vector<16xi1>, vector<16xf32>
        %select_n3A_643 = arith.select %eq3A_639, %select_n3A_549, %select_n3A_548 : vector<16xi1>, vector<16xf32>
        %select_n3A_644 = arith.select %eq3A_639, %select_n3A_550, %select_n3A_549 : vector<16xi1>, vector<16xf32>
        %select_n3A_645 = arith.select %eq3A_639, %select_n3A_551, %select_n3A_550 : vector<16xi1>, vector<16xf32>
        %select_n3A_646 = arith.select %eq3A_639, %select_n3A_552, %select_n3A_551 : vector<16xi1>, vector<16xf32>
        %select_n3A_647 = arith.select %eq3A_639, %select_n3A_553, %select_n3A_552 : vector<16xi1>, vector<16xf32>
        %select_n3A_648 = arith.select %eq3A_639, %select_n3A_556, %select_n3A_553 : vector<16xi1>, vector<16xf32>
        %jit3A_649 = arith.constant -3.000000e+38 : f32
        %broadcast_in_dim3A_650 = vector.broadcast %jit3A_649 : f32 to vector<16xf32>
        %select_n3A_651 = arith.select %eq3A_639, %broadcast_in_dim3A_650, %select_n3A_556 : vector<16xi1>, vector<16xf32>
        %eq3A_652 = arith.cmpf oeq, %select_n3A_558, %max3A_638 : vector<16xf32>
        %select_n3A_653 = arith.select %eq3A_652, %select_n3A_559, %select_n3A_558 : vector<16xi1>, vector<16xf32>
        %select_n3A_654 = arith.select %eq3A_652, %select_n3A_560, %select_n3A_559 : vector<16xi1>, vector<16xf32>
        %select_n3A_655 = arith.select %eq3A_652, %select_n3A_561, %select_n3A_560 : vector<16xi1>, vector<16xf32>
        %select_n3A_656 = arith.select %eq3A_652, %select_n3A_564, %select_n3A_561 : vector<16xi1>, vector<16xf32>
        %jit3A_657 = arith.constant -3.000000e+38 : f32
        %broadcast_in_dim3A_658 = vector.broadcast %jit3A_657 : f32 to vector<16xf32>
        %select_n3A_659 = arith.select %eq3A_652, %broadcast_in_dim3A_658, %select_n3A_564 : vector<16xi1>, vector<16xf32>
        %eq3A_660 = arith.cmpf oeq, %select_n3A_566, %max3A_638 : vector<16xf32>
        %select_n3A_661 = arith.select %eq3A_660, %select_n3A_567, %select_n3A_566 : vector<16xi1>, vector<16xf32>
        %select_n3A_662 = arith.select %eq3A_660, %select_n3A_570, %select_n3A_567 : vector<16xi1>, vector<16xf32>
        %jit3A_663 = arith.constant -3.000000e+38 : f32
        %broadcast_in_dim3A_664 = vector.broadcast %jit3A_663 : f32 to vector<16xf32>
        %select_n3A_665 = arith.select %eq3A_660, %broadcast_in_dim3A_664, %select_n3A_570 : vector<16xi1>, vector<16xf32>
        %eq3A_666 = arith.cmpf oeq, %select_n3A_572, %max3A_638 : vector<16xf32>
        %select_n3A_667 = arith.select %eq3A_666, %select_n3A_575, %select_n3A_572 : vector<16xi1>, vector<16xf32>
        %jit3A_668 = arith.constant -3.000000e+38 : f32
        %broadcast_in_dim3A_669 = vector.broadcast %jit3A_668 : f32 to vector<16xf32>
        %select_n3A_670 = arith.select %eq3A_666, %broadcast_in_dim3A_669, %select_n3A_575 : vector<16xi1>, vector<16xf32>
        %eq3A_671 = arith.constant 4 : i32
        %eq3A_672 = vector.broadcast %eq3A_671 : i32 to vector<16xi32>
        %eq3A_673 = arith.cmpi eq, %iota3A, %eq3A_672 : vector<16xi32>
        %select_n3A_674 = arith.select %eq3A_673, %max3A_638, %select_n3A_579 : vector<16xi1>, vector<16xf32>
        %max3A_675 = arith.maximumf %select_n3A_640, %select_n3A_653 : vector<16xf32>
        %max3A_676 = arith.maximumf %select_n3A_661, %select_n3A_667 : vector<16xf32>
        %max3A_677 = arith.maximumf %max3A_675, %max3A_676 : vector<16xf32>
        %xor3A_678 = arith.constant 1 : i32
        %xor3A_679 = vector.broadcast %xor3A_678 : i32 to vector<16xi32>
        %xor3A_680 = arith.xori %iota3A, %xor3A_679 : vector<16xi32>
        %lt3A_681 = arith.constant 0 : i32
        %lt3A_682 = vector.broadcast %lt3A_681 : i32 to vector<16xi32>
        %lt3A_683 = arith.cmpi slt, %xor3A_680, %lt3A_682 : vector<16xi32>
        %add3A_684 = arith.constant 16 : i32
        %add3A_685 = vector.broadcast %add3A_684 : i32 to vector<16xi32>
        %add3A_686 = arith.addi %xor3A_680, %add3A_685 : vector<16xi32>
        %select_n3A_687 = arith.select %lt3A_683, %add3A_686, %xor3A_680 : vector<16xi1>, vector<16xi32>
        %broadcast_in_dim3A_688 = vector.shape_cast %select_n3A_687 : vector<16xi32> to vector<16x1xi32>
        %gather3A_689 = vector.shape_cast %broadcast_in_dim3A_688 : vector<16x1xi32> to vector<16xi32>
        %gather3A_690 = tpu.dynamic_gather %max3A_677[%gather3A_689] in [0] : vector<16xf32>, vector<16xi32> -> vector<16xf32>
        %max3A_691 = arith.maximumf %max3A_677, %gather3A_690 : vector<16xf32>
        %xor3A_692 = arith.constant 2 : i32
        %xor3A_693 = vector.broadcast %xor3A_692 : i32 to vector<16xi32>
        %xor3A_694 = arith.xori %iota3A, %xor3A_693 : vector<16xi32>
        %lt3A_695 = arith.constant 0 : i32
        %lt3A_696 = vector.broadcast %lt3A_695 : i32 to vector<16xi32>
        %lt3A_697 = arith.cmpi slt, %xor3A_694, %lt3A_696 : vector<16xi32>
        %add3A_698 = arith.constant 16 : i32
        %add3A_699 = vector.broadcast %add3A_698 : i32 to vector<16xi32>
        %add3A_700 = arith.addi %xor3A_694, %add3A_699 : vector<16xi32>
        %select_n3A_701 = arith.select %lt3A_697, %add3A_700, %xor3A_694 : vector<16xi1>, vector<16xi32>
        %broadcast_in_dim3A_702 = vector.shape_cast %select_n3A_701 : vector<16xi32> to vector<16x1xi32>
        %gather3A_703 = vector.shape_cast %broadcast_in_dim3A_702 : vector<16x1xi32> to vector<16xi32>
        %gather3A_704 = tpu.dynamic_gather %max3A_691[%gather3A_703] in [0] : vector<16xf32>, vector<16xi32> -> vector<16xf32>
        %max3A_705 = arith.maximumf %max3A_691, %gather3A_704 : vector<16xf32>
        %xor3A_706 = arith.constant 4 : i32
        %xor3A_707 = vector.broadcast %xor3A_706 : i32 to vector<16xi32>
        %xor3A_708 = arith.xori %iota3A, %xor3A_707 : vector<16xi32>
        %lt3A_709 = arith.constant 0 : i32
        %lt3A_710 = vector.broadcast %lt3A_709 : i32 to vector<16xi32>
        %lt3A_711 = arith.cmpi slt, %xor3A_708, %lt3A_710 : vector<16xi32>
        %add3A_712 = arith.constant 16 : i32
        %add3A_713 = vector.broadcast %add3A_712 : i32 to vector<16xi32>
        %add3A_714 = arith.addi %xor3A_708, %add3A_713 : vector<16xi32>
        %select_n3A_715 = arith.select %lt3A_711, %add3A_714, %xor3A_708 : vector<16xi1>, vector<16xi32>
        %broadcast_in_dim3A_716 = vector.shape_cast %select_n3A_715 : vector<16xi32> to vector<16x1xi32>
        %gather3A_717 = vector.shape_cast %broadcast_in_dim3A_716 : vector<16x1xi32> to vector<16xi32>
        %gather3A_718 = tpu.dynamic_gather %max3A_705[%gather3A_717] in [0] : vector<16xf32>, vector<16xi32> -> vector<16xf32>
        %max3A_719 = arith.maximumf %max3A_705, %gather3A_718 : vector<16xf32>
        %xor3A_720 = arith.constant 8 : i32
        %xor3A_721 = vector.broadcast %xor3A_720 : i32 to vector<16xi32>
        %xor3A_722 = arith.xori %iota3A, %xor3A_721 : vector<16xi32>
        %lt3A_723 = arith.constant 0 : i32
        %lt3A_724 = vector.broadcast %lt3A_723 : i32 to vector<16xi32>
        %lt3A_725 = arith.cmpi slt, %xor3A_722, %lt3A_724 : vector<16xi32>
        %add3A_726 = arith.constant 16 : i32
        %add3A_727 = vector.broadcast %add3A_726 : i32 to vector<16xi32>
        %add3A_728 = arith.addi %xor3A_722, %add3A_727 : vector<16xi32>
        %select_n3A_729 = arith.select %lt3A_725, %add3A_728, %xor3A_722 : vector<16xi1>, vector<16xi32>
        %broadcast_in_dim3A_730 = vector.shape_cast %select_n3A_729 : vector<16xi32> to vector<16x1xi32>
        %gather3A_731 = vector.shape_cast %broadcast_in_dim3A_730 : vector<16x1xi32> to vector<16xi32>
        %gather3A_732 = tpu.dynamic_gather %max3A_719[%gather3A_731] in [0] : vector<16xf32>, vector<16xi32> -> vector<16xf32>
        %max3A_733 = arith.maximumf %max3A_719, %gather3A_732 : vector<16xf32>
        %eq3A_734 = arith.cmpf oeq, %select_n3A_640, %max3A_733 : vector<16xf32>
        %select_n3A_735 = arith.select %eq3A_734, %select_n3A_641, %select_n3A_640 : vector<16xi1>, vector<16xf32>
        %select_n3A_736 = arith.select %eq3A_734, %select_n3A_642, %select_n3A_641 : vector<16xi1>, vector<16xf32>
        %select_n3A_737 = arith.select %eq3A_734, %select_n3A_643, %select_n3A_642 : vector<16xi1>, vector<16xf32>
        %select_n3A_738 = arith.select %eq3A_734, %select_n3A_644, %select_n3A_643 : vector<16xi1>, vector<16xf32>
        %select_n3A_739 = arith.select %eq3A_734, %select_n3A_645, %select_n3A_644 : vector<16xi1>, vector<16xf32>
        %select_n3A_740 = arith.select %eq3A_734, %select_n3A_646, %select_n3A_645 : vector<16xi1>, vector<16xf32>
        %select_n3A_741 = arith.select %eq3A_734, %select_n3A_647, %select_n3A_646 : vector<16xi1>, vector<16xf32>
        %select_n3A_742 = arith.select %eq3A_734, %select_n3A_648, %select_n3A_647 : vector<16xi1>, vector<16xf32>
        %select_n3A_743 = arith.select %eq3A_734, %select_n3A_651, %select_n3A_648 : vector<16xi1>, vector<16xf32>
        %jit3A_744 = arith.constant -3.000000e+38 : f32
        %broadcast_in_dim3A_745 = vector.broadcast %jit3A_744 : f32 to vector<16xf32>
        %select_n3A_746 = arith.select %eq3A_734, %broadcast_in_dim3A_745, %select_n3A_651 : vector<16xi1>, vector<16xf32>
        %eq3A_747 = arith.cmpf oeq, %select_n3A_653, %max3A_733 : vector<16xf32>
        %select_n3A_748 = arith.select %eq3A_747, %select_n3A_654, %select_n3A_653 : vector<16xi1>, vector<16xf32>
        %select_n3A_749 = arith.select %eq3A_747, %select_n3A_655, %select_n3A_654 : vector<16xi1>, vector<16xf32>
        %select_n3A_750 = arith.select %eq3A_747, %select_n3A_656, %select_n3A_655 : vector<16xi1>, vector<16xf32>
        %select_n3A_751 = arith.select %eq3A_747, %select_n3A_659, %select_n3A_656 : vector<16xi1>, vector<16xf32>
        %jit3A_752 = arith.constant -3.000000e+38 : f32
        %broadcast_in_dim3A_753 = vector.broadcast %jit3A_752 : f32 to vector<16xf32>
        %select_n3A_754 = arith.select %eq3A_747, %broadcast_in_dim3A_753, %select_n3A_659 : vector<16xi1>, vector<16xf32>
        %eq3A_755 = arith.cmpf oeq, %select_n3A_661, %max3A_733 : vector<16xf32>
        %select_n3A_756 = arith.select %eq3A_755, %select_n3A_662, %select_n3A_661 : vector<16xi1>, vector<16xf32>
        %select_n3A_757 = arith.select %eq3A_755, %select_n3A_665, %select_n3A_662 : vector<16xi1>, vector<16xf32>
        %jit3A_758 = arith.constant -3.000000e+38 : f32
        %broadcast_in_dim3A_759 = vector.broadcast %jit3A_758 : f32 to vector<16xf32>
        %select_n3A_760 = arith.select %eq3A_755, %broadcast_in_dim3A_759, %select_n3A_665 : vector<16xi1>, vector<16xf32>
        %eq3A_761 = arith.cmpf oeq, %select_n3A_667, %max3A_733 : vector<16xf32>
        %select_n3A_762 = arith.select %eq3A_761, %select_n3A_670, %select_n3A_667 : vector<16xi1>, vector<16xf32>
        %jit3A_763 = arith.constant -3.000000e+38 : f32
        %broadcast_in_dim3A_764 = vector.broadcast %jit3A_763 : f32 to vector<16xf32>
        %select_n3A_765 = arith.select %eq3A_761, %broadcast_in_dim3A_764, %select_n3A_670 : vector<16xi1>, vector<16xf32>
        %eq3A_766 = arith.constant 5 : i32
        %eq3A_767 = vector.broadcast %eq3A_766 : i32 to vector<16xi32>
        %eq3A_768 = arith.cmpi eq, %iota3A, %eq3A_767 : vector<16xi32>
        %select_n3A_769 = arith.select %eq3A_768, %max3A_733, %select_n3A_674 : vector<16xi1>, vector<16xf32>
        %max3A_770 = arith.maximumf %select_n3A_735, %select_n3A_748 : vector<16xf32>
        %max3A_771 = arith.maximumf %select_n3A_756, %select_n3A_762 : vector<16xf32>
        %max3A_772 = arith.maximumf %max3A_770, %max3A_771 : vector<16xf32>
        %xor3A_773 = arith.constant 1 : i32
        %xor3A_774 = vector.broadcast %xor3A_773 : i32 to vector<16xi32>
        %xor3A_775 = arith.xori %iota3A, %xor3A_774 : vector<16xi32>
        %lt3A_776 = arith.constant 0 : i32
        %lt3A_777 = vector.broadcast %lt3A_776 : i32 to vector<16xi32>
        %lt3A_778 = arith.cmpi slt, %xor3A_775, %lt3A_777 : vector<16xi32>
        %add3A_779 = arith.constant 16 : i32
        %add3A_780 = vector.broadcast %add3A_779 : i32 to vector<16xi32>
        %add3A_781 = arith.addi %xor3A_775, %add3A_780 : vector<16xi32>
        %select_n3A_782 = arith.select %lt3A_778, %add3A_781, %xor3A_775 : vector<16xi1>, vector<16xi32>
        %broadcast_in_dim3A_783 = vector.shape_cast %select_n3A_782 : vector<16xi32> to vector<16x1xi32>
        %gather3A_784 = vector.shape_cast %broadcast_in_dim3A_783 : vector<16x1xi32> to vector<16xi32>
        %gather3A_785 = tpu.dynamic_gather %max3A_772[%gather3A_784] in [0] : vector<16xf32>, vector<16xi32> -> vector<16xf32>
        %max3A_786 = arith.maximumf %max3A_772, %gather3A_785 : vector<16xf32>
        %xor3A_787 = arith.constant 2 : i32
        %xor3A_788 = vector.broadcast %xor3A_787 : i32 to vector<16xi32>
        %xor3A_789 = arith.xori %iota3A, %xor3A_788 : vector<16xi32>
        %lt3A_790 = arith.constant 0 : i32
        %lt3A_791 = vector.broadcast %lt3A_790 : i32 to vector<16xi32>
        %lt3A_792 = arith.cmpi slt, %xor3A_789, %lt3A_791 : vector<16xi32>
        %add3A_793 = arith.constant 16 : i32
        %add3A_794 = vector.broadcast %add3A_793 : i32 to vector<16xi32>
        %add3A_795 = arith.addi %xor3A_789, %add3A_794 : vector<16xi32>
        %select_n3A_796 = arith.select %lt3A_792, %add3A_795, %xor3A_789 : vector<16xi1>, vector<16xi32>
        %broadcast_in_dim3A_797 = vector.shape_cast %select_n3A_796 : vector<16xi32> to vector<16x1xi32>
        %gather3A_798 = vector.shape_cast %broadcast_in_dim3A_797 : vector<16x1xi32> to vector<16xi32>
        %gather3A_799 = tpu.dynamic_gather %max3A_786[%gather3A_798] in [0] : vector<16xf32>, vector<16xi32> -> vector<16xf32>
        %max3A_800 = arith.maximumf %max3A_786, %gather3A_799 : vector<16xf32>
        %xor3A_801 = arith.constant 4 : i32
        %xor3A_802 = vector.broadcast %xor3A_801 : i32 to vector<16xi32>
        %xor3A_803 = arith.xori %iota3A, %xor3A_802 : vector<16xi32>
        %lt3A_804 = arith.constant 0 : i32
        %lt3A_805 = vector.broadcast %lt3A_804 : i32 to vector<16xi32>
        %lt3A_806 = arith.cmpi slt, %xor3A_803, %lt3A_805 : vector<16xi32>
        %add3A_807 = arith.constant 16 : i32
        %add3A_808 = vector.broadcast %add3A_807 : i32 to vector<16xi32>
        %add3A_809 = arith.addi %xor3A_803, %add3A_808 : vector<16xi32>
        %select_n3A_810 = arith.select %lt3A_806, %add3A_809, %xor3A_803 : vector<16xi1>, vector<16xi32>
        %broadcast_in_dim3A_811 = vector.shape_cast %select_n3A_810 : vector<16xi32> to vector<16x1xi32>
        %gather3A_812 = vector.shape_cast %broadcast_in_dim3A_811 : vector<16x1xi32> to vector<16xi32>
        %gather3A_813 = tpu.dynamic_gather %max3A_800[%gather3A_812] in [0] : vector<16xf32>, vector<16xi32> -> vector<16xf32>
        %max3A_814 = arith.maximumf %max3A_800, %gather3A_813 : vector<16xf32>
        %xor3A_815 = arith.constant 8 : i32
        %xor3A_816 = vector.broadcast %xor3A_815 : i32 to vector<16xi32>
        %xor3A_817 = arith.xori %iota3A, %xor3A_816 : vector<16xi32>
        %lt3A_818 = arith.constant 0 : i32
        %lt3A_819 = vector.broadcast %lt3A_818 : i32 to vector<16xi32>
        %lt3A_820 = arith.cmpi slt, %xor3A_817, %lt3A_819 : vector<16xi32>
        %add3A_821 = arith.constant 16 : i32
        %add3A_822 = vector.broadcast %add3A_821 : i32 to vector<16xi32>
        %add3A_823 = arith.addi %xor3A_817, %add3A_822 : vector<16xi32>
        %select_n3A_824 = arith.select %lt3A_820, %add3A_823, %xor3A_817 : vector<16xi1>, vector<16xi32>
        %broadcast_in_dim3A_825 = vector.shape_cast %select_n3A_824 : vector<16xi32> to vector<16x1xi32>
        %gather3A_826 = vector.shape_cast %broadcast_in_dim3A_825 : vector<16x1xi32> to vector<16xi32>
        %gather3A_827 = tpu.dynamic_gather %max3A_814[%gather3A_826] in [0] : vector<16xf32>, vector<16xi32> -> vector<16xf32>
        %max3A_828 = arith.maximumf %max3A_814, %gather3A_827 : vector<16xf32>
        %eq3A_829 = arith.cmpf oeq, %select_n3A_735, %max3A_828 : vector<16xf32>
        %select_n3A_830 = arith.select %eq3A_829, %select_n3A_736, %select_n3A_735 : vector<16xi1>, vector<16xf32>
        %select_n3A_831 = arith.select %eq3A_829, %select_n3A_737, %select_n3A_736 : vector<16xi1>, vector<16xf32>
        %select_n3A_832 = arith.select %eq3A_829, %select_n3A_738, %select_n3A_737 : vector<16xi1>, vector<16xf32>
        %select_n3A_833 = arith.select %eq3A_829, %select_n3A_739, %select_n3A_738 : vector<16xi1>, vector<16xf32>
        %select_n3A_834 = arith.select %eq3A_829, %select_n3A_740, %select_n3A_739 : vector<16xi1>, vector<16xf32>
        %select_n3A_835 = arith.select %eq3A_829, %select_n3A_741, %select_n3A_740 : vector<16xi1>, vector<16xf32>
        %select_n3A_836 = arith.select %eq3A_829, %select_n3A_742, %select_n3A_741 : vector<16xi1>, vector<16xf32>
        %select_n3A_837 = arith.select %eq3A_829, %select_n3A_743, %select_n3A_742 : vector<16xi1>, vector<16xf32>
        %select_n3A_838 = arith.select %eq3A_829, %select_n3A_746, %select_n3A_743 : vector<16xi1>, vector<16xf32>
        %jit3A_839 = arith.constant -3.000000e+38 : f32
        %broadcast_in_dim3A_840 = vector.broadcast %jit3A_839 : f32 to vector<16xf32>
        %select_n3A_841 = arith.select %eq3A_829, %broadcast_in_dim3A_840, %select_n3A_746 : vector<16xi1>, vector<16xf32>
        %eq3A_842 = arith.cmpf oeq, %select_n3A_748, %max3A_828 : vector<16xf32>
        %select_n3A_843 = arith.select %eq3A_842, %select_n3A_749, %select_n3A_748 : vector<16xi1>, vector<16xf32>
        %select_n3A_844 = arith.select %eq3A_842, %select_n3A_750, %select_n3A_749 : vector<16xi1>, vector<16xf32>
        %select_n3A_845 = arith.select %eq3A_842, %select_n3A_751, %select_n3A_750 : vector<16xi1>, vector<16xf32>
        %select_n3A_846 = arith.select %eq3A_842, %select_n3A_754, %select_n3A_751 : vector<16xi1>, vector<16xf32>
        %jit3A_847 = arith.constant -3.000000e+38 : f32
        %broadcast_in_dim3A_848 = vector.broadcast %jit3A_847 : f32 to vector<16xf32>
        %select_n3A_849 = arith.select %eq3A_842, %broadcast_in_dim3A_848, %select_n3A_754 : vector<16xi1>, vector<16xf32>
        %eq3A_850 = arith.cmpf oeq, %select_n3A_756, %max3A_828 : vector<16xf32>
        %select_n3A_851 = arith.select %eq3A_850, %select_n3A_757, %select_n3A_756 : vector<16xi1>, vector<16xf32>
        %select_n3A_852 = arith.select %eq3A_850, %select_n3A_760, %select_n3A_757 : vector<16xi1>, vector<16xf32>
        %jit3A_853 = arith.constant -3.000000e+38 : f32
        %broadcast_in_dim3A_854 = vector.broadcast %jit3A_853 : f32 to vector<16xf32>
        %select_n3A_855 = arith.select %eq3A_850, %broadcast_in_dim3A_854, %select_n3A_760 : vector<16xi1>, vector<16xf32>
        %eq3A_856 = arith.cmpf oeq, %select_n3A_762, %max3A_828 : vector<16xf32>
        %select_n3A_857 = arith.select %eq3A_856, %select_n3A_765, %select_n3A_762 : vector<16xi1>, vector<16xf32>
        %jit3A_858 = arith.constant -3.000000e+38 : f32
        %broadcast_in_dim3A_859 = vector.broadcast %jit3A_858 : f32 to vector<16xf32>
        %select_n3A_860 = arith.select %eq3A_856, %broadcast_in_dim3A_859, %select_n3A_765 : vector<16xi1>, vector<16xf32>
        %eq3A_861 = arith.constant 6 : i32
        %eq3A_862 = vector.broadcast %eq3A_861 : i32 to vector<16xi32>
        %eq3A_863 = arith.cmpi eq, %iota3A, %eq3A_862 : vector<16xi32>
        %select_n3A_864 = arith.select %eq3A_863, %max3A_828, %select_n3A_769 : vector<16xi1>, vector<16xf32>
        %max3A_865 = arith.maximumf %select_n3A_830, %select_n3A_843 : vector<16xf32>
        %max3A_866 = arith.maximumf %select_n3A_851, %select_n3A_857 : vector<16xf32>
        %max3A_867 = arith.maximumf %max3A_865, %max3A_866 : vector<16xf32>
        %xor3A_868 = arith.constant 1 : i32
        %xor3A_869 = vector.broadcast %xor3A_868 : i32 to vector<16xi32>
        %xor3A_870 = arith.xori %iota3A, %xor3A_869 : vector<16xi32>
        %lt3A_871 = arith.constant 0 : i32
        %lt3A_872 = vector.broadcast %lt3A_871 : i32 to vector<16xi32>
        %lt3A_873 = arith.cmpi slt, %xor3A_870, %lt3A_872 : vector<16xi32>
        %add3A_874 = arith.constant 16 : i32
        %add3A_875 = vector.broadcast %add3A_874 : i32 to vector<16xi32>
        %add3A_876 = arith.addi %xor3A_870, %add3A_875 : vector<16xi32>
        %select_n3A_877 = arith.select %lt3A_873, %add3A_876, %xor3A_870 : vector<16xi1>, vector<16xi32>
        %broadcast_in_dim3A_878 = vector.shape_cast %select_n3A_877 : vector<16xi32> to vector<16x1xi32>
        %gather3A_879 = vector.shape_cast %broadcast_in_dim3A_878 : vector<16x1xi32> to vector<16xi32>
        %gather3A_880 = tpu.dynamic_gather %max3A_867[%gather3A_879] in [0] : vector<16xf32>, vector<16xi32> -> vector<16xf32>
        %max3A_881 = arith.maximumf %max3A_867, %gather3A_880 : vector<16xf32>
        %xor3A_882 = arith.constant 2 : i32
        %xor3A_883 = vector.broadcast %xor3A_882 : i32 to vector<16xi32>
        %xor3A_884 = arith.xori %iota3A, %xor3A_883 : vector<16xi32>
        %lt3A_885 = arith.constant 0 : i32
        %lt3A_886 = vector.broadcast %lt3A_885 : i32 to vector<16xi32>
        %lt3A_887 = arith.cmpi slt, %xor3A_884, %lt3A_886 : vector<16xi32>
        %add3A_888 = arith.constant 16 : i32
        %add3A_889 = vector.broadcast %add3A_888 : i32 to vector<16xi32>
        %add3A_890 = arith.addi %xor3A_884, %add3A_889 : vector<16xi32>
        %select_n3A_891 = arith.select %lt3A_887, %add3A_890, %xor3A_884 : vector<16xi1>, vector<16xi32>
        %broadcast_in_dim3A_892 = vector.shape_cast %select_n3A_891 : vector<16xi32> to vector<16x1xi32>
        %gather3A_893 = vector.shape_cast %broadcast_in_dim3A_892 : vector<16x1xi32> to vector<16xi32>
        %gather3A_894 = tpu.dynamic_gather %max3A_881[%gather3A_893] in [0] : vector<16xf32>, vector<16xi32> -> vector<16xf32>
        %max3A_895 = arith.maximumf %max3A_881, %gather3A_894 : vector<16xf32>
        %xor3A_896 = arith.constant 4 : i32
        %xor3A_897 = vector.broadcast %xor3A_896 : i32 to vector<16xi32>
        %xor3A_898 = arith.xori %iota3A, %xor3A_897 : vector<16xi32>
        %lt3A_899 = arith.constant 0 : i32
        %lt3A_900 = vector.broadcast %lt3A_899 : i32 to vector<16xi32>
        %lt3A_901 = arith.cmpi slt, %xor3A_898, %lt3A_900 : vector<16xi32>
        %add3A_902 = arith.constant 16 : i32
        %add3A_903 = vector.broadcast %add3A_902 : i32 to vector<16xi32>
        %add3A_904 = arith.addi %xor3A_898, %add3A_903 : vector<16xi32>
        %select_n3A_905 = arith.select %lt3A_901, %add3A_904, %xor3A_898 : vector<16xi1>, vector<16xi32>
        %broadcast_in_dim3A_906 = vector.shape_cast %select_n3A_905 : vector<16xi32> to vector<16x1xi32>
        %gather3A_907 = vector.shape_cast %broadcast_in_dim3A_906 : vector<16x1xi32> to vector<16xi32>
        %gather3A_908 = tpu.dynamic_gather %max3A_895[%gather3A_907] in [0] : vector<16xf32>, vector<16xi32> -> vector<16xf32>
        %max3A_909 = arith.maximumf %max3A_895, %gather3A_908 : vector<16xf32>
        %xor3A_910 = arith.constant 8 : i32
        %xor3A_911 = vector.broadcast %xor3A_910 : i32 to vector<16xi32>
        %xor3A_912 = arith.xori %iota3A, %xor3A_911 : vector<16xi32>
        %lt3A_913 = arith.constant 0 : i32
        %lt3A_914 = vector.broadcast %lt3A_913 : i32 to vector<16xi32>
        %lt3A_915 = arith.cmpi slt, %xor3A_912, %lt3A_914 : vector<16xi32>
        %add3A_916 = arith.constant 16 : i32
        %add3A_917 = vector.broadcast %add3A_916 : i32 to vector<16xi32>
        %add3A_918 = arith.addi %xor3A_912, %add3A_917 : vector<16xi32>
        %select_n3A_919 = arith.select %lt3A_915, %add3A_918, %xor3A_912 : vector<16xi1>, vector<16xi32>
        %broadcast_in_dim3A_920 = vector.shape_cast %select_n3A_919 : vector<16xi32> to vector<16x1xi32>
        %gather3A_921 = vector.shape_cast %broadcast_in_dim3A_920 : vector<16x1xi32> to vector<16xi32>
        %gather3A_922 = tpu.dynamic_gather %max3A_909[%gather3A_921] in [0] : vector<16xf32>, vector<16xi32> -> vector<16xf32>
        %max3A_923 = arith.maximumf %max3A_909, %gather3A_922 : vector<16xf32>
        %eq3A_924 = arith.cmpf oeq, %select_n3A_830, %max3A_923 : vector<16xf32>
        %select_n3A_925 = arith.select %eq3A_924, %select_n3A_831, %select_n3A_830 : vector<16xi1>, vector<16xf32>
        %select_n3A_926 = arith.select %eq3A_924, %select_n3A_832, %select_n3A_831 : vector<16xi1>, vector<16xf32>
        %select_n3A_927 = arith.select %eq3A_924, %select_n3A_833, %select_n3A_832 : vector<16xi1>, vector<16xf32>
        %select_n3A_928 = arith.select %eq3A_924, %select_n3A_834, %select_n3A_833 : vector<16xi1>, vector<16xf32>
        %select_n3A_929 = arith.select %eq3A_924, %select_n3A_835, %select_n3A_834 : vector<16xi1>, vector<16xf32>
        %select_n3A_930 = arith.select %eq3A_924, %select_n3A_836, %select_n3A_835 : vector<16xi1>, vector<16xf32>
        %select_n3A_931 = arith.select %eq3A_924, %select_n3A_837, %select_n3A_836 : vector<16xi1>, vector<16xf32>
        %select_n3A_932 = arith.select %eq3A_924, %select_n3A_838, %select_n3A_837 : vector<16xi1>, vector<16xf32>
        %select_n3A_933 = arith.select %eq3A_924, %select_n3A_841, %select_n3A_838 : vector<16xi1>, vector<16xf32>
        %jit3A_934 = arith.constant -3.000000e+38 : f32
        %broadcast_in_dim3A_935 = vector.broadcast %jit3A_934 : f32 to vector<16xf32>
        %select_n3A_936 = arith.select %eq3A_924, %broadcast_in_dim3A_935, %select_n3A_841 : vector<16xi1>, vector<16xf32>
        %eq3A_937 = arith.cmpf oeq, %select_n3A_843, %max3A_923 : vector<16xf32>
        %select_n3A_938 = arith.select %eq3A_937, %select_n3A_844, %select_n3A_843 : vector<16xi1>, vector<16xf32>
        %select_n3A_939 = arith.select %eq3A_937, %select_n3A_845, %select_n3A_844 : vector<16xi1>, vector<16xf32>
        %select_n3A_940 = arith.select %eq3A_937, %select_n3A_846, %select_n3A_845 : vector<16xi1>, vector<16xf32>
        %select_n3A_941 = arith.select %eq3A_937, %select_n3A_849, %select_n3A_846 : vector<16xi1>, vector<16xf32>
        %jit3A_942 = arith.constant -3.000000e+38 : f32
        %broadcast_in_dim3A_943 = vector.broadcast %jit3A_942 : f32 to vector<16xf32>
        %select_n3A_944 = arith.select %eq3A_937, %broadcast_in_dim3A_943, %select_n3A_849 : vector<16xi1>, vector<16xf32>
        %eq3A_945 = arith.cmpf oeq, %select_n3A_851, %max3A_923 : vector<16xf32>
        %select_n3A_946 = arith.select %eq3A_945, %select_n3A_852, %select_n3A_851 : vector<16xi1>, vector<16xf32>
        %select_n3A_947 = arith.select %eq3A_945, %select_n3A_855, %select_n3A_852 : vector<16xi1>, vector<16xf32>
        %jit3A_948 = arith.constant -3.000000e+38 : f32
        %broadcast_in_dim3A_949 = vector.broadcast %jit3A_948 : f32 to vector<16xf32>
        %select_n3A_950 = arith.select %eq3A_945, %broadcast_in_dim3A_949, %select_n3A_855 : vector<16xi1>, vector<16xf32>
        %eq3A_951 = arith.cmpf oeq, %select_n3A_857, %max3A_923 : vector<16xf32>
        %select_n3A_952 = arith.select %eq3A_951, %select_n3A_860, %select_n3A_857 : vector<16xi1>, vector<16xf32>
        %jit3A_953 = arith.constant -3.000000e+38 : f32
        %broadcast_in_dim3A_954 = vector.broadcast %jit3A_953 : f32 to vector<16xf32>
        %select_n3A_955 = arith.select %eq3A_951, %broadcast_in_dim3A_954, %select_n3A_860 : vector<16xi1>, vector<16xf32>
        %eq3A_956 = arith.constant 7 : i32
        %eq3A_957 = vector.broadcast %eq3A_956 : i32 to vector<16xi32>
        %eq3A_958 = arith.cmpi eq, %iota3A, %eq3A_957 : vector<16xi32>
        %select_n3A_959 = arith.select %eq3A_958, %max3A_923, %select_n3A_864 : vector<16xi1>, vector<16xf32>
        %max3A_960 = arith.maximumf %select_n3A_925, %select_n3A_938 : vector<16xf32>
        %max3A_961 = arith.maximumf %select_n3A_946, %select_n3A_952 : vector<16xf32>
        %max3A_962 = arith.maximumf %max3A_960, %max3A_961 : vector<16xf32>
        %xor3A_963 = arith.constant 1 : i32
        %xor3A_964 = vector.broadcast %xor3A_963 : i32 to vector<16xi32>
        %xor3A_965 = arith.xori %iota3A, %xor3A_964 : vector<16xi32>
        %lt3A_966 = arith.constant 0 : i32
        %lt3A_967 = vector.broadcast %lt3A_966 : i32 to vector<16xi32>
        %lt3A_968 = arith.cmpi slt, %xor3A_965, %lt3A_967 : vector<16xi32>
        %add3A_969 = arith.constant 16 : i32
        %add3A_970 = vector.broadcast %add3A_969 : i32 to vector<16xi32>
        %add3A_971 = arith.addi %xor3A_965, %add3A_970 : vector<16xi32>
        %select_n3A_972 = arith.select %lt3A_968, %add3A_971, %xor3A_965 : vector<16xi1>, vector<16xi32>
        %broadcast_in_dim3A_973 = vector.shape_cast %select_n3A_972 : vector<16xi32> to vector<16x1xi32>
        %gather3A_974 = vector.shape_cast %broadcast_in_dim3A_973 : vector<16x1xi32> to vector<16xi32>
        %gather3A_975 = tpu.dynamic_gather %max3A_962[%gather3A_974] in [0] : vector<16xf32>, vector<16xi32> -> vector<16xf32>
        %max3A_976 = arith.maximumf %max3A_962, %gather3A_975 : vector<16xf32>
        %xor3A_977 = arith.constant 2 : i32
        %xor3A_978 = vector.broadcast %xor3A_977 : i32 to vector<16xi32>
        %xor3A_979 = arith.xori %iota3A, %xor3A_978 : vector<16xi32>
        %lt3A_980 = arith.constant 0 : i32
        %lt3A_981 = vector.broadcast %lt3A_980 : i32 to vector<16xi32>
        %lt3A_982 = arith.cmpi slt, %xor3A_979, %lt3A_981 : vector<16xi32>
        %add3A_983 = arith.constant 16 : i32
        %add3A_984 = vector.broadcast %add3A_983 : i32 to vector<16xi32>
        %add3A_985 = arith.addi %xor3A_979, %add3A_984 : vector<16xi32>
        %select_n3A_986 = arith.select %lt3A_982, %add3A_985, %xor3A_979 : vector<16xi1>, vector<16xi32>
        %broadcast_in_dim3A_987 = vector.shape_cast %select_n3A_986 : vector<16xi32> to vector<16x1xi32>
        %gather3A_988 = vector.shape_cast %broadcast_in_dim3A_987 : vector<16x1xi32> to vector<16xi32>
        %gather3A_989 = tpu.dynamic_gather %max3A_976[%gather3A_988] in [0] : vector<16xf32>, vector<16xi32> -> vector<16xf32>
        %max3A_990 = arith.maximumf %max3A_976, %gather3A_989 : vector<16xf32>
        %xor3A_991 = arith.constant 4 : i32
        %xor3A_992 = vector.broadcast %xor3A_991 : i32 to vector<16xi32>
        %xor3A_993 = arith.xori %iota3A, %xor3A_992 : vector<16xi32>
        %lt3A_994 = arith.constant 0 : i32
        %lt3A_995 = vector.broadcast %lt3A_994 : i32 to vector<16xi32>
        %lt3A_996 = arith.cmpi slt, %xor3A_993, %lt3A_995 : vector<16xi32>
        %add3A_997 = arith.constant 16 : i32
        %add3A_998 = vector.broadcast %add3A_997 : i32 to vector<16xi32>
        %add3A_999 = arith.addi %xor3A_993, %add3A_998 : vector<16xi32>
        %select_n3A_1000 = arith.select %lt3A_996, %add3A_999, %xor3A_993 : vector<16xi1>, vector<16xi32>
        %broadcast_in_dim3A_1001 = vector.shape_cast %select_n3A_1000 : vector<16xi32> to vector<16x1xi32>
        %gather3A_1002 = vector.shape_cast %broadcast_in_dim3A_1001 : vector<16x1xi32> to vector<16xi32>
        %gather3A_1003 = tpu.dynamic_gather %max3A_990[%gather3A_1002] in [0] : vector<16xf32>, vector<16xi32> -> vector<16xf32>
        %max3A_1004 = arith.maximumf %max3A_990, %gather3A_1003 : vector<16xf32>
        %xor3A_1005 = arith.constant 8 : i32
        %xor3A_1006 = vector.broadcast %xor3A_1005 : i32 to vector<16xi32>
        %xor3A_1007 = arith.xori %iota3A, %xor3A_1006 : vector<16xi32>
        %lt3A_1008 = arith.constant 0 : i32
        %lt3A_1009 = vector.broadcast %lt3A_1008 : i32 to vector<16xi32>
        %lt3A_1010 = arith.cmpi slt, %xor3A_1007, %lt3A_1009 : vector<16xi32>
        %add3A_1011 = arith.constant 16 : i32
        %add3A_1012 = vector.broadcast %add3A_1011 : i32 to vector<16xi32>
        %add3A_1013 = arith.addi %xor3A_1007, %add3A_1012 : vector<16xi32>
        %select_n3A_1014 = arith.select %lt3A_1010, %add3A_1013, %xor3A_1007 : vector<16xi1>, vector<16xi32>
        %broadcast_in_dim3A_1015 = vector.shape_cast %select_n3A_1014 : vector<16xi32> to vector<16x1xi32>
        %gather3A_1016 = vector.shape_cast %broadcast_in_dim3A_1015 : vector<16x1xi32> to vector<16xi32>
        %gather3A_1017 = tpu.dynamic_gather %max3A_1004[%gather3A_1016] in [0] : vector<16xf32>, vector<16xi32> -> vector<16xf32>
        %max3A_1018 = arith.maximumf %max3A_1004, %gather3A_1017 : vector<16xf32>
        %eq3A_1019 = arith.cmpf oeq, %select_n3A_925, %max3A_1018 : vector<16xf32>
        %select_n3A_1020 = arith.select %eq3A_1019, %select_n3A_926, %select_n3A_925 : vector<16xi1>, vector<16xf32>
        %select_n3A_1021 = arith.select %eq3A_1019, %select_n3A_927, %select_n3A_926 : vector<16xi1>, vector<16xf32>
        %select_n3A_1022 = arith.select %eq3A_1019, %select_n3A_928, %select_n3A_927 : vector<16xi1>, vector<16xf32>
        %select_n3A_1023 = arith.select %eq3A_1019, %select_n3A_929, %select_n3A_928 : vector<16xi1>, vector<16xf32>
        %select_n3A_1024 = arith.select %eq3A_1019, %select_n3A_930, %select_n3A_929 : vector<16xi1>, vector<16xf32>
        %select_n3A_1025 = arith.select %eq3A_1019, %select_n3A_931, %select_n3A_930 : vector<16xi1>, vector<16xf32>
        %select_n3A_1026 = arith.select %eq3A_1019, %select_n3A_932, %select_n3A_931 : vector<16xi1>, vector<16xf32>
        %select_n3A_1027 = arith.select %eq3A_1019, %select_n3A_933, %select_n3A_932 : vector<16xi1>, vector<16xf32>
        %select_n3A_1028 = arith.select %eq3A_1019, %select_n3A_936, %select_n3A_933 : vector<16xi1>, vector<16xf32>
        %jit3A_1029 = arith.constant -3.000000e+38 : f32
        %broadcast_in_dim3A_1030 = vector.broadcast %jit3A_1029 : f32 to vector<16xf32>
        %select_n3A_1031 = arith.select %eq3A_1019, %broadcast_in_dim3A_1030, %select_n3A_936 : vector<16xi1>, vector<16xf32>
        %eq3A_1032 = arith.cmpf oeq, %select_n3A_938, %max3A_1018 : vector<16xf32>
        %select_n3A_1033 = arith.select %eq3A_1032, %select_n3A_939, %select_n3A_938 : vector<16xi1>, vector<16xf32>
        %select_n3A_1034 = arith.select %eq3A_1032, %select_n3A_940, %select_n3A_939 : vector<16xi1>, vector<16xf32>
        %select_n3A_1035 = arith.select %eq3A_1032, %select_n3A_941, %select_n3A_940 : vector<16xi1>, vector<16xf32>
        %select_n3A_1036 = arith.select %eq3A_1032, %select_n3A_944, %select_n3A_941 : vector<16xi1>, vector<16xf32>
        %jit3A_1037 = arith.constant -3.000000e+38 : f32
        %broadcast_in_dim3A_1038 = vector.broadcast %jit3A_1037 : f32 to vector<16xf32>
        %select_n3A_1039 = arith.select %eq3A_1032, %broadcast_in_dim3A_1038, %select_n3A_944 : vector<16xi1>, vector<16xf32>
        %eq3A_1040 = arith.cmpf oeq, %select_n3A_946, %max3A_1018 : vector<16xf32>
        %select_n3A_1041 = arith.select %eq3A_1040, %select_n3A_947, %select_n3A_946 : vector<16xi1>, vector<16xf32>
        %select_n3A_1042 = arith.select %eq3A_1040, %select_n3A_950, %select_n3A_947 : vector<16xi1>, vector<16xf32>
        %jit3A_1043 = arith.constant -3.000000e+38 : f32
        %broadcast_in_dim3A_1044 = vector.broadcast %jit3A_1043 : f32 to vector<16xf32>
        %select_n3A_1045 = arith.select %eq3A_1040, %broadcast_in_dim3A_1044, %select_n3A_950 : vector<16xi1>, vector<16xf32>
        %eq3A_1046 = arith.cmpf oeq, %select_n3A_952, %max3A_1018 : vector<16xf32>
        %select_n3A_1047 = arith.select %eq3A_1046, %select_n3A_955, %select_n3A_952 : vector<16xi1>, vector<16xf32>
        %jit3A_1048 = arith.constant -3.000000e+38 : f32
        %broadcast_in_dim3A_1049 = vector.broadcast %jit3A_1048 : f32 to vector<16xf32>
        %select_n3A_1050 = arith.select %eq3A_1046, %broadcast_in_dim3A_1049, %select_n3A_955 : vector<16xi1>, vector<16xf32>
        %eq3A_1051 = arith.constant 8 : i32
        %eq3A_1052 = vector.broadcast %eq3A_1051 : i32 to vector<16xi32>
        %eq3A_1053 = arith.cmpi eq, %iota3A, %eq3A_1052 : vector<16xi32>
        %select_n3A_1054 = arith.select %eq3A_1053, %max3A_1018, %select_n3A_959 : vector<16xi1>, vector<16xf32>
        %max3A_1055 = arith.maximumf %select_n3A_1020, %select_n3A_1033 : vector<16xf32>
        %max3A_1056 = arith.maximumf %select_n3A_1041, %select_n3A_1047 : vector<16xf32>
        %max3A_1057 = arith.maximumf %max3A_1055, %max3A_1056 : vector<16xf32>
        %xor3A_1058 = arith.constant 1 : i32
        %xor3A_1059 = vector.broadcast %xor3A_1058 : i32 to vector<16xi32>
        %xor3A_1060 = arith.xori %iota3A, %xor3A_1059 : vector<16xi32>
        %lt3A_1061 = arith.constant 0 : i32
        %lt3A_1062 = vector.broadcast %lt3A_1061 : i32 to vector<16xi32>
        %lt3A_1063 = arith.cmpi slt, %xor3A_1060, %lt3A_1062 : vector<16xi32>
        %add3A_1064 = arith.constant 16 : i32
        %add3A_1065 = vector.broadcast %add3A_1064 : i32 to vector<16xi32>
        %add3A_1066 = arith.addi %xor3A_1060, %add3A_1065 : vector<16xi32>
        %select_n3A_1067 = arith.select %lt3A_1063, %add3A_1066, %xor3A_1060 : vector<16xi1>, vector<16xi32>
        %broadcast_in_dim3A_1068 = vector.shape_cast %select_n3A_1067 : vector<16xi32> to vector<16x1xi32>
        %gather3A_1069 = vector.shape_cast %broadcast_in_dim3A_1068 : vector<16x1xi32> to vector<16xi32>
        %gather3A_1070 = tpu.dynamic_gather %max3A_1057[%gather3A_1069] in [0] : vector<16xf32>, vector<16xi32> -> vector<16xf32>
        %max3A_1071 = arith.maximumf %max3A_1057, %gather3A_1070 : vector<16xf32>
        %xor3A_1072 = arith.constant 2 : i32
        %xor3A_1073 = vector.broadcast %xor3A_1072 : i32 to vector<16xi32>
        %xor3A_1074 = arith.xori %iota3A, %xor3A_1073 : vector<16xi32>
        %lt3A_1075 = arith.constant 0 : i32
        %lt3A_1076 = vector.broadcast %lt3A_1075 : i32 to vector<16xi32>
        %lt3A_1077 = arith.cmpi slt, %xor3A_1074, %lt3A_1076 : vector<16xi32>
        %add3A_1078 = arith.constant 16 : i32
        %add3A_1079 = vector.broadcast %add3A_1078 : i32 to vector<16xi32>
        %add3A_1080 = arith.addi %xor3A_1074, %add3A_1079 : vector<16xi32>
        %select_n3A_1081 = arith.select %lt3A_1077, %add3A_1080, %xor3A_1074 : vector<16xi1>, vector<16xi32>
        %broadcast_in_dim3A_1082 = vector.shape_cast %select_n3A_1081 : vector<16xi32> to vector<16x1xi32>
        %gather3A_1083 = vector.shape_cast %broadcast_in_dim3A_1082 : vector<16x1xi32> to vector<16xi32>
        %gather3A_1084 = tpu.dynamic_gather %max3A_1071[%gather3A_1083] in [0] : vector<16xf32>, vector<16xi32> -> vector<16xf32>
        %max3A_1085 = arith.maximumf %max3A_1071, %gather3A_1084 : vector<16xf32>
        %xor3A_1086 = arith.constant 4 : i32
        %xor3A_1087 = vector.broadcast %xor3A_1086 : i32 to vector<16xi32>
        %xor3A_1088 = arith.xori %iota3A, %xor3A_1087 : vector<16xi32>
        %lt3A_1089 = arith.constant 0 : i32
        %lt3A_1090 = vector.broadcast %lt3A_1089 : i32 to vector<16xi32>
        %lt3A_1091 = arith.cmpi slt, %xor3A_1088, %lt3A_1090 : vector<16xi32>
        %add3A_1092 = arith.constant 16 : i32
        %add3A_1093 = vector.broadcast %add3A_1092 : i32 to vector<16xi32>
        %add3A_1094 = arith.addi %xor3A_1088, %add3A_1093 : vector<16xi32>
        %select_n3A_1095 = arith.select %lt3A_1091, %add3A_1094, %xor3A_1088 : vector<16xi1>, vector<16xi32>
        %broadcast_in_dim3A_1096 = vector.shape_cast %select_n3A_1095 : vector<16xi32> to vector<16x1xi32>
        %gather3A_1097 = vector.shape_cast %broadcast_in_dim3A_1096 : vector<16x1xi32> to vector<16xi32>
        %gather3A_1098 = tpu.dynamic_gather %max3A_1085[%gather3A_1097] in [0] : vector<16xf32>, vector<16xi32> -> vector<16xf32>
        %max3A_1099 = arith.maximumf %max3A_1085, %gather3A_1098 : vector<16xf32>
        %xor3A_1100 = arith.constant 8 : i32
        %xor3A_1101 = vector.broadcast %xor3A_1100 : i32 to vector<16xi32>
        %xor3A_1102 = arith.xori %iota3A, %xor3A_1101 : vector<16xi32>
        %lt3A_1103 = arith.constant 0 : i32
        %lt3A_1104 = vector.broadcast %lt3A_1103 : i32 to vector<16xi32>
        %lt3A_1105 = arith.cmpi slt, %xor3A_1102, %lt3A_1104 : vector<16xi32>
        %add3A_1106 = arith.constant 16 : i32
        %add3A_1107 = vector.broadcast %add3A_1106 : i32 to vector<16xi32>
        %add3A_1108 = arith.addi %xor3A_1102, %add3A_1107 : vector<16xi32>
        %select_n3A_1109 = arith.select %lt3A_1105, %add3A_1108, %xor3A_1102 : vector<16xi1>, vector<16xi32>
        %broadcast_in_dim3A_1110 = vector.shape_cast %select_n3A_1109 : vector<16xi32> to vector<16x1xi32>
        %gather3A_1111 = vector.shape_cast %broadcast_in_dim3A_1110 : vector<16x1xi32> to vector<16xi32>
        %gather3A_1112 = tpu.dynamic_gather %max3A_1099[%gather3A_1111] in [0] : vector<16xf32>, vector<16xi32> -> vector<16xf32>
        %max3A_1113 = arith.maximumf %max3A_1099, %gather3A_1112 : vector<16xf32>
        %eq3A_1114 = arith.cmpf oeq, %select_n3A_1020, %max3A_1113 : vector<16xf32>
        %select_n3A_1115 = arith.select %eq3A_1114, %select_n3A_1021, %select_n3A_1020 : vector<16xi1>, vector<16xf32>
        %select_n3A_1116 = arith.select %eq3A_1114, %select_n3A_1022, %select_n3A_1021 : vector<16xi1>, vector<16xf32>
        %select_n3A_1117 = arith.select %eq3A_1114, %select_n3A_1023, %select_n3A_1022 : vector<16xi1>, vector<16xf32>
        %select_n3A_1118 = arith.select %eq3A_1114, %select_n3A_1024, %select_n3A_1023 : vector<16xi1>, vector<16xf32>
        %select_n3A_1119 = arith.select %eq3A_1114, %select_n3A_1025, %select_n3A_1024 : vector<16xi1>, vector<16xf32>
        %select_n3A_1120 = arith.select %eq3A_1114, %select_n3A_1026, %select_n3A_1025 : vector<16xi1>, vector<16xf32>
        %select_n3A_1121 = arith.select %eq3A_1114, %select_n3A_1027, %select_n3A_1026 : vector<16xi1>, vector<16xf32>
        %select_n3A_1122 = arith.select %eq3A_1114, %select_n3A_1028, %select_n3A_1027 : vector<16xi1>, vector<16xf32>
        %select_n3A_1123 = arith.select %eq3A_1114, %select_n3A_1031, %select_n3A_1028 : vector<16xi1>, vector<16xf32>
        %jit3A_1124 = arith.constant -3.000000e+38 : f32
        %broadcast_in_dim3A_1125 = vector.broadcast %jit3A_1124 : f32 to vector<16xf32>
        %select_n3A_1126 = arith.select %eq3A_1114, %broadcast_in_dim3A_1125, %select_n3A_1031 : vector<16xi1>, vector<16xf32>
        %eq3A_1127 = arith.cmpf oeq, %select_n3A_1033, %max3A_1113 : vector<16xf32>
        %select_n3A_1128 = arith.select %eq3A_1127, %select_n3A_1034, %select_n3A_1033 : vector<16xi1>, vector<16xf32>
        %select_n3A_1129 = arith.select %eq3A_1127, %select_n3A_1035, %select_n3A_1034 : vector<16xi1>, vector<16xf32>
        %select_n3A_1130 = arith.select %eq3A_1127, %select_n3A_1036, %select_n3A_1035 : vector<16xi1>, vector<16xf32>
        %select_n3A_1131 = arith.select %eq3A_1127, %select_n3A_1039, %select_n3A_1036 : vector<16xi1>, vector<16xf32>
        %jit3A_1132 = arith.constant -3.000000e+38 : f32
        %broadcast_in_dim3A_1133 = vector.broadcast %jit3A_1132 : f32 to vector<16xf32>
        %select_n3A_1134 = arith.select %eq3A_1127, %broadcast_in_dim3A_1133, %select_n3A_1039 : vector<16xi1>, vector<16xf32>
        %eq3A_1135 = arith.cmpf oeq, %select_n3A_1041, %max3A_1113 : vector<16xf32>
        %select_n3A_1136 = arith.select %eq3A_1135, %select_n3A_1042, %select_n3A_1041 : vector<16xi1>, vector<16xf32>
        %select_n3A_1137 = arith.select %eq3A_1135, %select_n3A_1045, %select_n3A_1042 : vector<16xi1>, vector<16xf32>
        %jit3A_1138 = arith.constant -3.000000e+38 : f32
        %broadcast_in_dim3A_1139 = vector.broadcast %jit3A_1138 : f32 to vector<16xf32>
        %select_n3A_1140 = arith.select %eq3A_1135, %broadcast_in_dim3A_1139, %select_n3A_1045 : vector<16xi1>, vector<16xf32>
        %eq3A_1141 = arith.cmpf oeq, %select_n3A_1047, %max3A_1113 : vector<16xf32>
        %select_n3A_1142 = arith.select %eq3A_1141, %select_n3A_1050, %select_n3A_1047 : vector<16xi1>, vector<16xf32>
        %jit3A_1143 = arith.constant -3.000000e+38 : f32
        %broadcast_in_dim3A_1144 = vector.broadcast %jit3A_1143 : f32 to vector<16xf32>
        %select_n3A_1145 = arith.select %eq3A_1141, %broadcast_in_dim3A_1144, %select_n3A_1050 : vector<16xi1>, vector<16xf32>
        %eq3A_1146 = arith.constant 9 : i32
        %eq3A_1147 = vector.broadcast %eq3A_1146 : i32 to vector<16xi32>
        %eq3A_1148 = arith.cmpi eq, %iota3A, %eq3A_1147 : vector<16xi32>
        %select_n3A_1149 = arith.select %eq3A_1148, %max3A_1113, %select_n3A_1054 : vector<16xi1>, vector<16xf32>
        %eq3A_1150 = arith.constant 10 : i32
        %eq3A_1151 = vector.broadcast %eq3A_1150 : i32 to vector<16xi32>
        %eq3A_1152 = arith.cmpi eq, %iota3A, %eq3A_1151 : vector<16xi32>
        %select_n3A_1153 = arith.select %eq3A_1152, %gather3A_153, %select_n3A_1149 : vector<16xi1>, vector<16xf32>
        %swap3A = arith.index_cast %scan3A_106 : i32 to index
        %swap3A_1154 = arith.constant 0 : index
        %swap3A_1155 = tpu.vector_load %arg7[%swap3A, %swap3A_1154] {strides = array<i32>} : memref<8x16xf32, #tpu.memory_space<vmem>>, vector<1x16xf32>,
        %swap3A_1156 = vector.shape_cast %swap3A_1155 : vector<1x16xf32> to vector<16xf32>
        %swap3A_1157 = vector.shape_cast %select_n3A_1153 : vector<16xf32> to vector<1x16xf32>
        tpu.vector_store %arg7[%swap3A, %swap3A_1154], %swap3A_1157 {strides = array<i32>} : memref<8x16xf32, #tpu.memory_space<vmem>>, vector<1x16xf32>,
        %scan3A_1158 = arith.constant 0 : i32
        scf.yield %scan3A_1158 : i32
      }
      %scan3A_95 = arith.constant 8 : i32
      %add3A_96 = arith.constant 1 : i32
      %add3A_97 = arith.addi %mul3A_28, %add3A_96 : i32
      %mul3A_98 = arith.constant 8 : i32
      %mul3A_99 = arith.muli %add3A_97, %mul3A_98 : i32
      %add3A_100 = arith.addi %mul3A_2, %mul3A_99 : i32
      %dma_start3A_101 = arith.constant 0 : i32
      %dma_start3A_102 = tpu.memref_slice %arg3[%add3A_100, %dma_start3A_101] : memref<1536x16xf32, #tpu.memory_space<hbm>> -> memref<8x16xf32, #tpu.memory_space<hbm>>
      %dma_start3A_103 = arith.constant 0 : i32
      %dma_start3A_104 = tpu.memref_slice %arg3[%add3A_100, %dma_start3A_103] : memref<1536x16xf32, #tpu.memory_space<hbm>> -> memref<8x16xf32, #tpu.memory_space<hbm>>
      tpu.enqueue_dma source(%arg7 : memref<8x16xf32, #tpu.memory_space<vmem>>) target(%dma_start3A_104 : memref<8x16xf32, #tpu.memory_space<hbm>>) target_semaphore(%arg11 : memref<!tpu.dma_semaphore, #tpu.memory_space<semaphore_mem>>)
      %scan3A_105 = arith.constant 0 : i32
      scf.yield %scan3A_105 : i32
    }
    %scan3A_13 = arith.constant 3 : i32
    %add3A_14 = arith.constant 32 : i32
    %add3A_15 = arith.addi %mul3A_2, %add3A_14 : i32
    %dma_wait3A = arith.constant 0 : i32
    %dma_wait3A_16 = tpu.memref_slice %arg3[%add3A_15, %dma_wait3A] : memref<1536x16xf32, #tpu.memory_space<hbm>> -> memref<8x16xf32, #tpu.memory_space<hbm>>
    %dma_wait3A_17 = arith.constant 0 : i32
    %dma_wait3A_18 = tpu.memref_slice %arg3[%add3A_15, %dma_wait3A_17] : memref<1536x16xf32, #tpu.memory_space<hbm>> -> memref<8x16xf32, #tpu.memory_space<hbm>>
    tpu.wait_dma2 semaphore(%arg10 : memref<!tpu.dma_semaphore, #tpu.memory_space<semaphore_mem>>) src(%arg6 : memref<8x16xf32, #tpu.memory_space<vmem>>) dst(%dma_wait3A_18 : memref<8x16xf32, #tpu.memory_space<hbm>>)
    %add3A_19 = arith.constant 40 : i32
    %add3A_20 = arith.addi %mul3A_2, %add3A_19 : i32
    %dma_wait3A_21 = arith.constant 0 : i32
    %dma_wait3A_22 = tpu.memref_slice %arg3[%add3A_20, %dma_wait3A_21] : memref<1536x16xf32, #tpu.memory_space<hbm>> -> memref<8x16xf32, #tpu.memory_space<hbm>>
    %dma_wait3A_23 = arith.constant 0 : i32
    %dma_wait3A_24 = tpu.memref_slice %arg3[%add3A_20, %dma_wait3A_23] : memref<1536x16xf32, #tpu.memory_space<hbm>> -> memref<8x16xf32, #tpu.memory_space<hbm>>
    tpu.wait_dma2 semaphore(%arg11 : memref<!tpu.dma_semaphore, #tpu.memory_space<semaphore_mem>>) src(%arg7 : memref<8x16xf32, #tpu.memory_space<vmem>>) dst(%dma_wait3A_24 : memref<8x16xf32, #tpu.memory_space<hbm>>)
    return
  }
}

module attributes {stable_mosaic.version = 14 : i64} {
  func.func @_finish_body(%arg0: memref<4096x16xf32, #tpu.memory_space<vmem>>, %arg1: memref<1x1xf32, #tpu.memory_space<smem>>) attributes {dimension_semantics = [], scalar_prefetch = 0 : i64, scratch_operands = 0 : i64, tpu.core_type = #tpu.core_type<tc>} {
    %get3A = arith.constant 0 : index
    %get3A_0 = arith.constant 0 : index
    %get3A_1 = vector.load %arg0[%get3A, %get3A_0] : memref<4096x16xf32, #tpu.memory_space<vmem>>, vector<4096x16xf32>
    %slice3A = vector.extract_strided_slice %get3A_1 {offsets = [0, 0], sizes = [4096, 10], strides = [1, 1]} : vector<4096x16xf32> to vector<4096x10xf32>
    %slice3A_2 = vector.extract_strided_slice %get3A_1 {offsets = [0, 10], sizes = [4096, 1], strides = [1, 1]} : vector<4096x16xf32> to vector<4096x1xf32>
    %sub3A = vector.broadcast %slice3A_2 : vector<4096x1xf32> to vector<4096x10xf32>
    %sub3A_3 = arith.subf %sub3A, %slice3A : vector<4096x10xf32>
    %neg3A = arith.constant 0.000000e+00 : f32
    %neg3A_4 = vector.broadcast %neg3A : f32 to vector<4096x10xf32>
    %neg3A_5 = arith.subf %neg3A_4, %sub3A_3 : vector<4096x10xf32>
    %exp3A = math.exp %neg3A_5 : vector<4096x10xf32>
    %add3A = arith.constant 1.000000e+00 : f32
    %add3A_6 = vector.broadcast %add3A : f32 to vector<4096x10xf32>
    %add3A_7 = arith.addf %add3A_6, %exp3A : vector<4096x10xf32>
    %div3A = arith.constant 1.000000e+00 : f32
    %div3A_8 = vector.broadcast %div3A : f32 to vector<4096x10xf32>
    %div3A_9 = arith.divf %div3A_8, %add3A_7 : vector<4096x10xf32>
    %max3A = arith.constant 9.99999993E-9 : f32
    %max3A_10 = vector.broadcast %max3A : f32 to vector<4096x10xf32>
    %max3A_11 = arith.maximumf %div3A_9, %max3A_10 : vector<4096x10xf32>
    %log3A = math.log %max3A_11 : vector<4096x10xf32>
    %neg3A_12 = arith.constant 0.000000e+00 : f32
    %neg3A_13 = vector.broadcast %neg3A_12 : f32 to vector<4096x10xf32>
    %neg3A_14 = arith.subf %neg3A_13, %log3A : vector<4096x10xf32>
    %iota3A = tpu.iota {dimensions = array<i32: 1>} : vector<4096x10xi32>
    %convert_element_type3A = arith.sitofp %iota3A : vector<4096x10xi32> to vector<4096x10xf32>
    %add3A_15 = arith.constant 2.000000e+00 : f32
    %add3A_16 = vector.broadcast %add3A_15 : f32 to vector<4096x10xf32>
    %add3A_17 = arith.addf %convert_element_type3A, %add3A_16 : vector<4096x10xf32>
    %log3A_18 = math.log %add3A_17 : vector<4096x10xf32>
    %log3A_19 = arith.constant 2.000000e+00 : f32
    %log3A_20 = math.log %log3A_19 : f32
    %div3A_21 = vector.broadcast %log3A_20 : f32 to vector<4096x10xf32>
    %div3A_22 = arith.divf %log3A_18, %div3A_21 : vector<4096x10xf32>
    %div3A_23 = arith.constant 1.000000e+00 : f32
    %div3A_24 = vector.broadcast %div3A_23 : f32 to vector<4096x10xf32>
    %div3A_25 = arith.divf %div3A_24, %div3A_22 : vector<4096x10xf32>
    %gt3A = vector.broadcast %slice3A_2 : vector<4096x1xf32> to vector<4096x10xf32>
    %gt3A_26 = arith.cmpf ogt, %slice3A, %gt3A : vector<4096x10xf32>
    %convert_element_type3A_27 = arith.extui %gt3A_26 : vector<4096x10xi1> to vector<4096x10xi32>
    %convert_element_type3A_28 = arith.sitofp %convert_element_type3A_27 : vector<4096x10xi32> to vector<4096x10xf32>
    %reduce_sum3A = arith.constant dense<0.000000e+00> : vector<4096xf32>
    %reduce_sum3A_29 = vector.multi_reduction <add>, %convert_element_type3A_28, %reduce_sum3A [1] : vector<4096x10xf32> to vector<4096xf32>
    %squeeze3A = vector.shape_cast %slice3A_2 : vector<4096x1xf32> to vector<4096xf32>
    %slice3A_30 = vector.extract_strided_slice %slice3A {offsets = [0, 9], sizes = [4096, 1], strides = [1, 1]} : vector<4096x10xf32> to vector<4096x1xf32>
    %squeeze3A_31 = vector.shape_cast %slice3A_30 : vector<4096x1xf32> to vector<4096xf32>
    %ge3A = arith.cmpf oge, %squeeze3A, %squeeze3A_31 : vector<4096xf32>
    %convert_element_type3A_32 = arith.extui %ge3A : vector<4096xi1> to vector<4096xi32>
    %convert_element_type3A_33 = arith.sitofp %convert_element_type3A_32 : vector<4096xi32> to vector<4096xf32>
    %add3A_34 = arith.constant 2.000000e+00 : f32
    %add3A_35 = vector.broadcast %add3A_34 : f32 to vector<4096xf32>
    %add3A_36 = arith.addf %reduce_sum3A_29, %add3A_35 : vector<4096xf32>
    %log3A_37 = math.log %add3A_36 : vector<4096xf32>
    %log3A_38 = arith.constant 2.000000e+00 : f32
    %log3A_39 = math.log %log3A_38 : f32
    %div3A_40 = vector.broadcast %log3A_39 : f32 to vector<4096xf32>
    %div3A_41 = arith.divf %log3A_37, %div3A_40 : vector<4096xf32>
    %div3A_42 = arith.constant 0.693147182 : f32
    %div3A_43 = vector.broadcast %div3A_42 : f32 to vector<4096xf32>
    %div3A_44 = arith.divf %div3A_43, %div3A_41 : vector<4096xf32>
    %mul3A = arith.mulf %convert_element_type3A_33, %div3A_44 : vector<4096xf32>
    %mul3A_45 = arith.mulf %div3A_25, %neg3A_14 : vector<4096x10xf32>
    %reduce_sum3A_46 = arith.constant dense<0.000000e+00> : vector<4096xf32>
    %reduce_sum3A_47 = vector.multi_reduction <add>, %mul3A_45, %reduce_sum3A_46 [1] : vector<4096x10xf32> to vector<4096xf32>
    %sub3A_48 = arith.subf %reduce_sum3A_47, %mul3A : vector<4096xf32>
    %reduce_sum3A_49 = vector.shape_cast %sub3A_48 : vector<4096xf32> to vector<1x4096xf32>
    %reduce_sum3A_50 = arith.constant dense<0.000000e+00> : vector<1xf32>
    %reduce_sum3A_51 = vector.multi_reduction <add>, %reduce_sum3A_49, %reduce_sum3A_50 [1] : vector<1x4096xf32> to vector<1xf32>
    %reduce_sum3A_52 = vector.shape_cast %reduce_sum3A_51 : vector<1xf32> to vector<1x1xf32>
    %reduce_sum3A_53 = vector.extract %reduce_sum3A_52[0, 0] : f32 from vector<1x1xf32>
    %mul3A_54 = arith.constant 1.000000e+01 : f32
    %mul3A_55 = arith.constant 4.096000e+03 : f32
    %mul3A_56 = arith.mulf %mul3A_54, %mul3A_55 : f32
    %reduce_sum3A_57 = vector.shape_cast %convert_element_type3A_33 : vector<4096xf32> to vector<1x4096xf32>
    %reduce_sum3A_58 = arith.constant dense<0.000000e+00> : vector<1xf32>
    %reduce_sum3A_59 = vector.multi_reduction <add>, %reduce_sum3A_57, %reduce_sum3A_58 [1] : vector<1x4096xf32> to vector<1xf32>
    %reduce_sum3A_60 = vector.shape_cast %reduce_sum3A_59 : vector<1xf32> to vector<1x1xf32>
    %reduce_sum3A_61 = vector.extract %reduce_sum3A_60[0, 0] : f32 from vector<1x1xf32>
    %sub3A_62 = arith.subf %mul3A_56, %reduce_sum3A_61 : f32
    %max3A_63 = arith.constant 1.000000e+00 : f32
    %max3A_64 = arith.maximumf %sub3A_62, %max3A_63 : f32
    %div3A_65 = arith.divf %reduce_sum3A_53, %max3A_64 : f32
    %swap3A = arith.constant 0 : index
    %swap3A_66 = arith.constant 0 : index
    %swap3A_67 = memref.load %arg1[%swap3A, %swap3A_66] : memref<1x1xf32, #tpu.memory_space<smem>>
    memref.store %div3A_65, %arg1[%swap3A, %swap3A_66] : memref<1x1xf32, #tpu.memory_space<smem>>
    return
  }
}

module attributes {stable_mosaic.version = 14 : i64} {
  func.func @_tc_body(%arg0: i32, %arg1: memref<256x4096xf32, #tpu.memory_space<vmem>>, %arg2: memref<256x16xf32, #tpu.memory_space<vmem>>) attributes {dimension_semantics = [#tpu.dimension_semantics<arbitrary>], iteration_bounds = array<i64: 10>, scalar_prefetch = 0 : i64, scratch_operands = 0 : i64, tpu.core_type = #tpu.core_type<tc>, window_params = [{transform_indices = @transform_0, window_bounds = array<i64: 256, 4096>}, {transform_indices = @transform_1, window_bounds = array<i64: 256, 16>}]} {
    %get3A = arith.constant 0 : index
    %get3A_0 = arith.constant 0 : index
    %get3A_1 = vector.load %arg1[%get3A, %get3A_0] : memref<256x4096xf32, #tpu.memory_space<vmem>>, vector<256x4096xf32>
    %mul3A = arith.constant 256 : i32
    %mul3A_2 = arith.muli %arg0, %mul3A : i32
    %add3A = arith.constant 1536 : i32
    %add3A_3 = arith.addi %add3A, %mul3A_2 : i32
    %iota3A = tpu.iota {dimensions = array<i32: 0>} : vector<256x4096xi32>
    %add3A_4 = vector.broadcast %add3A_3 : i32 to vector<256x4096xi32>
    %add3A_5 = arith.addi %add3A_4, %iota3A : vector<256x4096xi32>
    %iota3A_6 = tpu.iota {dimensions = array<i32: 1>} : vector<256x4096xi32>
    %eq3A = arith.cmpi eq, %add3A_5, %iota3A_6 : vector<256x4096xi32>
    %jit3A = arith.constant 0.000000e+00 : f32
    %broadcast_in_dim3A = vector.broadcast %jit3A : f32 to vector<256x4096xf32>
    %select_n3A = arith.select %eq3A, %get3A_1, %broadcast_in_dim3A : vector<256x4096xi1>, vector<256x4096xf32>
    %reduce_sum3A = arith.constant dense<0.000000e+00> : vector<256xf32>
    %reduce_sum3A_7 = vector.multi_reduction <add>, %select_n3A, %reduce_sum3A [1] : vector<256x4096xf32> to vector<256xf32>
    %iota3A_8 = tpu.iota {dimensions = array<i32: 1>} : vector<256x16xi32>
    %broadcast_in_dim3A_9 = arith.constant -3.000000e+38 : f32
    %broadcast_in_dim3A_10 = vector.broadcast %broadcast_in_dim3A_9 : f32 to vector<256x128xf32>
    %broadcast_in_dim3A_11 = arith.constant -3.000000e+38 : f32
    %broadcast_in_dim3A_12 = vector.broadcast %broadcast_in_dim3A_11 : f32 to vector<256x128xf32>
    %broadcast_in_dim3A_13 = arith.constant -3.000000e+38 : f32
    %broadcast_in_dim3A_14 = vector.broadcast %broadcast_in_dim3A_13 : f32 to vector<256x128xf32>
    %broadcast_in_dim3A_15 = arith.constant -3.000000e+38 : f32
    %broadcast_in_dim3A_16 = vector.broadcast %broadcast_in_dim3A_15 : f32 to vector<256x128xf32>
    %broadcast_in_dim3A_17 = arith.constant -3.000000e+38 : f32
    %broadcast_in_dim3A_18 = vector.broadcast %broadcast_in_dim3A_17 : f32 to vector<256x128xf32>
    %broadcast_in_dim3A_19 = arith.constant -3.000000e+38 : f32
    %broadcast_in_dim3A_20 = vector.broadcast %broadcast_in_dim3A_19 : f32 to vector<256x128xf32>
    %broadcast_in_dim3A_21 = arith.constant -3.000000e+38 : f32
    %broadcast_in_dim3A_22 = vector.broadcast %broadcast_in_dim3A_21 : f32 to vector<256x128xf32>
    %broadcast_in_dim3A_23 = arith.constant -3.000000e+38 : f32
    %broadcast_in_dim3A_24 = vector.broadcast %broadcast_in_dim3A_23 : f32 to vector<256x128xf32>
    %broadcast_in_dim3A_25 = arith.constant -3.000000e+38 : f32
    %broadcast_in_dim3A_26 = vector.broadcast %broadcast_in_dim3A_25 : f32 to vector<256x128xf32>
    %broadcast_in_dim3A_27 = arith.constant -3.000000e+38 : f32
    %broadcast_in_dim3A_28 = vector.broadcast %broadcast_in_dim3A_27 : f32 to vector<256x128xf32>
    %broadcast_in_dim3A_29 = arith.constant -3.000000e+38 : f32
    %broadcast_in_dim3A_30 = vector.broadcast %broadcast_in_dim3A_29 : f32 to vector<256x128xf32>
    %broadcast_in_dim3A_31 = arith.constant -3.000000e+38 : f32
    %broadcast_in_dim3A_32 = vector.broadcast %broadcast_in_dim3A_31 : f32 to vector<256x128xf32>
    %broadcast_in_dim3A_33 = arith.constant -3.000000e+38 : f32
    %broadcast_in_dim3A_34 = vector.broadcast %broadcast_in_dim3A_33 : f32 to vector<256x128xf32>
    %broadcast_in_dim3A_35 = arith.constant -3.000000e+38 : f32
    %broadcast_in_dim3A_36 = vector.broadcast %broadcast_in_dim3A_35 : f32 to vector<256x128xf32>
    %broadcast_in_dim3A_37 = arith.constant -3.000000e+38 : f32
    %broadcast_in_dim3A_38 = vector.broadcast %broadcast_in_dim3A_37 : f32 to vector<256x128xf32>
    %broadcast_in_dim3A_39 = arith.constant -3.000000e+38 : f32
    %broadcast_in_dim3A_40 = vector.broadcast %broadcast_in_dim3A_39 : f32 to vector<256x128xf32>
    %broadcast_in_dim3A_41 = arith.constant -3.000000e+38 : f32
    %broadcast_in_dim3A_42 = vector.broadcast %broadcast_in_dim3A_41 : f32 to vector<256x128xf32>
    %broadcast_in_dim3A_43 = arith.constant -3.000000e+38 : f32
    %broadcast_in_dim3A_44 = vector.broadcast %broadcast_in_dim3A_43 : f32 to vector<256x128xf32>
    %broadcast_in_dim3A_45 = arith.constant -3.000000e+38 : f32
    %broadcast_in_dim3A_46 = vector.broadcast %broadcast_in_dim3A_45 : f32 to vector<256x128xf32>
    %broadcast_in_dim3A_47 = arith.constant -3.000000e+38 : f32
    %broadcast_in_dim3A_48 = vector.broadcast %broadcast_in_dim3A_47 : f32 to vector<256x128xf32>
    %slice3A = vector.extract_strided_slice %get3A_1 {offsets = [0, 0], sizes = [256, 128], strides = [1, 1]} : vector<256x4096xf32> to vector<256x128xf32>
    %slice3A_49 = vector.extract_strided_slice %get3A_1 {offsets = [0, 128], sizes = [256, 128], strides = [1, 1]} : vector<256x4096xf32> to vector<256x128xf32>
    %slice3A_50 = vector.extract_strided_slice %get3A_1 {offsets = [0, 256], sizes = [256, 128], strides = [1, 1]} : vector<256x4096xf32> to vector<256x128xf32>
    %slice3A_51 = vector.extract_strided_slice %get3A_1 {offsets = [0, 384], sizes = [256, 128], strides = [1, 1]} : vector<256x4096xf32> to vector<256x128xf32>
    %max3A = arith.maximumf %slice3A, %slice3A_49 : vector<256x128xf32>
    %min3A = arith.minimumf %slice3A, %slice3A_49 : vector<256x128xf32>
    %max3A_52 = arith.maximumf %slice3A_50, %slice3A_51 : vector<256x128xf32>
    %min3A_53 = arith.minimumf %slice3A_50, %slice3A_51 : vector<256x128xf32>
    %max3A_54 = arith.maximumf %max3A, %max3A_52 : vector<256x128xf32>
    %min3A_55 = arith.minimumf %max3A, %max3A_52 : vector<256x128xf32>
    %max3A_56 = arith.maximumf %min3A, %min3A_53 : vector<256x128xf32>
    %min3A_57 = arith.minimumf %min3A, %min3A_53 : vector<256x128xf32>
    %max3A_58 = arith.maximumf %max3A_56, %min3A_55 : vector<256x128xf32>
    %min3A_59 = arith.minimumf %max3A_56, %min3A_55 : vector<256x128xf32>
    %min3A_60 = arith.minimumf %broadcast_in_dim3A_10, %max3A_54 : vector<256x128xf32>
    %max3A_61 = arith.maximumf %broadcast_in_dim3A_10, %max3A_54 : vector<256x128xf32>
    %min3A_62 = arith.minimumf %broadcast_in_dim3A_12, %min3A_60 : vector<256x128xf32>
    %max3A_63 = arith.maximumf %broadcast_in_dim3A_12, %min3A_60 : vector<256x128xf32>
    %min3A_64 = arith.minimumf %broadcast_in_dim3A_14, %min3A_62 : vector<256x128xf32>
    %max3A_65 = arith.maximumf %broadcast_in_dim3A_14, %min3A_62 : vector<256x128xf32>
    %min3A_66 = arith.minimumf %broadcast_in_dim3A_16, %min3A_64 : vector<256x128xf32>
    %max3A_67 = arith.maximumf %broadcast_in_dim3A_16, %min3A_64 : vector<256x128xf32>
    %min3A_68 = arith.minimumf %broadcast_in_dim3A_18, %min3A_66 : vector<256x128xf32>
    %max3A_69 = arith.maximumf %broadcast_in_dim3A_18, %min3A_66 : vector<256x128xf32>
    %min3A_70 = arith.minimumf %broadcast_in_dim3A_20, %min3A_68 : vector<256x128xf32>
    %max3A_71 = arith.maximumf %broadcast_in_dim3A_20, %min3A_68 : vector<256x128xf32>
    %min3A_72 = arith.minimumf %broadcast_in_dim3A_22, %min3A_70 : vector<256x128xf32>
    %max3A_73 = arith.maximumf %broadcast_in_dim3A_22, %min3A_70 : vector<256x128xf32>
    %min3A_74 = arith.minimumf %broadcast_in_dim3A_24, %min3A_72 : vector<256x128xf32>
    %max3A_75 = arith.maximumf %broadcast_in_dim3A_24, %min3A_72 : vector<256x128xf32>
    %min3A_76 = arith.minimumf %broadcast_in_dim3A_26, %min3A_74 : vector<256x128xf32>
    %max3A_77 = arith.maximumf %broadcast_in_dim3A_26, %min3A_74 : vector<256x128xf32>
    %max3A_78 = arith.maximumf %broadcast_in_dim3A_28, %min3A_76 : vector<256x128xf32>
    %min3A_79 = arith.minimumf %broadcast_in_dim3A_30, %max3A_58 : vector<256x128xf32>
    %max3A_80 = arith.maximumf %broadcast_in_dim3A_30, %max3A_58 : vector<256x128xf32>
    %min3A_81 = arith.minimumf %broadcast_in_dim3A_32, %min3A_79 : vector<256x128xf32>
    %max3A_82 = arith.maximumf %broadcast_in_dim3A_32, %min3A_79 : vector<256x128xf32>
    %min3A_83 = arith.minimumf %broadcast_in_dim3A_34, %min3A_81 : vector<256x128xf32>
    %max3A_84 = arith.maximumf %broadcast_in_dim3A_34, %min3A_81 : vector<256x128xf32>
    %min3A_85 = arith.minimumf %broadcast_in_dim3A_36, %min3A_83 : vector<256x128xf32>
    %max3A_86 = arith.maximumf %broadcast_in_dim3A_36, %min3A_83 : vector<256x128xf32>
    %max3A_87 = arith.maximumf %broadcast_in_dim3A_38, %min3A_85 : vector<256x128xf32>
    %min3A_88 = arith.minimumf %broadcast_in_dim3A_40, %min3A_59 : vector<256x128xf32>
    %max3A_89 = arith.maximumf %broadcast_in_dim3A_40, %min3A_59 : vector<256x128xf32>
    %min3A_90 = arith.minimumf %broadcast_in_dim3A_42, %min3A_88 : vector<256x128xf32>
    %max3A_91 = arith.maximumf %broadcast_in_dim3A_42, %min3A_88 : vector<256x128xf32>
    %max3A_92 = arith.maximumf %broadcast_in_dim3A_44, %min3A_90 : vector<256x128xf32>
    %min3A_93 = arith.minimumf %broadcast_in_dim3A_46, %min3A_57 : vector<256x128xf32>
    %max3A_94 = arith.maximumf %broadcast_in_dim3A_46, %min3A_57 : vector<256x128xf32>
    %max3A_95 = arith.maximumf %broadcast_in_dim3A_48, %min3A_93 : vector<256x128xf32>
    %slice3A_96 = vector.extract_strided_slice %get3A_1 {offsets = [0, 512], sizes = [256, 128], strides = [1, 1]} : vector<256x4096xf32> to vector<256x128xf32>
    %slice3A_97 = vector.extract_strided_slice %get3A_1 {offsets = [0, 640], sizes = [256, 128], strides = [1, 1]} : vector<256x4096xf32> to vector<256x128xf32>
    %slice3A_98 = vector.extract_strided_slice %get3A_1 {offsets = [0, 768], sizes = [256, 128], strides = [1, 1]} : vector<256x4096xf32> to vector<256x128xf32>
    %slice3A_99 = vector.extract_strided_slice %get3A_1 {offsets = [0, 896], sizes = [256, 128], strides = [1, 1]} : vector<256x4096xf32> to vector<256x128xf32>
    %max3A_100 = arith.maximumf %slice3A_96, %slice3A_97 : vector<256x128xf32>
    %min3A_101 = arith.minimumf %slice3A_96, %slice3A_97 : vector<256x128xf32>
    %max3A_102 = arith.maximumf %slice3A_98, %slice3A_99 : vector<256x128xf32>
    %min3A_103 = arith.minimumf %slice3A_98, %slice3A_99 : vector<256x128xf32>
    %max3A_104 = arith.maximumf %max3A_100, %max3A_102 : vector<256x128xf32>
    %min3A_105 = arith.minimumf %max3A_100, %max3A_102 : vector<256x128xf32>
    %max3A_106 = arith.maximumf %min3A_101, %min3A_103 : vector<256x128xf32>
    %min3A_107 = arith.minimumf %min3A_101, %min3A_103 : vector<256x128xf32>
    %max3A_108 = arith.maximumf %max3A_106, %min3A_105 : vector<256x128xf32>
    %min3A_109 = arith.minimumf %max3A_106, %min3A_105 : vector<256x128xf32>
    %min3A_110 = arith.minimumf %max3A_61, %max3A_104 : vector<256x128xf32>
    %max3A_111 = arith.maximumf %max3A_61, %max3A_104 : vector<256x128xf32>
    %min3A_112 = arith.minimumf %max3A_63, %min3A_110 : vector<256x128xf32>
    %max3A_113 = arith.maximumf %max3A_63, %min3A_110 : vector<256x128xf32>
    %min3A_114 = arith.minimumf %max3A_65, %min3A_112 : vector<256x128xf32>
    %max3A_115 = arith.maximumf %max3A_65, %min3A_112 : vector<256x128xf32>
    %min3A_116 = arith.minimumf %max3A_67, %min3A_114 : vector<256x128xf32>
    %max3A_117 = arith.maximumf %max3A_67, %min3A_114 : vector<256x128xf32>
    %min3A_118 = arith.minimumf %max3A_69, %min3A_116 : vector<256x128xf32>
    %max3A_119 = arith.maximumf %max3A_69, %min3A_116 : vector<256x128xf32>
    %min3A_120 = arith.minimumf %max3A_71, %min3A_118 : vector<256x128xf32>
    %max3A_121 = arith.maximumf %max3A_71, %min3A_118 : vector<256x128xf32>
    %min3A_122 = arith.minimumf %max3A_73, %min3A_120 : vector<256x128xf32>
    %max3A_123 = arith.maximumf %max3A_73, %min3A_120 : vector<256x128xf32>
    %min3A_124 = arith.minimumf %max3A_75, %min3A_122 : vector<256x128xf32>
    %max3A_125 = arith.maximumf %max3A_75, %min3A_122 : vector<256x128xf32>
    %min3A_126 = arith.minimumf %max3A_77, %min3A_124 : vector<256x128xf32>
    %max3A_127 = arith.maximumf %max3A_77, %min3A_124 : vector<256x128xf32>
    %max3A_128 = arith.maximumf %max3A_78, %min3A_126 : vector<256x128xf32>
    %min3A_129 = arith.minimumf %max3A_80, %max3A_108 : vector<256x128xf32>
    %max3A_130 = arith.maximumf %max3A_80, %max3A_108 : vector<256x128xf32>
    %min3A_131 = arith.minimumf %max3A_82, %min3A_129 : vector<256x128xf32>
    %max3A_132 = arith.maximumf %max3A_82, %min3A_129 : vector<256x128xf32>
    %min3A_133 = arith.minimumf %max3A_84, %min3A_131 : vector<256x128xf32>
    %max3A_134 = arith.maximumf %max3A_84, %min3A_131 : vector<256x128xf32>
    %min3A_135 = arith.minimumf %max3A_86, %min3A_133 : vector<256x128xf32>
    %max3A_136 = arith.maximumf %max3A_86, %min3A_133 : vector<256x128xf32>
    %max3A_137 = arith.maximumf %max3A_87, %min3A_135 : vector<256x128xf32>
    %min3A_138 = arith.minimumf %max3A_89, %min3A_109 : vector<256x128xf32>
    %max3A_139 = arith.maximumf %max3A_89, %min3A_109 : vector<256x128xf32>
    %min3A_140 = arith.minimumf %max3A_91, %min3A_138 : vector<256x128xf32>
    %max3A_141 = arith.maximumf %max3A_91, %min3A_138 : vector<256x128xf32>
    %max3A_142 = arith.maximumf %max3A_92, %min3A_140 : vector<256x128xf32>
    %min3A_143 = arith.minimumf %max3A_94, %min3A_107 : vector<256x128xf32>
    %max3A_144 = arith.maximumf %max3A_94, %min3A_107 : vector<256x128xf32>
    %max3A_145 = arith.maximumf %max3A_95, %min3A_143 : vector<256x128xf32>
    %slice3A_146 = vector.extract_strided_slice %get3A_1 {offsets = [0, 1024], sizes = [256, 128], strides = [1, 1]} : vector<256x4096xf32> to vector<256x128xf32>
    %slice3A_147 = vector.extract_strided_slice %get3A_1 {offsets = [0, 1152], sizes = [256, 128], strides = [1, 1]} : vector<256x4096xf32> to vector<256x128xf32>
    %slice3A_148 = vector.extract_strided_slice %get3A_1 {offsets = [0, 1280], sizes = [256, 128], strides = [1, 1]} : vector<256x4096xf32> to vector<256x128xf32>
    %slice3A_149 = vector.extract_strided_slice %get3A_1 {offsets = [0, 1408], sizes = [256, 128], strides = [1, 1]} : vector<256x4096xf32> to vector<256x128xf32>
    %max3A_150 = arith.maximumf %slice3A_146, %slice3A_147 : vector<256x128xf32>
    %min3A_151 = arith.minimumf %slice3A_146, %slice3A_147 : vector<256x128xf32>
    %max3A_152 = arith.maximumf %slice3A_148, %slice3A_149 : vector<256x128xf32>
    %min3A_153 = arith.minimumf %slice3A_148, %slice3A_149 : vector<256x128xf32>
    %max3A_154 = arith.maximumf %max3A_150, %max3A_152 : vector<256x128xf32>
    %min3A_155 = arith.minimumf %max3A_150, %max3A_152 : vector<256x128xf32>
    %max3A_156 = arith.maximumf %min3A_151, %min3A_153 : vector<256x128xf32>
    %min3A_157 = arith.minimumf %min3A_151, %min3A_153 : vector<256x128xf32>
    %max3A_158 = arith.maximumf %max3A_156, %min3A_155 : vector<256x128xf32>
    %min3A_159 = arith.minimumf %max3A_156, %min3A_155 : vector<256x128xf32>
    %min3A_160 = arith.minimumf %max3A_111, %max3A_154 : vector<256x128xf32>
    %max3A_161 = arith.maximumf %max3A_111, %max3A_154 : vector<256x128xf32>
    %min3A_162 = arith.minimumf %max3A_113, %min3A_160 : vector<256x128xf32>
    %max3A_163 = arith.maximumf %max3A_113, %min3A_160 : vector<256x128xf32>
    %min3A_164 = arith.minimumf %max3A_115, %min3A_162 : vector<256x128xf32>
    %max3A_165 = arith.maximumf %max3A_115, %min3A_162 : vector<256x128xf32>
    %min3A_166 = arith.minimumf %max3A_117, %min3A_164 : vector<256x128xf32>
    %max3A_167 = arith.maximumf %max3A_117, %min3A_164 : vector<256x128xf32>
    %min3A_168 = arith.minimumf %max3A_119, %min3A_166 : vector<256x128xf32>
    %max3A_169 = arith.maximumf %max3A_119, %min3A_166 : vector<256x128xf32>
    %min3A_170 = arith.minimumf %max3A_121, %min3A_168 : vector<256x128xf32>
    %max3A_171 = arith.maximumf %max3A_121, %min3A_168 : vector<256x128xf32>
    %min3A_172 = arith.minimumf %max3A_123, %min3A_170 : vector<256x128xf32>
    %max3A_173 = arith.maximumf %max3A_123, %min3A_170 : vector<256x128xf32>
    %min3A_174 = arith.minimumf %max3A_125, %min3A_172 : vector<256x128xf32>
    %max3A_175 = arith.maximumf %max3A_125, %min3A_172 : vector<256x128xf32>
    %min3A_176 = arith.minimumf %max3A_127, %min3A_174 : vector<256x128xf32>
    %max3A_177 = arith.maximumf %max3A_127, %min3A_174 : vector<256x128xf32>
    %max3A_178 = arith.maximumf %max3A_128, %min3A_176 : vector<256x128xf32>
    %min3A_179 = arith.minimumf %max3A_130, %max3A_158 : vector<256x128xf32>
    %max3A_180 = arith.maximumf %max3A_130, %max3A_158 : vector<256x128xf32>
    %min3A_181 = arith.minimumf %max3A_132, %min3A_179 : vector<256x128xf32>
    %max3A_182 = arith.maximumf %max3A_132, %min3A_179 : vector<256x128xf32>
    %min3A_183 = arith.minimumf %max3A_134, %min3A_181 : vector<256x128xf32>
    %max3A_184 = arith.maximumf %max3A_134, %min3A_181 : vector<256x128xf32>
    %min3A_185 = arith.minimumf %max3A_136, %min3A_183 : vector<256x128xf32>
    %max3A_186 = arith.maximumf %max3A_136, %min3A_183 : vector<256x128xf32>
    %max3A_187 = arith.maximumf %max3A_137, %min3A_185 : vector<256x128xf32>
    %min3A_188 = arith.minimumf %max3A_139, %min3A_159 : vector<256x128xf32>
    %max3A_189 = arith.maximumf %max3A_139, %min3A_159 : vector<256x128xf32>
    %min3A_190 = arith.minimumf %max3A_141, %min3A_188 : vector<256x128xf32>
    %max3A_191 = arith.maximumf %max3A_141, %min3A_188 : vector<256x128xf32>
    %max3A_192 = arith.maximumf %max3A_142, %min3A_190 : vector<256x128xf32>
    %min3A_193 = arith.minimumf %max3A_144, %min3A_157 : vector<256x128xf32>
    %max3A_194 = arith.maximumf %max3A_144, %min3A_157 : vector<256x128xf32>
    %max3A_195 = arith.maximumf %max3A_145, %min3A_193 : vector<256x128xf32>
    %slice3A_196 = vector.extract_strided_slice %get3A_1 {offsets = [0, 1536], sizes = [256, 128], strides = [1, 1]} : vector<256x4096xf32> to vector<256x128xf32>
    %slice3A_197 = vector.extract_strided_slice %get3A_1 {offsets = [0, 1664], sizes = [256, 128], strides = [1, 1]} : vector<256x4096xf32> to vector<256x128xf32>
    %slice3A_198 = vector.extract_strided_slice %get3A_1 {offsets = [0, 1792], sizes = [256, 128], strides = [1, 1]} : vector<256x4096xf32> to vector<256x128xf32>
    %slice3A_199 = vector.extract_strided_slice %get3A_1 {offsets = [0, 1920], sizes = [256, 128], strides = [1, 1]} : vector<256x4096xf32> to vector<256x128xf32>
    %max3A_200 = arith.maximumf %slice3A_196, %slice3A_197 : vector<256x128xf32>
    %min3A_201 = arith.minimumf %slice3A_196, %slice3A_197 : vector<256x128xf32>
    %max3A_202 = arith.maximumf %slice3A_198, %slice3A_199 : vector<256x128xf32>
    %min3A_203 = arith.minimumf %slice3A_198, %slice3A_199 : vector<256x128xf32>
    %max3A_204 = arith.maximumf %max3A_200, %max3A_202 : vector<256x128xf32>
    %min3A_205 = arith.minimumf %max3A_200, %max3A_202 : vector<256x128xf32>
    %max3A_206 = arith.maximumf %min3A_201, %min3A_203 : vector<256x128xf32>
    %min3A_207 = arith.minimumf %min3A_201, %min3A_203 : vector<256x128xf32>
    %max3A_208 = arith.maximumf %max3A_206, %min3A_205 : vector<256x128xf32>
    %min3A_209 = arith.minimumf %max3A_206, %min3A_205 : vector<256x128xf32>
    %min3A_210 = arith.minimumf %max3A_161, %max3A_204 : vector<256x128xf32>
    %max3A_211 = arith.maximumf %max3A_161, %max3A_204 : vector<256x128xf32>
    %min3A_212 = arith.minimumf %max3A_163, %min3A_210 : vector<256x128xf32>
    %max3A_213 = arith.maximumf %max3A_163, %min3A_210 : vector<256x128xf32>
    %min3A_214 = arith.minimumf %max3A_165, %min3A_212 : vector<256x128xf32>
    %max3A_215 = arith.maximumf %max3A_165, %min3A_212 : vector<256x128xf32>
    %min3A_216 = arith.minimumf %max3A_167, %min3A_214 : vector<256x128xf32>
    %max3A_217 = arith.maximumf %max3A_167, %min3A_214 : vector<256x128xf32>
    %min3A_218 = arith.minimumf %max3A_169, %min3A_216 : vector<256x128xf32>
    %max3A_219 = arith.maximumf %max3A_169, %min3A_216 : vector<256x128xf32>
    %min3A_220 = arith.minimumf %max3A_171, %min3A_218 : vector<256x128xf32>
    %max3A_221 = arith.maximumf %max3A_171, %min3A_218 : vector<256x128xf32>
    %min3A_222 = arith.minimumf %max3A_173, %min3A_220 : vector<256x128xf32>
    %max3A_223 = arith.maximumf %max3A_173, %min3A_220 : vector<256x128xf32>
    %min3A_224 = arith.minimumf %max3A_175, %min3A_222 : vector<256x128xf32>
    %max3A_225 = arith.maximumf %max3A_175, %min3A_222 : vector<256x128xf32>
    %min3A_226 = arith.minimumf %max3A_177, %min3A_224 : vector<256x128xf32>
    %max3A_227 = arith.maximumf %max3A_177, %min3A_224 : vector<256x128xf32>
    %max3A_228 = arith.maximumf %max3A_178, %min3A_226 : vector<256x128xf32>
    %min3A_229 = arith.minimumf %max3A_180, %max3A_208 : vector<256x128xf32>
    %max3A_230 = arith.maximumf %max3A_180, %max3A_208 : vector<256x128xf32>
    %min3A_231 = arith.minimumf %max3A_182, %min3A_229 : vector<256x128xf32>
    %max3A_232 = arith.maximumf %max3A_182, %min3A_229 : vector<256x128xf32>
    %min3A_233 = arith.minimumf %max3A_184, %min3A_231 : vector<256x128xf32>
    %max3A_234 = arith.maximumf %max3A_184, %min3A_231 : vector<256x128xf32>
    %min3A_235 = arith.minimumf %max3A_186, %min3A_233 : vector<256x128xf32>
    %max3A_236 = arith.maximumf %max3A_186, %min3A_233 : vector<256x128xf32>
    %max3A_237 = arith.maximumf %max3A_187, %min3A_235 : vector<256x128xf32>
    %min3A_238 = arith.minimumf %max3A_189, %min3A_209 : vector<256x128xf32>
    %max3A_239 = arith.maximumf %max3A_189, %min3A_209 : vector<256x128xf32>
    %min3A_240 = arith.minimumf %max3A_191, %min3A_238 : vector<256x128xf32>
    %max3A_241 = arith.maximumf %max3A_191, %min3A_238 : vector<256x128xf32>
    %max3A_242 = arith.maximumf %max3A_192, %min3A_240 : vector<256x128xf32>
    %min3A_243 = arith.minimumf %max3A_194, %min3A_207 : vector<256x128xf32>
    %max3A_244 = arith.maximumf %max3A_194, %min3A_207 : vector<256x128xf32>
    %max3A_245 = arith.maximumf %max3A_195, %min3A_243 : vector<256x128xf32>
    %slice3A_246 = vector.extract_strided_slice %get3A_1 {offsets = [0, 2048], sizes = [256, 128], strides = [1, 1]} : vector<256x4096xf32> to vector<256x128xf32>
    %slice3A_247 = vector.extract_strided_slice %get3A_1 {offsets = [0, 2176], sizes = [256, 128], strides = [1, 1]} : vector<256x4096xf32> to vector<256x128xf32>
    %slice3A_248 = vector.extract_strided_slice %get3A_1 {offsets = [0, 2304], sizes = [256, 128], strides = [1, 1]} : vector<256x4096xf32> to vector<256x128xf32>
    %slice3A_249 = vector.extract_strided_slice %get3A_1 {offsets = [0, 2432], sizes = [256, 128], strides = [1, 1]} : vector<256x4096xf32> to vector<256x128xf32>
    %max3A_250 = arith.maximumf %slice3A_246, %slice3A_247 : vector<256x128xf32>
    %min3A_251 = arith.minimumf %slice3A_246, %slice3A_247 : vector<256x128xf32>
    %max3A_252 = arith.maximumf %slice3A_248, %slice3A_249 : vector<256x128xf32>
    %min3A_253 = arith.minimumf %slice3A_248, %slice3A_249 : vector<256x128xf32>
    %max3A_254 = arith.maximumf %max3A_250, %max3A_252 : vector<256x128xf32>
    %min3A_255 = arith.minimumf %max3A_250, %max3A_252 : vector<256x128xf32>
    %max3A_256 = arith.maximumf %min3A_251, %min3A_253 : vector<256x128xf32>
    %min3A_257 = arith.minimumf %min3A_251, %min3A_253 : vector<256x128xf32>
    %max3A_258 = arith.maximumf %max3A_256, %min3A_255 : vector<256x128xf32>
    %min3A_259 = arith.minimumf %max3A_256, %min3A_255 : vector<256x128xf32>
    %min3A_260 = arith.minimumf %max3A_211, %max3A_254 : vector<256x128xf32>
    %max3A_261 = arith.maximumf %max3A_211, %max3A_254 : vector<256x128xf32>
    %min3A_262 = arith.minimumf %max3A_213, %min3A_260 : vector<256x128xf32>
    %max3A_263 = arith.maximumf %max3A_213, %min3A_260 : vector<256x128xf32>
    %min3A_264 = arith.minimumf %max3A_215, %min3A_262 : vector<256x128xf32>
    %max3A_265 = arith.maximumf %max3A_215, %min3A_262 : vector<256x128xf32>
    %min3A_266 = arith.minimumf %max3A_217, %min3A_264 : vector<256x128xf32>
    %max3A_267 = arith.maximumf %max3A_217, %min3A_264 : vector<256x128xf32>
    %min3A_268 = arith.minimumf %max3A_219, %min3A_266 : vector<256x128xf32>
    %max3A_269 = arith.maximumf %max3A_219, %min3A_266 : vector<256x128xf32>
    %min3A_270 = arith.minimumf %max3A_221, %min3A_268 : vector<256x128xf32>
    %max3A_271 = arith.maximumf %max3A_221, %min3A_268 : vector<256x128xf32>
    %min3A_272 = arith.minimumf %max3A_223, %min3A_270 : vector<256x128xf32>
    %max3A_273 = arith.maximumf %max3A_223, %min3A_270 : vector<256x128xf32>
    %min3A_274 = arith.minimumf %max3A_225, %min3A_272 : vector<256x128xf32>
    %max3A_275 = arith.maximumf %max3A_225, %min3A_272 : vector<256x128xf32>
    %min3A_276 = arith.minimumf %max3A_227, %min3A_274 : vector<256x128xf32>
    %max3A_277 = arith.maximumf %max3A_227, %min3A_274 : vector<256x128xf32>
    %max3A_278 = arith.maximumf %max3A_228, %min3A_276 : vector<256x128xf32>
    %min3A_279 = arith.minimumf %max3A_230, %max3A_258 : vector<256x128xf32>
    %max3A_280 = arith.maximumf %max3A_230, %max3A_258 : vector<256x128xf32>
    %min3A_281 = arith.minimumf %max3A_232, %min3A_279 : vector<256x128xf32>
    %max3A_282 = arith.maximumf %max3A_232, %min3A_279 : vector<256x128xf32>
    %min3A_283 = arith.minimumf %max3A_234, %min3A_281 : vector<256x128xf32>
    %max3A_284 = arith.maximumf %max3A_234, %min3A_281 : vector<256x128xf32>
    %min3A_285 = arith.minimumf %max3A_236, %min3A_283 : vector<256x128xf32>
    %max3A_286 = arith.maximumf %max3A_236, %min3A_283 : vector<256x128xf32>
    %max3A_287 = arith.maximumf %max3A_237, %min3A_285 : vector<256x128xf32>
    %min3A_288 = arith.minimumf %max3A_239, %min3A_259 : vector<256x128xf32>
    %max3A_289 = arith.maximumf %max3A_239, %min3A_259 : vector<256x128xf32>
    %min3A_290 = arith.minimumf %max3A_241, %min3A_288 : vector<256x128xf32>
    %max3A_291 = arith.maximumf %max3A_241, %min3A_288 : vector<256x128xf32>
    %max3A_292 = arith.maximumf %max3A_242, %min3A_290 : vector<256x128xf32>
    %min3A_293 = arith.minimumf %max3A_244, %min3A_257 : vector<256x128xf32>
    %max3A_294 = arith.maximumf %max3A_244, %min3A_257 : vector<256x128xf32>
    %max3A_295 = arith.maximumf %max3A_245, %min3A_293 : vector<256x128xf32>
    %slice3A_296 = vector.extract_strided_slice %get3A_1 {offsets = [0, 2560], sizes = [256, 128], strides = [1, 1]} : vector<256x4096xf32> to vector<256x128xf32>
    %slice3A_297 = vector.extract_strided_slice %get3A_1 {offsets = [0, 2688], sizes = [256, 128], strides = [1, 1]} : vector<256x4096xf32> to vector<256x128xf32>
    %slice3A_298 = vector.extract_strided_slice %get3A_1 {offsets = [0, 2816], sizes = [256, 128], strides = [1, 1]} : vector<256x4096xf32> to vector<256x128xf32>
    %slice3A_299 = vector.extract_strided_slice %get3A_1 {offsets = [0, 2944], sizes = [256, 128], strides = [1, 1]} : vector<256x4096xf32> to vector<256x128xf32>
    %max3A_300 = arith.maximumf %slice3A_296, %slice3A_297 : vector<256x128xf32>
    %min3A_301 = arith.minimumf %slice3A_296, %slice3A_297 : vector<256x128xf32>
    %max3A_302 = arith.maximumf %slice3A_298, %slice3A_299 : vector<256x128xf32>
    %min3A_303 = arith.minimumf %slice3A_298, %slice3A_299 : vector<256x128xf32>
    %max3A_304 = arith.maximumf %max3A_300, %max3A_302 : vector<256x128xf32>
    %min3A_305 = arith.minimumf %max3A_300, %max3A_302 : vector<256x128xf32>
    %max3A_306 = arith.maximumf %min3A_301, %min3A_303 : vector<256x128xf32>
    %min3A_307 = arith.minimumf %min3A_301, %min3A_303 : vector<256x128xf32>
    %max3A_308 = arith.maximumf %max3A_306, %min3A_305 : vector<256x128xf32>
    %min3A_309 = arith.minimumf %max3A_306, %min3A_305 : vector<256x128xf32>
    %min3A_310 = arith.minimumf %max3A_261, %max3A_304 : vector<256x128xf32>
    %max3A_311 = arith.maximumf %max3A_261, %max3A_304 : vector<256x128xf32>
    %min3A_312 = arith.minimumf %max3A_263, %min3A_310 : vector<256x128xf32>
    %max3A_313 = arith.maximumf %max3A_263, %min3A_310 : vector<256x128xf32>
    %min3A_314 = arith.minimumf %max3A_265, %min3A_312 : vector<256x128xf32>
    %max3A_315 = arith.maximumf %max3A_265, %min3A_312 : vector<256x128xf32>
    %min3A_316 = arith.minimumf %max3A_267, %min3A_314 : vector<256x128xf32>
    %max3A_317 = arith.maximumf %max3A_267, %min3A_314 : vector<256x128xf32>
    %min3A_318 = arith.minimumf %max3A_269, %min3A_316 : vector<256x128xf32>
    %max3A_319 = arith.maximumf %max3A_269, %min3A_316 : vector<256x128xf32>
    %min3A_320 = arith.minimumf %max3A_271, %min3A_318 : vector<256x128xf32>
    %max3A_321 = arith.maximumf %max3A_271, %min3A_318 : vector<256x128xf32>
    %min3A_322 = arith.minimumf %max3A_273, %min3A_320 : vector<256x128xf32>
    %max3A_323 = arith.maximumf %max3A_273, %min3A_320 : vector<256x128xf32>
    %min3A_324 = arith.minimumf %max3A_275, %min3A_322 : vector<256x128xf32>
    %max3A_325 = arith.maximumf %max3A_275, %min3A_322 : vector<256x128xf32>
    %min3A_326 = arith.minimumf %max3A_277, %min3A_324 : vector<256x128xf32>
    %max3A_327 = arith.maximumf %max3A_277, %min3A_324 : vector<256x128xf32>
    %max3A_328 = arith.maximumf %max3A_278, %min3A_326 : vector<256x128xf32>
    %min3A_329 = arith.minimumf %max3A_280, %max3A_308 : vector<256x128xf32>
    %max3A_330 = arith.maximumf %max3A_280, %max3A_308 : vector<256x128xf32>
    %min3A_331 = arith.minimumf %max3A_282, %min3A_329 : vector<256x128xf32>
    %max3A_332 = arith.maximumf %max3A_282, %min3A_329 : vector<256x128xf32>
    %min3A_333 = arith.minimumf %max3A_284, %min3A_331 : vector<256x128xf32>
    %max3A_334 = arith.maximumf %max3A_284, %min3A_331 : vector<256x128xf32>
    %min3A_335 = arith.minimumf %max3A_286, %min3A_333 : vector<256x128xf32>
    %max3A_336 = arith.maximumf %max3A_286, %min3A_333 : vector<256x128xf32>
    %max3A_337 = arith.maximumf %max3A_287, %min3A_335 : vector<256x128xf32>
    %min3A_338 = arith.minimumf %max3A_289, %min3A_309 : vector<256x128xf32>
    %max3A_339 = arith.maximumf %max3A_289, %min3A_309 : vector<256x128xf32>
    %min3A_340 = arith.minimumf %max3A_291, %min3A_338 : vector<256x128xf32>
    %max3A_341 = arith.maximumf %max3A_291, %min3A_338 : vector<256x128xf32>
    %max3A_342 = arith.maximumf %max3A_292, %min3A_340 : vector<256x128xf32>
    %min3A_343 = arith.minimumf %max3A_294, %min3A_307 : vector<256x128xf32>
    %max3A_344 = arith.maximumf %max3A_294, %min3A_307 : vector<256x128xf32>
    %max3A_345 = arith.maximumf %max3A_295, %min3A_343 : vector<256x128xf32>
    %slice3A_346 = vector.extract_strided_slice %get3A_1 {offsets = [0, 3072], sizes = [256, 128], strides = [1, 1]} : vector<256x4096xf32> to vector<256x128xf32>
    %slice3A_347 = vector.extract_strided_slice %get3A_1 {offsets = [0, 3200], sizes = [256, 128], strides = [1, 1]} : vector<256x4096xf32> to vector<256x128xf32>
    %slice3A_348 = vector.extract_strided_slice %get3A_1 {offsets = [0, 3328], sizes = [256, 128], strides = [1, 1]} : vector<256x4096xf32> to vector<256x128xf32>
    %slice3A_349 = vector.extract_strided_slice %get3A_1 {offsets = [0, 3456], sizes = [256, 128], strides = [1, 1]} : vector<256x4096xf32> to vector<256x128xf32>
    %max3A_350 = arith.maximumf %slice3A_346, %slice3A_347 : vector<256x128xf32>
    %min3A_351 = arith.minimumf %slice3A_346, %slice3A_347 : vector<256x128xf32>
    %max3A_352 = arith.maximumf %slice3A_348, %slice3A_349 : vector<256x128xf32>
    %min3A_353 = arith.minimumf %slice3A_348, %slice3A_349 : vector<256x128xf32>
    %max3A_354 = arith.maximumf %max3A_350, %max3A_352 : vector<256x128xf32>
    %min3A_355 = arith.minimumf %max3A_350, %max3A_352 : vector<256x128xf32>
    %max3A_356 = arith.maximumf %min3A_351, %min3A_353 : vector<256x128xf32>
    %min3A_357 = arith.minimumf %min3A_351, %min3A_353 : vector<256x128xf32>
    %max3A_358 = arith.maximumf %max3A_356, %min3A_355 : vector<256x128xf32>
    %min3A_359 = arith.minimumf %max3A_356, %min3A_355 : vector<256x128xf32>
    %min3A_360 = arith.minimumf %max3A_311, %max3A_354 : vector<256x128xf32>
    %max3A_361 = arith.maximumf %max3A_311, %max3A_354 : vector<256x128xf32>
    %min3A_362 = arith.minimumf %max3A_313, %min3A_360 : vector<256x128xf32>
    %max3A_363 = arith.maximumf %max3A_313, %min3A_360 : vector<256x128xf32>
    %min3A_364 = arith.minimumf %max3A_315, %min3A_362 : vector<256x128xf32>
    %max3A_365 = arith.maximumf %max3A_315, %min3A_362 : vector<256x128xf32>
    %min3A_366 = arith.minimumf %max3A_317, %min3A_364 : vector<256x128xf32>
    %max3A_367 = arith.maximumf %max3A_317, %min3A_364 : vector<256x128xf32>
    %min3A_368 = arith.minimumf %max3A_319, %min3A_366 : vector<256x128xf32>
    %max3A_369 = arith.maximumf %max3A_319, %min3A_366 : vector<256x128xf32>
    %min3A_370 = arith.minimumf %max3A_321, %min3A_368 : vector<256x128xf32>
    %max3A_371 = arith.maximumf %max3A_321, %min3A_368 : vector<256x128xf32>
    %min3A_372 = arith.minimumf %max3A_323, %min3A_370 : vector<256x128xf32>
    %max3A_373 = arith.maximumf %max3A_323, %min3A_370 : vector<256x128xf32>
    %min3A_374 = arith.minimumf %max3A_325, %min3A_372 : vector<256x128xf32>
    %max3A_375 = arith.maximumf %max3A_325, %min3A_372 : vector<256x128xf32>
    %min3A_376 = arith.minimumf %max3A_327, %min3A_374 : vector<256x128xf32>
    %max3A_377 = arith.maximumf %max3A_327, %min3A_374 : vector<256x128xf32>
    %max3A_378 = arith.maximumf %max3A_328, %min3A_376 : vector<256x128xf32>
    %min3A_379 = arith.minimumf %max3A_330, %max3A_358 : vector<256x128xf32>
    %max3A_380 = arith.maximumf %max3A_330, %max3A_358 : vector<256x128xf32>
    %min3A_381 = arith.minimumf %max3A_332, %min3A_379 : vector<256x128xf32>
    %max3A_382 = arith.maximumf %max3A_332, %min3A_379 : vector<256x128xf32>
    %min3A_383 = arith.minimumf %max3A_334, %min3A_381 : vector<256x128xf32>
    %max3A_384 = arith.maximumf %max3A_334, %min3A_381 : vector<256x128xf32>
    %min3A_385 = arith.minimumf %max3A_336, %min3A_383 : vector<256x128xf32>
    %max3A_386 = arith.maximumf %max3A_336, %min3A_383 : vector<256x128xf32>
    %max3A_387 = arith.maximumf %max3A_337, %min3A_385 : vector<256x128xf32>
    %min3A_388 = arith.minimumf %max3A_339, %min3A_359 : vector<256x128xf32>
    %max3A_389 = arith.maximumf %max3A_339, %min3A_359 : vector<256x128xf32>
    %min3A_390 = arith.minimumf %max3A_341, %min3A_388 : vector<256x128xf32>
    %max3A_391 = arith.maximumf %max3A_341, %min3A_388 : vector<256x128xf32>
    %max3A_392 = arith.maximumf %max3A_342, %min3A_390 : vector<256x128xf32>
    %min3A_393 = arith.minimumf %max3A_344, %min3A_357 : vector<256x128xf32>
    %max3A_394 = arith.maximumf %max3A_344, %min3A_357 : vector<256x128xf32>
    %max3A_395 = arith.maximumf %max3A_345, %min3A_393 : vector<256x128xf32>
    %slice3A_396 = vector.extract_strided_slice %get3A_1 {offsets = [0, 3584], sizes = [256, 128], strides = [1, 1]} : vector<256x4096xf32> to vector<256x128xf32>
    %slice3A_397 = vector.extract_strided_slice %get3A_1 {offsets = [0, 3712], sizes = [256, 128], strides = [1, 1]} : vector<256x4096xf32> to vector<256x128xf32>
    %slice3A_398 = vector.extract_strided_slice %get3A_1 {offsets = [0, 3840], sizes = [256, 128], strides = [1, 1]} : vector<256x4096xf32> to vector<256x128xf32>
    %slice3A_399 = vector.extract_strided_slice %get3A_1 {offsets = [0, 3968], sizes = [256, 128], strides = [1, 1]} : vector<256x4096xf32> to vector<256x128xf32>
    %max3A_400 = arith.maximumf %slice3A_396, %slice3A_397 : vector<256x128xf32>
    %min3A_401 = arith.minimumf %slice3A_396, %slice3A_397 : vector<256x128xf32>
    %max3A_402 = arith.maximumf %slice3A_398, %slice3A_399 : vector<256x128xf32>
    %min3A_403 = arith.minimumf %slice3A_398, %slice3A_399 : vector<256x128xf32>
    %max3A_404 = arith.maximumf %max3A_400, %max3A_402 : vector<256x128xf32>
    %min3A_405 = arith.minimumf %max3A_400, %max3A_402 : vector<256x128xf32>
    %max3A_406 = arith.maximumf %min3A_401, %min3A_403 : vector<256x128xf32>
    %min3A_407 = arith.minimumf %min3A_401, %min3A_403 : vector<256x128xf32>
    %max3A_408 = arith.maximumf %max3A_406, %min3A_405 : vector<256x128xf32>
    %min3A_409 = arith.minimumf %max3A_406, %min3A_405 : vector<256x128xf32>
    %min3A_410 = arith.minimumf %max3A_361, %max3A_404 : vector<256x128xf32>
    %max3A_411 = arith.maximumf %max3A_361, %max3A_404 : vector<256x128xf32>
    %min3A_412 = arith.minimumf %max3A_363, %min3A_410 : vector<256x128xf32>
    %max3A_413 = arith.maximumf %max3A_363, %min3A_410 : vector<256x128xf32>
    %min3A_414 = arith.minimumf %max3A_365, %min3A_412 : vector<256x128xf32>
    %max3A_415 = arith.maximumf %max3A_365, %min3A_412 : vector<256x128xf32>
    %min3A_416 = arith.minimumf %max3A_367, %min3A_414 : vector<256x128xf32>
    %max3A_417 = arith.maximumf %max3A_367, %min3A_414 : vector<256x128xf32>
    %min3A_418 = arith.minimumf %max3A_369, %min3A_416 : vector<256x128xf32>
    %max3A_419 = arith.maximumf %max3A_369, %min3A_416 : vector<256x128xf32>
    %min3A_420 = arith.minimumf %max3A_371, %min3A_418 : vector<256x128xf32>
    %max3A_421 = arith.maximumf %max3A_371, %min3A_418 : vector<256x128xf32>
    %min3A_422 = arith.minimumf %max3A_373, %min3A_420 : vector<256x128xf32>
    %max3A_423 = arith.maximumf %max3A_373, %min3A_420 : vector<256x128xf32>
    %min3A_424 = arith.minimumf %max3A_375, %min3A_422 : vector<256x128xf32>
    %max3A_425 = arith.maximumf %max3A_375, %min3A_422 : vector<256x128xf32>
    %min3A_426 = arith.minimumf %max3A_377, %min3A_424 : vector<256x128xf32>
    %max3A_427 = arith.maximumf %max3A_377, %min3A_424 : vector<256x128xf32>
    %max3A_428 = arith.maximumf %max3A_378, %min3A_426 : vector<256x128xf32>
    %min3A_429 = arith.minimumf %max3A_380, %max3A_408 : vector<256x128xf32>
    %max3A_430 = arith.maximumf %max3A_380, %max3A_408 : vector<256x128xf32>
    %min3A_431 = arith.minimumf %max3A_382, %min3A_429 : vector<256x128xf32>
    %max3A_432 = arith.maximumf %max3A_382, %min3A_429 : vector<256x128xf32>
    %min3A_433 = arith.minimumf %max3A_384, %min3A_431 : vector<256x128xf32>
    %max3A_434 = arith.maximumf %max3A_384, %min3A_431 : vector<256x128xf32>
    %min3A_435 = arith.minimumf %max3A_386, %min3A_433 : vector<256x128xf32>
    %max3A_436 = arith.maximumf %max3A_386, %min3A_433 : vector<256x128xf32>
    %max3A_437 = arith.maximumf %max3A_387, %min3A_435 : vector<256x128xf32>
    %min3A_438 = arith.minimumf %max3A_389, %min3A_409 : vector<256x128xf32>
    %max3A_439 = arith.maximumf %max3A_389, %min3A_409 : vector<256x128xf32>
    %min3A_440 = arith.minimumf %max3A_391, %min3A_438 : vector<256x128xf32>
    %max3A_441 = arith.maximumf %max3A_391, %min3A_438 : vector<256x128xf32>
    %max3A_442 = arith.maximumf %max3A_392, %min3A_440 : vector<256x128xf32>
    %min3A_443 = arith.minimumf %max3A_394, %min3A_407 : vector<256x128xf32>
    %max3A_444 = arith.maximumf %max3A_394, %min3A_407 : vector<256x128xf32>
    %max3A_445 = arith.maximumf %max3A_395, %min3A_443 : vector<256x128xf32>
    %broadcast_in_dim3A_446 = arith.constant 0.000000e+00 : f32
    %broadcast_in_dim3A_447 = vector.broadcast %broadcast_in_dim3A_446 : f32 to vector<256x16xf32>
    %max3A_448 = arith.maximumf %max3A_411, %max3A_430 : vector<256x128xf32>
    %max3A_449 = arith.maximumf %max3A_439, %max3A_444 : vector<256x128xf32>
    %max3A_450 = arith.maximumf %max3A_448, %max3A_449 : vector<256x128xf32>
    %reduce_max3A = arith.constant dense<0xFF800000> : vector<256xf32>
    %reduce_max3A_451 = vector.multi_reduction <maximumf>, %max3A_450, %reduce_max3A [1] : vector<256x128xf32> to vector<256xf32>
    %broadcast_in_dim3A_452 = vector.shape_cast %reduce_max3A_451 : vector<256xf32> to vector<256x1xf32>
    %eq3A_453 = vector.broadcast %broadcast_in_dim3A_452 : vector<256x1xf32> to vector<256x128xf32>
    %eq3A_454 = arith.cmpf oeq, %max3A_411, %eq3A_453 : vector<256x128xf32>
    %select_n3A_455 = arith.select %eq3A_454, %max3A_413, %max3A_411 : vector<256x128xi1>, vector<256x128xf32>
    %select_n3A_456 = arith.select %eq3A_454, %max3A_415, %max3A_413 : vector<256x128xi1>, vector<256x128xf32>
    %select_n3A_457 = arith.select %eq3A_454, %max3A_417, %max3A_415 : vector<256x128xi1>, vector<256x128xf32>
    %select_n3A_458 = arith.select %eq3A_454, %max3A_419, %max3A_417 : vector<256x128xi1>, vector<256x128xf32>
    %select_n3A_459 = arith.select %eq3A_454, %max3A_421, %max3A_419 : vector<256x128xi1>, vector<256x128xf32>
    %select_n3A_460 = arith.select %eq3A_454, %max3A_423, %max3A_421 : vector<256x128xi1>, vector<256x128xf32>
    %select_n3A_461 = arith.select %eq3A_454, %max3A_425, %max3A_423 : vector<256x128xi1>, vector<256x128xf32>
    %select_n3A_462 = arith.select %eq3A_454, %max3A_427, %max3A_425 : vector<256x128xi1>, vector<256x128xf32>
    %select_n3A_463 = arith.select %eq3A_454, %max3A_428, %max3A_427 : vector<256x128xi1>, vector<256x128xf32>
    %eq3A_464 = vector.broadcast %broadcast_in_dim3A_452 : vector<256x1xf32> to vector<256x128xf32>
    %eq3A_465 = arith.cmpf oeq, %max3A_430, %eq3A_464 : vector<256x128xf32>
    %select_n3A_466 = arith.select %eq3A_465, %max3A_432, %max3A_430 : vector<256x128xi1>, vector<256x128xf32>
    %select_n3A_467 = arith.select %eq3A_465, %max3A_434, %max3A_432 : vector<256x128xi1>, vector<256x128xf32>
    %select_n3A_468 = arith.select %eq3A_465, %max3A_436, %max3A_434 : vector<256x128xi1>, vector<256x128xf32>
    %select_n3A_469 = arith.select %eq3A_465, %max3A_437, %max3A_436 : vector<256x128xi1>, vector<256x128xf32>
    %jit3A_470 = arith.constant -3.000000e+38 : f32
    %broadcast_in_dim3A_471 = vector.broadcast %jit3A_470 : f32 to vector<256x128xf32>
    %select_n3A_472 = arith.select %eq3A_465, %broadcast_in_dim3A_471, %max3A_437 : vector<256x128xi1>, vector<256x128xf32>
    %eq3A_473 = vector.broadcast %broadcast_in_dim3A_452 : vector<256x1xf32> to vector<256x128xf32>
    %eq3A_474 = arith.cmpf oeq, %max3A_439, %eq3A_473 : vector<256x128xf32>
    %select_n3A_475 = arith.select %eq3A_474, %max3A_441, %max3A_439 : vector<256x128xi1>, vector<256x128xf32>
    %select_n3A_476 = arith.select %eq3A_474, %max3A_442, %max3A_441 : vector<256x128xi1>, vector<256x128xf32>
    %jit3A_477 = arith.constant -3.000000e+38 : f32
    %broadcast_in_dim3A_478 = vector.broadcast %jit3A_477 : f32 to vector<256x128xf32>
    %select_n3A_479 = arith.select %eq3A_474, %broadcast_in_dim3A_478, %max3A_442 : vector<256x128xi1>, vector<256x128xf32>
    %eq3A_480 = vector.broadcast %broadcast_in_dim3A_452 : vector<256x1xf32> to vector<256x128xf32>
    %eq3A_481 = arith.cmpf oeq, %max3A_444, %eq3A_480 : vector<256x128xf32>
    %select_n3A_482 = arith.select %eq3A_481, %max3A_445, %max3A_444 : vector<256x128xi1>, vector<256x128xf32>
    %jit3A_483 = arith.constant -3.000000e+38 : f32
    %broadcast_in_dim3A_484 = vector.broadcast %jit3A_483 : f32 to vector<256x128xf32>
    %select_n3A_485 = arith.select %eq3A_481, %broadcast_in_dim3A_484, %max3A_445 : vector<256x128xi1>, vector<256x128xf32>
    %eq3A_486 = arith.constant 0 : i32
    %eq3A_487 = vector.broadcast %eq3A_486 : i32 to vector<256x16xi32>
    %eq3A_488 = arith.cmpi eq, %iota3A_8, %eq3A_487 : vector<256x16xi32>
    %broadcast_in_dim3A_489 = vector.shape_cast %broadcast_in_dim3A_452 : vector<256x1xf32> to vector<256x1xf32>
    %broadcast_in_dim3A_490 = vector.broadcast %broadcast_in_dim3A_489 : vector<256x1xf32> to vector<256x16xf32>
    %select_n3A_491 = arith.select %eq3A_488, %broadcast_in_dim3A_490, %broadcast_in_dim3A_447 : vector<256x16xi1>, vector<256x16xf32>
    %max3A_492 = arith.maximumf %select_n3A_455, %select_n3A_466 : vector<256x128xf32>
    %max3A_493 = arith.maximumf %select_n3A_475, %select_n3A_482 : vector<256x128xf32>
    %max3A_494 = arith.maximumf %max3A_492, %max3A_493 : vector<256x128xf32>
    %reduce_max3A_495 = arith.constant dense<0xFF800000> : vector<256xf32>
    %reduce_max3A_496 = vector.multi_reduction <maximumf>, %max3A_494, %reduce_max3A_495 [1] : vector<256x128xf32> to vector<256xf32>
    %broadcast_in_dim3A_497 = vector.shape_cast %reduce_max3A_496 : vector<256xf32> to vector<256x1xf32>
    %eq3A_498 = vector.broadcast %broadcast_in_dim3A_497 : vector<256x1xf32> to vector<256x128xf32>
    %eq3A_499 = arith.cmpf oeq, %select_n3A_455, %eq3A_498 : vector<256x128xf32>
    %select_n3A_500 = arith.select %eq3A_499, %select_n3A_456, %select_n3A_455 : vector<256x128xi1>, vector<256x128xf32>
    %select_n3A_501 = arith.select %eq3A_499, %select_n3A_457, %select_n3A_456 : vector<256x128xi1>, vector<256x128xf32>
    %select_n3A_502 = arith.select %eq3A_499, %select_n3A_458, %select_n3A_457 : vector<256x128xi1>, vector<256x128xf32>
    %select_n3A_503 = arith.select %eq3A_499, %select_n3A_459, %select_n3A_458 : vector<256x128xi1>, vector<256x128xf32>
    %select_n3A_504 = arith.select %eq3A_499, %select_n3A_460, %select_n3A_459 : vector<256x128xi1>, vector<256x128xf32>
    %select_n3A_505 = arith.select %eq3A_499, %select_n3A_461, %select_n3A_460 : vector<256x128xi1>, vector<256x128xf32>
    %select_n3A_506 = arith.select %eq3A_499, %select_n3A_462, %select_n3A_461 : vector<256x128xi1>, vector<256x128xf32>
    %select_n3A_507 = arith.select %eq3A_499, %select_n3A_463, %select_n3A_462 : vector<256x128xi1>, vector<256x128xf32>
    %eq3A_508 = vector.broadcast %broadcast_in_dim3A_497 : vector<256x1xf32> to vector<256x128xf32>
    %eq3A_509 = arith.cmpf oeq, %select_n3A_466, %eq3A_508 : vector<256x128xf32>
    %select_n3A_510 = arith.select %eq3A_509, %select_n3A_467, %select_n3A_466 : vector<256x128xi1>, vector<256x128xf32>
    %select_n3A_511 = arith.select %eq3A_509, %select_n3A_468, %select_n3A_467 : vector<256x128xi1>, vector<256x128xf32>
    %select_n3A_512 = arith.select %eq3A_509, %select_n3A_469, %select_n3A_468 : vector<256x128xi1>, vector<256x128xf32>
    %select_n3A_513 = arith.select %eq3A_509, %select_n3A_472, %select_n3A_469 : vector<256x128xi1>, vector<256x128xf32>
    %jit3A_514 = arith.constant -3.000000e+38 : f32
    %broadcast_in_dim3A_515 = vector.broadcast %jit3A_514 : f32 to vector<256x128xf32>
    %select_n3A_516 = arith.select %eq3A_509, %broadcast_in_dim3A_515, %select_n3A_472 : vector<256x128xi1>, vector<256x128xf32>
    %eq3A_517 = vector.broadcast %broadcast_in_dim3A_497 : vector<256x1xf32> to vector<256x128xf32>
    %eq3A_518 = arith.cmpf oeq, %select_n3A_475, %eq3A_517 : vector<256x128xf32>
    %select_n3A_519 = arith.select %eq3A_518, %select_n3A_476, %select_n3A_475 : vector<256x128xi1>, vector<256x128xf32>
    %select_n3A_520 = arith.select %eq3A_518, %select_n3A_479, %select_n3A_476 : vector<256x128xi1>, vector<256x128xf32>
    %jit3A_521 = arith.constant -3.000000e+38 : f32
    %broadcast_in_dim3A_522 = vector.broadcast %jit3A_521 : f32 to vector<256x128xf32>
    %select_n3A_523 = arith.select %eq3A_518, %broadcast_in_dim3A_522, %select_n3A_479 : vector<256x128xi1>, vector<256x128xf32>
    %eq3A_524 = vector.broadcast %broadcast_in_dim3A_497 : vector<256x1xf32> to vector<256x128xf32>
    %eq3A_525 = arith.cmpf oeq, %select_n3A_482, %eq3A_524 : vector<256x128xf32>
    %select_n3A_526 = arith.select %eq3A_525, %select_n3A_485, %select_n3A_482 : vector<256x128xi1>, vector<256x128xf32>
    %jit3A_527 = arith.constant -3.000000e+38 : f32
    %broadcast_in_dim3A_528 = vector.broadcast %jit3A_527 : f32 to vector<256x128xf32>
    %select_n3A_529 = arith.select %eq3A_525, %broadcast_in_dim3A_528, %select_n3A_485 : vector<256x128xi1>, vector<256x128xf32>
    %eq3A_530 = arith.constant 1 : i32
    %eq3A_531 = vector.broadcast %eq3A_530 : i32 to vector<256x16xi32>
    %eq3A_532 = arith.cmpi eq, %iota3A_8, %eq3A_531 : vector<256x16xi32>
    %broadcast_in_dim3A_533 = vector.shape_cast %broadcast_in_dim3A_497 : vector<256x1xf32> to vector<256x1xf32>
    %broadcast_in_dim3A_534 = vector.broadcast %broadcast_in_dim3A_533 : vector<256x1xf32> to vector<256x16xf32>
    %select_n3A_535 = arith.select %eq3A_532, %broadcast_in_dim3A_534, %select_n3A_491 : vector<256x16xi1>, vector<256x16xf32>
    %max3A_536 = arith.maximumf %select_n3A_500, %select_n3A_510 : vector<256x128xf32>
    %max3A_537 = arith.maximumf %select_n3A_519, %select_n3A_526 : vector<256x128xf32>
    %max3A_538 = arith.maximumf %max3A_536, %max3A_537 : vector<256x128xf32>
    %reduce_max3A_539 = arith.constant dense<0xFF800000> : vector<256xf32>
    %reduce_max3A_540 = vector.multi_reduction <maximumf>, %max3A_538, %reduce_max3A_539 [1] : vector<256x128xf32> to vector<256xf32>
    %broadcast_in_dim3A_541 = vector.shape_cast %reduce_max3A_540 : vector<256xf32> to vector<256x1xf32>
    %eq3A_542 = vector.broadcast %broadcast_in_dim3A_541 : vector<256x1xf32> to vector<256x128xf32>
    %eq3A_543 = arith.cmpf oeq, %select_n3A_500, %eq3A_542 : vector<256x128xf32>
    %select_n3A_544 = arith.select %eq3A_543, %select_n3A_501, %select_n3A_500 : vector<256x128xi1>, vector<256x128xf32>
    %select_n3A_545 = arith.select %eq3A_543, %select_n3A_502, %select_n3A_501 : vector<256x128xi1>, vector<256x128xf32>
    %select_n3A_546 = arith.select %eq3A_543, %select_n3A_503, %select_n3A_502 : vector<256x128xi1>, vector<256x128xf32>
    %select_n3A_547 = arith.select %eq3A_543, %select_n3A_504, %select_n3A_503 : vector<256x128xi1>, vector<256x128xf32>
    %select_n3A_548 = arith.select %eq3A_543, %select_n3A_505, %select_n3A_504 : vector<256x128xi1>, vector<256x128xf32>
    %select_n3A_549 = arith.select %eq3A_543, %select_n3A_506, %select_n3A_505 : vector<256x128xi1>, vector<256x128xf32>
    %select_n3A_550 = arith.select %eq3A_543, %select_n3A_507, %select_n3A_506 : vector<256x128xi1>, vector<256x128xf32>
    %eq3A_551 = vector.broadcast %broadcast_in_dim3A_541 : vector<256x1xf32> to vector<256x128xf32>
    %eq3A_552 = arith.cmpf oeq, %select_n3A_510, %eq3A_551 : vector<256x128xf32>
    %select_n3A_553 = arith.select %eq3A_552, %select_n3A_511, %select_n3A_510 : vector<256x128xi1>, vector<256x128xf32>
    %select_n3A_554 = arith.select %eq3A_552, %select_n3A_512, %select_n3A_511 : vector<256x128xi1>, vector<256x128xf32>
    %select_n3A_555 = arith.select %eq3A_552, %select_n3A_513, %select_n3A_512 : vector<256x128xi1>, vector<256x128xf32>
    %select_n3A_556 = arith.select %eq3A_552, %select_n3A_516, %select_n3A_513 : vector<256x128xi1>, vector<256x128xf32>
    %jit3A_557 = arith.constant -3.000000e+38 : f32
    %broadcast_in_dim3A_558 = vector.broadcast %jit3A_557 : f32 to vector<256x128xf32>
    %select_n3A_559 = arith.select %eq3A_552, %broadcast_in_dim3A_558, %select_n3A_516 : vector<256x128xi1>, vector<256x128xf32>
    %eq3A_560 = vector.broadcast %broadcast_in_dim3A_541 : vector<256x1xf32> to vector<256x128xf32>
    %eq3A_561 = arith.cmpf oeq, %select_n3A_519, %eq3A_560 : vector<256x128xf32>
    %select_n3A_562 = arith.select %eq3A_561, %select_n3A_520, %select_n3A_519 : vector<256x128xi1>, vector<256x128xf32>
    %select_n3A_563 = arith.select %eq3A_561, %select_n3A_523, %select_n3A_520 : vector<256x128xi1>, vector<256x128xf32>
    %jit3A_564 = arith.constant -3.000000e+38 : f32
    %broadcast_in_dim3A_565 = vector.broadcast %jit3A_564 : f32 to vector<256x128xf32>
    %select_n3A_566 = arith.select %eq3A_561, %broadcast_in_dim3A_565, %select_n3A_523 : vector<256x128xi1>, vector<256x128xf32>
    %eq3A_567 = vector.broadcast %broadcast_in_dim3A_541 : vector<256x1xf32> to vector<256x128xf32>
    %eq3A_568 = arith.cmpf oeq, %select_n3A_526, %eq3A_567 : vector<256x128xf32>
    %select_n3A_569 = arith.select %eq3A_568, %select_n3A_529, %select_n3A_526 : vector<256x128xi1>, vector<256x128xf32>
    %jit3A_570 = arith.constant -3.000000e+38 : f32
    %broadcast_in_dim3A_571 = vector.broadcast %jit3A_570 : f32 to vector<256x128xf32>
    %select_n3A_572 = arith.select %eq3A_568, %broadcast_in_dim3A_571, %select_n3A_529 : vector<256x128xi1>, vector<256x128xf32>
    %eq3A_573 = arith.constant 2 : i32
    %eq3A_574 = vector.broadcast %eq3A_573 : i32 to vector<256x16xi32>
    %eq3A_575 = arith.cmpi eq, %iota3A_8, %eq3A_574 : vector<256x16xi32>
    %broadcast_in_dim3A_576 = vector.shape_cast %broadcast_in_dim3A_541 : vector<256x1xf32> to vector<256x1xf32>
    %broadcast_in_dim3A_577 = vector.broadcast %broadcast_in_dim3A_576 : vector<256x1xf32> to vector<256x16xf32>
    %select_n3A_578 = arith.select %eq3A_575, %broadcast_in_dim3A_577, %select_n3A_535 : vector<256x16xi1>, vector<256x16xf32>
    %max3A_579 = arith.maximumf %select_n3A_544, %select_n3A_553 : vector<256x128xf32>
    %max3A_580 = arith.maximumf %select_n3A_562, %select_n3A_569 : vector<256x128xf32>
    %max3A_581 = arith.maximumf %max3A_579, %max3A_580 : vector<256x128xf32>
    %reduce_max3A_582 = arith.constant dense<0xFF800000> : vector<256xf32>
    %reduce_max3A_583 = vector.multi_reduction <maximumf>, %max3A_581, %reduce_max3A_582 [1] : vector<256x128xf32> to vector<256xf32>
    %broadcast_in_dim3A_584 = vector.shape_cast %reduce_max3A_583 : vector<256xf32> to vector<256x1xf32>
    %eq3A_585 = vector.broadcast %broadcast_in_dim3A_584 : vector<256x1xf32> to vector<256x128xf32>
    %eq3A_586 = arith.cmpf oeq, %select_n3A_544, %eq3A_585 : vector<256x128xf32>
    %select_n3A_587 = arith.select %eq3A_586, %select_n3A_545, %select_n3A_544 : vector<256x128xi1>, vector<256x128xf32>
    %select_n3A_588 = arith.select %eq3A_586, %select_n3A_546, %select_n3A_545 : vector<256x128xi1>, vector<256x128xf32>
    %select_n3A_589 = arith.select %eq3A_586, %select_n3A_547, %select_n3A_546 : vector<256x128xi1>, vector<256x128xf32>
    %select_n3A_590 = arith.select %eq3A_586, %select_n3A_548, %select_n3A_547 : vector<256x128xi1>, vector<256x128xf32>
    %select_n3A_591 = arith.select %eq3A_586, %select_n3A_549, %select_n3A_548 : vector<256x128xi1>, vector<256x128xf32>
    %select_n3A_592 = arith.select %eq3A_586, %select_n3A_550, %select_n3A_549 : vector<256x128xi1>, vector<256x128xf32>
    %eq3A_593 = vector.broadcast %broadcast_in_dim3A_584 : vector<256x1xf32> to vector<256x128xf32>
    %eq3A_594 = arith.cmpf oeq, %select_n3A_553, %eq3A_593 : vector<256x128xf32>
    %select_n3A_595 = arith.select %eq3A_594, %select_n3A_554, %select_n3A_553 : vector<256x128xi1>, vector<256x128xf32>
    %select_n3A_596 = arith.select %eq3A_594, %select_n3A_555, %select_n3A_554 : vector<256x128xi1>, vector<256x128xf32>
    %select_n3A_597 = arith.select %eq3A_594, %select_n3A_556, %select_n3A_555 : vector<256x128xi1>, vector<256x128xf32>
    %select_n3A_598 = arith.select %eq3A_594, %select_n3A_559, %select_n3A_556 : vector<256x128xi1>, vector<256x128xf32>
    %jit3A_599 = arith.constant -3.000000e+38 : f32
    %broadcast_in_dim3A_600 = vector.broadcast %jit3A_599 : f32 to vector<256x128xf32>
    %select_n3A_601 = arith.select %eq3A_594, %broadcast_in_dim3A_600, %select_n3A_559 : vector<256x128xi1>, vector<256x128xf32>
    %eq3A_602 = vector.broadcast %broadcast_in_dim3A_584 : vector<256x1xf32> to vector<256x128xf32>
    %eq3A_603 = arith.cmpf oeq, %select_n3A_562, %eq3A_602 : vector<256x128xf32>
    %select_n3A_604 = arith.select %eq3A_603, %select_n3A_563, %select_n3A_562 : vector<256x128xi1>, vector<256x128xf32>
    %select_n3A_605 = arith.select %eq3A_603, %select_n3A_566, %select_n3A_563 : vector<256x128xi1>, vector<256x128xf32>
    %jit3A_606 = arith.constant -3.000000e+38 : f32
    %broadcast_in_dim3A_607 = vector.broadcast %jit3A_606 : f32 to vector<256x128xf32>
    %select_n3A_608 = arith.select %eq3A_603, %broadcast_in_dim3A_607, %select_n3A_566 : vector<256x128xi1>, vector<256x128xf32>
    %eq3A_609 = vector.broadcast %broadcast_in_dim3A_584 : vector<256x1xf32> to vector<256x128xf32>
    %eq3A_610 = arith.cmpf oeq, %select_n3A_569, %eq3A_609 : vector<256x128xf32>
    %select_n3A_611 = arith.select %eq3A_610, %select_n3A_572, %select_n3A_569 : vector<256x128xi1>, vector<256x128xf32>
    %jit3A_612 = arith.constant -3.000000e+38 : f32
    %broadcast_in_dim3A_613 = vector.broadcast %jit3A_612 : f32 to vector<256x128xf32>
    %select_n3A_614 = arith.select %eq3A_610, %broadcast_in_dim3A_613, %select_n3A_572 : vector<256x128xi1>, vector<256x128xf32>
    %eq3A_615 = arith.constant 3 : i32
    %eq3A_616 = vector.broadcast %eq3A_615 : i32 to vector<256x16xi32>
    %eq3A_617 = arith.cmpi eq, %iota3A_8, %eq3A_616 : vector<256x16xi32>
    %broadcast_in_dim3A_618 = vector.shape_cast %broadcast_in_dim3A_584 : vector<256x1xf32> to vector<256x1xf32>
    %broadcast_in_dim3A_619 = vector.broadcast %broadcast_in_dim3A_618 : vector<256x1xf32> to vector<256x16xf32>
    %select_n3A_620 = arith.select %eq3A_617, %broadcast_in_dim3A_619, %select_n3A_578 : vector<256x16xi1>, vector<256x16xf32>
    %max3A_621 = arith.maximumf %select_n3A_587, %select_n3A_595 : vector<256x128xf32>
    %max3A_622 = arith.maximumf %select_n3A_604, %select_n3A_611 : vector<256x128xf32>
    %max3A_623 = arith.maximumf %max3A_621, %max3A_622 : vector<256x128xf32>
    %reduce_max3A_624 = arith.constant dense<0xFF800000> : vector<256xf32>
    %reduce_max3A_625 = vector.multi_reduction <maximumf>, %max3A_623, %reduce_max3A_624 [1] : vector<256x128xf32> to vector<256xf32>
    %broadcast_in_dim3A_626 = vector.shape_cast %reduce_max3A_625 : vector<256xf32> to vector<256x1xf32>
    %eq3A_627 = vector.broadcast %broadcast_in_dim3A_626 : vector<256x1xf32> to vector<256x128xf32>
    %eq3A_628 = arith.cmpf oeq, %select_n3A_587, %eq3A_627 : vector<256x128xf32>
    %select_n3A_629 = arith.select %eq3A_628, %select_n3A_588, %select_n3A_587 : vector<256x128xi1>, vector<256x128xf32>
    %select_n3A_630 = arith.select %eq3A_628, %select_n3A_589, %select_n3A_588 : vector<256x128xi1>, vector<256x128xf32>
    %select_n3A_631 = arith.select %eq3A_628, %select_n3A_590, %select_n3A_589 : vector<256x128xi1>, vector<256x128xf32>
    %select_n3A_632 = arith.select %eq3A_628, %select_n3A_591, %select_n3A_590 : vector<256x128xi1>, vector<256x128xf32>
    %select_n3A_633 = arith.select %eq3A_628, %select_n3A_592, %select_n3A_591 : vector<256x128xi1>, vector<256x128xf32>
    %eq3A_634 = vector.broadcast %broadcast_in_dim3A_626 : vector<256x1xf32> to vector<256x128xf32>
    %eq3A_635 = arith.cmpf oeq, %select_n3A_595, %eq3A_634 : vector<256x128xf32>
    %select_n3A_636 = arith.select %eq3A_635, %select_n3A_596, %select_n3A_595 : vector<256x128xi1>, vector<256x128xf32>
    %select_n3A_637 = arith.select %eq3A_635, %select_n3A_597, %select_n3A_596 : vector<256x128xi1>, vector<256x128xf32>
    %select_n3A_638 = arith.select %eq3A_635, %select_n3A_598, %select_n3A_597 : vector<256x128xi1>, vector<256x128xf32>
    %select_n3A_639 = arith.select %eq3A_635, %select_n3A_601, %select_n3A_598 : vector<256x128xi1>, vector<256x128xf32>
    %jit3A_640 = arith.constant -3.000000e+38 : f32
    %broadcast_in_dim3A_641 = vector.broadcast %jit3A_640 : f32 to vector<256x128xf32>
    %select_n3A_642 = arith.select %eq3A_635, %broadcast_in_dim3A_641, %select_n3A_601 : vector<256x128xi1>, vector<256x128xf32>
    %eq3A_643 = vector.broadcast %broadcast_in_dim3A_626 : vector<256x1xf32> to vector<256x128xf32>
    %eq3A_644 = arith.cmpf oeq, %select_n3A_604, %eq3A_643 : vector<256x128xf32>
    %select_n3A_645 = arith.select %eq3A_644, %select_n3A_605, %select_n3A_604 : vector<256x128xi1>, vector<256x128xf32>
    %select_n3A_646 = arith.select %eq3A_644, %select_n3A_608, %select_n3A_605 : vector<256x128xi1>, vector<256x128xf32>
    %jit3A_647 = arith.constant -3.000000e+38 : f32
    %broadcast_in_dim3A_648 = vector.broadcast %jit3A_647 : f32 to vector<256x128xf32>
    %select_n3A_649 = arith.select %eq3A_644, %broadcast_in_dim3A_648, %select_n3A_608 : vector<256x128xi1>, vector<256x128xf32>
    %eq3A_650 = vector.broadcast %broadcast_in_dim3A_626 : vector<256x1xf32> to vector<256x128xf32>
    %eq3A_651 = arith.cmpf oeq, %select_n3A_611, %eq3A_650 : vector<256x128xf32>
    %select_n3A_652 = arith.select %eq3A_651, %select_n3A_614, %select_n3A_611 : vector<256x128xi1>, vector<256x128xf32>
    %jit3A_653 = arith.constant -3.000000e+38 : f32
    %broadcast_in_dim3A_654 = vector.broadcast %jit3A_653 : f32 to vector<256x128xf32>
    %select_n3A_655 = arith.select %eq3A_651, %broadcast_in_dim3A_654, %select_n3A_614 : vector<256x128xi1>, vector<256x128xf32>
    %eq3A_656 = arith.constant 4 : i32
    %eq3A_657 = vector.broadcast %eq3A_656 : i32 to vector<256x16xi32>
    %eq3A_658 = arith.cmpi eq, %iota3A_8, %eq3A_657 : vector<256x16xi32>
    %broadcast_in_dim3A_659 = vector.shape_cast %broadcast_in_dim3A_626 : vector<256x1xf32> to vector<256x1xf32>
    %broadcast_in_dim3A_660 = vector.broadcast %broadcast_in_dim3A_659 : vector<256x1xf32> to vector<256x16xf32>
    %select_n3A_661 = arith.select %eq3A_658, %broadcast_in_dim3A_660, %select_n3A_620 : vector<256x16xi1>, vector<256x16xf32>
    %max3A_662 = arith.maximumf %select_n3A_629, %select_n3A_636 : vector<256x128xf32>
    %max3A_663 = arith.maximumf %select_n3A_645, %select_n3A_652 : vector<256x128xf32>
    %max3A_664 = arith.maximumf %max3A_662, %max3A_663 : vector<256x128xf32>
    %reduce_max3A_665 = arith.constant dense<0xFF800000> : vector<256xf32>
    %reduce_max3A_666 = vector.multi_reduction <maximumf>, %max3A_664, %reduce_max3A_665 [1] : vector<256x128xf32> to vector<256xf32>
    %broadcast_in_dim3A_667 = vector.shape_cast %reduce_max3A_666 : vector<256xf32> to vector<256x1xf32>
    %eq3A_668 = vector.broadcast %broadcast_in_dim3A_667 : vector<256x1xf32> to vector<256x128xf32>
    %eq3A_669 = arith.cmpf oeq, %select_n3A_629, %eq3A_668 : vector<256x128xf32>
    %select_n3A_670 = arith.select %eq3A_669, %select_n3A_630, %select_n3A_629 : vector<256x128xi1>, vector<256x128xf32>
    %select_n3A_671 = arith.select %eq3A_669, %select_n3A_631, %select_n3A_630 : vector<256x128xi1>, vector<256x128xf32>
    %select_n3A_672 = arith.select %eq3A_669, %select_n3A_632, %select_n3A_631 : vector<256x128xi1>, vector<256x128xf32>
    %select_n3A_673 = arith.select %eq3A_669, %select_n3A_633, %select_n3A_632 : vector<256x128xi1>, vector<256x128xf32>
    %eq3A_674 = vector.broadcast %broadcast_in_dim3A_667 : vector<256x1xf32> to vector<256x128xf32>
    %eq3A_675 = arith.cmpf oeq, %select_n3A_636, %eq3A_674 : vector<256x128xf32>
    %select_n3A_676 = arith.select %eq3A_675, %select_n3A_637, %select_n3A_636 : vector<256x128xi1>, vector<256x128xf32>
    %select_n3A_677 = arith.select %eq3A_675, %select_n3A_638, %select_n3A_637 : vector<256x128xi1>, vector<256x128xf32>
    %select_n3A_678 = arith.select %eq3A_675, %select_n3A_639, %select_n3A_638 : vector<256x128xi1>, vector<256x128xf32>
    %select_n3A_679 = arith.select %eq3A_675, %select_n3A_642, %select_n3A_639 : vector<256x128xi1>, vector<256x128xf32>
    %eq3A_680 = vector.broadcast %broadcast_in_dim3A_667 : vector<256x1xf32> to vector<256x128xf32>
    %eq3A_681 = arith.cmpf oeq, %select_n3A_645, %eq3A_680 : vector<256x128xf32>
    %select_n3A_682 = arith.select %eq3A_681, %select_n3A_646, %select_n3A_645 : vector<256x128xi1>, vector<256x128xf32>
    %select_n3A_683 = arith.select %eq3A_681, %select_n3A_649, %select_n3A_646 : vector<256x128xi1>, vector<256x128xf32>
    %jit3A_684 = arith.constant -3.000000e+38 : f32
    %broadcast_in_dim3A_685 = vector.broadcast %jit3A_684 : f32 to vector<256x128xf32>
    %select_n3A_686 = arith.select %eq3A_681, %broadcast_in_dim3A_685, %select_n3A_649 : vector<256x128xi1>, vector<256x128xf32>
    %eq3A_687 = vector.broadcast %broadcast_in_dim3A_667 : vector<256x1xf32> to vector<256x128xf32>
    %eq3A_688 = arith.cmpf oeq, %select_n3A_652, %eq3A_687 : vector<256x128xf32>
    %select_n3A_689 = arith.select %eq3A_688, %select_n3A_655, %select_n3A_652 : vector<256x128xi1>, vector<256x128xf32>
    %jit3A_690 = arith.constant -3.000000e+38 : f32
    %broadcast_in_dim3A_691 = vector.broadcast %jit3A_690 : f32 to vector<256x128xf32>
    %select_n3A_692 = arith.select %eq3A_688, %broadcast_in_dim3A_691, %select_n3A_655 : vector<256x128xi1>, vector<256x128xf32>
    %eq3A_693 = arith.constant 5 : i32
    %eq3A_694 = vector.broadcast %eq3A_693 : i32 to vector<256x16xi32>
    %eq3A_695 = arith.cmpi eq, %iota3A_8, %eq3A_694 : vector<256x16xi32>
    %broadcast_in_dim3A_696 = vector.shape_cast %broadcast_in_dim3A_667 : vector<256x1xf32> to vector<256x1xf32>
    %broadcast_in_dim3A_697 = vector.broadcast %broadcast_in_dim3A_696 : vector<256x1xf32> to vector<256x16xf32>
    %select_n3A_698 = arith.select %eq3A_695, %broadcast_in_dim3A_697, %select_n3A_661 : vector<256x16xi1>, vector<256x16xf32>
    %max3A_699 = arith.maximumf %select_n3A_670, %select_n3A_676 : vector<256x128xf32>
    %max3A_700 = arith.maximumf %select_n3A_682, %select_n3A_689 : vector<256x128xf32>
    %max3A_701 = arith.maximumf %max3A_699, %max3A_700 : vector<256x128xf32>
    %reduce_max3A_702 = arith.constant dense<0xFF800000> : vector<256xf32>
    %reduce_max3A_703 = vector.multi_reduction <maximumf>, %max3A_701, %reduce_max3A_702 [1] : vector<256x128xf32> to vector<256xf32>
    %broadcast_in_dim3A_704 = vector.shape_cast %reduce_max3A_703 : vector<256xf32> to vector<256x1xf32>
    %eq3A_705 = vector.broadcast %broadcast_in_dim3A_704 : vector<256x1xf32> to vector<256x128xf32>
    %eq3A_706 = arith.cmpf oeq, %select_n3A_670, %eq3A_705 : vector<256x128xf32>
    %select_n3A_707 = arith.select %eq3A_706, %select_n3A_671, %select_n3A_670 : vector<256x128xi1>, vector<256x128xf32>
    %select_n3A_708 = arith.select %eq3A_706, %select_n3A_672, %select_n3A_671 : vector<256x128xi1>, vector<256x128xf32>
    %select_n3A_709 = arith.select %eq3A_706, %select_n3A_673, %select_n3A_672 : vector<256x128xi1>, vector<256x128xf32>
    %eq3A_710 = vector.broadcast %broadcast_in_dim3A_704 : vector<256x1xf32> to vector<256x128xf32>
    %eq3A_711 = arith.cmpf oeq, %select_n3A_676, %eq3A_710 : vector<256x128xf32>
    %select_n3A_712 = arith.select %eq3A_711, %select_n3A_677, %select_n3A_676 : vector<256x128xi1>, vector<256x128xf32>
    %select_n3A_713 = arith.select %eq3A_711, %select_n3A_678, %select_n3A_677 : vector<256x128xi1>, vector<256x128xf32>
    %select_n3A_714 = arith.select %eq3A_711, %select_n3A_679, %select_n3A_678 : vector<256x128xi1>, vector<256x128xf32>
    %eq3A_715 = vector.broadcast %broadcast_in_dim3A_704 : vector<256x1xf32> to vector<256x128xf32>
    %eq3A_716 = arith.cmpf oeq, %select_n3A_682, %eq3A_715 : vector<256x128xf32>
    %select_n3A_717 = arith.select %eq3A_716, %select_n3A_683, %select_n3A_682 : vector<256x128xi1>, vector<256x128xf32>
    %select_n3A_718 = arith.select %eq3A_716, %select_n3A_686, %select_n3A_683 : vector<256x128xi1>, vector<256x128xf32>
    %jit3A_719 = arith.constant -3.000000e+38 : f32
    %broadcast_in_dim3A_720 = vector.broadcast %jit3A_719 : f32 to vector<256x128xf32>
    %select_n3A_721 = arith.select %eq3A_716, %broadcast_in_dim3A_720, %select_n3A_686 : vector<256x128xi1>, vector<256x128xf32>
    %eq3A_722 = vector.broadcast %broadcast_in_dim3A_704 : vector<256x1xf32> to vector<256x128xf32>
    %eq3A_723 = arith.cmpf oeq, %select_n3A_689, %eq3A_722 : vector<256x128xf32>
    %select_n3A_724 = arith.select %eq3A_723, %select_n3A_692, %select_n3A_689 : vector<256x128xi1>, vector<256x128xf32>
    %jit3A_725 = arith.constant -3.000000e+38 : f32
    %broadcast_in_dim3A_726 = vector.broadcast %jit3A_725 : f32 to vector<256x128xf32>
    %select_n3A_727 = arith.select %eq3A_723, %broadcast_in_dim3A_726, %select_n3A_692 : vector<256x128xi1>, vector<256x128xf32>
    %eq3A_728 = arith.constant 6 : i32
    %eq3A_729 = vector.broadcast %eq3A_728 : i32 to vector<256x16xi32>
    %eq3A_730 = arith.cmpi eq, %iota3A_8, %eq3A_729 : vector<256x16xi32>
    %broadcast_in_dim3A_731 = vector.shape_cast %broadcast_in_dim3A_704 : vector<256x1xf32> to vector<256x1xf32>
    %broadcast_in_dim3A_732 = vector.broadcast %broadcast_in_dim3A_731 : vector<256x1xf32> to vector<256x16xf32>
    %select_n3A_733 = arith.select %eq3A_730, %broadcast_in_dim3A_732, %select_n3A_698 : vector<256x16xi1>, vector<256x16xf32>
    %max3A_734 = arith.maximumf %select_n3A_707, %select_n3A_712 : vector<256x128xf32>
    %max3A_735 = arith.maximumf %select_n3A_717, %select_n3A_724 : vector<256x128xf32>
    %max3A_736 = arith.maximumf %max3A_734, %max3A_735 : vector<256x128xf32>
    %reduce_max3A_737 = arith.constant dense<0xFF800000> : vector<256xf32>
    %reduce_max3A_738 = vector.multi_reduction <maximumf>, %max3A_736, %reduce_max3A_737 [1] : vector<256x128xf32> to vector<256xf32>
    %broadcast_in_dim3A_739 = vector.shape_cast %reduce_max3A_738 : vector<256xf32> to vector<256x1xf32>
    %eq3A_740 = vector.broadcast %broadcast_in_dim3A_739 : vector<256x1xf32> to vector<256x128xf32>
    %eq3A_741 = arith.cmpf oeq, %select_n3A_707, %eq3A_740 : vector<256x128xf32>
    %select_n3A_742 = arith.select %eq3A_741, %select_n3A_708, %select_n3A_707 : vector<256x128xi1>, vector<256x128xf32>
    %select_n3A_743 = arith.select %eq3A_741, %select_n3A_709, %select_n3A_708 : vector<256x128xi1>, vector<256x128xf32>
    %eq3A_744 = vector.broadcast %broadcast_in_dim3A_739 : vector<256x1xf32> to vector<256x128xf32>
    %eq3A_745 = arith.cmpf oeq, %select_n3A_712, %eq3A_744 : vector<256x128xf32>
    %select_n3A_746 = arith.select %eq3A_745, %select_n3A_713, %select_n3A_712 : vector<256x128xi1>, vector<256x128xf32>
    %select_n3A_747 = arith.select %eq3A_745, %select_n3A_714, %select_n3A_713 : vector<256x128xi1>, vector<256x128xf32>
    %eq3A_748 = vector.broadcast %broadcast_in_dim3A_739 : vector<256x1xf32> to vector<256x128xf32>
    %eq3A_749 = arith.cmpf oeq, %select_n3A_717, %eq3A_748 : vector<256x128xf32>
    %select_n3A_750 = arith.select %eq3A_749, %select_n3A_718, %select_n3A_717 : vector<256x128xi1>, vector<256x128xf32>
    %select_n3A_751 = arith.select %eq3A_749, %select_n3A_721, %select_n3A_718 : vector<256x128xi1>, vector<256x128xf32>
    %eq3A_752 = vector.broadcast %broadcast_in_dim3A_739 : vector<256x1xf32> to vector<256x128xf32>
    %eq3A_753 = arith.cmpf oeq, %select_n3A_724, %eq3A_752 : vector<256x128xf32>
    %select_n3A_754 = arith.select %eq3A_753, %select_n3A_727, %select_n3A_724 : vector<256x128xi1>, vector<256x128xf32>
    %jit3A_755 = arith.constant -3.000000e+38 : f32
    %broadcast_in_dim3A_756 = vector.broadcast %jit3A_755 : f32 to vector<256x128xf32>
    %select_n3A_757 = arith.select %eq3A_753, %broadcast_in_dim3A_756, %select_n3A_727 : vector<256x128xi1>, vector<256x128xf32>
    %eq3A_758 = arith.constant 7 : i32
    %eq3A_759 = vector.broadcast %eq3A_758 : i32 to vector<256x16xi32>
    %eq3A_760 = arith.cmpi eq, %iota3A_8, %eq3A_759 : vector<256x16xi32>
    %broadcast_in_dim3A_761 = vector.shape_cast %broadcast_in_dim3A_739 : vector<256x1xf32> to vector<256x1xf32>
    %broadcast_in_dim3A_762 = vector.broadcast %broadcast_in_dim3A_761 : vector<256x1xf32> to vector<256x16xf32>
    %select_n3A_763 = arith.select %eq3A_760, %broadcast_in_dim3A_762, %select_n3A_733 : vector<256x16xi1>, vector<256x16xf32>
    %max3A_764 = arith.maximumf %select_n3A_742, %select_n3A_746 : vector<256x128xf32>
    %max3A_765 = arith.maximumf %select_n3A_750, %select_n3A_754 : vector<256x128xf32>
    %max3A_766 = arith.maximumf %max3A_764, %max3A_765 : vector<256x128xf32>
    %reduce_max3A_767 = arith.constant dense<0xFF800000> : vector<256xf32>
    %reduce_max3A_768 = vector.multi_reduction <maximumf>, %max3A_766, %reduce_max3A_767 [1] : vector<256x128xf32> to vector<256xf32>
    %broadcast_in_dim3A_769 = vector.shape_cast %reduce_max3A_768 : vector<256xf32> to vector<256x1xf32>
    %eq3A_770 = vector.broadcast %broadcast_in_dim3A_769 : vector<256x1xf32> to vector<256x128xf32>
    %eq3A_771 = arith.cmpf oeq, %select_n3A_742, %eq3A_770 : vector<256x128xf32>
    %select_n3A_772 = arith.select %eq3A_771, %select_n3A_743, %select_n3A_742 : vector<256x128xi1>, vector<256x128xf32>
    %eq3A_773 = vector.broadcast %broadcast_in_dim3A_769 : vector<256x1xf32> to vector<256x128xf32>
    %eq3A_774 = arith.cmpf oeq, %select_n3A_746, %eq3A_773 : vector<256x128xf32>
    %select_n3A_775 = arith.select %eq3A_774, %select_n3A_747, %select_n3A_746 : vector<256x128xi1>, vector<256x128xf32>
    %eq3A_776 = vector.broadcast %broadcast_in_dim3A_769 : vector<256x1xf32> to vector<256x128xf32>
    %eq3A_777 = arith.cmpf oeq, %select_n3A_750, %eq3A_776 : vector<256x128xf32>
    %select_n3A_778 = arith.select %eq3A_777, %select_n3A_751, %select_n3A_750 : vector<256x128xi1>, vector<256x128xf32>
    %eq3A_779 = vector.broadcast %broadcast_in_dim3A_769 : vector<256x1xf32> to vector<256x128xf32>
    %eq3A_780 = arith.cmpf oeq, %select_n3A_754, %eq3A_779 : vector<256x128xf32>
    %select_n3A_781 = arith.select %eq3A_780, %select_n3A_757, %select_n3A_754 : vector<256x128xi1>, vector<256x128xf32>
    %eq3A_782 = arith.constant 8 : i32
    %eq3A_783 = vector.broadcast %eq3A_782 : i32 to vector<256x16xi32>
    %eq3A_784 = arith.cmpi eq, %iota3A_8, %eq3A_783 : vector<256x16xi32>
    %broadcast_in_dim3A_785 = vector.shape_cast %broadcast_in_dim3A_769 : vector<256x1xf32> to vector<256x1xf32>
    %broadcast_in_dim3A_786 = vector.broadcast %broadcast_in_dim3A_785 : vector<256x1xf32> to vector<256x16xf32>
    %select_n3A_787 = arith.select %eq3A_784, %broadcast_in_dim3A_786, %select_n3A_763 : vector<256x16xi1>, vector<256x16xf32>
    %max3A_788 = arith.maximumf %select_n3A_772, %select_n3A_775 : vector<256x128xf32>
    %max3A_789 = arith.maximumf %select_n3A_778, %select_n3A_781 : vector<256x128xf32>
    %max3A_790 = arith.maximumf %max3A_788, %max3A_789 : vector<256x128xf32>
    %reduce_max3A_791 = arith.constant dense<0xFF800000> : vector<256xf32>
    %reduce_max3A_792 = vector.multi_reduction <maximumf>, %max3A_790, %reduce_max3A_791 [1] : vector<256x128xf32> to vector<256xf32>
    %broadcast_in_dim3A_793 = vector.shape_cast %reduce_max3A_792 : vector<256xf32> to vector<256x1xf32>
    %eq3A_794 = arith.constant 9 : i32
    %eq3A_795 = vector.broadcast %eq3A_794 : i32 to vector<256x16xi32>
    %eq3A_796 = arith.cmpi eq, %iota3A_8, %eq3A_795 : vector<256x16xi32>
    %broadcast_in_dim3A_797 = vector.shape_cast %broadcast_in_dim3A_793 : vector<256x1xf32> to vector<256x1xf32>
    %broadcast_in_dim3A_798 = vector.broadcast %broadcast_in_dim3A_797 : vector<256x1xf32> to vector<256x16xf32>
    %select_n3A_799 = arith.select %eq3A_796, %broadcast_in_dim3A_798, %select_n3A_787 : vector<256x16xi1>, vector<256x16xf32>
    %eq3A_800 = arith.constant 10 : i32
    %eq3A_801 = vector.broadcast %eq3A_800 : i32 to vector<256x16xi32>
    %eq3A_802 = arith.cmpi eq, %iota3A_8, %eq3A_801 : vector<256x16xi32>
    %broadcast_in_dim3A_803 = vector.shape_cast %reduce_sum3A_7 : vector<256xf32> to vector<256x1xf32>
    %broadcast_in_dim3A_804 = vector.shape_cast %broadcast_in_dim3A_803 : vector<256x1xf32> to vector<256x1xf32>
    %broadcast_in_dim3A_805 = vector.broadcast %broadcast_in_dim3A_804 : vector<256x1xf32> to vector<256x16xf32>
    %select_n3A_806 = arith.select %eq3A_802, %broadcast_in_dim3A_805, %select_n3A_799 : vector<256x16xi1>, vector<256x16xf32>
    %swap3A = arith.constant 0 : index
    %swap3A_807 = arith.constant 0 : index
    %swap3A_808 = vector.load %arg2[%swap3A, %swap3A_807] : memref<256x16xf32, #tpu.memory_space<vmem>>, vector<256x16xf32>
    tpu.vector_store %arg2[%swap3A, %swap3A_807], %select_n3A_806 {strides = array<i32>} : memref<256x16xf32, #tpu.memory_space<vmem>>, vector<256x16xf32>,
    return
  }
  func.func @transform_0(%arg0: i32) -> (i32, i32) {
    %add3A = arith.constant 6 : i32
    %add3A_0 = arith.addi %arg0, %add3A : i32
    %c0_i32 = arith.constant 0 : i32
    %c0_i32_1 = arith.constant 0 : i32
    return %add3A_0, %c0_i32 : i32, i32
  }
  func.func @transform_1(%arg0: i32) -> (i32, i32) {
    %c0_i32 = arith.constant 0 : i32
    %c0_i32_0 = arith.constant 0 : i32
    return %arg0, %c0_i32 : i32, i32
  }
}

</mosaic_0001>

<sc_bundles>
// kernel: kernel.5.cloned.1.call-start
scs
__scs_entry_jumppad:
0x0: {  	(pc) =	sbr.rel $0x88, $3  }
0x1: {  	(tag) =	ssettag $0x0;
	lr =	simm.s32 $0x1  }
0x2: {  	[smem:$0x3FA0] =	sst lr;
	_ =	strace $0xD0000000  }
0x3: {  	_ = 	snop  }
0x4: {  	_ = 	snop  }
0x5: {  	_ = 	snop  }
0x6: {  	_ = 	snop  }
0x7: {  	_ = 	snop  }
__scs_overlays_trampoline_lowered:
0x8: {  	[smem:$0x3FAF] =	sst s0  }
0x9: {  	[smem:$0x3FB0] =	sst s1  }
0xa: {  	[smem:$0x3FB1] =	sst s2  }
0xb: {  	[smem:$0x3FB2] =	sst s3  }
0xc: {  	[smem:$0x3FB3] =	sst s4  }
0xd: {  	[smem:$0x3FB4] =	sst s5  }
0xe: {  	[smem:$0x3FB5] =	sst s6  }
0xf: {  	[smem:$0x3FB6] =	sst s7  }
0x10: {  	[smem:$0x3FB7] =	sst s8  }
0x11: {  	[smem:$0x3FB8] =	sst s9;
	s0 =	simm.s32 @!p0 $0x0  }
0x12: {  	s1 =	sld [smem:$0x3F9E];
	s0 =	simm.s32 @p0 $0x1  }
0x13: {  	[smem:$0x3FB9] =	sst s0;
	s0 =	simm.s32 @!p1 $0x0  }
0x14: {  	s2 =	sld [smem:$0x3F9D];
	s0 =	simm.s32 @p1 $0x1  }
0x15: {  	[smem:$0x3FBA] =	sst s0;
	s0 =	simm.s32 @!p2 $0x0  }
0x16: {  	s3 =	sld [smem:$0x3FDB];
	s0 =	simm.s32 @p2 $0x1  }
0x17: {  	s4 =	simm.s32 $0x1BF5;
	[smem:$0x3FBC] =	sst s0  }
0x18: {  	s0 =	sld [smem:$0x3F9F];
	_ =	swait.ge [sflag:s4], $0x0  }
0x19: {  	s7 =	sld [smem:$0x3FA0]  }
0x1a: {  	s8 =	sadd.s32 $0xFFFFE003, lr  }
0x1b: {  	s9 =	sadd.s32 $0xFFFFFEF7, lr;
	s5 =	simm.s32 $0xFFFFFFFF;
	p2 =	slt.u32 s8, $0xFFFFF086  }
0x1c: {  	p1 =	slt.u32 s9, $0xF7A;
	s5 =	simm.s32 @!p2 $0x0  }
0x1d: {  	s5 =	simm.s32 @p1 $0x1;
	p0 =	seq.s32 s7, s2  }
0x1e: {  	s7 =	smul.u32 @!p0 $0xF7A, s2;
	p2 =	seq.s32 @!p0 s5, $0x0  }
0x1f: {  	s9 =	smul.u32 $0xF7A, s1;
	s8 =	simm.s32 @!p0 $0x1BF5;
	p2 =	por !p2, p0  }
0x20: {  	[sflag:s8] =	ssyncset.s32 @!p0 $0xFFFFF086;
	s6 =	sadd.s32 @!p0 s3, s7;
	s7 =	simm.s32 @!p0 $0x108  }
0x21: {  	s3 =	sadd.s32 s3, s9;
	s6 =	sadd.s32 @!p0 $0x88, s6;
	s7 =	simm.s32 @p2 $0x1082  }
0x22: {  	[simem:s7], [sflag:s8] =	dma.local @!p0 [hbm:s6], $0xF7A  }
0x23: {  	s9 =	sor.u32 $0xD0000000, s2;
	s6 =	simm.s32 $0x108;
	_ =	swait.ge @!p0 [sflag:s8], $0x0  }
0x24: {  	s3 =	sadd.s32 $0x88, s3;
	s6 =	simm.s32 @!p1 $0x1082;
	[sflag:s4] =	ssyncset.s32 $0xFFFFF086  }
0x25: {  	[simem:s6], [sflag:s4] =	dma.local [hbm:s3], $0xF7A  }
0x26: {  	[smem:$0x3FA0] =	sst s1;
	(tag) =	ssettag s2;
	_ =	strace s9  }
0x27: {  	s1 =	sld [smem:$0x3FB0]  }
0x28: {  	s2 =	sld [smem:$0x3FB1]  }
0x29: {  	s4 =	sld [smem:$0x3FB3]  }
0x2a: {  	p0 =	seq.s32 s5, $0x0;
	s5 =	sld [smem:$0x3FB4]  }
0x2b: {  	s6 =	sld [smem:$0x3FB5]  }
0x2c: {  	s7 =	sld [smem:$0x3FB6]  }
0x2d: {  	s3 =	simm.s32 $0x108;
	s8 =	sld [smem:$0x3FB7]  }
0x2e: {  	s3 =	simm.s32 @!p0 $0x1082;
	s9 =	sld [smem:$0x3FB8]  }
0x2f: {  	lr =	sadd.s32 s0, s3;
	s0 =	sld [smem:$0x3FAF]  }
0x30: {  	s3 =	sld [smem:$0x3FB2]  }
0x31: {  	[smem:$0x3FBB] =	sst s10  }
0x32: {  	s10 =	sld [smem:$0x3FB9];
	_ =	sdelay $0x3  }
0x33: {  	p0 =	seq.s32 s10, $0x1;
	s10 =	sld [smem:$0x3FBB];
	_ =	sdelay $0x3  }
0x34: {  	[smem:$0x3FBB] =	sst s10  }
0x35: {  	s10 =	sld [smem:$0x3FBA];
	_ =	sdelay $0x3  }
0x36: {  	p1 =	seq.s32 s10, $0x1;
	s10 =	sld [smem:$0x3FBB];
	_ =	sdelay $0x3  }
0x37: {  	[smem:$0x3FBB] =	sst s10  }
0x38: {  	s10 =	sld [smem:$0x3FBC]  }
0x39: {  	_ = 	snop;
	(pc) =	sbr.ind lr, $3  }
0x3a: {  	_ = 	snop  }
0x3b: {  	_ = 	snop  }
0x3c: {  	p2 =	seq.s32 s10, $0x1;
	s10 =	sld [smem:$0x3FBB]  }
0x3d: {  	_ =	shalt  }
0x3e: {  	_ =	shalt  }
0x3f: {  	_ =	shalt  }
0x40: {  	_ =	shalt  }
0x41: {  	_ =	shalt  }
0x42: {  	_ =	shalt  }
0x43: {  	_ =	shalt  }
0x44: {  	_ =	shalt  }
0x45: {  	_ =	shalt  }
0x46: {  	_ =	shalt  }
0x47: {  	_ =	shalt  }
0x48: {  	_ =	shalt  }
0x49: {  	_ =	shalt  }
0x4a: {  	_ =	shalt  }
0x4b: {  	_ =	shalt  }
0x4c: {  	_ =	shalt  }
0x4d: {  	_ =	shalt  }
0x4e: {  	_ =	shalt  }
0x4f: {  	_ =	shalt  }
0x50: {  	_ =	shalt  }
0x51: {  	_ =	shalt  }
0x52: {  	_ =	shalt  }
0x53: {  	_ =	shalt  }
0x54: {  	_ =	shalt  }
0x55: {  	_ =	shalt  }
0x56: {  	_ =	shalt  }
0x57: {  	_ =	shalt  }
0x58: {  	_ =	shalt  }
0x59: {  	_ =	shalt  }
0x5a: {  	_ =	shalt  }
0x5b: {  	_ =	shalt  }
0x5c: {  	_ =	shalt  }
0x5d: {  	_ =	shalt  }
0x5e: {  	_ =	shalt  }
0x5f: {  	_ =	shalt  }
0x60: {  	_ =	shalt  }
0x61: {  	_ =	shalt  }
0x62: {  	_ =	shalt  }
0x63: {  	_ =	shalt  }
0x64: {  	_ =	shalt  }
0x65: {  	_ =	shalt  }
0x66: {  	_ =	shalt  }
0x67: {  	_ =	shalt  }
0x68: {  	_ =	shalt  }
0x69: {  	_ =	shalt  }
0x6a: {  	_ =	shalt  }
0x6b: {  	_ =	shalt  }
0x6c: {  	_ =	shalt  }
0x6d: {  	_ =	shalt  }
0x6e: {  	_ =	shalt  }
0x6f: {  	_ =	shalt  }
0x70: {  	_ =	shalt  }
0x71: {  	_ =	shalt  }
0x72: {  	_ =	shalt  }
0x73: {  	_ =	shalt  }
0x74: {  	_ =	shalt  }
0x75: {  	_ =	shalt  }
0x76: {  	_ =	shalt  }
0x77: {  	_ =	shalt  }
0x78: {  	_ =	shalt  }
0x79: {  	_ =	shalt  }
0x7a: {  	_ =	shalt  }
0x7b: {  	_ =	shalt  }
0x7c: {  	_ =	shalt  }
0x7d: {  	_ =	shalt  }
0x7e: {  	_ =	shalt  }
0x7f: {  	_ =	shalt  }
0x80: {  	_ =	shalt  }
0x81: {  	_ =	shalt  }
0x82: {  	_ =	shalt  }
0x83: {  	_ =	shalt  }
0x84: {  	_ =	shalt  }
0x85: {  	_ =	shalt  }
0x86: {  	_ =	shalt  }
0x87: {  	_ =	shalt  }
.Lfunc_end0:
.L_simem_size_0:
called_computation_lowered:
.L_overlay_start_0:
0x88: {  	s2 =	sld [smem:$0x3FD9]  }
0x89: {  	s3 =	sld [smem:$0x3FFE];
	_ =	sdelay $0x1  }
0x8a: {  	s1 =	srdreg.scid  }
0x8b: {  	s0 =	sand.u32 $0x1, s1  }
0x8c: {  	s17 =	sshll.u32 s0, $0xA;
	s2 =	sadd.s32 s3, s2  }
0x8d: {  	s2 =	sadd.s32 s2, s17  }
0x8e: {  	[smem:$0x3FC7] =	sst s2  }
0x8f: {  	_ = 	snop  }
0x90: {  	s2 =	sld [smem:$0x3FC9];
	(tm) =	ssettm $0x1  }
0x91: {  	s18 =	sld [smem:$0x3FFB];
	_ =	sdelay $0x3  }
0x92: {  	_ =	strace s18  }
0x93: {  	s3 =	sld [smem:$0x3FFC];
	_ =	sdelay $0x3  }
0x94: {  	_ =	strace s3  }
0x95: {  	s3 =	sld [smem:$0x3FFD];
	_ =	sdelay $0x3  }
0x96: {  	_ =	strace s3  }
0x97: {  	_ =	strace $0x8FFFFFFF  }
0x98: {  	s19 =	sld [smem:$0x3FDB];
	_ =	sdelay $0x1  }
0x99: {  	s4 =	simm.s32 $_scs_section_size  }
0x9a: {  	s5 =	simm.s32 $_size__tile_overlayer_lowered;
	s6 =	simm.s32 $_tile_overlayer_lowered  }
0x9b: {  	s22 =	simm.s32 $0x1BFF;
	s21 =	sshll.u32 s6, $0x1;
	s3 =	sadd.s32 s4, s19  }
0x9c: {  	s7 =	simm.s32 $0x0;
	s20 =	sshll.u32 s5, $0x1;
	s5 =	sadd.s32 s21, s3  }
0x9d: {  	[timem:s7], [sflag:s22] =	dma.local [hbm:s5], s20  }
0x9e: {  	_ =	swait.ge [sflag:s22], s20  }
0x9f: {  	s4 =	ssub.s32 $0x0, s20;
	[sflag:s22] =	ssyncset.done $0x0  }
0xa0: {  	[sflag:s22] =	ssyncadd.s32 s4;
	_ =	sdelay $0x1  }
0xa1: {  	s23 =	simm.s32 $0x1B8B  }
0xa2: {  	_ =	swait.ge [sflag:s23], $0x1  }
0xa3: {  	[sflag:s23] =	ssyncset.done $0x0  }
0xa4: {  	s25 =	simm.s32 $0x1B8E;
	s24 =	sld [smem:$0x3FFE];
	[sflag:s23] =	ssyncadd.s32 $0xFFFFFFFF  }
0xa5: {  	s26 =	simm.s32 $execute0_lowered;
	[smem:$0x3FD2] =	sst s25  }
0xa6: {  	s5 =	sshll.u32 s26, $0x1;
	_ =	strace $0x80000046;
	[dreg:$0x1] =	wrdreg $0xFFFFFFFF  }
0xa7: {  	s28 =	simm.s32 $_size_execute0_lowered;
	s3 =	sadd.s32 s3, s5;
	[dreg:$0x0] =	wrdreg $0x0  }
0xa8: {  	s5 =	sshll.u32 s28, $0x1;
	[dreg:$0x2] =	wrdreg s3  }
0xa9: {  	[dreg:$0x3] =	wrdreg s5  }
0xaa: {  	[dreg:$0x4] =	wrdreg $0xC0  }
0xab: {  	_ =	task [dreg:s7], $0x5FFFF  }
0xac: {  	[dreg:$0x1] =	wrdreg $0xFFFFFFFF  }
0xad: {  	[dreg:$0x0] =	wrdreg $0x60  }
0xae: {  	[dreg:$0x2] =	wrdreg s2  }
0xaf: {  	[dreg:$0x3] =	wrdreg s24  }
0xb0: {  	[dreg:$0x4] =	wrdreg $0x9  }
0xb1: {  	_ =	task.clear_ibuf [dreg:s7], $0x5FFFF;
	_ =	strace $0x90000046  }
0xb2: {  	s29 =	simm.s32 $0x9;
	_ =	strace $0x80000048  }
0xb3: {  	_ =	swait.ge [sflag:s29], $0x1  }
0xb4: {  	[sflag:s29] =	ssyncadd.s32 $0xFFFFFFFF  }
0xb5: {  	_ =	strace $0x90000048  }
0xb6: {  	_ =	sfence  }
0xb7: {  	s30 =	sld [smem:$0x0];
	_ =	sdelay $0x2  }
0xb8: {  	s31 =	sshll.u32 s1, $0xD;
	s1 =	sshrl.u32 s1, $0x2  }
0xb9: {  	s3 =	sand.u32 $0x4000, s31;
	s1 =	sadd.s32 s1, s30  }
0xba: {  	s0 =	sor.u32 s3, s0;
	s1 =	sshll.u32 s1, $0x11  }
0xbb: {  	s0 =	sor.u32 s1, s0  }
0xbc: {  	s0 =	sadd.s32 $0x8F2B, s0  }
0xbd: {  	[sflag:s0] =	ssyncadd.remote.s32 $0x1  }
0xbe: {  	_ =	sfence.sel $0xFFFF  }
0xbf: {  	[dreg:$0x0] =	wrdreg $0xFFFFFFFF;
	(pc) =	sbr.abs _section_cstart, $3  }
0xc0: {  	[dreg:$0x1] =	wrdreg $0xFFFFFFFF  }
0xc1: {  	_ =	task.clear_ibuf [dreg:s7], $0x2FFFF;
	_ =	strace $0x9FFFFFFF  }
0xc2: {  	(tm) =	ssettm $0x7FFFFFFF  }
0xc3: {  	_ =	shalt  }
tec
execute0_lowered:
.L_overlay_start_1:
0x0: {  	(tag) =	ssettag $0x1  }
0x1: {  	v0 =	vimm.s32 $0xEFCDAB89  }
0x2: {  	v1 =	vimm.s32 $0x67452301;
	v2 =	vimm.s32 $0xDCFE98BA;
	v3 =	vimm.s32 $0x54761032  }
0x3: {  	v4 =	vimm.s32 $0xBA98FEDC;
	v5 =	vimm.s32 $0x32107654;
	s2 =	srdreg.scid;
	v6 =	vimm.s32 $0xFEDCBA98;
	s1 =	rddreg [dreg:$0x0]  }
0x4: {  	s0 =	stileid.u32;
	v7 =	vimm.s32 $0x76543210;
	s6 =	rddreg [dreg:$0x1];
	v0 =	vunpack.c.l.s4.s8 v0;
	v1 =	vunpack.c.l.s4.s8 v1  }
0x5: {  	s3 =	simm.s32 $0x0;
	s9 =	simm.s32 $0x8000;
	s10 =	simm.s32 $0x1;
	v2 =	vunpack.c.l.s4.s8 v2;
	v3 =	vunpack.c.l.s4.s8 v3;
	v4 =	vunpack.c.l.s4.s8 v4  }
0x6: {  	s11 =	simm.s32 $0x10000;
	s12 =	simm.s32 $0x2;
	s13 =	simm.s32 $0x4;
	v5 =	vunpack.c.l.s4.s8 v5;
	v6 =	vunpack.c.l.s4.s8 v6;
	v0 =	vunpack.c.0.s8.s32 v0  }
0x7: {  	s14 =	simm.s32 $0x10400;
	s5 =	sand.u32 $0x1, s2;
	s30 =	sshll.u32 s0, $0x1;
	v1 =	vunpack.c.0.s8.s32 v1;
	v2 =	vunpack.c.0.s8.s32 v2;
	v3 =	vunpack.c.0.s8.s32 v3  }
0x8: {  	s15 =	simm.s32 $0x3;
	s16 =	simm.s32 $0x0;
	v7 =	vunpack.c.l.s4.s8 v7;
	s7 =	sor.u32 s5, s30;
	v4 =	vunpack.c.0.s8.s32 v4;
	v5 =	vunpack.c.0.s8.s32 v5  }
0x9: {  	s2 =	rddreg [dreg:$0x2];
	s8 =	ssub.s32 $0x2, s5;
	s4 =	smul.u32 $0x30, s7;
	v0 =	vcombine.low v1, v0;
	v1 =	vcombine.low v3, v2;
	v2 =	vunpack.c.0.s8.s32 v6  }
0xa: {  	[smem:$0x7FF] =	sst s3;
	s7 =	smul.u32 $0x6000, s7;
	s31 =	sshrl.u32 s8, $0x1;
	v3 =	vcombine.low v5, v4;
	v4 =	vunpack.c.0.s8.s32 v7  }
0xb: {  	vm9 =	vcmask $0x32C;
	_ =	strace $0x80000047;
	s5 =	sadd.s32 $0x400, s6;
	s8 =	ssub.s32 s8, s31;
	v0 =	vand.u32 $0xF, v0;
	v5 =	vand.u32 $0xF, v2  }
0xc: {  	s6 =	sadd.s32 s1, s7;
	s7 =	sadd.s32 $0x10, s4;
	s8 =	smax.u32 s8, $0x1;
	v1 =	vand.u32 $0xF, v1;
	v2 =	vand.u32 $0xF, v3;
	v3 =	vcombine.low v5, v4  }
.LBB2_1:
0xd: {  	[tilespmem:s3], [sflag:$0x1] =	stream.linear.gather [hbm4b:s6+s3], $0x8000, $0x38;
	[tilespmem:$0x10800] =	vst v63  }
0xe: {  	s17 =	simm.s32 $0x0  }
.LBB2_2:
0xf: {  	s19 =	sshll.u32 s17, $0x4  }
0x10: {  	s20 =	sadd.s32 s4, s19  }
0x11: {  	s18 =	sadd.s32 $0x8, s20  }
0x12: {  	s21 =	sshll.u32 s18, $0x9  }
0x13: {  	s21 =	sadd.s32 s1, s21  }
0x14: {  	[tilespmem:s9], [sflag:$0x2] =	stream.linear.gather [hbm4b:s21+s3], $0x8000, $0x38;
	[tilespmem:$0x10800] =	vst v63  }
0x15: {  	_ =	swait.ge [sflag:s10], $0x8000  }
0x16: {  	p0 =	seq.s32 s17, $0x0;
	[sflag:s10] =	ssyncset.done $0x0  }
0x17: {  	s21 =	simm.s32 @!p0 $0x3;
	[sflag:s10] =	ssyncadd.s32 $0xFFFF8000  }
0x18: {  	_ =	swait.ge @!p0 [sflag:s21], $0x400  }
0x19: {  	s22 =	simm.s32 $0x0;
	[sflag:s21] =	ssyncset.done @!p0 $0x0  }
0x1a: {  	s23 =	simm.s32 $0x40;
	[sflag:s21] =	ssyncadd.s32 @!p0 $0xFFFFFC00;
	s21 =	sshrl.u32 s20, $0x4  }
.LBB2_3:
0x1b: {  	s24 =	sor.u32 s20, s22;
	v5 =	vld [tilespmem:s23+$0xFFFFFFE0]  }
0x1c: {  	p2 =	sne.s32 s22, $0x0;
	v6 =	vld [tilespmem:s23+$0xFFFFFFC0];
	p1 =	seq.s32 s24, $0x0  }
0x1d: {  	v7 =	vld [tilespmem:s23+$0x30];
	p1 =	por !p2, !p1  }
0x1e: {  	v8 =	vld [tilespmem:s23+$0x10];
	s24 =	simm.s32 $0x1;
	p1 =	por !p1, !p1  }
0x1f: {  	v9 =	vld [tilespmem:s23+$0xFFFFFFD0];
	s24 =	simm.s32 @!p1 $0x0  }
0x20: {  	v10 =	vld [tilespmem:s23+$0x0];
	s24 =	ssub.s32 s21, s24  }
0x21: {  	v11 =	vld [tilespmem:s23+$0xFFFFFFF0];
	s25 =	sshll.u32 s24, $0x4;
	s24 =	sshll.u32 s24, $0x7  }
0x22: {  	v13 =	vld [tilespmem:s23+$0x20];
	s25 =	sand.u32 $0x70, s25;
	s26 =	sand.u32 $0xFFFFFC00, s24  }
0x23: {  	s24 =	sshll.u32 s22, $0x7;
	s25 =	sor.u32 s25, s26  }
0x24: {  	s25 =	sadd.s32 s24, s25  }
0x25: {  	v14 =	vmax.f32 v6, v9;
	v6 =	vmin.f32 v6, v9;
	v9 =	vmax.f32 v10, v8;
	v4 =	vld [tilespmem:s25+$0x0]  }
0x26: {  	v15 =	vmin.f32 v10, v8;
	v10 =	vmax.f32 v5, v11;
	v5 =	vmin.f32 v5, v11  }
0x27: {  	v17 =	vmax.f32 v13, v7;
	v7 =	vmin.f32 v13, v7;
	v8 =	vmax.f32 v14, v10  }
0x28: {  	v11 =	vmin.f32 v6, v5;
	v5 =	vmax.f32 v6, v5;
	v10 =	vmin.f32 v14, v10  }
0x29: {  	v12 =	vmov s22;
	v29 =	vmin.f32 v15, v7;
	v13 =	vmax.f32 v5, v10  }
0x2a: {  	v5 =	vmin.f32 v5, v10;
	v4 =	vperm.xlane v4, v12;
	v12 =	vimm.f32 $-3.000000010e+38  }
0x2b: {  	v16 =	vmin.f32 v12, v8;
	v18 =	vmax.f32 v12, v8;
	v8 =	vmax.f32 v12, v11  }
0x2c: {  	v11 =	vmin.f32 v12, v11;
	v28 =	vmin.f32 v12, v13;
	v33 =	vmin.f32 v12, v5  }
0x2d: {  	v32 =	vmax.f32 v12, v5;
	v20 =	vmin.f32 v12, v16;
	v19 =	vmax.f32 v12, v16  }
0x2e: {  	v25 =	vmax.f32 v12, v11;
	v11 =	vmin.f32 v9, v17;
	v9 =	vmax.f32 v9, v17  }
0x2f: {  	v23 =	vmin.f32 v12, v28;
	v26 =	vmax.f32 v12, v33;
	v28 =	vmax.f32 v12, v28  }
0x30: {  	v33 =	vmin.f32 v12, v33;
	v16 =	vmin.f32 v12, v20;
	v22 =	vmax.f32 v12, v20  }
0x31: {  	v24 =	vmin.f32 v18, v9;
	v21 =	vmax.f32 v18, v9;
	v6 =	vmin.f32 v12, v16  }
0x32: {  	v9 =	vmin.f32 v19, v24;
	v14 =	vmax.f32 v12, v6;
	v6 =	vmin.f32 v12, v6  }
0x33: {  	v16 =	vmax.f32 v12, v16;
	v20 =	vmin.f32 v22, v9;
	v17 =	vmin.f32 v12, v6  }
0x34: {  	v31 =	vmax.f32 v12, v6;
	v6 =	vmin.f32 v12, v17;
	v10 =	vmax.f32 v12, v17  }
0x35: {  	v17 =	vmax.f32 v22, v9;
	v9 =	vmax.f32 v15, v7;
	v7 =	vmin.f32 v16, v20  }
0x36: {  	v18 =	vmin.f32 v12, v6;
	v15 =	vmax.f32 v9, v11;
	v30 =	vmin.f32 v9, v11  }
0x37: {  	v34 =	vmin.f32 v14, v7;
	v9 =	vmax.f32 v12, v13;
	v11 =	vmax.f32 v14, v7  }
0x38: {  	v14 =	vimm.f32 $-3.000000010e+38;
	v7 =	vmax.f32 v31, v34;
	v27 =	vmin.f32 v9, v15  }
0x39: {  	v5 =	vmin.f32 v12, v18;
	v22 =	vmax.f32 v9, v15;
	v9 =	vmax.f32 v12, v6  }
0x3a: {  	v6 =	vmax.f32 v12, v18;
	v13 =	vmin.f32 v31, v34;
	v31 =	vmin.f32 v32, v30  }
0x3b: {  	s26 =	sadd.s32 $0x400, s23;
	s25 =	simm.s32 $0x0;
	v18 =	vimm.f32 $-3.000000010e+38;
	v15 =	vimm.f32 $-3.000000010e+38;
	v5 =	vmax.f32 v12, v5  }
.LBB2_4:
0x3c: {  	v34 =	vld [tilespmem:s26+$0xFFFFFFE0];
	s25 =	sadd.s32 $0x2, s25;
	v12 =	vmax.f32 v12, v33;
	v33 =	vmax.f32 v10, v13;
	v35 =	vmin.f32 v8, v29  }
0x3d: {  	v37 =	vmin.f32 v18, v23;
	v38 =	vmax.f32 v26, v31;
	v36 =	vld [tilespmem:s26+$0xFFFFFFC0];
	p1 =	slt.u32 s25, $0x3E;
	v25 =	vmax.f32 v25, v35  }
0x3e: {  	v18 =	vmax.f32 v18, v23;
	v39 =	vmin.f32 v28, v27;
	v23 =	vmin.f32 v15, v37;
	v35 =	vld [tilespmem:s26+$0x30]  }
0x3f: {  	v15 =	vmax.f32 v15, v37;
	v37 =	vmin.f32 v18, v39;
	v18 =	vmax.f32 v18, v39;
	v40 =	vld [tilespmem:s26+$0x10]  }
0x40: {  	v10 =	vmin.f32 v10, v13;
	v29 =	vmax.f32 v8, v29;
	v13 =	vmin.f32 v15, v37;
	v39 =	vld [tilespmem:s26+$0xFFFFFFD0]  }
0x41: {  	v28 =	vmax.f32 v28, v27;
	v41 =	vmin.f32 v9, v10;
	v15 =	vmax.f32 v15, v37;
	v8 =	vld [tilespmem:s26+$0x0]  }
0x42: {  	v26 =	vmin.f32 v26, v31;
	v9 =	vmax.f32 v9, v10;
	v10 =	vmin.f32 v6, v41;
	v27 =	vld [tilespmem:s26+$0xFFFFFFF0]  }
0x43: {  	v16 =	vmax.f32 v16, v20;
	v32 =	vmax.f32 v32, v30;
	v6 =	vmax.f32 v6, v41;
	v31 =	vld [tilespmem:s26+$0x20]  }
0x44: {  	v19 =	vmax.f32 v19, v24;
	v12 =	vmax.f32 v12, v26;
	v14 =	vmax.f32 v14, v23  }
0x45: {  	v14 =	vmax.f32 v14, v13;
	v20 =	vmax.f32 v36, v39;
	v23 =	vmin.f32 v36, v39  }
0x46: {  	v5 =	vmax.f32 v5, v10;
	v13 =	vmax.f32 v8, v40;
	v26 =	vmin.f32 v8, v40  }
0x47: {  	v10 =	vmax.f32 v34, v27;
	v24 =	vmin.f32 v34, v27  }
0x48: {  	v8 =	vmax.f32 v20, v10;
	v27 =	vmin.f32 v23, v24;
	v30 =	vmax.f32 v31, v35  }
0x49: {  	v34 =	vmin.f32 v21, v8;
	v21 =	vmax.f32 v21, v8;
	v8 =	vmax.f32 v29, v27  }
0x4a: {  	v27 =	vmin.f32 v29, v27;
	v36 =	vmin.f32 v19, v34;
	v19 =	vmax.f32 v19, v34  }
0x4b: {  	v25 =	vmax.f32 v25, v27;
	v29 =	vmin.f32 v17, v36;
	v17 =	vmax.f32 v17, v36  }
0x4c: {  	v31 =	vmin.f32 v31, v35;
	v27 =	vmax.f32 v23, v24;
	v23 =	vmin.f32 v16, v29  }
0x4d: {  	v10 =	vmin.f32 v20, v10;
	v34 =	vmin.f32 v13, v30;
	v16 =	vmax.f32 v16, v29  }
0x4e: {  	v13 =	vmax.f32 v13, v30;
	v35 =	vmax.f32 v27, v10;
	v36 =	vmax.f32 v11, v23  }
0x4f: {  	v24 =	vmin.f32 v21, v13;
	v37 =	vmin.f32 v22, v35;
	v11 =	vmin.f32 v11, v23  }
0x50: {  	v21 =	vmax.f32 v21, v13;
	v29 =	vmin.f32 v7, v11;
	v39 =	vmax.f32 v7, v11  }
0x51: {  	v23 =	vmin.f32 v28, v37;
	v7 =	vmin.f32 v19, v24;
	v13 =	vmin.f32 v33, v29  }
0x52: {  	v11 =	vmin.f32 v27, v10;
	v20 =	vmin.f32 v17, v7;
	v40 =	vmin.f32 v9, v13  }
0x53: {  	v10 =	vmax.f32 v33, v29;
	v33 =	vmin.f32 v32, v11;
	v17 =	vmax.f32 v17, v7  }
0x54: {  	v7 =	vmax.f32 v26, v31;
	v29 =	vmin.f32 v26, v31;
	v26 =	vmin.f32 v16, v20  }
0x55: {  	v31 =	vmax.f32 v7, v34;
	v30 =	vmin.f32 v7, v34;
	v34 =	vmin.f32 v36, v26  }
.Ltmp0:
0x56: {  	v22 =	vmax.f32 v22, v35;
	v32 =	vmax.f32 v32, v11;
	v11 =	vmax.f32 v36, v26;
	(pc) =	sbr.rel @p1 .LBB2_4-.Ltmp0, $4  }
0x57: {  	v26 =	vmax.f32 v38, v33;
	v27 =	vmin.f32 v22, v31;
	v7 =	vmax.f32 v39, v34  }
0x58: {  	v28 =	vmax.f32 v28, v37;
	v35 =	vmin.f32 v6, v40;
	v22 =	vmax.f32 v22, v31  }
0x59: {  	v9 =	vmax.f32 v9, v13;
	v6 =	vmax.f32 v6, v40;
	v13 =	vmin.f32 v39, v34  }
0x5a: {  	s26 =	sadd.s32 $0x400, s26;
	v33 =	vmin.f32 v38, v33;
	v31 =	vmin.f32 v32, v30;
	v5 =	vmax.f32 v5, v35  }
0x5b: {  	v34 =	vmax.f32 v8, v29;
	v30 =	vmax.f32 v32, v30  }
0x5c: {  	v59 =	vmax.f32 v21, v22;
	v35 =	vmax.f32 v30, v34  }
0x5d: {  	v32 =	vmax.f32 v59, v35  }
0x5e: {  	v35 =	vperm.xlane v32, v0;
	_ =	sdelay $0x1  }
0x5f: {  	v32 =	vmax.f32 v32, v35  }
0x60: {  	v35 =	vperm.xlane v32, v1;
	_ =	sdelay $0x1  }
0x61: {  	v32 =	vmax.f32 v32, v35  }
0x62: {  	v35 =	vperm.xlane v32, v2;
	_ =	sdelay $0x1  }
0x63: {  	v32 =	vmax.f32 v32, v35  }
0x64: {  	v35 =	vperm.xlane v32, v3  }
0x65: {  	v60 =	vmin.f32 v8, v29;
	v61 =	vmax.f32 v26, v31  }
0x66: {  	v19 =	vmax.f32 v19, v24;
	v63 =	vmax.f32 v28, v27;
	v8 =	vmax.f32 v32, v35  }
0x67: {  	v62 =	vmax.f32 v25, v60;
	vm10 =	veq.f32 v21, v8;
	vm3 =	veq.f32 v22, v8  }
0x68: {  	vm1 =	veq.f32 v30, v8;
	vm0 =	veq.f32 v34, v8;
	v21 =	vsel vm10, v19, v21  }
0x69: {  	v22 =	vsel vm3, v63, v22;
	v36 =	vsel vm1, v61, v30;
	v37 =	vsel vm0, v62, v34  }
0x6a: {  	v38 =	vmax.f32 v21, v22;
	v39 =	vmax.f32 v36, v37  }
0x6b: {  	v34 =	vmax.f32 v38, v39  }
0x6c: {  	v35 =	vperm.xlane v34, v0;
	_ =	sdelay $0x1  }
0x6d: {  	v34 =	vmax.f32 v34, v35  }
0x6e: {  	v35 =	vperm.xlane v34, v1;
	_ =	sdelay $0x1  }
0x6f: {  	v34 =	vmax.f32 v34, v35  }
0x70: {  	v35 =	vperm.xlane v34, v2;
	_ =	sdelay $0x1  }
0x71: {  	v12 =	vmax.f32 v12, v33;
	v41 =	vmax.f32 v18, v23;
	v34 =	vmax.f32 v34, v35  }
0x72: {  	v42 =	vmin.f32 v28, v27;
	v43 =	vmin.f32 v26, v31;
	v40 =	vperm.xlane v34, v3  }
0x73: {  	v28 =	vmax.f32 v41, v42;
	v26 =	vmax.f32 v12, v43;
	v19 =	vsel vm10, v17, v19  }
0x74: {  	v25 =	vsel vm3, v28, v63;
	v44 =	vsel vm1, v26, v61;
	v12 =	vmax.f32 v34, v40  }
0x75: {  	v24 =	vsel vm0, $0xFF61B1E6, v62;
	vm11 =	veq.f32 v21, v12;
	vm2 =	veq.f32 v22, v12  }
0x76: {  	vm0 =	veq.f32 v36, v12;
	vm4 =	veq.f32 v37, v12;
	v21 =	vsel vm11, v19, v21  }
0x77: {  	v22 =	vsel vm2, v25, v22;
	v29 =	vsel vm0, v44, v36;
	v30 =	vsel vm4, v24, v37  }
0x78: {  	v45 =	vmax.f32 v21, v22;
	v46 =	vmax.f32 v29, v30  }
0x79: {  	v32 =	vmax.f32 v45, v46  }
0x7a: {  	v33 =	vperm.xlane v32, v0;
	_ =	sdelay $0x1  }
0x7b: {  	v32 =	vmax.f32 v32, v33  }
0x7c: {  	v33 =	vperm.xlane v32, v1;
	_ =	sdelay $0x1  }
0x7d: {  	v32 =	vmax.f32 v32, v33  }
0x7e: {  	v33 =	vperm.xlane v32, v2  }
0x7f: {  	v47 =	vmin.f32 v18, v23;
	v20 =	vmax.f32 v16, v20  }
0x80: {  	v23 =	vmax.f32 v15, v47;
	v27 =	vmin.f32 v41, v42;
	v32 =	vmax.f32 v32, v33  }
0x81: {  	v49 =	vmax.f32 v23, v27;
	v50 =	vsel vm10, v20, v17;
	v48 =	vperm.xlane v32, v3  }
0x82: {  	v28 =	vsel vm3, v49, v28;
	v26 =	vsel vm1, $0xFF61B1E6, v26;
	v19 =	vsel vm11, v50, v19  }
0x83: {  	v25 =	vsel vm2, v28, v25;
	v31 =	vsel vm0, v26, v44;
	v16 =	vmax.f32 v32, v48  }
0x84: {  	v24 =	vsel vm4, $0xFF61B1E6, v24;
	vm12 =	veq.f32 v21, v16;
	vm1 =	veq.f32 v22, v16  }
0x85: {  	vm4 =	veq.f32 v29, v16;
	vm5 =	veq.f32 v30, v16;
	v21 =	vsel vm12, v19, v21  }
0x86: {  	v22 =	vsel vm1, v25, v22;
	v29 =	vsel vm4, v31, v29;
	v30 =	vsel vm5, v24, v30  }
0x87: {  	v51 =	vmax.f32 v21, v22;
	v52 =	vmax.f32 v29, v30  }
0x88: {  	v32 =	vmax.f32 v51, v52  }
0x89: {  	v34 =	vperm.xlane v32, v0;
	_ =	sdelay $0x1  }
0x8a: {  	v32 =	vmax.f32 v32, v34  }
0x8b: {  	v34 =	vperm.xlane v32, v1;
	_ =	sdelay $0x1  }
0x8c: {  	v32 =	vmax.f32 v32, v34  }
0x8d: {  	v53 =	vmin.f32 v15, v47;
	v34 =	vperm.xlane v32, v2  }
0x8e: {  	v54 =	vmin.f32 v23, v27;
	v14 =	vmax.f32 v14, v53  }
0x8f: {  	v18 =	vmax.f32 v14, v54;
	v20 =	vsel vm10, v11, v20;
	v55 =	vmax.f32 v32, v34  }
0x90: {  	v57 =	vsel vm3, v18, v49;
	v17 =	vsel vm11, v20, v50;
	v56 =	vperm.xlane v55, v3  }
0x91: {  	v58 =	vsel vm2, v57, v28;
	v26 =	vsel vm0, $0xFF61B1E6, v26;
	v59 =	vsel vm12, v17, v19  }
0x92: {  	v60 =	vsel vm1, v58, v25;
	v61 =	vsel vm4, v26, v31;
	v14 =	vmax.f32 v55, v56  }
0x93: {  	v24 =	vsel vm5, $0xFF61B1E6, v24;
	vm13 =	veq.f32 v21, v14;
	vm0 =	veq.f32 v22, v14  }
0x94: {  	vm5 =	veq.f32 v29, v14;
	vm6 =	veq.f32 v30, v14;
	v21 =	vsel vm13, v59, v21  }
0x95: {  	v22 =	vsel vm0, v60, v22;
	v62 =	vsel vm5, v61, v29;
	v63 =	vsel vm6, v24, v30  }
0x96: {  	v35 =	vmax.f32 v21, v22;
	v36 =	vmax.f32 v62, v63  }
0x97: {  	v30 =	vmax.f32 v35, v36  }
0x98: {  	v31 =	vperm.xlane v30, v0;
	_ =	sdelay $0x1  }
0x99: {  	v30 =	vmax.f32 v30, v31  }
0x9a: {  	v31 =	vperm.xlane v30, v1;
	_ =	sdelay $0x1  }
0x9b: {  	v30 =	vmax.f32 v30, v31  }
0x9c: {  	v31 =	vperm.xlane v30, v2  }
0x9d: {  	v37 =	vsel vm10, v7, v11  }
0x9e: {  	v18 =	vsel vm3, $0xFF61B1E6, v18;
	v20 =	vsel vm11, v37, v20;
	v38 =	vmax.f32 v30, v31  }
0x9f: {  	v23 =	vsel vm2, v18, v57;
	v17 =	vsel vm12, v20, v17;
	v30 =	vperm.xlane v38, v3  }
0xa0: {  	v27 =	vsel vm1, v23, v58;
	v26 =	vsel vm4, $0xFF61B1E6, v26;
	v15 =	vsel vm13, v17, v59  }
0xa1: {  	v19 =	vsel vm0, v27, v60;
	v25 =	vsel vm5, v26, v61;
	v11 =	vmax.f32 v38, v30  }
0xa2: {  	v24 =	vsel vm6, $0xFF61B1E6, v24;
	vm14 =	veq.f32 v21, v11;
	vm15 =	veq.f32 v22, v11  }
0xa3: {  	vm4 =	veq.f32 v62, v11;
	vm7 =	veq.f32 v63, v11;
	v21 =	vsel vm14, v15, v21  }
0xa4: {  	v22 =	vsel vm15, v19, v22;
	v28 =	vsel vm4, v25, v62;
	v29 =	vsel vm7, v24, v63  }
0xa5: {  	v39 =	vmax.f32 v21, v22;
	v40 =	vmax.f32 v28, v29  }
0xa6: {  	v30 =	vmax.f32 v39, v40  }
0xa7: {  	v31 =	vperm.xlane v30, v0;
	_ =	sdelay $0x1  }
0xa8: {  	v30 =	vmax.f32 v30, v31  }
0xa9: {  	v31 =	vperm.xlane v30, v1;
	_ =	sdelay $0x1  }
0xaa: {  	v41 =	vmax.f32 v10, v13;
	v30 =	vmax.f32 v30, v31  }
0xab: {  	v43 =	vsel vm10, v41, v7;
	v42 =	vperm.xlane v30, v2  }
0xac: {  	v32 =	vsel vm11, v43, v37  }
0xad: {  	v18 =	vsel vm2, $0xFF61B1E6, v18;
	v20 =	vsel vm12, v32, v20;
	v44 =	vmax.f32 v30, v42  }
0xae: {  	v23 =	vsel vm1, v18, v23;
	v17 =	vsel vm13, v20, v17;
	v30 =	vperm.xlane v44, v3  }
0xaf: {  	v27 =	vsel vm0, v23, v27;
	v26 =	vsel vm5, $0xFF61B1E6, v26;
	v15 =	vsel vm14, v17, v15  }
0xb0: {  	v19 =	vsel vm15, v27, v19;
	v25 =	vsel vm4, v26, v25;
	v7 =	vmax.f32 v44, v30  }
0xb1: {  	v24 =	vsel vm7, $0xFF61B1E6, v24;
	vm2 =	veq.f32 v21, v7;
	vm3 =	veq.f32 v22, v7  }
0xb2: {  	vm6 =	veq.f32 v28, v7;
	vm5 =	veq.f32 v29, v7;
	v21 =	vsel vm2, v15, v21  }
0xb3: {  	v22 =	vsel vm3, v19, v22;
	v28 =	vsel vm6, v25, v28;
	v29 =	vsel vm5, v24, v29  }
0xb4: {  	v45 =	vmax.f32 v21, v22;
	v46 =	vmax.f32 v28, v29  }
0xb5: {  	v30 =	vmax.f32 v45, v46  }
0xb6: {  	v33 =	vperm.xlane v30, v0;
	_ =	sdelay $0x1  }
0xb7: {  	v30 =	vmax.f32 v30, v33  }
0xb8: {  	v47 =	vmin.f32 v10, v13;
	v33 =	vperm.xlane v30, v1  }
0xb9: {  	v13 =	vmax.f32 v9, v47  }
0xba: {  	v31 =	vsel vm10, v13, v41;
	v30 =	vmax.f32 v30, v33  }
0xbb: {  	v34 =	vsel vm11, v31, v43;
	v33 =	vperm.xlane v30, v2  }
0xbc: {  	v32 =	vsel vm12, v34, v32  }
0xbd: {  	v18 =	vsel vm1, $0xFF61B1E6, v18;
	v20 =	vsel vm13, v32, v20;
	v30 =	vmax.f32 v30, v33  }
0xbe: {  	v23 =	vsel vm0, v18, v23;
	v17 =	vsel vm14, v20, v17;
	v33 =	vperm.xlane v30, v3  }
0xbf: {  	v27 =	vsel vm15, v23, v27;
	v26 =	vsel vm4, $0xFF61B1E6, v26;
	v15 =	vsel vm2, v17, v15  }
0xc0: {  	v19 =	vsel vm3, v27, v19;
	v25 =	vsel vm6, v26, v25;
	v30 =	vmax.f32 v30, v33  }
0xc1: {  	v24 =	vsel vm5, $0xFF61B1E6, v24;
	vm1 =	veq.f32 v21, v30;
	vm4 =	veq.f32 v22, v30  }
0xc2: {  	vm5 =	veq.f32 v28, v30;
	vm7 =	veq.f32 v29, v30;
	v21 =	vsel vm1, v15, v21  }
0xc3: {  	v22 =	vsel vm4, v19, v22;
	v28 =	vsel vm5, v25, v28;
	v29 =	vsel vm7, v24, v29  }
0xc4: {  	v48 =	vmax.f32 v21, v22;
	v49 =	vmax.f32 v28, v29  }
0xc5: {  	v33 =	vmax.f32 v48, v49  }
0xc6: {  	v35 =	vperm.xlane v33, v0;
	_ =	sdelay $0x1  }
0xc7: {  	v50 =	vmin.f32 v9, v47;
	v33 =	vmax.f32 v33, v35  }
0xc8: {  	v52 =	vmax.f32 v6, v50;
	v51 =	vperm.xlane v33, v1  }
0xc9: {  	v13 =	vsel vm10, v52, v13  }
0xca: {  	v31 =	vsel vm11, v13, v31;
	v10 =	vmax.f32 v33, v51  }
0xcb: {  	v34 =	vsel vm12, v31, v34;
	v33 =	vperm.xlane v10, v2  }
0xcc: {  	v32 =	vsel vm13, v34, v32  }
0xcd: {  	v18 =	vsel vm0, $0xFF61B1E6, v18;
	v20 =	vsel vm14, v32, v20;
	v10 =	vmax.f32 v10, v33  }
0xce: {  	v23 =	vsel vm15, v18, v23;
	v17 =	vsel vm2, v20, v17;
	v33 =	vperm.xlane v10, v3  }
0xcf: {  	v27 =	vsel vm3, v23, v27;
	v26 =	vsel vm6, $0xFF61B1E6, v26;
	v15 =	vsel vm1, v17, v15  }
0xd0: {  	v19 =	vsel vm4, v27, v19;
	v25 =	vsel vm5, v26, v25;
	v10 =	vmax.f32 v10, v33  }
0xd1: {  	v24 =	vsel vm7, $0xFF61B1E6, v24;
	vm0 =	veq.f32 v21, v10;
	vm6 =	veq.f32 v22, v10  }
0xd2: {  	vm7 =	veq.f32 v28, v10;
	vm8 =	veq.f32 v29, v10;
	v21 =	vsel vm0, v15, v21  }
0xd3: {  	v22 =	vsel vm6, v19, v22;
	v28 =	vsel vm7, v25, v28;
	v29 =	vsel vm8, v24, v29  }
0xd4: {  	v53 =	vmax.f32 v21, v22;
	v36 =	vmax.f32 v28, v29  }
0xd5: {  	v33 =	vmax.f32 v53, v36  }
0xd6: {  	v36 =	vperm.xlane v33, v0  }
0xd7: {  	v54 =	vmin.f32 v6, v50  }
0xd8: {  	v5 =	vmax.f32 v5, v54;
	v55 =	vmax.f32 v33, v36  }
0xd9: {  	v5 =	vsel vm10, v5, v52;
	v56 =	vperm.xlane v55, v1  }
0xda: {  	v5 =	vsel vm11, v5, v13  }
0xdb: {  	v5 =	vsel vm12, v5, v31;
	v6 =	vmax.f32 v55, v56  }
0xdc: {  	v5 =	vsel vm13, v5, v34;
	v9 =	vperm.xlane v6, v2  }
0xdd: {  	v5 =	vsel vm14, v5, v32  }
0xde: {  	v57 =	vsel vm15, $0xFF61B1E6, v18;
	v5 =	vsel vm2, v5, v20;
	v6 =	vmax.f32 v6, v9  }
0xdf: {  	v5 =	vsel vm1, v5, v17;
	v59 =	vsel vm5, $0xFF61B1E6, v26;
	v58 =	vperm.xlane v6, v3  }
0xe0: {  	v5 =	vsel vm0, v5, v15;
	v60 =	vsel vm7, v59, v25;
	v9 =	vsel vm3, v57, v23  }
0xe1: {  	v61 =	vsel vm8, $0xFF61B1E6, v24;
	v9 =	vsel vm4, v9, v27;
	v6 =	vmax.f32 v6, v58  }
0xe2: {  	v9 =	vsel vm6, v9, v19;
	vm6 =	veq.f32 v21, v6;
	vm12 =	veq.f32 v22, v6  }
0xe3: {  	vm13 =	veq.f32 v28, v6;
	vm14 =	veq.f32 v29, v6;
	v5 =	vsel vm6, v5, v21  }
0xe4: {  	v9 =	vsel vm12, v9, v22;
	v13 =	vsel vm13, v60, v28;
	v15 =	vsel vm14, v61, v29  }
0xe5: {  	v5 =	vmax.f32 v5, v9;
	v62 =	vmax.f32 v13, v15  }
0xe6: {  	v5 =	vmax.f32 v5, v62  }
0xe7: {  	v9 =	vperm.xlane v5, v0;
	_ =	sdelay $0x1  }
0xe8: {  	vm10 =	vmmov $0x1;
	v5 =	vmax.f32 v5, v9  }
0xe9: {  	v8 =	vnsel vm10, $0x0, v8;
	v9 =	vperm.xlane v5, v1  }
0xea: {  	vm15 =	vcmask $0x72C;
	v8 =	vsel vm9, v8, v12  }
0xeb: {  	v8 =	vsel vm15, v8, v16;
	vm4 =	vcmask $0xB2C;
	v5 =	vmax.f32 v5, v9  }
0xec: {  	vm5 =	vcmask $0xF2C;
	v8 =	vsel vm4, v8, v14;
	v9 =	vperm.xlane v5, v2  }
0xed: {  	v8 =	vsel vm5, v8, v11;
	vm6 =	vcmask $0x132C  }
0xee: {  	s22 =	sadd.s32 $0x1, s22;
	vm7 =	vcmask $0x172C;
	v7 =	vsel vm6, v8, v7;
	v5 =	vmax.f32 v5, v9  }
0xef: {  	p1 =	sne.s32 s22, $0x8;
	vm12 =	vcmask $0x1B2C;
	v7 =	vsel vm7, v7, v30;
	v63 =	vperm.xlane v5, v3  }
.Ltmp1:
0xf0: {  	vm13 =	vcmask $0x1F2C;
	v7 =	vsel vm12, v7, v10;
	(pc) =	sbr.rel @p1 .LBB2_3-.Ltmp1, $4  }
0xf1: {  	vm14 =	vcmask $0x232C;
	v6 =	vsel vm13, v7, v6;
	v5 =	vmax.f32 v5, v63  }
0xf2: {  	vm15 =	vcmask $0x272C;
	v5 =	vsel vm14, v6, v5  }
0xf3: {  	s24 =	sand.u32 $0x3FFFFF80, s24;
	v4 =	vsel vm15, v5, v4  }
0xf4: {  	s23 =	sadd.s32 $0x80, s23;
	[tilespmem:s24+$0x10000] =	vst v4  }
0xf5: {  	p1 =	sne.s32 s17, $0x2  }
.Ltmp2:
0xf6: {  	_ = 	snop;
	(pc) =	sbr.rel @p1 .LBB2_8-.Ltmp2, $4  }
0xf7: {  	_ = 	snop  }
0xf8: {  	s20 =	sshll.u32 s20, $0x4  }
0xf9: {  	s20 =	sadd.s32 s5, s20  }
0xfa: {  	[hbm4b:s20+s3] =	stream.linear.scatter [tilespmem:s11], [sflag:$0x3], $0x400, $0x38;
	[tilespmem:$0x10800] =	vst v63  }
.Ltmp3:
0xfb: {  	(pc) =	sbr.rel .LBB2_9-.Ltmp3, $4  }
0xfc: {  	_ = 	snop  }
0xfd: {  	_ =	swait.ge [sflag:s12], $0x8000  }
0xfe: {  	[sflag:s12] =	ssyncset.done $0x0  }
0xff: {  	[sflag:s12] =	ssyncadd.s32 $0xFFFF8000  }
.LBB2_8:
0x100: {  	s19 =	sadd.s32 s19, s7  }
0x101: {  	s19 =	sshll.u32 s19, $0x9  }
.Ltmp4:
0x102: {  	s19 =	sadd.s32 s1, s19;
	(pc) =	sbr.rel @p0 .LBB2_10-.Ltmp4, $4  }
0x103: {  	[tilespmem:s3], [sflag:$0x1] =	stream.linear.gather [hbm4b:s19+s3], $0x8000, $0x38;
	[tilespmem:$0x10800] =	vst v63  }
0x104: {  	_ =	swait.ge [sflag:s12], $0x8000  }
0x105: {  	[sflag:s12] =	ssyncset.done $0x0  }
0x106: {  	[sflag:s12] =	ssyncadd.s32 $0xFFFF8000  }
.LBB2_9:
0x107: {  	_ =	swait.ge [sflag:s13], $0x400  }
0x108: {  	[sflag:s13] =	ssyncset.done $0x0  }
0x109: {  	[sflag:s13] =	ssyncadd.s32 $0xFFFFFC00  }
.LBB2_10:
0x10a: {  	s19 =	sshll.u32 s18, $0x3  }
0x10b: {  	s20 =	sand.u32 $0x70, s18;
	s19 =	sand.u32 $0x7FFFFC00, s19  }
0x10c: {  	s19 =	sor.u32 s20, s19  }
0x10d: {  	s21 =	sadd.s32 $0x8000, s19  }
0x10e: {  	s17 =	sadd.s32 $0x1, s17;
	s20 =	simm.s32 $0x8040;
	s19 =	simm.s32 $0x0;
	v4 =	vmov s21  }
.LBB2_11:
0x10f: {  	v6 =	vld [tilespmem:s20+$0xFFFFFFE0]  }
0x110: {  	v7 =	vld [tilespmem:s20+$0xFFFFFFC0]  }
0x111: {  	v8 =	vld [tilespmem:s20+$0x30]  }
0x112: {  	v9 =	vld [tilespmem:s20+$0x10]  }
0x113: {  	v10 =	vld [tilespmem:s20+$0xFFFFFFD0]  }
0x114: {  	v11 =	vld [tilespmem:s20+$0x0]  }
0x115: {  	v12 =	vld [tilespmem:s20+$0xFFFFFFF0]  }
0x116: {  	s21 =	sshll.u32 s19, $0x7;
	v14 =	vld [tilespmem:s20+$0x20]  }
0x117: {  	v5 =	vld.idx.msk [tilespmem:v4+s21+$0x0 ss:$0x1], $0xffff  }
0x118: {  	s22 =	sor.u32 $0x8, s19  }
0x119: {  	v13 =	vmov s22;
	v15 =	vmax.f32 v7, v10;
	v7 =	vmin.f32 v7, v10  }
0x11a: {  	v10 =	vmax.f32 v11, v9;
	v16 =	vmin.f32 v11, v9;
	v11 =	vmax.f32 v6, v12  }
0x11b: {  	v6 =	vmin.f32 v6, v12;
	v18 =	vmax.f32 v14, v8;
	v8 =	vmin.f32 v14, v8  }
0x11c: {  	v5 =	vperm.xlane v5, v13;
	v13 =	vimm.f32 $-3.000000010e+38;
	v9 =	vmax.f32 v15, v11  }
0x11d: {  	v12 =	vmin.f32 v7, v6;
	v6 =	vmax.f32 v7, v6;
	v11 =	vmin.f32 v15, v11  }
0x11e: {  	v30 =	vmin.f32 v16, v8;
	v17 =	vmin.f32 v13, v9;
	v19 =	vmax.f32 v13, v9  }
0x11f: {  	v9 =	vmax.f32 v13, v12;
	v12 =	vmin.f32 v13, v12;
	v14 =	vmax.f32 v6, v11  }
0x120: {  	v6 =	vmin.f32 v6, v11;
	v21 =	vmin.f32 v13, v17;
	v20 =	vmax.f32 v13, v17  }
0x121: {  	v26 =	vmax.f32 v13, v12;
	v12 =	vmin.f32 v10, v18;
	v10 =	vmax.f32 v10, v18  }
0x122: {  	v29 =	vmin.f32 v13, v14;
	v34 =	vmin.f32 v13, v6;
	v33 =	vmax.f32 v13, v6  }
0x123: {  	v17 =	vmin.f32 v13, v21;
	v23 =	vmax.f32 v13, v21;
	v25 =	vmin.f32 v19, v10  }
0x124: {  	v22 =	vmax.f32 v19, v10;
	v24 =	vmin.f32 v13, v29;
	v27 =	vmax.f32 v13, v34  }
0x125: {  	v29 =	vmax.f32 v13, v29;
	v34 =	vmin.f32 v13, v34;
	v7 =	vmin.f32 v13, v17  }
0x126: {  	v10 =	vmin.f32 v20, v25;
	v15 =	vmax.f32 v13, v7;
	v7 =	vmin.f32 v13, v7  }
0x127: {  	v17 =	vmax.f32 v13, v17;
	v21 =	vmin.f32 v23, v10;
	v18 =	vmin.f32 v13, v7  }
0x128: {  	v32 =	vmax.f32 v13, v7;
	v7 =	vmin.f32 v13, v18;
	v11 =	vmax.f32 v13, v18  }
0x129: {  	v18 =	vmax.f32 v23, v10;
	v10 =	vmax.f32 v16, v8;
	v8 =	vmin.f32 v17, v21  }
0x12a: {  	v19 =	vmin.f32 v13, v7;
	v16 =	vmax.f32 v10, v12;
	v31 =	vmin.f32 v10, v12  }
0x12b: {  	v35 =	vmin.f32 v15, v8;
	v10 =	vmax.f32 v13, v14;
	v12 =	vmax.f32 v15, v8  }
0x12c: {  	v15 =	vimm.f32 $-3.000000010e+38;
	v8 =	vmax.f32 v32, v35;
	v28 =	vmin.f32 v10, v16  }
0x12d: {  	v6 =	vmin.f32 v13, v19;
	v23 =	vmax.f32 v10, v16;
	v10 =	vmax.f32 v13, v7  }
0x12e: {  	v7 =	vmax.f32 v13, v19;
	v14 =	vmin.f32 v32, v35;
	v32 =	vmin.f32 v33, v31  }
0x12f: {  	s23 =	sadd.s32 $0x400, s20;
	s22 =	simm.s32 $0x0;
	v19 =	vimm.f32 $-3.000000010e+38;
	v16 =	vimm.f32 $-3.000000010e+38;
	v6 =	vmax.f32 v13, v6  }
.LBB2_12:
0x130: {  	v35 =	vld [tilespmem:s23+$0xFFFFFFE0];
	s22 =	sadd.s32 $0x2, s22;
	v13 =	vmax.f32 v13, v34;
	v34 =	vmax.f32 v11, v14;
	v36 =	vmin.f32 v9, v30  }
0x131: {  	v38 =	vmin.f32 v19, v24;
	v39 =	vmax.f32 v27, v32;
	v37 =	vld [tilespmem:s23+$0xFFFFFFC0];
	p0 =	slt.u32 s22, $0x3E;
	v26 =	vmax.f32 v26, v36  }
0x132: {  	v19 =	vmax.f32 v19, v24;
	v40 =	vmin.f32 v29, v28;
	v24 =	vmin.f32 v16, v38;
	v36 =	vld [tilespmem:s23+$0x30]  }
0x133: {  	v16 =	vmax.f32 v16, v38;
	v38 =	vmin.f32 v19, v40;
	v19 =	vmax.f32 v19, v40;
	v41 =	vld [tilespmem:s23+$0x10]  }
0x134: {  	v11 =	vmin.f32 v11, v14;
	v30 =	vmax.f32 v9, v30;
	v14 =	vmin.f32 v16, v38;
	v40 =	vld [tilespmem:s23+$0xFFFFFFD0]  }
0x135: {  	v29 =	vmax.f32 v29, v28;
	v42 =	vmin.f32 v10, v11;
	v16 =	vmax.f32 v16, v38;
	v9 =	vld [tilespmem:s23+$0x0]  }
0x136: {  	v27 =	vmin.f32 v27, v32;
	v10 =	vmax.f32 v10, v11;
	v11 =	vmin.f32 v7, v42;
	v28 =	vld [tilespmem:s23+$0xFFFFFFF0]  }
0x137: {  	v17 =	vmax.f32 v17, v21;
	v33 =	vmax.f32 v33, v31;
	v7 =	vmax.f32 v7, v42;
	v32 =	vld [tilespmem:s23+$0x20]  }
0x138: {  	v20 =	vmax.f32 v20, v25;
	v13 =	vmax.f32 v13, v27;
	v15 =	vmax.f32 v15, v24  }
0x139: {  	v15 =	vmax.f32 v15, v14;
	v21 =	vmax.f32 v37, v40;
	v24 =	vmin.f32 v37, v40  }
0x13a: {  	v6 =	vmax.f32 v6, v11;
	v14 =	vmax.f32 v9, v41;
	v27 =	vmin.f32 v9, v41  }
0x13b: {  	v11 =	vmax.f32 v35, v28;
	v25 =	vmin.f32 v35, v28  }
0x13c: {  	v9 =	vmax.f32 v21, v11;
	v28 =	vmin.f32 v24, v25;
	v31 =	vmax.f32 v32, v36  }
0x13d: {  	v35 =	vmin.f32 v22, v9;
	v22 =	vmax.f32 v22, v9;
	v9 =	vmax.f32 v30, v28  }
0x13e: {  	v28 =	vmin.f32 v30, v28;
	v37 =	vmin.f32 v20, v35;
	v20 =	vmax.f32 v20, v35  }
0x13f: {  	v26 =	vmax.f32 v26, v28;
	v30 =	vmin.f32 v18, v37;
	v18 =	vmax.f32 v18, v37  }
0x140: {  	v32 =	vmin.f32 v32, v36;
	v28 =	vmax.f32 v24, v25;
	v24 =	vmin.f32 v17, v30  }
0x141: {  	v11 =	vmin.f32 v21, v11;
	v35 =	vmin.f32 v14, v31;
	v17 =	vmax.f32 v17, v30  }
0x142: {  	v14 =	vmax.f32 v14, v31;
	v36 =	vmax.f32 v28, v11;
	v37 =	vmax.f32 v12, v24  }
0x143: {  	v25 =	vmin.f32 v22, v14;
	v38 =	vmin.f32 v23, v36;
	v12 =	vmin.f32 v12, v24  }
0x144: {  	v22 =	vmax.f32 v22, v14;
	v30 =	vmin.f32 v8, v12;
	v40 =	vmax.f32 v8, v12  }
0x145: {  	v24 =	vmin.f32 v29, v38;
	v8 =	vmin.f32 v20, v25;
	v14 =	vmin.f32 v34, v30  }
0x146: {  	v12 =	vmin.f32 v28, v11;
	v21 =	vmin.f32 v18, v8;
	v41 =	vmin.f32 v10, v14  }
0x147: {  	v11 =	vmax.f32 v34, v30;
	v34 =	vmin.f32 v33, v12;
	v18 =	vmax.f32 v18, v8  }
0x148: {  	v8 =	vmax.f32 v27, v32;
	v30 =	vmin.f32 v27, v32;
	v27 =	vmin.f32 v17, v21  }
0x149: {  	v32 =	vmax.f32 v8, v35;
	v31 =	vmin.f32 v8, v35;
	v35 =	vmin.f32 v37, v27  }
.Ltmp5:
0x14a: {  	v23 =	vmax.f32 v23, v36;
	v33 =	vmax.f32 v33, v12;
	v12 =	vmax.f32 v37, v27;
	(pc) =	sbr.rel @p0 .LBB2_12-.Ltmp5, $4  }
0x14b: {  	v27 =	vmax.f32 v39, v34;
	v28 =	vmin.f32 v23, v32;
	v8 =	vmax.f32 v40, v35  }
0x14c: {  	v29 =	vmax.f32 v29, v38;
	v36 =	vmin.f32 v7, v41;
	v23 =	vmax.f32 v23, v32  }
0x14d: {  	v10 =	vmax.f32 v10, v14;
	v7 =	vmax.f32 v7, v41;
	v14 =	vmin.f32 v40, v35  }
0x14e: {  	s23 =	sadd.s32 $0x400, s23;
	v34 =	vmin.f32 v39, v34;
	v32 =	vmin.f32 v33, v31;
	v6 =	vmax.f32 v6, v36  }
0x14f: {  	v35 =	vmax.f32 v9, v30;
	v31 =	vmax.f32 v33, v31  }
0x150: {  	v56 =	vmax.f32 v22, v23;
	v36 =	vmax.f32 v31, v35  }
0x151: {  	v33 =	vmax.f32 v56, v36  }
0x152: {  	v36 =	vperm.xlane v33, v0;
	_ =	sdelay $0x1  }
0x153: {  	v33 =	vmax.f32 v33, v36  }
0x154: {  	v36 =	vperm.xlane v33, v1;
	_ =	sdelay $0x1  }
0x155: {  	v33 =	vmax.f32 v33, v36  }
0x156: {  	v36 =	vperm.xlane v33, v2;
	_ =	sdelay $0x1  }
0x157: {  	v33 =	vmax.f32 v33, v36  }
0x158: {  	v36 =	vperm.xlane v33, v3  }
0x159: {  	v57 =	vmin.f32 v9, v30;
	v58 =	vmax.f32 v27, v32  }
0x15a: {  	v20 =	vmax.f32 v20, v25;
	v60 =	vmax.f32 v29, v28;
	v9 =	vmax.f32 v33, v36  }
0x15b: {  	v59 =	vmax.f32 v26, v57;
	vm11 =	veq.f32 v22, v9;
	vm0 =	veq.f32 v23, v9  }
0x15c: {  	vm2 =	veq.f32 v31, v9;
	vm1 =	veq.f32 v35, v9;
	v22 =	vsel vm11, v20, v22  }
0x15d: {  	v23 =	vsel vm0, v60, v23;
	v61 =	vsel vm2, v58, v31;
	v62 =	vsel vm1, v59, v35  }
0x15e: {  	v63 =	vmax.f32 v22, v23;
	v40 =	vmax.f32 v61, v62  }
0x15f: {  	v35 =	vmax.f32 v63, v40  }
0x160: {  	v36 =	vperm.xlane v35, v0;
	_ =	sdelay $0x1  }
0x161: {  	v35 =	vmax.f32 v35, v36  }
0x162: {  	v36 =	vperm.xlane v35, v1;
	_ =	sdelay $0x1  }
0x163: {  	v35 =	vmax.f32 v35, v36  }
0x164: {  	v36 =	vperm.xlane v35, v2;
	_ =	sdelay $0x1  }
0x165: {  	v13 =	vmax.f32 v13, v34;
	v42 =	vmax.f32 v19, v24;
	v35 =	vmax.f32 v35, v36  }
0x166: {  	v43 =	vmin.f32 v29, v28;
	v44 =	vmin.f32 v27, v32;
	v41 =	vperm.xlane v35, v3  }
0x167: {  	v29 =	vmax.f32 v42, v43;
	v27 =	vmax.f32 v13, v44;
	v20 =	vsel vm11, v18, v20  }
0x168: {  	v26 =	vsel vm0, v29, v60;
	v45 =	vsel vm2, v27, v58;
	v13 =	vmax.f32 v35, v41  }
0x169: {  	v25 =	vsel vm1, $0xFF61B1E6, v59;
	vm12 =	veq.f32 v22, v13;
	vm3 =	veq.f32 v23, v13  }
0x16a: {  	vm1 =	veq.f32 v61, v13;
	vm4 =	veq.f32 v62, v13;
	v22 =	vsel vm12, v20, v22  }
0x16b: {  	v23 =	vsel vm3, v26, v23;
	v30 =	vsel vm1, v45, v61;
	v31 =	vsel vm4, v25, v62  }
0x16c: {  	v46 =	vmax.f32 v22, v23;
	v47 =	vmax.f32 v30, v31  }
0x16d: {  	v33 =	vmax.f32 v46, v47  }
0x16e: {  	v34 =	vperm.xlane v33, v0;
	_ =	sdelay $0x1  }
0x16f: {  	v33 =	vmax.f32 v33, v34  }
0x170: {  	v34 =	vperm.xlane v33, v1;
	_ =	sdelay $0x1  }
0x171: {  	v33 =	vmax.f32 v33, v34  }
0x172: {  	v34 =	vperm.xlane v33, v2  }
0x173: {  	v48 =	vmin.f32 v19, v24;
	v21 =	vmax.f32 v17, v21  }
0x174: {  	v24 =	vmax.f32 v16, v48;
	v28 =	vmin.f32 v42, v43;
	v33 =	vmax.f32 v33, v34  }
0x175: {  	v50 =	vmax.f32 v24, v28;
	v51 =	vsel vm11, v21, v18;
	v49 =	vperm.xlane v33, v3  }
0x176: {  	v29 =	vsel vm0, v50, v29;
	v27 =	vsel vm2, $0xFF61B1E6, v27;
	v20 =	vsel vm12, v51, v20  }
0x177: {  	v26 =	vsel vm3, v29, v26;
	v32 =	vsel vm1, v27, v45;
	v17 =	vmax.f32 v33, v49  }
0x178: {  	v25 =	vsel vm4, $0xFF61B1E6, v25;
	vm13 =	veq.f32 v22, v17;
	vm2 =	veq.f32 v23, v17  }
0x179: {  	vm4 =	veq.f32 v30, v17;
	vm5 =	veq.f32 v31, v17;
	v22 =	vsel vm13, v20, v22  }
0x17a: {  	v23 =	vsel vm2, v26, v23;
	v30 =	vsel vm4, v32, v30;
	v31 =	vsel vm5, v25, v31  }
0x17b: {  	v52 =	vmax.f32 v22, v23;
	v53 =	vmax.f32 v30, v31  }
0x17c: {  	v33 =	vmax.f32 v52, v53  }
0x17d: {  	v35 =	vperm.xlane v33, v0;
	_ =	sdelay $0x1  }
0x17e: {  	v33 =	vmax.f32 v33, v35  }
0x17f: {  	v35 =	vperm.xlane v33, v1;
	_ =	sdelay $0x1  }
0x180: {  	v33 =	vmax.f32 v33, v35  }
0x181: {  	v54 =	vmin.f32 v16, v48;
	v35 =	vperm.xlane v33, v2  }
0x182: {  	v55 =	vmin.f32 v24, v28;
	v15 =	vmax.f32 v15, v54  }
0x183: {  	v19 =	vmax.f32 v15, v55;
	v21 =	vsel vm11, v12, v21;
	v56 =	vmax.f32 v33, v35  }
0x184: {  	v58 =	vsel vm0, v19, v50;
	v18 =	vsel vm12, v21, v51;
	v57 =	vperm.xlane v56, v3  }
0x185: {  	v59 =	vsel vm3, v58, v29;
	v27 =	vsel vm1, $0xFF61B1E6, v27;
	v60 =	vsel vm13, v18, v20  }
0x186: {  	v61 =	vsel vm2, v59, v26;
	v62 =	vsel vm4, v27, v32;
	v15 =	vmax.f32 v56, v57  }
0x187: {  	v25 =	vsel vm5, $0xFF61B1E6, v25;
	vm14 =	veq.f32 v22, v15;
	vm1 =	veq.f32 v23, v15  }
0x188: {  	vm6 =	veq.f32 v30, v15;
	vm5 =	veq.f32 v31, v15;
	v22 =	vsel vm14, v60, v22  }
0x189: {  	v23 =	vsel vm1, v61, v23;
	v63 =	vsel vm6, v62, v30;
	v36 =	vsel vm5, v25, v31  }
0x18a: {  	v37 =	vmax.f32 v22, v23;
	v38 =	vmax.f32 v63, v36  }
0x18b: {  	v31 =	vmax.f32 v37, v38  }
0x18c: {  	v32 =	vperm.xlane v31, v0;
	_ =	sdelay $0x1  }
0x18d: {  	v31 =	vmax.f32 v31, v32  }
0x18e: {  	v32 =	vperm.xlane v31, v1;
	_ =	sdelay $0x1  }
0x18f: {  	v31 =	vmax.f32 v31, v32  }
0x190: {  	v32 =	vperm.xlane v31, v2  }
0x191: {  	v39 =	vsel vm11, v8, v12  }
0x192: {  	v19 =	vsel vm0, $0xFF61B1E6, v19;
	v21 =	vsel vm12, v39, v21;
	v40 =	vmax.f32 v31, v32  }
0x193: {  	v24 =	vsel vm3, v19, v58;
	v18 =	vsel vm13, v21, v18;
	v31 =	vperm.xlane v40, v3  }
0x194: {  	v28 =	vsel vm2, v24, v59;
	v27 =	vsel vm4, $0xFF61B1E6, v27;
	v16 =	vsel vm14, v18, v60  }
0x195: {  	v20 =	vsel vm1, v28, v61;
	v26 =	vsel vm6, v27, v62;
	v12 =	vmax.f32 v40, v31  }
0x196: {  	v25 =	vsel vm5, $0xFF61B1E6, v25;
	vm15 =	veq.f32 v22, v12;
	vm0 =	veq.f32 v23, v12  }
0x197: {  	vm5 =	veq.f32 v63, v12;
	vm4 =	veq.f32 v36, v12;
	v22 =	vsel vm15, v16, v22  }
0x198: {  	v23 =	vsel vm0, v20, v23;
	v29 =	vsel vm5, v26, v63;
	v30 =	vsel vm4, v25, v36  }
0x199: {  	v41 =	vmax.f32 v22, v23;
	v42 =	vmax.f32 v29, v30  }
0x19a: {  	v31 =	vmax.f32 v41, v42  }
0x19b: {  	v32 =	vperm.xlane v31, v0;
	_ =	sdelay $0x1  }
0x19c: {  	v31 =	vmax.f32 v31, v32  }
0x19d: {  	v32 =	vperm.xlane v31, v1;
	_ =	sdelay $0x1  }
0x19e: {  	v43 =	vmax.f32 v11, v14;
	v31 =	vmax.f32 v31, v32  }
0x19f: {  	v45 =	vsel vm11, v43, v8;
	v44 =	vperm.xlane v31, v2  }
0x1a0: {  	v33 =	vsel vm12, v45, v39  }
0x1a1: {  	v19 =	vsel vm3, $0xFF61B1E6, v19;
	v21 =	vsel vm13, v33, v21;
	v46 =	vmax.f32 v31, v44  }
0x1a2: {  	v24 =	vsel vm2, v19, v24;
	v18 =	vsel vm14, v21, v18;
	v31 =	vperm.xlane v46, v3  }
0x1a3: {  	v28 =	vsel vm1, v24, v28;
	v27 =	vsel vm6, $0xFF61B1E6, v27;
	v16 =	vsel vm15, v18, v16  }
0x1a4: {  	v20 =	vsel vm0, v28, v20;
	v26 =	vsel vm5, v27, v26;
	v8 =	vmax.f32 v46, v31  }
0x1a5: {  	v25 =	vsel vm4, $0xFF61B1E6, v25;
	vm3 =	veq.f32 v22, v8;
	vm4 =	veq.f32 v23, v8  }
0x1a6: {  	vm7 =	veq.f32 v29, v8;
	vm6 =	veq.f32 v30, v8;
	v22 =	vsel vm3, v16, v22  }
0x1a7: {  	v23 =	vsel vm4, v20, v23;
	v29 =	vsel vm7, v26, v29;
	v30 =	vsel vm6, v25, v30  }
0x1a8: {  	v47 =	vmax.f32 v22, v23;
	v48 =	vmax.f32 v29, v30  }
0x1a9: {  	v31 =	vmax.f32 v47, v48  }
0x1aa: {  	v34 =	vperm.xlane v31, v0;
	_ =	sdelay $0x1  }
0x1ab: {  	v31 =	vmax.f32 v31, v34  }
0x1ac: {  	v49 =	vmin.f32 v11, v14;
	v34 =	vperm.xlane v31, v1  }
0x1ad: {  	v14 =	vmax.f32 v10, v49  }
0x1ae: {  	v32 =	vsel vm11, v14, v43;
	v31 =	vmax.f32 v31, v34  }
0x1af: {  	v35 =	vsel vm12, v32, v45;
	v34 =	vperm.xlane v31, v2  }
0x1b0: {  	v33 =	vsel vm13, v35, v33  }
0x1b1: {  	v19 =	vsel vm2, $0xFF61B1E6, v19;
	v21 =	vsel vm14, v33, v21;
	v31 =	vmax.f32 v31, v34  }
0x1b2: {  	v24 =	vsel vm1, v19, v24;
	v18 =	vsel vm15, v21, v18;
	v34 =	vperm.xlane v31, v3  }
0x1b3: {  	v28 =	vsel vm0, v24, v28;
	v27 =	vsel vm5, $0xFF61B1E6, v27;
	v16 =	vsel vm3, v18, v16  }
0x1b4: {  	v20 =	vsel vm4, v28, v20;
	v26 =	vsel vm7, v27, v26;
	v31 =	vmax.f32 v31, v34  }
0x1b5: {  	v25 =	vsel vm6, $0xFF61B1E6, v25;
	vm2 =	veq.f32 v22, v31;
	vm5 =	veq.f32 v23, v31  }
0x1b6: {  	vm6 =	veq.f32 v29, v31;
	vm8 =	veq.f32 v30, v31;
	v22 =	vsel vm2, v16, v22  }
0x1b7: {  	v23 =	vsel vm5, v20, v23;
	v29 =	vsel vm6, v26, v29;
	v30 =	vsel vm8, v25, v30  }
0x1b8: {  	v50 =	vmax.f32 v22, v23;
	v51 =	vmax.f32 v29, v30  }
0x1b9: {  	v34 =	vmax.f32 v50, v51  }
0x1ba: {  	v36 =	vperm.xlane v34, v0;
	_ =	sdelay $0x1  }
0x1bb: {  	v52 =	vmin.f32 v10, v49;
	v34 =	vmax.f32 v34, v36  }
0x1bc: {  	v54 =	vmax.f32 v7, v52;
	v53 =	vperm.xlane v34, v1  }
0x1bd: {  	v14 =	vsel vm11, v54, v14  }
0x1be: {  	v32 =	vsel vm12, v14, v32;
	v11 =	vmax.f32 v34, v53  }
0x1bf: {  	v35 =	vsel vm13, v32, v35;
	v34 =	vperm.xlane v11, v2  }
0x1c0: {  	v33 =	vsel vm14, v35, v33  }
0x1c1: {  	v19 =	vsel vm1, $0xFF61B1E6, v19;
	v21 =	vsel vm15, v33, v21;
	v11 =	vmax.f32 v11, v34  }
0x1c2: {  	v24 =	vsel vm0, v19, v24;
	v18 =	vsel vm3, v21, v18;
	v34 =	vperm.xlane v11, v3  }
0x1c3: {  	v28 =	vsel vm4, v24, v28;
	v27 =	vsel vm7, $0xFF61B1E6, v27;
	v16 =	vsel vm2, v18, v16  }
0x1c4: {  	v20 =	vsel vm5, v28, v20;
	v26 =	vsel vm6, v27, v26;
	v11 =	vmax.f32 v11, v34  }
0x1c5: {  	v25 =	vsel vm8, $0xFF61B1E6, v25;
	vm1 =	veq.f32 v22, v11;
	vm7 =	veq.f32 v23, v11  }
0x1c6: {  	vm8 =	veq.f32 v29, v11;
	vm9 =	veq.f32 v30, v11;
	v22 =	vsel vm1, v16, v22  }
0x1c7: {  	v23 =	vsel vm7, v20, v23;
	v29 =	vsel vm8, v26, v29;
	v30 =	vsel vm9, v25, v30  }
0x1c8: {  	v55 =	vmax.f32 v22, v23;
	v37 =	vmax.f32 v29, v30  }
0x1c9: {  	v34 =	vmax.f32 v55, v37  }
0x1ca: {  	v37 =	vperm.xlane v34, v0  }
0x1cb: {  	v7 =	vmin.f32 v7, v52  }
0x1cc: {  	v6 =	vmax.f32 v6, v7;
	v56 =	vmax.f32 v34, v37  }
0x1cd: {  	v6 =	vsel vm11, v6, v54;
	v7 =	vperm.xlane v56, v1  }
0x1ce: {  	v6 =	vsel vm12, v6, v14  }
0x1cf: {  	v6 =	vsel vm13, v6, v32;
	v7 =	vmax.f32 v56, v7  }
0x1d0: {  	v6 =	vsel vm14, v6, v35;
	v10 =	vperm.xlane v7, v2  }
0x1d1: {  	v6 =	vsel vm15, v6, v33  }
0x1d2: {  	v57 =	vsel vm0, $0xFF61B1E6, v19;
	v6 =	vsel vm3, v6, v21;
	v7 =	vmax.f32 v7, v10  }
0x1d3: {  	v6 =	vsel vm2, v6, v18;
	v59 =	vsel vm6, $0xFF61B1E6, v27;
	v58 =	vperm.xlane v7, v3  }
0x1d4: {  	v6 =	vsel vm1, v6, v16;
	v60 =	vsel vm8, v59, v26;
	v10 =	vsel vm4, v57, v24  }
0x1d5: {  	v61 =	vsel vm9, $0xFF61B1E6, v25;
	v10 =	vsel vm5, v10, v28;
	v7 =	vmax.f32 v7, v58  }
0x1d6: {  	v10 =	vsel vm7, v10, v20;
	vm7 =	veq.f32 v22, v7;
	vm12 =	veq.f32 v23, v7  }
0x1d7: {  	vm13 =	veq.f32 v29, v7;
	vm14 =	veq.f32 v30, v7;
	v6 =	vsel vm7, v6, v22  }
0x1d8: {  	v10 =	vsel vm12, v10, v23;
	v14 =	vsel vm13, v60, v29;
	v16 =	vsel vm14, v61, v30  }
0x1d9: {  	v6 =	vmax.f32 v6, v10;
	v62 =	vmax.f32 v14, v16  }
0x1da: {  	v6 =	vmax.f32 v6, v62  }
0x1db: {  	v10 =	vperm.xlane v6, v0;
	_ =	sdelay $0x1  }
0x1dc: {  	v6 =	vmax.f32 v6, v10  }
0x1dd: {  	v9 =	vnsel vm10, $0x0, v9;
	vm9 =	vcmask $0x32C;
	v10 =	vperm.xlane v6, v1  }
0x1de: {  	vm15 =	vcmask $0x72C;
	v9 =	vsel vm9, v9, v13  }
0x1df: {  	v9 =	vsel vm15, v9, v17;
	vm4 =	vcmask $0xB2C;
	v6 =	vmax.f32 v6, v10  }
0x1e0: {  	v9 =	vsel vm4, v9, v15;
	vm5 =	vcmask $0xF2C;
	v10 =	vperm.xlane v6, v2  }
0x1e1: {  	vm6 =	vcmask $0x132C;
	v9 =	vsel vm5, v9, v12  }
0x1e2: {  	s19 =	sadd.s32 $0x1, s19;
	v8 =	vsel vm6, v9, v8;
	vm7 =	vcmask $0x172C;
	v6 =	vmax.f32 v6, v10  }
0x1e3: {  	p0 =	sne.s32 s19, $0x8;
	vm12 =	vcmask $0x1B2C;
	v8 =	vsel vm7, v8, v31;
	v63 =	vperm.xlane v6, v3  }
.Ltmp6:
0x1e4: {  	vm13 =	vcmask $0x1F2C;
	v8 =	vsel vm12, v8, v11;
	(pc) =	sbr.rel @p0 .LBB2_11-.Ltmp6, $4  }
0x1e5: {  	vm14 =	vcmask $0x232C;
	v7 =	vsel vm13, v8, v7;
	v6 =	vmax.f32 v6, v63  }
0x1e6: {  	vm15 =	vcmask $0x272C;
	v6 =	vsel vm14, v7, v6  }
0x1e7: {  	s21 =	sand.u32 $0x3FFFFF80, s21;
	v5 =	vsel vm15, v6, v5  }
0x1e8: {  	s20 =	sadd.s32 $0x80, s20;
	[tilespmem:s21+$0x10400] =	vst v5  }
0x1e9: {  	p0 =	sne.s32 s17, $0x3  }
.Ltmp7:
0x1ea: {  	_ = 	snop;
	(pc) =	sbr.rel @p0 .LBB2_2-.Ltmp7, $4  }
0x1eb: {  	_ = 	snop  }
0x1ec: {  	s18 =	sshll.u32 s18, $0x4  }
0x1ed: {  	s18 =	sadd.s32 s5, s18  }
0x1ee: {  	[hbm4b:s18+s3] =	stream.linear.scatter [tilespmem:s14], [sflag:$0x4], $0x400, $0x38;
	[tilespmem:$0x10800] =	vst v63  }
0x1ef: {  	s16 =	sadd.s32 $0x1, s16  }
0x1f0: {  	_ =	swait.ge [sflag:s15], $0x400;
	p0 =	sne.s32 s16, s8  }
.Ltmp8:
0x1f1: {  	[sflag:s15] =	ssyncset.done $0x0;
	(pc) =	sbr.rel @p0 .LBB2_1-.Ltmp8, $4  }
0x1f2: {  	[sflag:s15] =	ssyncadd.s32 $0xFFFFFC00  }
0x1f3: {  	_ =	swait.ge [sflag:s13], $0x400  }
0x1f4: {  	[sflag:s13] =	ssyncset.done $0x0  }
0x1f5: {  	[sflag:s13] =	ssyncadd.s32 $0xFFFFFC00  }
0x1f6: {  	_ =	sfence.sel $0x180000  }
0x1f7: {  	[bflag:$0x0] =	sbarrier.arrive $0xFFFF  }
0x1f8: {  	p0 =	sne.s32 s0, $0x0;
	_ =	strace $0x90000047  }
0x1f9: {  	s0 =	sadd.s32 @!p0 $0x100000, s2;
	[bflag:$0x2] =	sbarrier.arrive $0xFFFF  }
0x1fa: {  	[sflag:s0] =	ssyncadd.tile.s32 @!p0 $0x1;
	_ =	shalt  }
.Lfunc_end2:
_tile_overlayer_lowered:
.L_overlay_start_2:
0x1fb: {  	(tag) =	ssettag $0x2  }
0x1fc: {  	s0 =	rddreg [dreg:$0x0];
	s2 =	stileid.u32  }
0x1fd: {  	s1 =	rddreg [dreg:$0x1];
	p0 =	sne.s32 s2, $0x0  }
0x1fe: {  	s3 =	rddreg [dreg:$0x2];
	[bflag:$0x3] =	sbarrier.arrive $0xFFFF;
	s2 =	simm.s32 @!p0 $0x1C05  }
0x1ff: {  	[timem:s3], [sflag:s2] =	dma.local @!p0 [hbm:s0], s1  }
0x200: {  	s0 =	simm.s32 @!p0 $0x5  }
0x201: {  	_ =	swait.ge @!p0 [sflag:s0], s1  }
0x202: {  	s1 =	ssub.s32 @!p0 $0x0, s1;
	[sflag:s0] =	ssyncset.done @!p0 $0x0  }
0x203: {  	[sflag:s0] =	ssyncadd.s32 @!p0 s1  }
0x204: {  	[bflag:$0x3] =	sbarrier.arrive $0xFFFF  }
0x205: {  	_ =	shalt  }

</sc_bundles>
